<compile_context>
chip_gen: v7x
topology: tpu7x:2x2x1
jax: 0.10.2.dev20260603
libtpu: 0.0.44.dev20260713+nightly
codegen_flags: <defaults>
</compile_context>

<pallas_src>
import functools

import jax
import jax.numpy as jnp
from jax import lax
from jax.experimental import pallas as pl
from jax.experimental.pallas import tpu as pltpu
from jax.experimental.pallas import tpu_sc as plsc

_N = 10000
_S = 32
_D = 128
_U = 128

_B = 496
_S_SC = 2560
_R = _N - _S_SC

_BP = 512
_NC = 2
_NS = 16
_NW = _NC * _NS
_C = 8
_NBUF = 2
_PER_W = _S_SC // _NW
_CHUNKS = _PER_W // _C
_INV = 1.0 / (_S + 1)



@functools.partial(
    pl.kernel,
    out_type=jax.ShapeDtypeStruct((_S_SC, _D), jnp.float32),
    mesh=plsc.VectorSubcoreMesh(core_axis_name="c", subcore_axis_name="s"),
    cost_estimate=pl.CostEstimate(
        flops=_S_SC * _S * _D,
        transcendentals=0,
        bytes_accessed=_S_SC * _S * _D * 4 + _S_SC * _D * 4,
    ),
    scratch_types=[
        pltpu.VMEM((_NBUF, _C, _S, _D), jnp.float32),
        pltpu.VMEM((_NBUF, _C, _D), jnp.float32),
        pltpu.SemaphoreType.DMA,
        pltpu.SemaphoreType.DMA,
        pltpu.SemaphoreType.DMA,
        pltpu.SemaphoreType.DMA,
        pltpu.SemaphoreType.DMA,
        pltpu.SemaphoreType.DMA,
    ],
)
def _sc_aggregate(x_hbm, nb_hbm, h_hbm, nb_v, h_v, sem_nb0, sem_nb1,
                  sem_nb2, sem_nb3, sem_h0, sem_h1):
    del x_hbm
    w = lax.axis_index("s") * _NC + lax.axis_index("c")
    row_w = w * _PER_W
    sems_nb = ((sem_nb0, sem_nb1), (sem_nb2, sem_nb3))
    sems_h = (sem_h0, sem_h1)
    _H = _C // 2

    def nb_copies(t, b):
        r0 = _R + row_w + t * _C
        return (
            pltpu.make_async_copy(
                nb_hbm.at[pl.ds(r0, _H)],
                nb_v.at[b, pl.ds(0, _H)], sems_nb[b][0]),
            pltpu.make_async_copy(
                nb_hbm.at[pl.ds(r0 + _H, _H)],
                nb_v.at[b, pl.ds(_H, _H)], sems_nb[b][1]),
        )

    def h_copy(t, b):
        dst = h_hbm.at[pl.ds(row_w + t * _C, _C)]
        return pltpu.make_async_copy(h_v.at[b], dst, sems_h[b])

    for b in range(_NBUF):
        for cp in nb_copies(b, b):
            cp.start()

    def loop_body(g, carry):
        for b in range(_NBUF):
            t = g + b
            for cp in nb_copies(t, b):
                cp.wait()

            @pl.when(t >= _NBUF)
            def _():
                h_copy(t - _NBUF, b).wait()

            def node(i, c):
                for j in range(_D // 16):
                    col = pl.ds(j * 16, 16)
                    acc = nb_v[b, i, 0, col]
                    for s in range(1, _S):
                        acc = acc + nb_v[b, i, s, col]
                    h_v[b, i, col] = acc
                return c

            lax.fori_loop(0, _C, node, 0)

            h_copy(t, b).start()

            @pl.when(t + _NBUF < _CHUNKS)
            def _():
                for cp in nb_copies(t + _NBUF, b):
                    cp.start()
        return carry

    lax.fori_loop(0, _CHUNKS // _NBUF, lambda g, c: loop_body(g * _NBUF, c), 0)

    for b in range(_NBUF):
        h_copy(_CHUNKS - _NBUF + b, b).wait()



def _fused_body(x_ref, nb_ref, w_ref, b_ref, o_ref):
    s = jnp.sum(nb_ref[...], axis=1) + x_ref[...]
    h = s * _INV
    out = jnp.dot(h, w_ref[...], preferred_element_type=jnp.float32)
    o_ref[...] = jnp.maximum(out + b_ref[...], 0.0)


def _tc_fused(x, neigh_x, w, bias2):
    grid = _R // _B
    return pl.pallas_call(
        _fused_body,
        grid=(grid,),
        in_specs=[
            pl.BlockSpec((_B, _D), lambda i: (i, 0)),
            pl.BlockSpec((_B, _S, _D), lambda i: (i, 0, 0)),
            pl.BlockSpec((_D, _U), lambda i: (0, 0)),
            pl.BlockSpec((1, _U), lambda i: (0, 0)),
        ],
        out_specs=pl.BlockSpec((_B, _U), lambda i: (i, 0)),
        out_shape=jax.ShapeDtypeStruct((_R, _U), jnp.float32),
        compiler_params=pltpu.CompilerParams(
            dimension_semantics=("parallel",),
        ),
    )(x, neigh_x, w, bias2)



def _proj_body(h_ref, x_ref, w_ref, b_ref, o_ref):
    h = (h_ref[...] + x_ref[...]) * _INV
    out = jnp.dot(h, w_ref[...], preferred_element_type=jnp.float32)
    o_ref[...] = jnp.maximum(out + b_ref[...], 0.0)


def _tc_project(h, x_tail, w, bias2):
    grid = _S_SC // _BP
    return pl.pallas_call(
        _proj_body,
        grid=(grid,),
        in_specs=[
            pl.BlockSpec((_BP, _D), lambda i: (i, 0)),
            pl.BlockSpec((_BP, _D), lambda i: (i, 0)),
            pl.BlockSpec((_D, _U), lambda i: (0, 0)),
            pl.BlockSpec((1, _U), lambda i: (0, 0)),
        ],
        out_specs=pl.BlockSpec((_BP, _U), lambda i: (i, 0)),
        out_shape=jax.ShapeDtypeStruct((_S_SC, _U), jnp.float32),
        compiler_params=pltpu.CompilerParams(
            dimension_semantics=("parallel",),
        ),
    )(h, x_tail, w, bias2)


def kernel(x, neigh_x, kernel, bias):
    bias2 = bias.reshape(1, _U)
    h_sc = _sc_aggregate(x, neigh_x)
    out_head = _tc_fused(x, neigh_x, kernel, bias2)
    out_tail = _tc_project(h_sc, lax.slice(x, (_R, 0), (_N, _D)), kernel,
                           bias2)
    return jnp.concatenate([out_head, out_tail], axis=0)

# --- scband reference (transcript-rebuilt; emitter-appended) ---
"""Pipeline reference for scband-gcnaggregator-62904091018133 (READ-ONLY COPY).

The authoritative reference and input builder live on the scoring server;
editing this copy changes nothing except your own understanding.
"""

import jax, jax.numpy as jnp
import numpy as np

N_NODES = 10000
N_SAMPLES = 32
D_FEAT = 128
UNITS = 128


def setup_inputs(seed: int = 0) -> dict:
    key = jax.random.key(seed)
    k1, k2, k3 = jax.random.split(key, 3)
    x = jax.random.normal(k1, (N_NODES, D_FEAT), dtype=jnp.float32)
    neigh_x = jax.random.normal(k2, (N_NODES, N_SAMPLES, D_FEAT), dtype=jnp.float32)
    # glorot_uniform kernel
    limit = float(np.sqrt(6.0 / (D_FEAT + UNITS)))
    kernel = jax.random.uniform(k3, (D_FEAT, UNITS), dtype=jnp.float32, minval=-limit, maxval=limit)
    bias = jnp.zeros((UNITS,), dtype=jnp.float32)
    return {"x": x, "neigh_x": neigh_x, "kernel": kernel, "bias": bias}


def reference(x, neigh_x, kernel, bias):
    # GCNAggregator.call: concat self feature with neighbor features along sample axis,
    # mean-aggregate, project, add bias, relu.
    x_exp = jnp.expand_dims(x, axis=1)                 # [N, 1, d]
    agg = jnp.concatenate([x_exp, neigh_x], axis=1)    # [N, 1+S, d]
    h = jnp.mean(agg, axis=1)                          # [N, d]
    output = h @ kernel                                # [N, units]
    output = output + bias
    return jax.nn.relu(output)

if __name__ == "__main__":
    import jax
    _d = setup_inputs()
    print(jax.jit(kernel)(*tuple(_d.values())))

</pallas_src>

<mosaic_0001>
#map = affine_map<(d0, d1) -> (0, 0)>
#map1 = affine_map<(d0, d1) -> (0, 0, 0)>
module attributes {stable_mosaic.version = 14 : i64} {
  func.func @_sc_aggregate(%arg0: i32, %arg1: i32, %arg2: memref<10000x128xf32, #tpu.memory_space<hbm>>, %arg3: memref<10000x32x128xf32, #tpu.memory_space<hbm>>, %arg4: memref<2560x128xf32, #tpu.memory_space<hbm>>, %arg5: memref<2x8x32x128xf32, #tpu.memory_space<vmem>>, %arg6: memref<2x8x128xf32, #tpu.memory_space<vmem>>, %arg7: memref<!tpu.dma_semaphore, #tpu.memory_space<semaphore_mem>>, %arg8: memref<!tpu.dma_semaphore, #tpu.memory_space<semaphore_mem>>, %arg9: memref<!tpu.dma_semaphore, #tpu.memory_space<semaphore_mem>>, %arg10: memref<!tpu.dma_semaphore, #tpu.memory_space<semaphore_mem>>, %arg11: memref<!tpu.dma_semaphore, #tpu.memory_space<semaphore_mem>>, %arg12: memref<!tpu.dma_semaphore, #tpu.memory_space<semaphore_mem>>) attributes {dimension_semantics = [#tpu.dimension_semantics<core_parallel>, #tpu.dimension_semantics<subcore_parallel>], iteration_bounds = array<i64: 2, 16>, scalar_prefetch = 0 : i64, scratch_operands = 8 : i64, tpu.core_type = #tpu.core_type<sc_vector_subcore>, window_params = [{transform_indices = #map}, {transform_indices = #map1}, {transform_indices = #map}]} {
    %mul3A = arith.constant 2 : i32
    %mul3A_0 = arith.muli %arg1, %mul3A : i32
    %add3A = arith.addi %mul3A_0, %arg0 : i32
    %mul3A_1 = arith.constant 80 : i32
    %mul3A_2 = arith.muli %add3A, %mul3A_1 : i32
    %add3A_3 = arith.constant 7440 : i32
    %add3A_4 = arith.addi %add3A_3, %mul3A_2 : i32
    %add3A_5 = arith.constant 0 : i32
    %add3A_6 = arith.addi %add3A_4, %add3A_5 : i32
    %add3A_7 = arith.constant 4 : i32
    %add3A_8 = arith.addi %add3A_6, %add3A_7 : i32
    %dma_start3A = arith.constant 0 : i32
    %dma_start3A_9 = arith.constant 0 : i32
    %dma_start3A_10 = arith.constant 0 : i32
    %dma_start3A_11 = arith.constant 0 : i32
    %dma_start3A_12 = tpu.memref_slice %arg5[%dma_start3A, %dma_start3A_9, %dma_start3A_10, %dma_start3A_11] : memref<2x8x32x128xf32, #tpu.memory_space<vmem>> -> memref<1x4x32x128xf32, #tpu.memory_space<vmem>>
    %dma_start3A_13 = tpu.memref_squeeze %dma_start3A_12 : memref<1x4x32x128xf32, #tpu.memory_space<vmem>> -> memref<4x32x128xf32, #tpu.memory_space<vmem>>
    %dma_start3A_14 = arith.constant 0 : i32
    %dma_start3A_15 = arith.constant 0 : i32
    %dma_start3A_16 = tpu.memref_slice %arg3[%add3A_6, %dma_start3A_14, %dma_start3A_15] : memref<10000x32x128xf32, #tpu.memory_space<hbm>> -> memref<4x32x128xf32, #tpu.memory_space<hbm>>
    %dma_start3A_17 = arith.constant 0 : i32
    %dma_start3A_18 = arith.constant 0 : i32
    %dma_start3A_19 = arith.constant 0 : i32
    %dma_start3A_20 = tpu.memref_slice %arg5[%dma_start3A, %dma_start3A_17, %dma_start3A_18, %dma_start3A_19] : memref<2x8x32x128xf32, #tpu.memory_space<vmem>> -> memref<1x4x32x128xf32, #tpu.memory_space<vmem>>
    %dma_start3A_21 = tpu.memref_squeeze %dma_start3A_20 : memref<1x4x32x128xf32, #tpu.memory_space<vmem>> -> memref<4x32x128xf32, #tpu.memory_space<vmem>>
    %dma_start3A_22 = arith.constant 0 : i32
    %dma_start3A_23 = arith.constant 0 : i32
    %dma_start3A_24 = tpu.memref_slice %arg3[%add3A_6, %dma_start3A_22, %dma_start3A_23] : memref<10000x32x128xf32, #tpu.memory_space<hbm>> -> memref<4x32x128xf32, #tpu.memory_space<hbm>>
    tpu.enqueue_dma source(%dma_start3A_24 : memref<4x32x128xf32, #tpu.memory_space<hbm>>) target(%dma_start3A_21 : memref<4x32x128xf32, #tpu.memory_space<vmem>>) target_semaphore(%arg7 : memref<!tpu.dma_semaphore, #tpu.memory_space<semaphore_mem>>)
    %dma_start3A_25 = arith.constant 0 : i32
    %dma_start3A_26 = arith.constant 4 : i32
    %dma_start3A_27 = arith.constant 0 : i32
    %dma_start3A_28 = arith.constant 0 : i32
    %dma_start3A_29 = tpu.memref_slice %arg5[%dma_start3A_25, %dma_start3A_26, %dma_start3A_27, %dma_start3A_28] : memref<2x8x32x128xf32, #tpu.memory_space<vmem>> -> memref<1x4x32x128xf32, #tpu.memory_space<vmem>>
    %dma_start3A_30 = tpu.memref_squeeze %dma_start3A_29 : memref<1x4x32x128xf32, #tpu.memory_space<vmem>> -> memref<4x32x128xf32, #tpu.memory_space<vmem>>
    %dma_start3A_31 = arith.constant 0 : i32
    %dma_start3A_32 = arith.constant 0 : i32
    %dma_start3A_33 = tpu.memref_slice %arg3[%add3A_8, %dma_start3A_31, %dma_start3A_32] : memref<10000x32x128xf32, #tpu.memory_space<hbm>> -> memref<4x32x128xf32, #tpu.memory_space<hbm>>
    %dma_start3A_34 = arith.constant 4 : i32
    %dma_start3A_35 = arith.constant 0 : i32
    %dma_start3A_36 = arith.constant 0 : i32
    %dma_start3A_37 = tpu.memref_slice %arg5[%dma_start3A_25, %dma_start3A_34, %dma_start3A_35, %dma_start3A_36] : memref<2x8x32x128xf32, #tpu.memory_space<vmem>> -> memref<1x4x32x128xf32, #tpu.memory_space<vmem>>
    %dma_start3A_38 = tpu.memref_squeeze %dma_start3A_37 : memref<1x4x32x128xf32, #tpu.memory_space<vmem>> -> memref<4x32x128xf32, #tpu.memory_space<vmem>>
    %dma_start3A_39 = arith.constant 0 : i32
    %dma_start3A_40 = arith.constant 0 : i32
    %dma_start3A_41 = tpu.memref_slice %arg3[%add3A_8, %dma_start3A_39, %dma_start3A_40] : memref<10000x32x128xf32, #tpu.memory_space<hbm>> -> memref<4x32x128xf32, #tpu.memory_space<hbm>>
    tpu.enqueue_dma source(%dma_start3A_41 : memref<4x32x128xf32, #tpu.memory_space<hbm>>) target(%dma_start3A_38 : memref<4x32x128xf32, #tpu.memory_space<vmem>>) target_semaphore(%arg8 : memref<!tpu.dma_semaphore, #tpu.memory_space<semaphore_mem>>)
    %add3A_42 = arith.constant 7440 : i32
    %add3A_43 = arith.addi %add3A_42, %mul3A_2 : i32
    %add3A_44 = arith.constant 8 : i32
    %add3A_45 = arith.addi %add3A_43, %add3A_44 : i32
    %add3A_46 = arith.constant 4 : i32
    %add3A_47 = arith.addi %add3A_45, %add3A_46 : i32
    %dma_start3A_48 = arith.constant 1 : i32
    %dma_start3A_49 = arith.constant 0 : i32
    %dma_start3A_50 = arith.constant 0 : i32
    %dma_start3A_51 = arith.constant 0 : i32
    %dma_start3A_52 = tpu.memref_slice %arg5[%dma_start3A_48, %dma_start3A_49, %dma_start3A_50, %dma_start3A_51] : memref<2x8x32x128xf32, #tpu.memory_space<vmem>> -> memref<1x4x32x128xf32, #tpu.memory_space<vmem>>
    %dma_start3A_53 = tpu.memref_squeeze %dma_start3A_52 : memref<1x4x32x128xf32, #tpu.memory_space<vmem>> -> memref<4x32x128xf32, #tpu.memory_space<vmem>>
    %dma_start3A_54 = arith.constant 0 : i32
    %dma_start3A_55 = arith.constant 0 : i32
    %dma_start3A_56 = tpu.memref_slice %arg3[%add3A_45, %dma_start3A_54, %dma_start3A_55] : memref<10000x32x128xf32, #tpu.memory_space<hbm>> -> memref<4x32x128xf32, #tpu.memory_space<hbm>>
    %dma_start3A_57 = arith.constant 0 : i32
    %dma_start3A_58 = arith.constant 0 : i32
    %dma_start3A_59 = arith.constant 0 : i32
    %dma_start3A_60 = tpu.memref_slice %arg5[%dma_start3A_48, %dma_start3A_57, %dma_start3A_58, %dma_start3A_59] : memref<2x8x32x128xf32, #tpu.memory_space<vmem>> -> memref<1x4x32x128xf32, #tpu.memory_space<vmem>>
    %dma_start3A_61 = tpu.memref_squeeze %dma_start3A_60 : memref<1x4x32x128xf32, #tpu.memory_space<vmem>> -> memref<4x32x128xf32, #tpu.memory_space<vmem>>
    %dma_start3A_62 = arith.constant 0 : i32
    %dma_start3A_63 = arith.constant 0 : i32
    %dma_start3A_64 = tpu.memref_slice %arg3[%add3A_45, %dma_start3A_62, %dma_start3A_63] : memref<10000x32x128xf32, #tpu.memory_space<hbm>> -> memref<4x32x128xf32, #tpu.memory_space<hbm>>
    tpu.enqueue_dma source(%dma_start3A_64 : memref<4x32x128xf32, #tpu.memory_space<hbm>>) target(%dma_start3A_61 : memref<4x32x128xf32, #tpu.memory_space<vmem>>) target_semaphore(%arg9 : memref<!tpu.dma_semaphore, #tpu.memory_space<semaphore_mem>>)
    %dma_start3A_65 = arith.constant 1 : i32
    %dma_start3A_66 = arith.constant 4 : i32
    %dma_start3A_67 = arith.constant 0 : i32
    %dma_start3A_68 = arith.constant 0 : i32
    %dma_start3A_69 = tpu.memref_slice %arg5[%dma_start3A_65, %dma_start3A_66, %dma_start3A_67, %dma_start3A_68] : memref<2x8x32x128xf32, #tpu.memory_space<vmem>> -> memref<1x4x32x128xf32, #tpu.memory_space<vmem>>
    %dma_start3A_70 = tpu.memref_squeeze %dma_start3A_69 : memref<1x4x32x128xf32, #tpu.memory_space<vmem>> -> memref<4x32x128xf32, #tpu.memory_space<vmem>>
    %dma_start3A_71 = arith.constant 0 : i32
    %dma_start3A_72 = arith.constant 0 : i32
    %dma_start3A_73 = tpu.memref_slice %arg3[%add3A_47, %dma_start3A_71, %dma_start3A_72] : memref<10000x32x128xf32, #tpu.memory_space<hbm>> -> memref<4x32x128xf32, #tpu.memory_space<hbm>>
    %dma_start3A_74 = arith.constant 4 : i32
    %dma_start3A_75 = arith.constant 0 : i32
    %dma_start3A_76 = arith.constant 0 : i32
    %dma_start3A_77 = tpu.memref_slice %arg5[%dma_start3A_65, %dma_start3A_74, %dma_start3A_75, %dma_start3A_76] : memref<2x8x32x128xf32, #tpu.memory_space<vmem>> -> memref<1x4x32x128xf32, #tpu.memory_space<vmem>>
    %dma_start3A_78 = tpu.memref_squeeze %dma_start3A_77 : memref<1x4x32x128xf32, #tpu.memory_space<vmem>> -> memref<4x32x128xf32, #tpu.memory_space<vmem>>
    %dma_start3A_79 = arith.constant 0 : i32
    %dma_start3A_80 = arith.constant 0 : i32
    %dma_start3A_81 = tpu.memref_slice %arg3[%add3A_47, %dma_start3A_79, %dma_start3A_80] : memref<10000x32x128xf32, #tpu.memory_space<hbm>> -> memref<4x32x128xf32, #tpu.memory_space<hbm>>
    tpu.enqueue_dma source(%dma_start3A_81 : memref<4x32x128xf32, #tpu.memory_space<hbm>>) target(%dma_start3A_78 : memref<4x32x128xf32, #tpu.memory_space<vmem>>) target_semaphore(%arg10 : memref<!tpu.dma_semaphore, #tpu.memory_space<semaphore_mem>>)
    %scan3A = arith.constant 0 : i32
    %scan3A_82 = arith.constant 0 : i32
    %scan3A_83 = arith.constant 5 : i32
    %scan3A_84 = arith.addi %scan3A_82, %scan3A_83 : i32
    %scan3A_85 = arith.constant 1 : i32
    scf.for %scan3A_116 = %scan3A_82 to %scan3A_84 step %scan3A_85  : i32 {
      %mul3A_117 = arith.constant 2 : i32
      %mul3A_118 = arith.muli %scan3A_116, %mul3A_117 : i32
      %add3A_119 = arith.constant 0 : i32
      %add3A_120 = arith.addi %mul3A_118, %add3A_119 : i32
      %add3A_121 = arith.constant 7440 : i32
      %add3A_122 = arith.addi %add3A_121, %mul3A_2 : i32
      %mul3A_123 = arith.constant 8 : i32
      %mul3A_124 = arith.muli %add3A_120, %mul3A_123 : i32
      %add3A_125 = arith.addi %add3A_122, %mul3A_124 : i32
      %add3A_126 = arith.constant 4 : i32
      %add3A_127 = arith.addi %add3A_125, %add3A_126 : i32
      %dma_wait3A_128 = arith.constant 0 : i32
      %dma_wait3A_129 = arith.constant 0 : i32
      %dma_wait3A_130 = arith.constant 0 : i32
      %dma_wait3A_131 = arith.constant 0 : i32
      %dma_wait3A_132 = tpu.memref_slice %arg5[%dma_wait3A_128, %dma_wait3A_129, %dma_wait3A_130, %dma_wait3A_131] : memref<2x8x32x128xf32, #tpu.memory_space<vmem>> -> memref<1x4x32x128xf32, #tpu.memory_space<vmem>>
      %dma_wait3A_133 = tpu.memref_squeeze %dma_wait3A_132 : memref<1x4x32x128xf32, #tpu.memory_space<vmem>> -> memref<4x32x128xf32, #tpu.memory_space<vmem>>
      %dma_wait3A_134 = arith.constant 0 : i32
      %dma_wait3A_135 = arith.constant 0 : i32
      %dma_wait3A_136 = tpu.memref_slice %arg3[%add3A_125, %dma_wait3A_134, %dma_wait3A_135] : memref<10000x32x128xf32, #tpu.memory_space<hbm>> -> memref<4x32x128xf32, #tpu.memory_space<hbm>>
      %dma_wait3A_137 = arith.constant 0 : i32
      %dma_wait3A_138 = arith.constant 0 : i32
      %dma_wait3A_139 = arith.constant 0 : i32
      %dma_wait3A_140 = tpu.memref_slice %arg5[%dma_wait3A_128, %dma_wait3A_137, %dma_wait3A_138, %dma_wait3A_139] : memref<2x8x32x128xf32, #tpu.memory_space<vmem>> -> memref<1x4x32x128xf32, #tpu.memory_space<vmem>>
      %dma_wait3A_141 = tpu.memref_squeeze %dma_wait3A_140 : memref<1x4x32x128xf32, #tpu.memory_space<vmem>> -> memref<4x32x128xf32, #tpu.memory_space<vmem>>
      %dma_wait3A_142 = arith.constant 0 : i32
      %dma_wait3A_143 = arith.constant 0 : i32
      %dma_wait3A_144 = tpu.memref_slice %arg3[%add3A_125, %dma_wait3A_142, %dma_wait3A_143] : memref<10000x32x128xf32, #tpu.memory_space<hbm>> -> memref<4x32x128xf32, #tpu.memory_space<hbm>>
      tpu.wait_dma2 semaphore(%arg7 : memref<!tpu.dma_semaphore, #tpu.memory_space<semaphore_mem>>) src(%dma_wait3A_144 : memref<4x32x128xf32, #tpu.memory_space<hbm>>) dst(%dma_wait3A_141 : memref<4x32x128xf32, #tpu.memory_space<vmem>>)
      %dma_wait3A_145 = arith.constant 0 : i32
      %dma_wait3A_146 = arith.constant 4 : i32
      %dma_wait3A_147 = arith.constant 0 : i32
      %dma_wait3A_148 = arith.constant 0 : i32
      %dma_wait3A_149 = tpu.memref_slice %arg5[%dma_wait3A_145, %dma_wait3A_146, %dma_wait3A_147, %dma_wait3A_148] : memref<2x8x32x128xf32, #tpu.memory_space<vmem>> -> memref<1x4x32x128xf32, #tpu.memory_space<vmem>>
      %dma_wait3A_150 = tpu.memref_squeeze %dma_wait3A_149 : memref<1x4x32x128xf32, #tpu.memory_space<vmem>> -> memref<4x32x128xf32, #tpu.memory_space<vmem>>
      %dma_wait3A_151 = arith.constant 0 : i32
      %dma_wait3A_152 = arith.constant 0 : i32
      %dma_wait3A_153 = tpu.memref_slice %arg3[%add3A_127, %dma_wait3A_151, %dma_wait3A_152] : memref<10000x32x128xf32, #tpu.memory_space<hbm>> -> memref<4x32x128xf32, #tpu.memory_space<hbm>>
      %dma_wait3A_154 = arith.constant 4 : i32
      %dma_wait3A_155 = arith.constant 0 : i32
      %dma_wait3A_156 = arith.constant 0 : i32
      %dma_wait3A_157 = tpu.memref_slice %arg5[%dma_wait3A_145, %dma_wait3A_154, %dma_wait3A_155, %dma_wait3A_156] : memref<2x8x32x128xf32, #tpu.memory_space<vmem>> -> memref<1x4x32x128xf32, #tpu.memory_space<vmem>>
      %dma_wait3A_158 = tpu.memref_squeeze %dma_wait3A_157 : memref<1x4x32x128xf32, #tpu.memory_space<vmem>> -> memref<4x32x128xf32, #tpu.memory_space<vmem>>
      %dma_wait3A_159 = arith.constant 0 : i32
      %dma_wait3A_160 = arith.constant 0 : i32
      %dma_wait3A_161 = tpu.memref_slice %arg3[%add3A_127, %dma_wait3A_159, %dma_wait3A_160] : memref<10000x32x128xf32, #tpu.memory_space<hbm>> -> memref<4x32x128xf32, #tpu.memory_space<hbm>>
      tpu.wait_dma2 semaphore(%arg8 : memref<!tpu.dma_semaphore, #tpu.memory_space<semaphore_mem>>) src(%dma_wait3A_161 : memref<4x32x128xf32, #tpu.memory_space<hbm>>) dst(%dma_wait3A_158 : memref<4x32x128xf32, #tpu.memory_space<vmem>>)
      %ge3A = arith.constant 2 : i32
      %ge3A_162 = arith.cmpi sge, %add3A_120, %ge3A : i32
      %convert_element_type3A = arith.extui %ge3A_162 : i1 to i32
      %cond3A = arith.constant 0 : i32
      %cond3A_163 = arith.cmpi ne, %convert_element_type3A, %cond3A : i32
      scf.if %cond3A_163 {
        %sub3A = arith.constant 2 : i32
        %sub3A_269 = arith.subi %add3A_120, %sub3A : i32
        %mul3A_270 = arith.constant 8 : i32
        %mul3A_271 = arith.muli %sub3A_269, %mul3A_270 : i32
        %add3A_272 = arith.addi %mul3A_2, %mul3A_271 : i32
        %dma_wait3A_273 = arith.constant 0 : i32
        %dma_wait3A_274 = arith.constant 0 : i32
        %dma_wait3A_275 = arith.constant 0 : i32
        %dma_wait3A_276 = tpu.memref_slice %arg6[%dma_wait3A_273, %dma_wait3A_274, %dma_wait3A_275] : memref<2x8x128xf32, #tpu.memory_space<vmem>> -> memref<1x8x128xf32, #tpu.memory_space<vmem>>
        %dma_wait3A_277 = tpu.memref_squeeze %dma_wait3A_276 : memref<1x8x128xf32, #tpu.memory_space<vmem>> -> memref<8x128xf32, #tpu.memory_space<vmem>>
        %dma_wait3A_278 = arith.constant 0 : i32
        %dma_wait3A_279 = tpu.memref_slice %arg4[%add3A_272, %dma_wait3A_278] : memref<2560x128xf32, #tpu.memory_space<hbm>> -> memref<8x128xf32, #tpu.memory_space<hbm>>
        %dma_wait3A_280 = arith.constant 0 : i32
        %dma_wait3A_281 = tpu.memref_slice %arg4[%add3A_272, %dma_wait3A_280] : memref<2560x128xf32, #tpu.memory_space<hbm>> -> memref<8x128xf32, #tpu.memory_space<hbm>>
        %dma_wait3A_282 = arith.constant 0 : i32
        %dma_wait3A_283 = arith.constant 0 : i32
        %dma_wait3A_284 = tpu.memref_slice %arg6[%dma_wait3A_273, %dma_wait3A_282, %dma_wait3A_283] : memref<2x8x128xf32, #tpu.memory_space<vmem>> -> memref<1x8x128xf32, #tpu.memory_space<vmem>>
        %dma_wait3A_285 = tpu.memref_squeeze %dma_wait3A_284 : memref<1x8x128xf32, #tpu.memory_space<vmem>> -> memref<8x128xf32, #tpu.memory_space<vmem>>
        tpu.wait_dma2 semaphore(%arg11 : memref<!tpu.dma_semaphore, #tpu.memory_space<semaphore_mem>>) src(%dma_wait3A_285 : memref<8x128xf32, #tpu.memory_space<vmem>>) dst(%dma_wait3A_281 : memref<8x128xf32, #tpu.memory_space<hbm>>)
      } else {
      }
      %scan3A_164 = arith.constant 0 : i32
      %scan3A_165 = arith.constant 0 : i32
      %scan3A_166 = arith.constant 8 : i32
      %scan3A_167 = arith.addi %scan3A_165, %scan3A_166 : i32
      %scan3A_168 = arith.constant 1 : i32
      scf.for %scan3A_269 = %scan3A_165 to %scan3A_167 step %scan3A_168  : i32 {
        %get3A = arith.constant 0 : i32
        %get3A_270 = arith.constant 0 : i32
        %get3A_271 = arith.index_cast %get3A : i32 to index
        %get3A_272 = arith.index_cast %scan3A_269 : i32 to index
        %get3A_273 = arith.index_cast %get3A_270 : i32 to index
        %get3A_274 = arith.constant 0 : index
        %get3A_275 = tpu.vector_load %arg5[%get3A_271, %get3A_272, %get3A_273, %get3A_274] {strides = array<i32>} : memref<2x8x32x128xf32, #tpu.memory_space<vmem>>, vector<1x1x1x16xf32>,
        %get3A_276 = vector.shape_cast %get3A_275 : vector<1x1x1x16xf32> to vector<16xf32>
        %get3A_277 = arith.constant 0 : i32
        %get3A_278 = arith.constant 1 : i32
        %get3A_279 = arith.index_cast %get3A_277 : i32 to index
        %get3A_280 = arith.index_cast %scan3A_269 : i32 to index
        %get3A_281 = arith.index_cast %get3A_278 : i32 to index
        %get3A_282 = arith.constant 0 : index
        %get3A_283 = tpu.vector_load %arg5[%get3A_279, %get3A_280, %get3A_281, %get3A_282] {strides = array<i32>} : memref<2x8x32x128xf32, #tpu.memory_space<vmem>>, vector<1x1x1x16xf32>,
        %get3A_284 = vector.shape_cast %get3A_283 : vector<1x1x1x16xf32> to vector<16xf32>
        %add3A_285 = arith.addf %get3A_276, %get3A_284 : vector<16xf32>
        %get3A_286 = arith.constant 0 : i32
        %get3A_287 = arith.constant 2 : i32
        %get3A_288 = arith.index_cast %get3A_286 : i32 to index
        %get3A_289 = arith.index_cast %scan3A_269 : i32 to index
        %get3A_290 = arith.index_cast %get3A_287 : i32 to index
        %get3A_291 = arith.constant 0 : index
        %get3A_292 = tpu.vector_load %arg5[%get3A_288, %get3A_289, %get3A_290, %get3A_291] {strides = array<i32>} : memref<2x8x32x128xf32, #tpu.memory_space<vmem>>, vector<1x1x1x16xf32>,
        %get3A_293 = vector.shape_cast %get3A_292 : vector<1x1x1x16xf32> to vector<16xf32>
        %add3A_294 = arith.addf %add3A_285, %get3A_293 : vector<16xf32>
        %get3A_295 = arith.constant 0 : i32
        %get3A_296 = arith.constant 3 : i32
        %get3A_297 = arith.index_cast %get3A_295 : i32 to index
        %get3A_298 = arith.index_cast %scan3A_269 : i32 to index
        %get3A_299 = arith.index_cast %get3A_296 : i32 to index
        %get3A_300 = arith.constant 0 : index
        %get3A_301 = tpu.vector_load %arg5[%get3A_297, %get3A_298, %get3A_299, %get3A_300] {strides = array<i32>} : memref<2x8x32x128xf32, #tpu.memory_space<vmem>>, vector<1x1x1x16xf32>,
        %get3A_302 = vector.shape_cast %get3A_301 : vector<1x1x1x16xf32> to vector<16xf32>
        %add3A_303 = arith.addf %add3A_294, %get3A_302 : vector<16xf32>
        %get3A_304 = arith.constant 0 : i32
        %get3A_305 = arith.constant 4 : i32
        %get3A_306 = arith.index_cast %get3A_304 : i32 to index
        %get3A_307 = arith.index_cast %scan3A_269 : i32 to index
        %get3A_308 = arith.index_cast %get3A_305 : i32 to index
        %get3A_309 = arith.constant 0 : index
        %get3A_310 = tpu.vector_load %arg5[%get3A_306, %get3A_307, %get3A_308, %get3A_309] {strides = array<i32>} : memref<2x8x32x128xf32, #tpu.memory_space<vmem>>, vector<1x1x1x16xf32>,
        %get3A_311 = vector.shape_cast %get3A_310 : vector<1x1x1x16xf32> to vector<16xf32>
        %add3A_312 = arith.addf %add3A_303, %get3A_311 : vector<16xf32>
        %get3A_313 = arith.constant 0 : i32
        %get3A_314 = arith.constant 5 : i32
        %get3A_315 = arith.index_cast %get3A_313 : i32 to index
        %get3A_316 = arith.index_cast %scan3A_269 : i32 to index
        %get3A_317 = arith.index_cast %get3A_314 : i32 to index
        %get3A_318 = arith.constant 0 : index
        %get3A_319 = tpu.vector_load %arg5[%get3A_315, %get3A_316, %get3A_317, %get3A_318] {strides = array<i32>} : memref<2x8x32x128xf32, #tpu.memory_space<vmem>>, vector<1x1x1x16xf32>,
        %get3A_320 = vector.shape_cast %get3A_319 : vector<1x1x1x16xf32> to vector<16xf32>
        %add3A_321 = arith.addf %add3A_312, %get3A_320 : vector<16xf32>
        %get3A_322 = arith.constant 0 : i32
        %get3A_323 = arith.constant 6 : i32
        %get3A_324 = arith.index_cast %get3A_322 : i32 to index
        %get3A_325 = arith.index_cast %scan3A_269 : i32 to index
        %get3A_326 = arith.index_cast %get3A_323 : i32 to index
        %get3A_327 = arith.constant 0 : index
        %get3A_328 = tpu.vector_load %arg5[%get3A_324, %get3A_325, %get3A_326, %get3A_327] {strides = array<i32>} : memref<2x8x32x128xf32, #tpu.memory_space<vmem>>, vector<1x1x1x16xf32>,
        %get3A_329 = vector.shape_cast %get3A_328 : vector<1x1x1x16xf32> to vector<16xf32>
        %add3A_330 = arith.addf %add3A_321, %get3A_329 : vector<16xf32>
        %get3A_331 = arith.constant 0 : i32
        %get3A_332 = arith.constant 7 : i32
        %get3A_333 = arith.index_cast %get3A_331 : i32 to index
        %get3A_334 = arith.index_cast %scan3A_269 : i32 to index
        %get3A_335 = arith.index_cast %get3A_332 : i32 to index
        %get3A_336 = arith.constant 0 : index
        %get3A_337 = tpu.vector_load %arg5[%get3A_333, %get3A_334, %get3A_335, %get3A_336] {strides = array<i32>} : memref<2x8x32x128xf32, #tpu.memory_space<vmem>>, vector<1x1x1x16xf32>,
        %get3A_338 = vector.shape_cast %get3A_337 : vector<1x1x1x16xf32> to vector<16xf32>
        %add3A_339 = arith.addf %add3A_330, %get3A_338 : vector<16xf32>
        %get3A_340 = arith.constant 0 : i32
        %get3A_341 = arith.constant 8 : i32
        %get3A_342 = arith.index_cast %get3A_340 : i32 to index
        %get3A_343 = arith.index_cast %scan3A_269 : i32 to index
        %get3A_344 = arith.index_cast %get3A_341 : i32 to index
        %get3A_345 = arith.constant 0 : index
        %get3A_346 = tpu.vector_load %arg5[%get3A_342, %get3A_343, %get3A_344, %get3A_345] {strides = array<i32>} : memref<2x8x32x128xf32, #tpu.memory_space<vmem>>, vector<1x1x1x16xf32>,
        %get3A_347 = vector.shape_cast %get3A_346 : vector<1x1x1x16xf32> to vector<16xf32>
        %add3A_348 = arith.addf %add3A_339, %get3A_347 : vector<16xf32>
        %get3A_349 = arith.constant 0 : i32
        %get3A_350 = arith.constant 9 : i32
        %get3A_351 = arith.index_cast %get3A_349 : i32 to index
        %get3A_352 = arith.index_cast %scan3A_269 : i32 to index
        %get3A_353 = arith.index_cast %get3A_350 : i32 to index
        %get3A_354 = arith.constant 0 : index
        %get3A_355 = tpu.vector_load %arg5[%get3A_351, %get3A_352, %get3A_353, %get3A_354] {strides = array<i32>} : memref<2x8x32x128xf32, #tpu.memory_space<vmem>>, vector<1x1x1x16xf32>,
        %get3A_356 = vector.shape_cast %get3A_355 : vector<1x1x1x16xf32> to vector<16xf32>
        %add3A_357 = arith.addf %add3A_348, %get3A_356 : vector<16xf32>
        %get3A_358 = arith.constant 0 : i32
        %get3A_359 = arith.constant 10 : i32
        %get3A_360 = arith.index_cast %get3A_358 : i32 to index
        %get3A_361 = arith.index_cast %scan3A_269 : i32 to index
        %get3A_362 = arith.index_cast %get3A_359 : i32 to index
        %get3A_363 = arith.constant 0 : index
        %get3A_364 = tpu.vector_load %arg5[%get3A_360, %get3A_361, %get3A_362, %get3A_363] {strides = array<i32>} : memref<2x8x32x128xf32, #tpu.memory_space<vmem>>, vector<1x1x1x16xf32>,
        %get3A_365 = vector.shape_cast %get3A_364 : vector<1x1x1x16xf32> to vector<16xf32>
        %add3A_366 = arith.addf %add3A_357, %get3A_365 : vector<16xf32>
        %get3A_367 = arith.constant 0 : i32
        %get3A_368 = arith.constant 11 : i32
        %get3A_369 = arith.index_cast %get3A_367 : i32 to index
        %get3A_370 = arith.index_cast %scan3A_269 : i32 to index
        %get3A_371 = arith.index_cast %get3A_368 : i32 to index
        %get3A_372 = arith.constant 0 : index
        %get3A_373 = tpu.vector_load %arg5[%get3A_369, %get3A_370, %get3A_371, %get3A_372] {strides = array<i32>} : memref<2x8x32x128xf32, #tpu.memory_space<vmem>>, vector<1x1x1x16xf32>,
        %get3A_374 = vector.shape_cast %get3A_373 : vector<1x1x1x16xf32> to vector<16xf32>
        %add3A_375 = arith.addf %add3A_366, %get3A_374 : vector<16xf32>
        %get3A_376 = arith.constant 0 : i32
        %get3A_377 = arith.constant 12 : i32
        %get3A_378 = arith.index_cast %get3A_376 : i32 to index
        %get3A_379 = arith.index_cast %scan3A_269 : i32 to index
        %get3A_380 = arith.index_cast %get3A_377 : i32 to index
        %get3A_381 = arith.constant 0 : index
        %get3A_382 = tpu.vector_load %arg5[%get3A_378, %get3A_379, %get3A_380, %get3A_381] {strides = array<i32>} : memref<2x8x32x128xf32, #tpu.memory_space<vmem>>, vector<1x1x1x16xf32>,
        %get3A_383 = vector.shape_cast %get3A_382 : vector<1x1x1x16xf32> to vector<16xf32>
        %add3A_384 = arith.addf %add3A_375, %get3A_383 : vector<16xf32>
        %get3A_385 = arith.constant 0 : i32
        %get3A_386 = arith.constant 13 : i32
        %get3A_387 = arith.index_cast %get3A_385 : i32 to index
        %get3A_388 = arith.index_cast %scan3A_269 : i32 to index
        %get3A_389 = arith.index_cast %get3A_386 : i32 to index
        %get3A_390 = arith.constant 0 : index
        %get3A_391 = tpu.vector_load %arg5[%get3A_387, %get3A_388, %get3A_389, %get3A_390] {strides = array<i32>} : memref<2x8x32x128xf32, #tpu.memory_space<vmem>>, vector<1x1x1x16xf32>,
        %get3A_392 = vector.shape_cast %get3A_391 : vector<1x1x1x16xf32> to vector<16xf32>
        %add3A_393 = arith.addf %add3A_384, %get3A_392 : vector<16xf32>
        %get3A_394 = arith.constant 0 : i32
        %get3A_395 = arith.constant 14 : i32
        %get3A_396 = arith.index_cast %get3A_394 : i32 to index
        %get3A_397 = arith.index_cast %scan3A_269 : i32 to index
        %get3A_398 = arith.index_cast %get3A_395 : i32 to index
        %get3A_399 = arith.constant 0 : index
        %get3A_400 = tpu.vector_load %arg5[%get3A_396, %get3A_397, %get3A_398, %get3A_399] {strides = array<i32>} : memref<2x8x32x128xf32, #tpu.memory_space<vmem>>, vector<1x1x1x16xf32>,
        %get3A_401 = vector.shape_cast %get3A_400 : vector<1x1x1x16xf32> to vector<16xf32>
        %add3A_402 = arith.addf %add3A_393, %get3A_401 : vector<16xf32>
        %get3A_403 = arith.constant 0 : i32
        %get3A_404 = arith.constant 15 : i32
        %get3A_405 = arith.index_cast %get3A_403 : i32 to index
        %get3A_406 = arith.index_cast %scan3A_269 : i32 to index
        %get3A_407 = arith.index_cast %get3A_404 : i32 to index
        %get3A_408 = arith.constant 0 : index
        %get3A_409 = tpu.vector_load %arg5[%get3A_405, %get3A_406, %get3A_407, %get3A_408] {strides = array<i32>} : memref<2x8x32x128xf32, #tpu.memory_space<vmem>>, vector<1x1x1x16xf32>,
        %get3A_410 = vector.shape_cast %get3A_409 : vector<1x1x1x16xf32> to vector<16xf32>
        %add3A_411 = arith.addf %add3A_402, %get3A_410 : vector<16xf32>
        %get3A_412 = arith.constant 0 : i32
        %get3A_413 = arith.constant 16 : i32
        %get3A_414 = arith.index_cast %get3A_412 : i32 to index
        %get3A_415 = arith.index_cast %scan3A_269 : i32 to index
        %get3A_416 = arith.index_cast %get3A_413 : i32 to index
        %get3A_417 = arith.constant 0 : index
        %get3A_418 = tpu.vector_load %arg5[%get3A_414, %get3A_415, %get3A_416, %get3A_417] {strides = array<i32>} : memref<2x8x32x128xf32, #tpu.memory_space<vmem>>, vector<1x1x1x16xf32>,
        %get3A_419 = vector.shape_cast %get3A_418 : vector<1x1x1x16xf32> to vector<16xf32>
        %add3A_420 = arith.addf %add3A_411, %get3A_419 : vector<16xf32>
        %get3A_421 = arith.constant 0 : i32
        %get3A_422 = arith.constant 17 : i32
        %get3A_423 = arith.index_cast %get3A_421 : i32 to index
        %get3A_424 = arith.index_cast %scan3A_269 : i32 to index
        %get3A_425 = arith.index_cast %get3A_422 : i32 to index
        %get3A_426 = arith.constant 0 : index
        %get3A_427 = tpu.vector_load %arg5[%get3A_423, %get3A_424, %get3A_425, %get3A_426] {strides = array<i32>} : memref<2x8x32x128xf32, #tpu.memory_space<vmem>>, vector<1x1x1x16xf32>,
        %get3A_428 = vector.shape_cast %get3A_427 : vector<1x1x1x16xf32> to vector<16xf32>
        %add3A_429 = arith.addf %add3A_420, %get3A_428 : vector<16xf32>
        %get3A_430 = arith.constant 0 : i32
        %get3A_431 = arith.constant 18 : i32
        %get3A_432 = arith.index_cast %get3A_430 : i32 to index
        %get3A_433 = arith.index_cast %scan3A_269 : i32 to index
        %get3A_434 = arith.index_cast %get3A_431 : i32 to index
        %get3A_435 = arith.constant 0 : index
        %get3A_436 = tpu.vector_load %arg5[%get3A_432, %get3A_433, %get3A_434, %get3A_435] {strides = array<i32>} : memref<2x8x32x128xf32, #tpu.memory_space<vmem>>, vector<1x1x1x16xf32>,
        %get3A_437 = vector.shape_cast %get3A_436 : vector<1x1x1x16xf32> to vector<16xf32>
        %add3A_438 = arith.addf %add3A_429, %get3A_437 : vector<16xf32>
        %get3A_439 = arith.constant 0 : i32
        %get3A_440 = arith.constant 19 : i32
        %get3A_441 = arith.index_cast %get3A_439 : i32 to index
        %get3A_442 = arith.index_cast %scan3A_269 : i32 to index
        %get3A_443 = arith.index_cast %get3A_440 : i32 to index
        %get3A_444 = arith.constant 0 : index
        %get3A_445 = tpu.vector_load %arg5[%get3A_441, %get3A_442, %get3A_443, %get3A_444] {strides = array<i32>} : memref<2x8x32x128xf32, #tpu.memory_space<vmem>>, vector<1x1x1x16xf32>,
        %get3A_446 = vector.shape_cast %get3A_445 : vector<1x1x1x16xf32> to vector<16xf32>
        %add3A_447 = arith.addf %add3A_438, %get3A_446 : vector<16xf32>
        %get3A_448 = arith.constant 0 : i32
        %get3A_449 = arith.constant 20 : i32
        %get3A_450 = arith.index_cast %get3A_448 : i32 to index
        %get3A_451 = arith.index_cast %scan3A_269 : i32 to index
        %get3A_452 = arith.index_cast %get3A_449 : i32 to index
        %get3A_453 = arith.constant 0 : index
        %get3A_454 = tpu.vector_load %arg5[%get3A_450, %get3A_451, %get3A_452, %get3A_453] {strides = array<i32>} : memref<2x8x32x128xf32, #tpu.memory_space<vmem>>, vector<1x1x1x16xf32>,
        %get3A_455 = vector.shape_cast %get3A_454 : vector<1x1x1x16xf32> to vector<16xf32>
        %add3A_456 = arith.addf %add3A_447, %get3A_455 : vector<16xf32>
        %get3A_457 = arith.constant 0 : i32
        %get3A_458 = arith.constant 21 : i32
        %get3A_459 = arith.index_cast %get3A_457 : i32 to index
        %get3A_460 = arith.index_cast %scan3A_269 : i32 to index
        %get3A_461 = arith.index_cast %get3A_458 : i32 to index
        %get3A_462 = arith.constant 0 : index
        %get3A_463 = tpu.vector_load %arg5[%get3A_459, %get3A_460, %get3A_461, %get3A_462] {strides = array<i32>} : memref<2x8x32x128xf32, #tpu.memory_space<vmem>>, vector<1x1x1x16xf32>,
        %get3A_464 = vector.shape_cast %get3A_463 : vector<1x1x1x16xf32> to vector<16xf32>
        %add3A_465 = arith.addf %add3A_456, %get3A_464 : vector<16xf32>
        %get3A_466 = arith.constant 0 : i32
        %get3A_467 = arith.constant 22 : i32
        %get3A_468 = arith.index_cast %get3A_466 : i32 to index
        %get3A_469 = arith.index_cast %scan3A_269 : i32 to index
        %get3A_470 = arith.index_cast %get3A_467 : i32 to index
        %get3A_471 = arith.constant 0 : index
        %get3A_472 = tpu.vector_load %arg5[%get3A_468, %get3A_469, %get3A_470, %get3A_471] {strides = array<i32>} : memref<2x8x32x128xf32, #tpu.memory_space<vmem>>, vector<1x1x1x16xf32>,
        %get3A_473 = vector.shape_cast %get3A_472 : vector<1x1x1x16xf32> to vector<16xf32>
        %add3A_474 = arith.addf %add3A_465, %get3A_473 : vector<16xf32>
        %get3A_475 = arith.constant 0 : i32
        %get3A_476 = arith.constant 23 : i32
        %get3A_477 = arith.index_cast %get3A_475 : i32 to index
        %get3A_478 = arith.index_cast %scan3A_269 : i32 to index
        %get3A_479 = arith.index_cast %get3A_476 : i32 to index
        %get3A_480 = arith.constant 0 : index
        %get3A_481 = tpu.vector_load %arg5[%get3A_477, %get3A_478, %get3A_479, %get3A_480] {strides = array<i32>} : memref<2x8x32x128xf32, #tpu.memory_space<vmem>>, vector<1x1x1x16xf32>,
        %get3A_482 = vector.shape_cast %get3A_481 : vector<1x1x1x16xf32> to vector<16xf32>
        %add3A_483 = arith.addf %add3A_474, %get3A_482 : vector<16xf32>
        %get3A_484 = arith.constant 0 : i32
        %get3A_485 = arith.constant 24 : i32
        %get3A_486 = arith.index_cast %get3A_484 : i32 to index
        %get3A_487 = arith.index_cast %scan3A_269 : i32 to index
        %get3A_488 = arith.index_cast %get3A_485 : i32 to index
        %get3A_489 = arith.constant 0 : index
        %get3A_490 = tpu.vector_load %arg5[%get3A_486, %get3A_487, %get3A_488, %get3A_489] {strides = array<i32>} : memref<2x8x32x128xf32, #tpu.memory_space<vmem>>, vector<1x1x1x16xf32>,
        %get3A_491 = vector.shape_cast %get3A_490 : vector<1x1x1x16xf32> to vector<16xf32>
        %add3A_492 = arith.addf %add3A_483, %get3A_491 : vector<16xf32>
        %get3A_493 = arith.constant 0 : i32
        %get3A_494 = arith.constant 25 : i32
        %get3A_495 = arith.index_cast %get3A_493 : i32 to index
        %get3A_496 = arith.index_cast %scan3A_269 : i32 to index
        %get3A_497 = arith.index_cast %get3A_494 : i32 to index
        %get3A_498 = arith.constant 0 : index
        %get3A_499 = tpu.vector_load %arg5[%get3A_495, %get3A_496, %get3A_497, %get3A_498] {strides = array<i32>} : memref<2x8x32x128xf32, #tpu.memory_space<vmem>>, vector<1x1x1x16xf32>,
        %get3A_500 = vector.shape_cast %get3A_499 : vector<1x1x1x16xf32> to vector<16xf32>
        %add3A_501 = arith.addf %add3A_492, %get3A_500 : vector<16xf32>
        %get3A_502 = arith.constant 0 : i32
        %get3A_503 = arith.constant 26 : i32
        %get3A_504 = arith.index_cast %get3A_502 : i32 to index
        %get3A_505 = arith.index_cast %scan3A_269 : i32 to index
        %get3A_506 = arith.index_cast %get3A_503 : i32 to index
        %get3A_507 = arith.constant 0 : index
        %get3A_508 = tpu.vector_load %arg5[%get3A_504, %get3A_505, %get3A_506, %get3A_507] {strides = array<i32>} : memref<2x8x32x128xf32, #tpu.memory_space<vmem>>, vector<1x1x1x16xf32>,
        %get3A_509 = vector.shape_cast %get3A_508 : vector<1x1x1x16xf32> to vector<16xf32>
        %add3A_510 = arith.addf %add3A_501, %get3A_509 : vector<16xf32>
        %get3A_511 = arith.constant 0 : i32
        %get3A_512 = arith.constant 27 : i32
        %get3A_513 = arith.index_cast %get3A_511 : i32 to index
        %get3A_514 = arith.index_cast %scan3A_269 : i32 to index
        %get3A_515 = arith.index_cast %get3A_512 : i32 to index
        %get3A_516 = arith.constant 0 : index
        %get3A_517 = tpu.vector_load %arg5[%get3A_513, %get3A_514, %get3A_515, %get3A_516] {strides = array<i32>} : memref<2x8x32x128xf32, #tpu.memory_space<vmem>>, vector<1x1x1x16xf32>,
        %get3A_518 = vector.shape_cast %get3A_517 : vector<1x1x1x16xf32> to vector<16xf32>
        %add3A_519 = arith.addf %add3A_510, %get3A_518 : vector<16xf32>
        %get3A_520 = arith.constant 0 : i32
        %get3A_521 = arith.constant 28 : i32
        %get3A_522 = arith.index_cast %get3A_520 : i32 to index
        %get3A_523 = arith.index_cast %scan3A_269 : i32 to index
        %get3A_524 = arith.index_cast %get3A_521 : i32 to index
        %get3A_525 = arith.constant 0 : index
        %get3A_526 = tpu.vector_load %arg5[%get3A_522, %get3A_523, %get3A_524, %get3A_525] {strides = array<i32>} : memref<2x8x32x128xf32, #tpu.memory_space<vmem>>, vector<1x1x1x16xf32>,
        %get3A_527 = vector.shape_cast %get3A_526 : vector<1x1x1x16xf32> to vector<16xf32>
        %add3A_528 = arith.addf %add3A_519, %get3A_527 : vector<16xf32>
        %get3A_529 = arith.constant 0 : i32
        %get3A_530 = arith.constant 29 : i32
        %get3A_531 = arith.index_cast %get3A_529 : i32 to index
        %get3A_532 = arith.index_cast %scan3A_269 : i32 to index
        %get3A_533 = arith.index_cast %get3A_530 : i32 to index
        %get3A_534 = arith.constant 0 : index
        %get3A_535 = tpu.vector_load %arg5[%get3A_531, %get3A_532, %get3A_533, %get3A_534] {strides = array<i32>} : memref<2x8x32x128xf32, #tpu.memory_space<vmem>>, vector<1x1x1x16xf32>,
        %get3A_536 = vector.shape_cast %get3A_535 : vector<1x1x1x16xf32> to vector<16xf32>
        %add3A_537 = arith.addf %add3A_528, %get3A_536 : vector<16xf32>
        %get3A_538 = arith.constant 0 : i32
        %get3A_539 = arith.constant 30 : i32
        %get3A_540 = arith.index_cast %get3A_538 : i32 to index
        %get3A_541 = arith.index_cast %scan3A_269 : i32 to index
        %get3A_542 = arith.index_cast %get3A_539 : i32 to index
        %get3A_543 = arith.constant 0 : index
        %get3A_544 = tpu.vector_load %arg5[%get3A_540, %get3A_541, %get3A_542, %get3A_543] {strides = array<i32>} : memref<2x8x32x128xf32, #tpu.memory_space<vmem>>, vector<1x1x1x16xf32>,
        %get3A_545 = vector.shape_cast %get3A_544 : vector<1x1x1x16xf32> to vector<16xf32>
        %add3A_546 = arith.addf %add3A_537, %get3A_545 : vector<16xf32>
        %get3A_547 = arith.constant 0 : i32
        %get3A_548 = arith.constant 31 : i32
        %get3A_549 = arith.index_cast %get3A_547 : i32 to index
        %get3A_550 = arith.index_cast %scan3A_269 : i32 to index
        %get3A_551 = arith.index_cast %get3A_548 : i32 to index
        %get3A_552 = arith.constant 0 : index
        %get3A_553 = tpu.vector_load %arg5[%get3A_549, %get3A_550, %get3A_551, %get3A_552] {strides = array<i32>} : memref<2x8x32x128xf32, #tpu.memory_space<vmem>>, vector<1x1x1x16xf32>,
        %get3A_554 = vector.shape_cast %get3A_553 : vector<1x1x1x16xf32> to vector<16xf32>
        %add3A_555 = arith.addf %add3A_546, %get3A_554 : vector<16xf32>
        %swap3A = arith.constant 0 : i32
        %swap3A_556 = arith.index_cast %swap3A : i32 to index
        %swap3A_557 = arith.index_cast %scan3A_269 : i32 to index
        %swap3A_558 = arith.constant 0 : index
        %swap3A_559 = tpu.vector_load %arg6[%swap3A_556, %swap3A_557, %swap3A_558] {strides = array<i32>} : memref<2x8x128xf32, #tpu.memory_space<vmem>>, vector<1x1x16xf32>,
        %swap3A_560 = vector.shape_cast %swap3A_559 : vector<1x1x16xf32> to vector<16xf32>
        %swap3A_561 = vector.shape_cast %add3A_555 : vector<16xf32> to vector<1x1x16xf32>
        tpu.vector_store %arg6[%swap3A_556, %swap3A_557, %swap3A_558], %swap3A_561 {strides = array<i32>} : memref<2x8x128xf32, #tpu.memory_space<vmem>>, vector<1x1x16xf32>,
        %get3A_562 = arith.constant 0 : i32
        %get3A_563 = arith.constant 0 : i32
        %get3A_564 = arith.index_cast %get3A_562 : i32 to index
        %get3A_565 = arith.index_cast %scan3A_269 : i32 to index
        %get3A_566 = arith.index_cast %get3A_563 : i32 to index
        %get3A_567 = arith.constant 16 : index
        %get3A_568 = tpu.vector_load %arg5[%get3A_564, %get3A_565, %get3A_566, %get3A_567] {strides = array<i32>} : memref<2x8x32x128xf32, #tpu.memory_space<vmem>>, vector<1x1x1x16xf32>,
        %get3A_569 = vector.shape_cast %get3A_568 : vector<1x1x1x16xf32> to vector<16xf32>
        %get3A_570 = arith.constant 0 : i32
        %get3A_571 = arith.constant 1 : i32
        %get3A_572 = arith.index_cast %get3A_570 : i32 to index
        %get3A_573 = arith.index_cast %scan3A_269 : i32 to index
        %get3A_574 = arith.index_cast %get3A_571 : i32 to index
        %get3A_575 = arith.constant 16 : index
        %get3A_576 = tpu.vector_load %arg5[%get3A_572, %get3A_573, %get3A_574, %get3A_575] {strides = array<i32>} : memref<2x8x32x128xf32, #tpu.memory_space<vmem>>, vector<1x1x1x16xf32>,
        %get3A_577 = vector.shape_cast %get3A_576 : vector<1x1x1x16xf32> to vector<16xf32>
        %add3A_578 = arith.addf %get3A_569, %get3A_577 : vector<16xf32>
        %get3A_579 = arith.constant 0 : i32
        %get3A_580 = arith.constant 2 : i32
        %get3A_581 = arith.index_cast %get3A_579 : i32 to index
        %get3A_582 = arith.index_cast %scan3A_269 : i32 to index
        %get3A_583 = arith.index_cast %get3A_580 : i32 to index
        %get3A_584 = arith.constant 16 : index
        %get3A_585 = tpu.vector_load %arg5[%get3A_581, %get3A_582, %get3A_583, %get3A_584] {strides = array<i32>} : memref<2x8x32x128xf32, #tpu.memory_space<vmem>>, vector<1x1x1x16xf32>,
        %get3A_586 = vector.shape_cast %get3A_585 : vector<1x1x1x16xf32> to vector<16xf32>
        %add3A_587 = arith.addf %add3A_578, %get3A_586 : vector<16xf32>
        %get3A_588 = arith.constant 0 : i32
        %get3A_589 = arith.constant 3 : i32
        %get3A_590 = arith.index_cast %get3A_588 : i32 to index
        %get3A_591 = arith.index_cast %scan3A_269 : i32 to index
        %get3A_592 = arith.index_cast %get3A_589 : i32 to index
        %get3A_593 = arith.constant 16 : index
        %get3A_594 = tpu.vector_load %arg5[%get3A_590, %get3A_591, %get3A_592, %get3A_593] {strides = array<i32>} : memref<2x8x32x128xf32, #tpu.memory_space<vmem>>, vector<1x1x1x16xf32>,
        %get3A_595 = vector.shape_cast %get3A_594 : vector<1x1x1x16xf32> to vector<16xf32>
        %add3A_596 = arith.addf %add3A_587, %get3A_595 : vector<16xf32>
        %get3A_597 = arith.constant 0 : i32
        %get3A_598 = arith.constant 4 : i32
        %get3A_599 = arith.index_cast %get3A_597 : i32 to index
        %get3A_600 = arith.index_cast %scan3A_269 : i32 to index
        %get3A_601 = arith.index_cast %get3A_598 : i32 to index
        %get3A_602 = arith.constant 16 : index
        %get3A_603 = tpu.vector_load %arg5[%get3A_599, %get3A_600, %get3A_601, %get3A_602] {strides = array<i32>} : memref<2x8x32x128xf32, #tpu.memory_space<vmem>>, vector<1x1x1x16xf32>,
        %get3A_604 = vector.shape_cast %get3A_603 : vector<1x1x1x16xf32> to vector<16xf32>
        %add3A_605 = arith.addf %add3A_596, %get3A_604 : vector<16xf32>
        %get3A_606 = arith.constant 0 : i32
        %get3A_607 = arith.constant 5 : i32
        %get3A_608 = arith.index_cast %get3A_606 : i32 to index
        %get3A_609 = arith.index_cast %scan3A_269 : i32 to index
        %get3A_610 = arith.index_cast %get3A_607 : i32 to index
        %get3A_611 = arith.constant 16 : index
        %get3A_612 = tpu.vector_load %arg5[%get3A_608, %get3A_609, %get3A_610, %get3A_611] {strides = array<i32>} : memref<2x8x32x128xf32, #tpu.memory_space<vmem>>, vector<1x1x1x16xf32>,
        %get3A_613 = vector.shape_cast %get3A_612 : vector<1x1x1x16xf32> to vector<16xf32>
        %add3A_614 = arith.addf %add3A_605, %get3A_613 : vector<16xf32>
        %get3A_615 = arith.constant 0 : i32
        %get3A_616 = arith.constant 6 : i32
        %get3A_617 = arith.index_cast %get3A_615 : i32 to index
        %get3A_618 = arith.index_cast %scan3A_269 : i32 to index
        %get3A_619 = arith.index_cast %get3A_616 : i32 to index
        %get3A_620 = arith.constant 16 : index
        %get3A_621 = tpu.vector_load %arg5[%get3A_617, %get3A_618, %get3A_619, %get3A_620] {strides = array<i32>} : memref<2x8x32x128xf32, #tpu.memory_space<vmem>>, vector<1x1x1x16xf32>,
        %get3A_622 = vector.shape_cast %get3A_621 : vector<1x1x1x16xf32> to vector<16xf32>
        %add3A_623 = arith.addf %add3A_614, %get3A_622 : vector<16xf32>
        %get3A_624 = arith.constant 0 : i32
        %get3A_625 = arith.constant 7 : i32
        %get3A_626 = arith.index_cast %get3A_624 : i32 to index
        %get3A_627 = arith.index_cast %scan3A_269 : i32 to index
        %get3A_628 = arith.index_cast %get3A_625 : i32 to index
        %get3A_629 = arith.constant 16 : index
        %get3A_630 = tpu.vector_load %arg5[%get3A_626, %get3A_627, %get3A_628, %get3A_629] {strides = array<i32>} : memref<2x8x32x128xf32, #tpu.memory_space<vmem>>, vector<1x1x1x16xf32>,
        %get3A_631 = vector.shape_cast %get3A_630 : vector<1x1x1x16xf32> to vector<16xf32>
        %add3A_632 = arith.addf %add3A_623, %get3A_631 : vector<16xf32>
        %get3A_633 = arith.constant 0 : i32
        %get3A_634 = arith.constant 8 : i32
        %get3A_635 = arith.index_cast %get3A_633 : i32 to index
        %get3A_636 = arith.index_cast %scan3A_269 : i32 to index
        %get3A_637 = arith.index_cast %get3A_634 : i32 to index
        %get3A_638 = arith.constant 16 : index
        %get3A_639 = tpu.vector_load %arg5[%get3A_635, %get3A_636, %get3A_637, %get3A_638] {strides = array<i32>} : memref<2x8x32x128xf32, #tpu.memory_space<vmem>>, vector<1x1x1x16xf32>,
        %get3A_640 = vector.shape_cast %get3A_639 : vector<1x1x1x16xf32> to vector<16xf32>
        %add3A_641 = arith.addf %add3A_632, %get3A_640 : vector<16xf32>
        %get3A_642 = arith.constant 0 : i32
        %get3A_643 = arith.constant 9 : i32
        %get3A_644 = arith.index_cast %get3A_642 : i32 to index
        %get3A_645 = arith.index_cast %scan3A_269 : i32 to index
        %get3A_646 = arith.index_cast %get3A_643 : i32 to index
        %get3A_647 = arith.constant 16 : index
        %get3A_648 = tpu.vector_load %arg5[%get3A_644, %get3A_645, %get3A_646, %get3A_647] {strides = array<i32>} : memref<2x8x32x128xf32, #tpu.memory_space<vmem>>, vector<1x1x1x16xf32>,
        %get3A_649 = vector.shape_cast %get3A_648 : vector<1x1x1x16xf32> to vector<16xf32>
        %add3A_650 = arith.addf %add3A_641, %get3A_649 : vector<16xf32>
        %get3A_651 = arith.constant 0 : i32
        %get3A_652 = arith.constant 10 : i32
        %get3A_653 = arith.index_cast %get3A_651 : i32 to index
        %get3A_654 = arith.index_cast %scan3A_269 : i32 to index
        %get3A_655 = arith.index_cast %get3A_652 : i32 to index
        %get3A_656 = arith.constant 16 : index
        %get3A_657 = tpu.vector_load %arg5[%get3A_653, %get3A_654, %get3A_655, %get3A_656] {strides = array<i32>} : memref<2x8x32x128xf32, #tpu.memory_space<vmem>>, vector<1x1x1x16xf32>,
        %get3A_658 = vector.shape_cast %get3A_657 : vector<1x1x1x16xf32> to vector<16xf32>
        %add3A_659 = arith.addf %add3A_650, %get3A_658 : vector<16xf32>
        %get3A_660 = arith.constant 0 : i32
        %get3A_661 = arith.constant 11 : i32
        %get3A_662 = arith.index_cast %get3A_660 : i32 to index
        %get3A_663 = arith.index_cast %scan3A_269 : i32 to index
        %get3A_664 = arith.index_cast %get3A_661 : i32 to index
        %get3A_665 = arith.constant 16 : index
        %get3A_666 = tpu.vector_load %arg5[%get3A_662, %get3A_663, %get3A_664, %get3A_665] {strides = array<i32>} : memref<2x8x32x128xf32, #tpu.memory_space<vmem>>, vector<1x1x1x16xf32>,
        %get3A_667 = vector.shape_cast %get3A_666 : vector<1x1x1x16xf32> to vector<16xf32>
        %add3A_668 = arith.addf %add3A_659, %get3A_667 : vector<16xf32>
        %get3A_669 = arith.constant 0 : i32
        %get3A_670 = arith.constant 12 : i32
        %get3A_671 = arith.index_cast %get3A_669 : i32 to index
        %get3A_672 = arith.index_cast %scan3A_269 : i32 to index
        %get3A_673 = arith.index_cast %get3A_670 : i32 to index
        %get3A_674 = arith.constant 16 : index
        %get3A_675 = tpu.vector_load %arg5[%get3A_671, %get3A_672, %get3A_673, %get3A_674] {strides = array<i32>} : memref<2x8x32x128xf32, #tpu.memory_space<vmem>>, vector<1x1x1x16xf32>,
        %get3A_676 = vector.shape_cast %get3A_675 : vector<1x1x1x16xf32> to vector<16xf32>
        %add3A_677 = arith.addf %add3A_668, %get3A_676 : vector<16xf32>
        %get3A_678 = arith.constant 0 : i32
        %get3A_679 = arith.constant 13 : i32
        %get3A_680 = arith.index_cast %get3A_678 : i32 to index
        %get3A_681 = arith.index_cast %scan3A_269 : i32 to index
        %get3A_682 = arith.index_cast %get3A_679 : i32 to index
        %get3A_683 = arith.constant 16 : index
        %get3A_684 = tpu.vector_load %arg5[%get3A_680, %get3A_681, %get3A_682, %get3A_683] {strides = array<i32>} : memref<2x8x32x128xf32, #tpu.memory_space<vmem>>, vector<1x1x1x16xf32>,
        %get3A_685 = vector.shape_cast %get3A_684 : vector<1x1x1x16xf32> to vector<16xf32>
        %add3A_686 = arith.addf %add3A_677, %get3A_685 : vector<16xf32>
        %get3A_687 = arith.constant 0 : i32
        %get3A_688 = arith.constant 14 : i32
        %get3A_689 = arith.index_cast %get3A_687 : i32 to index
        %get3A_690 = arith.index_cast %scan3A_269 : i32 to index
        %get3A_691 = arith.index_cast %get3A_688 : i32 to index
        %get3A_692 = arith.constant 16 : index
        %get3A_693 = tpu.vector_load %arg5[%get3A_689, %get3A_690, %get3A_691, %get3A_692] {strides = array<i32>} : memref<2x8x32x128xf32, #tpu.memory_space<vmem>>, vector<1x1x1x16xf32>,
        %get3A_694 = vector.shape_cast %get3A_693 : vector<1x1x1x16xf32> to vector<16xf32>
        %add3A_695 = arith.addf %add3A_686, %get3A_694 : vector<16xf32>
        %get3A_696 = arith.constant 0 : i32
        %get3A_697 = arith.constant 15 : i32
        %get3A_698 = arith.index_cast %get3A_696 : i32 to index
        %get3A_699 = arith.index_cast %scan3A_269 : i32 to index
        %get3A_700 = arith.index_cast %get3A_697 : i32 to index
        %get3A_701 = arith.constant 16 : index
        %get3A_702 = tpu.vector_load %arg5[%get3A_698, %get3A_699, %get3A_700, %get3A_701] {strides = array<i32>} : memref<2x8x32x128xf32, #tpu.memory_space<vmem>>, vector<1x1x1x16xf32>,
        %get3A_703 = vector.shape_cast %get3A_702 : vector<1x1x1x16xf32> to vector<16xf32>
        %add3A_704 = arith.addf %add3A_695, %get3A_703 : vector<16xf32>
        %get3A_705 = arith.constant 0 : i32
        %get3A_706 = arith.constant 16 : i32
        %get3A_707 = arith.index_cast %get3A_705 : i32 to index
        %get3A_708 = arith.index_cast %scan3A_269 : i32 to index
        %get3A_709 = arith.index_cast %get3A_706 : i32 to index
        %get3A_710 = arith.constant 16 : index
        %get3A_711 = tpu.vector_load %arg5[%get3A_707, %get3A_708, %get3A_709, %get3A_710] {strides = array<i32>} : memref<2x8x32x128xf32, #tpu.memory_space<vmem>>, vector<1x1x1x16xf32>,
        %get3A_712 = vector.shape_cast %get3A_711 : vector<1x1x1x16xf32> to vector<16xf32>
        %add3A_713 = arith.addf %add3A_704, %get3A_712 : vector<16xf32>
        %get3A_714 = arith.constant 0 : i32
        %get3A_715 = arith.constant 17 : i32
        %get3A_716 = arith.index_cast %get3A_714 : i32 to index
        %get3A_717 = arith.index_cast %scan3A_269 : i32 to index
        %get3A_718 = arith.index_cast %get3A_715 : i32 to index
        %get3A_719 = arith.constant 16 : index
        %get3A_720 = tpu.vector_load %arg5[%get3A_716, %get3A_717, %get3A_718, %get3A_719] {strides = array<i32>} : memref<2x8x32x128xf32, #tpu.memory_space<vmem>>, vector<1x1x1x16xf32>,
        %get3A_721 = vector.shape_cast %get3A_720 : vector<1x1x1x16xf32> to vector<16xf32>
        %add3A_722 = arith.addf %add3A_713, %get3A_721 : vector<16xf32>
        %get3A_723 = arith.constant 0 : i32
        %get3A_724 = arith.constant 18 : i32
        %get3A_725 = arith.index_cast %get3A_723 : i32 to index
        %get3A_726 = arith.index_cast %scan3A_269 : i32 to index
        %get3A_727 = arith.index_cast %get3A_724 : i32 to index
        %get3A_728 = arith.constant 16 : index
        %get3A_729 = tpu.vector_load %arg5[%get3A_725, %get3A_726, %get3A_727, %get3A_728] {strides = array<i32>} : memref<2x8x32x128xf32, #tpu.memory_space<vmem>>, vector<1x1x1x16xf32>,
        %get3A_730 = vector.shape_cast %get3A_729 : vector<1x1x1x16xf32> to vector<16xf32>
        %add3A_731 = arith.addf %add3A_722, %get3A_730 : vector<16xf32>
        %get3A_732 = arith.constant 0 : i32
        %get3A_733 = arith.constant 19 : i32
        %get3A_734 = arith.index_cast %get3A_732 : i32 to index
        %get3A_735 = arith.index_cast %scan3A_269 : i32 to index
        %get3A_736 = arith.index_cast %get3A_733 : i32 to index
        %get3A_737 = arith.constant 16 : index
        %get3A_738 = tpu.vector_load %arg5[%get3A_734, %get3A_735, %get3A_736, %get3A_737] {strides = array<i32>} : memref<2x8x32x128xf32, #tpu.memory_space<vmem>>, vector<1x1x1x16xf32>,
        %get3A_739 = vector.shape_cast %get3A_738 : vector<1x1x1x16xf32> to vector<16xf32>
        %add3A_740 = arith.addf %add3A_731, %get3A_739 : vector<16xf32>
        %get3A_741 = arith.constant 0 : i32
        %get3A_742 = arith.constant 20 : i32
        %get3A_743 = arith.index_cast %get3A_741 : i32 to index
        %get3A_744 = arith.index_cast %scan3A_269 : i32 to index
        %get3A_745 = arith.index_cast %get3A_742 : i32 to index
        %get3A_746 = arith.constant 16 : index
        %get3A_747 = tpu.vector_load %arg5[%get3A_743, %get3A_744, %get3A_745, %get3A_746] {strides = array<i32>} : memref<2x8x32x128xf32, #tpu.memory_space<vmem>>, vector<1x1x1x16xf32>,
        %get3A_748 = vector.shape_cast %get3A_747 : vector<1x1x1x16xf32> to vector<16xf32>
        %add3A_749 = arith.addf %add3A_740, %get3A_748 : vector<16xf32>
        %get3A_750 = arith.constant 0 : i32
        %get3A_751 = arith.constant 21 : i32
        %get3A_752 = arith.index_cast %get3A_750 : i32 to index
        %get3A_753 = arith.index_cast %scan3A_269 : i32 to index
        %get3A_754 = arith.index_cast %get3A_751 : i32 to index
        %get3A_755 = arith.constant 16 : index
        %get3A_756 = tpu.vector_load %arg5[%get3A_752, %get3A_753, %get3A_754, %get3A_755] {strides = array<i32>} : memref<2x8x32x128xf32, #tpu.memory_space<vmem>>, vector<1x1x1x16xf32>,
        %get3A_757 = vector.shape_cast %get3A_756 : vector<1x1x1x16xf32> to vector<16xf32>
        %add3A_758 = arith.addf %add3A_749, %get3A_757 : vector<16xf32>
        %get3A_759 = arith.constant 0 : i32
        %get3A_760 = arith.constant 22 : i32
        %get3A_761 = arith.index_cast %get3A_759 : i32 to index
        %get3A_762 = arith.index_cast %scan3A_269 : i32 to index
        %get3A_763 = arith.index_cast %get3A_760 : i32 to index
        %get3A_764 = arith.constant 16 : index
        %get3A_765 = tpu.vector_load %arg5[%get3A_761, %get3A_762, %get3A_763, %get3A_764] {strides = array<i32>} : memref<2x8x32x128xf32, #tpu.memory_space<vmem>>, vector<1x1x1x16xf32>,
        %get3A_766 = vector.shape_cast %get3A_765 : vector<1x1x1x16xf32> to vector<16xf32>
        %add3A_767 = arith.addf %add3A_758, %get3A_766 : vector<16xf32>
        %get3A_768 = arith.constant 0 : i32
        %get3A_769 = arith.constant 23 : i32
        %get3A_770 = arith.index_cast %get3A_768 : i32 to index
        %get3A_771 = arith.index_cast %scan3A_269 : i32 to index
        %get3A_772 = arith.index_cast %get3A_769 : i32 to index
        %get3A_773 = arith.constant 16 : index
        %get3A_774 = tpu.vector_load %arg5[%get3A_770, %get3A_771, %get3A_772, %get3A_773] {strides = array<i32>} : memref<2x8x32x128xf32, #tpu.memory_space<vmem>>, vector<1x1x1x16xf32>,
        %get3A_775 = vector.shape_cast %get3A_774 : vector<1x1x1x16xf32> to vector<16xf32>
        %add3A_776 = arith.addf %add3A_767, %get3A_775 : vector<16xf32>
        %get3A_777 = arith.constant 0 : i32
        %get3A_778 = arith.constant 24 : i32
        %get3A_779 = arith.index_cast %get3A_777 : i32 to index
        %get3A_780 = arith.index_cast %scan3A_269 : i32 to index
        %get3A_781 = arith.index_cast %get3A_778 : i32 to index
        %get3A_782 = arith.constant 16 : index
        %get3A_783 = tpu.vector_load %arg5[%get3A_779, %get3A_780, %get3A_781, %get3A_782] {strides = array<i32>} : memref<2x8x32x128xf32, #tpu.memory_space<vmem>>, vector<1x1x1x16xf32>,
        %get3A_784 = vector.shape_cast %get3A_783 : vector<1x1x1x16xf32> to vector<16xf32>
        %add3A_785 = arith.addf %add3A_776, %get3A_784 : vector<16xf32>
        %get3A_786 = arith.constant 0 : i32
        %get3A_787 = arith.constant 25 : i32
        %get3A_788 = arith.index_cast %get3A_786 : i32 to index
        %get3A_789 = arith.index_cast %scan3A_269 : i32 to index
        %get3A_790 = arith.index_cast %get3A_787 : i32 to index
        %get3A_791 = arith.constant 16 : index
        %get3A_792 = tpu.vector_load %arg5[%get3A_788, %get3A_789, %get3A_790, %get3A_791] {strides = array<i32>} : memref<2x8x32x128xf32, #tpu.memory_space<vmem>>, vector<1x1x1x16xf32>,
        %get3A_793 = vector.shape_cast %get3A_792 : vector<1x1x1x16xf32> to vector<16xf32>
        %add3A_794 = arith.addf %add3A_785, %get3A_793 : vector<16xf32>
        %get3A_795 = arith.constant 0 : i32
        %get3A_796 = arith.constant 26 : i32
        %get3A_797 = arith.index_cast %get3A_795 : i32 to index
        %get3A_798 = arith.index_cast %scan3A_269 : i32 to index
        %get3A_799 = arith.index_cast %get3A_796 : i32 to index
        %get3A_800 = arith.constant 16 : index
        %get3A_801 = tpu.vector_load %arg5[%get3A_797, %get3A_798, %get3A_799, %get3A_800] {strides = array<i32>} : memref<2x8x32x128xf32, #tpu.memory_space<vmem>>, vector<1x1x1x16xf32>,
        %get3A_802 = vector.shape_cast %get3A_801 : vector<1x1x1x16xf32> to vector<16xf32>
        %add3A_803 = arith.addf %add3A_794, %get3A_802 : vector<16xf32>
        %get3A_804 = arith.constant 0 : i32
        %get3A_805 = arith.constant 27 : i32
        %get3A_806 = arith.index_cast %get3A_804 : i32 to index
        %get3A_807 = arith.index_cast %scan3A_269 : i32 to index
        %get3A_808 = arith.index_cast %get3A_805 : i32 to index
        %get3A_809 = arith.constant 16 : index
        %get3A_810 = tpu.vector_load %arg5[%get3A_806, %get3A_807, %get3A_808, %get3A_809] {strides = array<i32>} : memref<2x8x32x128xf32, #tpu.memory_space<vmem>>, vector<1x1x1x16xf32>,
        %get3A_811 = vector.shape_cast %get3A_810 : vector<1x1x1x16xf32> to vector<16xf32>
        %add3A_812 = arith.addf %add3A_803, %get3A_811 : vector<16xf32>
        %get3A_813 = arith.constant 0 : i32
        %get3A_814 = arith.constant 28 : i32
        %get3A_815 = arith.index_cast %get3A_813 : i32 to index
        %get3A_816 = arith.index_cast %scan3A_269 : i32 to index
        %get3A_817 = arith.index_cast %get3A_814 : i32 to index
        %get3A_818 = arith.constant 16 : index
        %get3A_819 = tpu.vector_load %arg5[%get3A_815, %get3A_816, %get3A_817, %get3A_818] {strides = array<i32>} : memref<2x8x32x128xf32, #tpu.memory_space<vmem>>, vector<1x1x1x16xf32>,
        %get3A_820 = vector.shape_cast %get3A_819 : vector<1x1x1x16xf32> to vector<16xf32>
        %add3A_821 = arith.addf %add3A_812, %get3A_820 : vector<16xf32>
        %get3A_822 = arith.constant 0 : i32
        %get3A_823 = arith.constant 29 : i32
        %get3A_824 = arith.index_cast %get3A_822 : i32 to index
        %get3A_825 = arith.index_cast %scan3A_269 : i32 to index
        %get3A_826 = arith.index_cast %get3A_823 : i32 to index
        %get3A_827 = arith.constant 16 : index
        %get3A_828 = tpu.vector_load %arg5[%get3A_824, %get3A_825, %get3A_826, %get3A_827] {strides = array<i32>} : memref<2x8x32x128xf32, #tpu.memory_space<vmem>>, vector<1x1x1x16xf32>,
        %get3A_829 = vector.shape_cast %get3A_828 : vector<1x1x1x16xf32> to vector<16xf32>
        %add3A_830 = arith.addf %add3A_821, %get3A_829 : vector<16xf32>
        %get3A_831 = arith.constant 0 : i32
        %get3A_832 = arith.constant 30 : i32
        %get3A_833 = arith.index_cast %get3A_831 : i32 to index
        %get3A_834 = arith.index_cast %scan3A_269 : i32 to index
        %get3A_835 = arith.index_cast %get3A_832 : i32 to index
        %get3A_836 = arith.constant 16 : index
        %get3A_837 = tpu.vector_load %arg5[%get3A_833, %get3A_834, %get3A_835, %get3A_836] {strides = array<i32>} : memref<2x8x32x128xf32, #tpu.memory_space<vmem>>, vector<1x1x1x16xf32>,
        %get3A_838 = vector.shape_cast %get3A_837 : vector<1x1x1x16xf32> to vector<16xf32>
        %add3A_839 = arith.addf %add3A_830, %get3A_838 : vector<16xf32>
        %get3A_840 = arith.constant 0 : i32
        %get3A_841 = arith.constant 31 : i32
        %get3A_842 = arith.index_cast %get3A_840 : i32 to index
        %get3A_843 = arith.index_cast %scan3A_269 : i32 to index
        %get3A_844 = arith.index_cast %get3A_841 : i32 to index
        %get3A_845 = arith.constant 16 : index
        %get3A_846 = tpu.vector_load %arg5[%get3A_842, %get3A_843, %get3A_844, %get3A_845] {strides = array<i32>} : memref<2x8x32x128xf32, #tpu.memory_space<vmem>>, vector<1x1x1x16xf32>,
        %get3A_847 = vector.shape_cast %get3A_846 : vector<1x1x1x16xf32> to vector<16xf32>
        %add3A_848 = arith.addf %add3A_839, %get3A_847 : vector<16xf32>
        %swap3A_849 = arith.constant 0 : i32
        %swap3A_850 = arith.index_cast %swap3A_849 : i32 to index
        %swap3A_851 = arith.index_cast %scan3A_269 : i32 to index
        %swap3A_852 = arith.constant 16 : index
        %swap3A_853 = tpu.vector_load %arg6[%swap3A_850, %swap3A_851, %swap3A_852] {strides = array<i32>} : memref<2x8x128xf32, #tpu.memory_space<vmem>>, vector<1x1x16xf32>,
        %swap3A_854 = vector.shape_cast %swap3A_853 : vector<1x1x16xf32> to vector<16xf32>
        %swap3A_855 = vector.shape_cast %add3A_848 : vector<16xf32> to vector<1x1x16xf32>
        tpu.vector_store %arg6[%swap3A_850, %swap3A_851, %swap3A_852], %swap3A_855 {strides = array<i32>} : memref<2x8x128xf32, #tpu.memory_space<vmem>>, vector<1x1x16xf32>,
        %get3A_856 = arith.constant 0 : i32
        %get3A_857 = arith.constant 0 : i32
        %get3A_858 = arith.index_cast %get3A_856 : i32 to index
        %get3A_859 = arith.index_cast %scan3A_269 : i32 to index
        %get3A_860 = arith.index_cast %get3A_857 : i32 to index
        %get3A_861 = arith.constant 32 : index
        %get3A_862 = tpu.vector_load %arg5[%get3A_858, %get3A_859, %get3A_860, %get3A_861] {strides = array<i32>} : memref<2x8x32x128xf32, #tpu.memory_space<vmem>>, vector<1x1x1x16xf32>,
        %get3A_863 = vector.shape_cast %get3A_862 : vector<1x1x1x16xf32> to vector<16xf32>
        %get3A_864 = arith.constant 0 : i32
        %get3A_865 = arith.constant 1 : i32
        %get3A_866 = arith.index_cast %get3A_864 : i32 to index
        %get3A_867 = arith.index_cast %scan3A_269 : i32 to index
        %get3A_868 = arith.index_cast %get3A_865 : i32 to index
        %get3A_869 = arith.constant 32 : index
        %get3A_870 = tpu.vector_load %arg5[%get3A_866, %get3A_867, %get3A_868, %get3A_869] {strides = array<i32>} : memref<2x8x32x128xf32, #tpu.memory_space<vmem>>, vector<1x1x1x16xf32>,
        %get3A_871 = vector.shape_cast %get3A_870 : vector<1x1x1x16xf32> to vector<16xf32>
        %add3A_872 = arith.addf %get3A_863, %get3A_871 : vector<16xf32>
        %get3A_873 = arith.constant 0 : i32
        %get3A_874 = arith.constant 2 : i32
        %get3A_875 = arith.index_cast %get3A_873 : i32 to index
        %get3A_876 = arith.index_cast %scan3A_269 : i32 to index
        %get3A_877 = arith.index_cast %get3A_874 : i32 to index
        %get3A_878 = arith.constant 32 : index
        %get3A_879 = tpu.vector_load %arg5[%get3A_875, %get3A_876, %get3A_877, %get3A_878] {strides = array<i32>} : memref<2x8x32x128xf32, #tpu.memory_space<vmem>>, vector<1x1x1x16xf32>,
        %get3A_880 = vector.shape_cast %get3A_879 : vector<1x1x1x16xf32> to vector<16xf32>
        %add3A_881 = arith.addf %add3A_872, %get3A_880 : vector<16xf32>
        %get3A_882 = arith.constant 0 : i32
        %get3A_883 = arith.constant 3 : i32
        %get3A_884 = arith.index_cast %get3A_882 : i32 to index
        %get3A_885 = arith.index_cast %scan3A_269 : i32 to index
        %get3A_886 = arith.index_cast %get3A_883 : i32 to index
        %get3A_887 = arith.constant 32 : index
        %get3A_888 = tpu.vector_load %arg5[%get3A_884, %get3A_885, %get3A_886, %get3A_887] {strides = array<i32>} : memref<2x8x32x128xf32, #tpu.memory_space<vmem>>, vector<1x1x1x16xf32>,
        %get3A_889 = vector.shape_cast %get3A_888 : vector<1x1x1x16xf32> to vector<16xf32>
        %add3A_890 = arith.addf %add3A_881, %get3A_889 : vector<16xf32>
        %get3A_891 = arith.constant 0 : i32
        %get3A_892 = arith.constant 4 : i32
        %get3A_893 = arith.index_cast %get3A_891 : i32 to index
        %get3A_894 = arith.index_cast %scan3A_269 : i32 to index
        %get3A_895 = arith.index_cast %get3A_892 : i32 to index
        %get3A_896 = arith.constant 32 : index
        %get3A_897 = tpu.vector_load %arg5[%get3A_893, %get3A_894, %get3A_895, %get3A_896] {strides = array<i32>} : memref<2x8x32x128xf32, #tpu.memory_space<vmem>>, vector<1x1x1x16xf32>,
        %get3A_898 = vector.shape_cast %get3A_897 : vector<1x1x1x16xf32> to vector<16xf32>
        %add3A_899 = arith.addf %add3A_890, %get3A_898 : vector<16xf32>
        %get3A_900 = arith.constant 0 : i32
        %get3A_901 = arith.constant 5 : i32
        %get3A_902 = arith.index_cast %get3A_900 : i32 to index
        %get3A_903 = arith.index_cast %scan3A_269 : i32 to index
        %get3A_904 = arith.index_cast %get3A_901 : i32 to index
        %get3A_905 = arith.constant 32 : index
        %get3A_906 = tpu.vector_load %arg5[%get3A_902, %get3A_903, %get3A_904, %get3A_905] {strides = array<i32>} : memref<2x8x32x128xf32, #tpu.memory_space<vmem>>, vector<1x1x1x16xf32>,
        %get3A_907 = vector.shape_cast %get3A_906 : vector<1x1x1x16xf32> to vector<16xf32>
        %add3A_908 = arith.addf %add3A_899, %get3A_907 : vector<16xf32>
        %get3A_909 = arith.constant 0 : i32
        %get3A_910 = arith.constant 6 : i32
        %get3A_911 = arith.index_cast %get3A_909 : i32 to index
        %get3A_912 = arith.index_cast %scan3A_269 : i32 to index
        %get3A_913 = arith.index_cast %get3A_910 : i32 to index
        %get3A_914 = arith.constant 32 : index
        %get3A_915 = tpu.vector_load %arg5[%get3A_911, %get3A_912, %get3A_913, %get3A_914] {strides = array<i32>} : memref<2x8x32x128xf32, #tpu.memory_space<vmem>>, vector<1x1x1x16xf32>,
        %get3A_916 = vector.shape_cast %get3A_915 : vector<1x1x1x16xf32> to vector<16xf32>
        %add3A_917 = arith.addf %add3A_908, %get3A_916 : vector<16xf32>
        %get3A_918 = arith.constant 0 : i32
        %get3A_919 = arith.constant 7 : i32
        %get3A_920 = arith.index_cast %get3A_918 : i32 to index
        %get3A_921 = arith.index_cast %scan3A_269 : i32 to index
        %get3A_922 = arith.index_cast %get3A_919 : i32 to index
        %get3A_923 = arith.constant 32 : index
        %get3A_924 = tpu.vector_load %arg5[%get3A_920, %get3A_921, %get3A_922, %get3A_923] {strides = array<i32>} : memref<2x8x32x128xf32, #tpu.memory_space<vmem>>, vector<1x1x1x16xf32>,
        %get3A_925 = vector.shape_cast %get3A_924 : vector<1x1x1x16xf32> to vector<16xf32>
        %add3A_926 = arith.addf %add3A_917, %get3A_925 : vector<16xf32>
        %get3A_927 = arith.constant 0 : i32
        %get3A_928 = arith.constant 8 : i32
        %get3A_929 = arith.index_cast %get3A_927 : i32 to index
        %get3A_930 = arith.index_cast %scan3A_269 : i32 to index
        %get3A_931 = arith.index_cast %get3A_928 : i32 to index
        %get3A_932 = arith.constant 32 : index
        %get3A_933 = tpu.vector_load %arg5[%get3A_929, %get3A_930, %get3A_931, %get3A_932] {strides = array<i32>} : memref<2x8x32x128xf32, #tpu.memory_space<vmem>>, vector<1x1x1x16xf32>,
        %get3A_934 = vector.shape_cast %get3A_933 : vector<1x1x1x16xf32> to vector<16xf32>
        %add3A_935 = arith.addf %add3A_926, %get3A_934 : vector<16xf32>
        %get3A_936 = arith.constant 0 : i32
        %get3A_937 = arith.constant 9 : i32
        %get3A_938 = arith.index_cast %get3A_936 : i32 to index
        %get3A_939 = arith.index_cast %scan3A_269 : i32 to index
        %get3A_940 = arith.index_cast %get3A_937 : i32 to index
        %get3A_941 = arith.constant 32 : index
        %get3A_942 = tpu.vector_load %arg5[%get3A_938, %get3A_939, %get3A_940, %get3A_941] {strides = array<i32>} : memref<2x8x32x128xf32, #tpu.memory_space<vmem>>, vector<1x1x1x16xf32>,
        %get3A_943 = vector.shape_cast %get3A_942 : vector<1x1x1x16xf32> to vector<16xf32>
        %add3A_944 = arith.addf %add3A_935, %get3A_943 : vector<16xf32>
        %get3A_945 = arith.constant 0 : i32
        %get3A_946 = arith.constant 10 : i32
        %get3A_947 = arith.index_cast %get3A_945 : i32 to index
        %get3A_948 = arith.index_cast %scan3A_269 : i32 to index
        %get3A_949 = arith.index_cast %get3A_946 : i32 to index
        %get3A_950 = arith.constant 32 : index
        %get3A_951 = tpu.vector_load %arg5[%get3A_947, %get3A_948, %get3A_949, %get3A_950] {strides = array<i32>} : memref<2x8x32x128xf32, #tpu.memory_space<vmem>>, vector<1x1x1x16xf32>,
        %get3A_952 = vector.shape_cast %get3A_951 : vector<1x1x1x16xf32> to vector<16xf32>
        %add3A_953 = arith.addf %add3A_944, %get3A_952 : vector<16xf32>
        %get3A_954 = arith.constant 0 : i32
        %get3A_955 = arith.constant 11 : i32
        %get3A_956 = arith.index_cast %get3A_954 : i32 to index
        %get3A_957 = arith.index_cast %scan3A_269 : i32 to index
        %get3A_958 = arith.index_cast %get3A_955 : i32 to index
        %get3A_959 = arith.constant 32 : index
        %get3A_960 = tpu.vector_load %arg5[%get3A_956, %get3A_957, %get3A_958, %get3A_959] {strides = array<i32>} : memref<2x8x32x128xf32, #tpu.memory_space<vmem>>, vector<1x1x1x16xf32>,
        %get3A_961 = vector.shape_cast %get3A_960 : vector<1x1x1x16xf32> to vector<16xf32>
        %add3A_962 = arith.addf %add3A_953, %get3A_961 : vector<16xf32>
        %get3A_963 = arith.constant 0 : i32
        %get3A_964 = arith.constant 12 : i32
        %get3A_965 = arith.index_cast %get3A_963 : i32 to index
        %get3A_966 = arith.index_cast %scan3A_269 : i32 to index
        %get3A_967 = arith.index_cast %get3A_964 : i32 to index
        %get3A_968 = arith.constant 32 : index
        %get3A_969 = tpu.vector_load %arg5[%get3A_965, %get3A_966, %get3A_967, %get3A_968] {strides = array<i32>} : memref<2x8x32x128xf32, #tpu.memory_space<vmem>>, vector<1x1x1x16xf32>,
        %get3A_970 = vector.shape_cast %get3A_969 : vector<1x1x1x16xf32> to vector<16xf32>
        %add3A_971 = arith.addf %add3A_962, %get3A_970 : vector<16xf32>
        %get3A_972 = arith.constant 0 : i32
        %get3A_973 = arith.constant 13 : i32
        %get3A_974 = arith.index_cast %get3A_972 : i32 to index
        %get3A_975 = arith.index_cast %scan3A_269 : i32 to index
        %get3A_976 = arith.index_cast %get3A_973 : i32 to index
        %get3A_977 = arith.constant 32 : index
        %get3A_978 = tpu.vector_load %arg5[%get3A_974, %get3A_975, %get3A_976, %get3A_977] {strides = array<i32>} : memref<2x8x32x128xf32, #tpu.memory_space<vmem>>, vector<1x1x1x16xf32>,
        %get3A_979 = vector.shape_cast %get3A_978 : vector<1x1x1x16xf32> to vector<16xf32>
        %add3A_980 = arith.addf %add3A_971, %get3A_979 : vector<16xf32>
        %get3A_981 = arith.constant 0 : i32
        %get3A_982 = arith.constant 14 : i32
        %get3A_983 = arith.index_cast %get3A_981 : i32 to index
        %get3A_984 = arith.index_cast %scan3A_269 : i32 to index
        %get3A_985 = arith.index_cast %get3A_982 : i32 to index
        %get3A_986 = arith.constant 32 : index
        %get3A_987 = tpu.vector_load %arg5[%get3A_983, %get3A_984, %get3A_985, %get3A_986] {strides = array<i32>} : memref<2x8x32x128xf32, #tpu.memory_space<vmem>>, vector<1x1x1x16xf32>,
        %get3A_988 = vector.shape_cast %get3A_987 : vector<1x1x1x16xf32> to vector<16xf32>
        %add3A_989 = arith.addf %add3A_980, %get3A_988 : vector<16xf32>
        %get3A_990 = arith.constant 0 : i32
        %get3A_991 = arith.constant 15 : i32
        %get3A_992 = arith.index_cast %get3A_990 : i32 to index
        %get3A_993 = arith.index_cast %scan3A_269 : i32 to index
        %get3A_994 = arith.index_cast %get3A_991 : i32 to index
        %get3A_995 = arith.constant 32 : index
        %get3A_996 = tpu.vector_load %arg5[%get3A_992, %get3A_993, %get3A_994, %get3A_995] {strides = array<i32>} : memref<2x8x32x128xf32, #tpu.memory_space<vmem>>, vector<1x1x1x16xf32>,
        %get3A_997 = vector.shape_cast %get3A_996 : vector<1x1x1x16xf32> to vector<16xf32>
        %add3A_998 = arith.addf %add3A_989, %get3A_997 : vector<16xf32>
        %get3A_999 = arith.constant 0 : i32
        %get3A_1000 = arith.constant 16 : i32
        %get3A_1001 = arith.index_cast %get3A_999 : i32 to index
        %get3A_1002 = arith.index_cast %scan3A_269 : i32 to index
        %get3A_1003 = arith.index_cast %get3A_1000 : i32 to index
        %get3A_1004 = arith.constant 32 : index
        %get3A_1005 = tpu.vector_load %arg5[%get3A_1001, %get3A_1002, %get3A_1003, %get3A_1004] {strides = array<i32>} : memref<2x8x32x128xf32, #tpu.memory_space<vmem>>, vector<1x1x1x16xf32>,
        %get3A_1006 = vector.shape_cast %get3A_1005 : vector<1x1x1x16xf32> to vector<16xf32>
        %add3A_1007 = arith.addf %add3A_998, %get3A_1006 : vector<16xf32>
        %get3A_1008 = arith.constant 0 : i32
        %get3A_1009 = arith.constant 17 : i32
        %get3A_1010 = arith.index_cast %get3A_1008 : i32 to index
        %get3A_1011 = arith.index_cast %scan3A_269 : i32 to index
        %get3A_1012 = arith.index_cast %get3A_1009 : i32 to index
        %get3A_1013 = arith.constant 32 : index
        %get3A_1014 = tpu.vector_load %arg5[%get3A_1010, %get3A_1011, %get3A_1012, %get3A_1013] {strides = array<i32>} : memref<2x8x32x128xf32, #tpu.memory_space<vmem>>, vector<1x1x1x16xf32>,
        %get3A_1015 = vector.shape_cast %get3A_1014 : vector<1x1x1x16xf32> to vector<16xf32>
        %add3A_1016 = arith.addf %add3A_1007, %get3A_1015 : vector<16xf32>
        %get3A_1017 = arith.constant 0 : i32
        %get3A_1018 = arith.constant 18 : i32
        %get3A_1019 = arith.index_cast %get3A_1017 : i32 to index
        %get3A_1020 = arith.index_cast %scan3A_269 : i32 to index
        %get3A_1021 = arith.index_cast %get3A_1018 : i32 to index
        %get3A_1022 = arith.constant 32 : index
        %get3A_1023 = tpu.vector_load %arg5[%get3A_1019, %get3A_1020, %get3A_1021, %get3A_1022] {strides = array<i32>} : memref<2x8x32x128xf32, #tpu.memory_space<vmem>>, vector<1x1x1x16xf32>,
        %get3A_1024 = vector.shape_cast %get3A_1023 : vector<1x1x1x16xf32> to vector<16xf32>
        %add3A_1025 = arith.addf %add3A_1016, %get3A_1024 : vector<16xf32>
        %get3A_1026 = arith.constant 0 : i32
        %get3A_1027 = arith.constant 19 : i32
        %get3A_1028 = arith.index_cast %get3A_1026 : i32 to index
        %get3A_1029 = arith.index_cast %scan3A_269 : i32 to index
        %get3A_1030 = arith.index_cast %get3A_1027 : i32 to index
        %get3A_1031 = arith.constant 32 : index
        %get3A_1032 = tpu.vector_load %arg5[%get3A_1028, %get3A_1029, %get3A_1030, %get3A_1031] {strides = array<i32>} : memref<2x8x32x128xf32, #tpu.memory_space<vmem>>, vector<1x1x1x16xf32>,
        %get3A_1033 = vector.shape_cast %get3A_1032 : vector<1x1x1x16xf32> to vector<16xf32>
        %add3A_1034 = arith.addf %add3A_1025, %get3A_1033 : vector<16xf32>
        %get3A_1035 = arith.constant 0 : i32
        %get3A_1036 = arith.constant 20 : i32
        %get3A_1037 = arith.index_cast %get3A_1035 : i32 to index
        %get3A_1038 = arith.index_cast %scan3A_269 : i32 to index
        %get3A_1039 = arith.index_cast %get3A_1036 : i32 to index
        %get3A_1040 = arith.constant 32 : index
        %get3A_1041 = tpu.vector_load %arg5[%get3A_1037, %get3A_1038, %get3A_1039, %get3A_1040] {strides = array<i32>} : memref<2x8x32x128xf32, #tpu.memory_space<vmem>>, vector<1x1x1x16xf32>,
        %get3A_1042 = vector.shape_cast %get3A_1041 : vector<1x1x1x16xf32> to vector<16xf32>
        %add3A_1043 = arith.addf %add3A_1034, %get3A_1042 : vector<16xf32>
        %get3A_1044 = arith.constant 0 : i32
        %get3A_1045 = arith.constant 21 : i32
        %get3A_1046 = arith.index_cast %get3A_1044 : i32 to index
        %get3A_1047 = arith.index_cast %scan3A_269 : i32 to index
        %get3A_1048 = arith.index_cast %get3A_1045 : i32 to index
        %get3A_1049 = arith.constant 32 : index
        %get3A_1050 = tpu.vector_load %arg5[%get3A_1046, %get3A_1047, %get3A_1048, %get3A_1049] {strides = array<i32>} : memref<2x8x32x128xf32, #tpu.memory_space<vmem>>, vector<1x1x1x16xf32>,
        %get3A_1051 = vector.shape_cast %get3A_1050 : vector<1x1x1x16xf32> to vector<16xf32>
        %add3A_1052 = arith.addf %add3A_1043, %get3A_1051 : vector<16xf32>
        %get3A_1053 = arith.constant 0 : i32
        %get3A_1054 = arith.constant 22 : i32
        %get3A_1055 = arith.index_cast %get3A_1053 : i32 to index
        %get3A_1056 = arith.index_cast %scan3A_269 : i32 to index
        %get3A_1057 = arith.index_cast %get3A_1054 : i32 to index
        %get3A_1058 = arith.constant 32 : index
        %get3A_1059 = tpu.vector_load %arg5[%get3A_1055, %get3A_1056, %get3A_1057, %get3A_1058] {strides = array<i32>} : memref<2x8x32x128xf32, #tpu.memory_space<vmem>>, vector<1x1x1x16xf32>,
        %get3A_1060 = vector.shape_cast %get3A_1059 : vector<1x1x1x16xf32> to vector<16xf32>
        %add3A_1061 = arith.addf %add3A_1052, %get3A_1060 : vector<16xf32>
        %get3A_1062 = arith.constant 0 : i32
        %get3A_1063 = arith.constant 23 : i32
        %get3A_1064 = arith.index_cast %get3A_1062 : i32 to index
        %get3A_1065 = arith.index_cast %scan3A_269 : i32 to index
        %get3A_1066 = arith.index_cast %get3A_1063 : i32 to index
        %get3A_1067 = arith.constant 32 : index
        %get3A_1068 = tpu.vector_load %arg5[%get3A_1064, %get3A_1065, %get3A_1066, %get3A_1067] {strides = array<i32>} : memref<2x8x32x128xf32, #tpu.memory_space<vmem>>, vector<1x1x1x16xf32>,
        %get3A_1069 = vector.shape_cast %get3A_1068 : vector<1x1x1x16xf32> to vector<16xf32>
        %add3A_1070 = arith.addf %add3A_1061, %get3A_1069 : vector<16xf32>
        %get3A_1071 = arith.constant 0 : i32
        %get3A_1072 = arith.constant 24 : i32
        %get3A_1073 = arith.index_cast %get3A_1071 : i32 to index
        %get3A_1074 = arith.index_cast %scan3A_269 : i32 to index
        %get3A_1075 = arith.index_cast %get3A_1072 : i32 to index
        %get3A_1076 = arith.constant 32 : index
        %get3A_1077 = tpu.vector_load %arg5[%get3A_1073, %get3A_1074, %get3A_1075, %get3A_1076] {strides = array<i32>} : memref<2x8x32x128xf32, #tpu.memory_space<vmem>>, vector<1x1x1x16xf32>,
        %get3A_1078 = vector.shape_cast %get3A_1077 : vector<1x1x1x16xf32> to vector<16xf32>
        %add3A_1079 = arith.addf %add3A_1070, %get3A_1078 : vector<16xf32>
        %get3A_1080 = arith.constant 0 : i32
        %get3A_1081 = arith.constant 25 : i32
        %get3A_1082 = arith.index_cast %get3A_1080 : i32 to index
        %get3A_1083 = arith.index_cast %scan3A_269 : i32 to index
        %get3A_1084 = arith.index_cast %get3A_1081 : i32 to index
        %get3A_1085 = arith.constant 32 : index
        %get3A_1086 = tpu.vector_load %arg5[%get3A_1082, %get3A_1083, %get3A_1084, %get3A_1085] {strides = array<i32>} : memref<2x8x32x128xf32, #tpu.memory_space<vmem>>, vector<1x1x1x16xf32>,
        %get3A_1087 = vector.shape_cast %get3A_1086 : vector<1x1x1x16xf32> to vector<16xf32>
        %add3A_1088 = arith.addf %add3A_1079, %get3A_1087 : vector<16xf32>
        %get3A_1089 = arith.constant 0 : i32
        %get3A_1090 = arith.constant 26 : i32
        %get3A_1091 = arith.index_cast %get3A_1089 : i32 to index
        %get3A_1092 = arith.index_cast %scan3A_269 : i32 to index
        %get3A_1093 = arith.index_cast %get3A_1090 : i32 to index
        %get3A_1094 = arith.constant 32 : index
        %get3A_1095 = tpu.vector_load %arg5[%get3A_1091, %get3A_1092, %get3A_1093, %get3A_1094] {strides = array<i32>} : memref<2x8x32x128xf32, #tpu.memory_space<vmem>>, vector<1x1x1x16xf32>,
        %get3A_1096 = vector.shape_cast %get3A_1095 : vector<1x1x1x16xf32> to vector<16xf32>
        %add3A_1097 = arith.addf %add3A_1088, %get3A_1096 : vector<16xf32>
        %get3A_1098 = arith.constant 0 : i32
        %get3A_1099 = arith.constant 27 : i32
        %get3A_1100 = arith.index_cast %get3A_1098 : i32 to index
        %get3A_1101 = arith.index_cast %scan3A_269 : i32 to index
        %get3A_1102 = arith.index_cast %get3A_1099 : i32 to index
        %get3A_1103 = arith.constant 32 : index
        %get3A_1104 = tpu.vector_load %arg5[%get3A_1100, %get3A_1101, %get3A_1102, %get3A_1103] {strides = array<i32>} : memref<2x8x32x128xf32, #tpu.memory_space<vmem>>, vector<1x1x1x16xf32>,
        %get3A_1105 = vector.shape_cast %get3A_1104 : vector<1x1x1x16xf32> to vector<16xf32>
        %add3A_1106 = arith.addf %add3A_1097, %get3A_1105 : vector<16xf32>
        %get3A_1107 = arith.constant 0 : i32
        %get3A_1108 = arith.constant 28 : i32
        %get3A_1109 = arith.index_cast %get3A_1107 : i32 to index
        %get3A_1110 = arith.index_cast %scan3A_269 : i32 to index
        %get3A_1111 = arith.index_cast %get3A_1108 : i32 to index
        %get3A_1112 = arith.constant 32 : index
        %get3A_1113 = tpu.vector_load %arg5[%get3A_1109, %get3A_1110, %get3A_1111, %get3A_1112] {strides = array<i32>} : memref<2x8x32x128xf32, #tpu.memory_space<vmem>>, vector<1x1x1x16xf32>,
        %get3A_1114 = vector.shape_cast %get3A_1113 : vector<1x1x1x16xf32> to vector<16xf32>
        %add3A_1115 = arith.addf %add3A_1106, %get3A_1114 : vector<16xf32>
        %get3A_1116 = arith.constant 0 : i32
        %get3A_1117 = arith.constant 29 : i32
        %get3A_1118 = arith.index_cast %get3A_1116 : i32 to index
        %get3A_1119 = arith.index_cast %scan3A_269 : i32 to index
        %get3A_1120 = arith.index_cast %get3A_1117 : i32 to index
        %get3A_1121 = arith.constant 32 : index
        %get3A_1122 = tpu.vector_load %arg5[%get3A_1118, %get3A_1119, %get3A_1120, %get3A_1121] {strides = array<i32>} : memref<2x8x32x128xf32, #tpu.memory_space<vmem>>, vector<1x1x1x16xf32>,
        %get3A_1123 = vector.shape_cast %get3A_1122 : vector<1x1x1x16xf32> to vector<16xf32>
        %add3A_1124 = arith.addf %add3A_1115, %get3A_1123 : vector<16xf32>
        %get3A_1125 = arith.constant 0 : i32
        %get3A_1126 = arith.constant 30 : i32
        %get3A_1127 = arith.index_cast %get3A_1125 : i32 to index
        %get3A_1128 = arith.index_cast %scan3A_269 : i32 to index
        %get3A_1129 = arith.index_cast %get3A_1126 : i32 to index
        %get3A_1130 = arith.constant 32 : index
        %get3A_1131 = tpu.vector_load %arg5[%get3A_1127, %get3A_1128, %get3A_1129, %get3A_1130] {strides = array<i32>} : memref<2x8x32x128xf32, #tpu.memory_space<vmem>>, vector<1x1x1x16xf32>,
        %get3A_1132 = vector.shape_cast %get3A_1131 : vector<1x1x1x16xf32> to vector<16xf32>
        %add3A_1133 = arith.addf %add3A_1124, %get3A_1132 : vector<16xf32>
        %get3A_1134 = arith.constant 0 : i32
        %get3A_1135 = arith.constant 31 : i32
        %get3A_1136 = arith.index_cast %get3A_1134 : i32 to index
        %get3A_1137 = arith.index_cast %scan3A_269 : i32 to index
        %get3A_1138 = arith.index_cast %get3A_1135 : i32 to index
        %get3A_1139 = arith.constant 32 : index
        %get3A_1140 = tpu.vector_load %arg5[%get3A_1136, %get3A_1137, %get3A_1138, %get3A_1139] {strides = array<i32>} : memref<2x8x32x128xf32, #tpu.memory_space<vmem>>, vector<1x1x1x16xf32>,
        %get3A_1141 = vector.shape_cast %get3A_1140 : vector<1x1x1x16xf32> to vector<16xf32>
        %add3A_1142 = arith.addf %add3A_1133, %get3A_1141 : vector<16xf32>
        %swap3A_1143 = arith.constant 0 : i32
        %swap3A_1144 = arith.index_cast %swap3A_1143 : i32 to index
        %swap3A_1145 = arith.index_cast %scan3A_269 : i32 to index
        %swap3A_1146 = arith.constant 32 : index
        %swap3A_1147 = tpu.vector_load %arg6[%swap3A_1144, %swap3A_1145, %swap3A_1146] {strides = array<i32>} : memref<2x8x128xf32, #tpu.memory_space<vmem>>, vector<1x1x16xf32>,
        %swap3A_1148 = vector.shape_cast %swap3A_1147 : vector<1x1x16xf32> to vector<16xf32>
        %swap3A_1149 = vector.shape_cast %add3A_1142 : vector<16xf32> to vector<1x1x16xf32>
        tpu.vector_store %arg6[%swap3A_1144, %swap3A_1145, %swap3A_1146], %swap3A_1149 {strides = array<i32>} : memref<2x8x128xf32, #tpu.memory_space<vmem>>, vector<1x1x16xf32>,
        %get3A_1150 = arith.constant 0 : i32
        %get3A_1151 = arith.constant 0 : i32
        %get3A_1152 = arith.index_cast %get3A_1150 : i32 to index
        %get3A_1153 = arith.index_cast %scan3A_269 : i32 to index
        %get3A_1154 = arith.index_cast %get3A_1151 : i32 to index
        %get3A_1155 = arith.constant 48 : index
        %get3A_1156 = tpu.vector_load %arg5[%get3A_1152, %get3A_1153, %get3A_1154, %get3A_1155] {strides = array<i32>} : memref<2x8x32x128xf32, #tpu.memory_space<vmem>>, vector<1x1x1x16xf32>,
        %get3A_1157 = vector.shape_cast %get3A_1156 : vector<1x1x1x16xf32> to vector<16xf32>
        %get3A_1158 = arith.constant 0 : i32
        %get3A_1159 = arith.constant 1 : i32
        %get3A_1160 = arith.index_cast %get3A_1158 : i32 to index
        %get3A_1161 = arith.index_cast %scan3A_269 : i32 to index
        %get3A_1162 = arith.index_cast %get3A_1159 : i32 to index
        %get3A_1163 = arith.constant 48 : index
        %get3A_1164 = tpu.vector_load %arg5[%get3A_1160, %get3A_1161, %get3A_1162, %get3A_1163] {strides = array<i32>} : memref<2x8x32x128xf32, #tpu.memory_space<vmem>>, vector<1x1x1x16xf32>,
        %get3A_1165 = vector.shape_cast %get3A_1164 : vector<1x1x1x16xf32> to vector<16xf32>
        %add3A_1166 = arith.addf %get3A_1157, %get3A_1165 : vector<16xf32>
        %get3A_1167 = arith.constant 0 : i32
        %get3A_1168 = arith.constant 2 : i32
        %get3A_1169 = arith.index_cast %get3A_1167 : i32 to index
        %get3A_1170 = arith.index_cast %scan3A_269 : i32 to index
        %get3A_1171 = arith.index_cast %get3A_1168 : i32 to index
        %get3A_1172 = arith.constant 48 : index
        %get3A_1173 = tpu.vector_load %arg5[%get3A_1169, %get3A_1170, %get3A_1171, %get3A_1172] {strides = array<i32>} : memref<2x8x32x128xf32, #tpu.memory_space<vmem>>, vector<1x1x1x16xf32>,
        %get3A_1174 = vector.shape_cast %get3A_1173 : vector<1x1x1x16xf32> to vector<16xf32>
        %add3A_1175 = arith.addf %add3A_1166, %get3A_1174 : vector<16xf32>
        %get3A_1176 = arith.constant 0 : i32
        %get3A_1177 = arith.constant 3 : i32
        %get3A_1178 = arith.index_cast %get3A_1176 : i32 to index
        %get3A_1179 = arith.index_cast %scan3A_269 : i32 to index
        %get3A_1180 = arith.index_cast %get3A_1177 : i32 to index
        %get3A_1181 = arith.constant 48 : index
        %get3A_1182 = tpu.vector_load %arg5[%get3A_1178, %get3A_1179, %get3A_1180, %get3A_1181] {strides = array<i32>} : memref<2x8x32x128xf32, #tpu.memory_space<vmem>>, vector<1x1x1x16xf32>,
        %get3A_1183 = vector.shape_cast %get3A_1182 : vector<1x1x1x16xf32> to vector<16xf32>
        %add3A_1184 = arith.addf %add3A_1175, %get3A_1183 : vector<16xf32>
        %get3A_1185 = arith.constant 0 : i32
        %get3A_1186 = arith.constant 4 : i32
        %get3A_1187 = arith.index_cast %get3A_1185 : i32 to index
        %get3A_1188 = arith.index_cast %scan3A_269 : i32 to index
        %get3A_1189 = arith.index_cast %get3A_1186 : i32 to index
        %get3A_1190 = arith.constant 48 : index
        %get3A_1191 = tpu.vector_load %arg5[%get3A_1187, %get3A_1188, %get3A_1189, %get3A_1190] {strides = array<i32>} : memref<2x8x32x128xf32, #tpu.memory_space<vmem>>, vector<1x1x1x16xf32>,
        %get3A_1192 = vector.shape_cast %get3A_1191 : vector<1x1x1x16xf32> to vector<16xf32>
        %add3A_1193 = arith.addf %add3A_1184, %get3A_1192 : vector<16xf32>
        %get3A_1194 = arith.constant 0 : i32
        %get3A_1195 = arith.constant 5 : i32
        %get3A_1196 = arith.index_cast %get3A_1194 : i32 to index
        %get3A_1197 = arith.index_cast %scan3A_269 : i32 to index
        %get3A_1198 = arith.index_cast %get3A_1195 : i32 to index
        %get3A_1199 = arith.constant 48 : index
        %get3A_1200 = tpu.vector_load %arg5[%get3A_1196, %get3A_1197, %get3A_1198, %get3A_1199] {strides = array<i32>} : memref<2x8x32x128xf32, #tpu.memory_space<vmem>>, vector<1x1x1x16xf32>,
        %get3A_1201 = vector.shape_cast %get3A_1200 : vector<1x1x1x16xf32> to vector<16xf32>
        %add3A_1202 = arith.addf %add3A_1193, %get3A_1201 : vector<16xf32>
        %get3A_1203 = arith.constant 0 : i32
        %get3A_1204 = arith.constant 6 : i32
        %get3A_1205 = arith.index_cast %get3A_1203 : i32 to index
        %get3A_1206 = arith.index_cast %scan3A_269 : i32 to index
        %get3A_1207 = arith.index_cast %get3A_1204 : i32 to index
        %get3A_1208 = arith.constant 48 : index
        %get3A_1209 = tpu.vector_load %arg5[%get3A_1205, %get3A_1206, %get3A_1207, %get3A_1208] {strides = array<i32>} : memref<2x8x32x128xf32, #tpu.memory_space<vmem>>, vector<1x1x1x16xf32>,
        %get3A_1210 = vector.shape_cast %get3A_1209 : vector<1x1x1x16xf32> to vector<16xf32>
        %add3A_1211 = arith.addf %add3A_1202, %get3A_1210 : vector<16xf32>
        %get3A_1212 = arith.constant 0 : i32
        %get3A_1213 = arith.constant 7 : i32
        %get3A_1214 = arith.index_cast %get3A_1212 : i32 to index
        %get3A_1215 = arith.index_cast %scan3A_269 : i32 to index
        %get3A_1216 = arith.index_cast %get3A_1213 : i32 to index
        %get3A_1217 = arith.constant 48 : index
        %get3A_1218 = tpu.vector_load %arg5[%get3A_1214, %get3A_1215, %get3A_1216, %get3A_1217] {strides = array<i32>} : memref<2x8x32x128xf32, #tpu.memory_space<vmem>>, vector<1x1x1x16xf32>,
        %get3A_1219 = vector.shape_cast %get3A_1218 : vector<1x1x1x16xf32> to vector<16xf32>
        %add3A_1220 = arith.addf %add3A_1211, %get3A_1219 : vector<16xf32>
        %get3A_1221 = arith.constant 0 : i32
        %get3A_1222 = arith.constant 8 : i32
        %get3A_1223 = arith.index_cast %get3A_1221 : i32 to index
        %get3A_1224 = arith.index_cast %scan3A_269 : i32 to index
        %get3A_1225 = arith.index_cast %get3A_1222 : i32 to index
        %get3A_1226 = arith.constant 48 : index
        %get3A_1227 = tpu.vector_load %arg5[%get3A_1223, %get3A_1224, %get3A_1225, %get3A_1226] {strides = array<i32>} : memref<2x8x32x128xf32, #tpu.memory_space<vmem>>, vector<1x1x1x16xf32>,
        %get3A_1228 = vector.shape_cast %get3A_1227 : vector<1x1x1x16xf32> to vector<16xf32>
        %add3A_1229 = arith.addf %add3A_1220, %get3A_1228 : vector<16xf32>
        %get3A_1230 = arith.constant 0 : i32
        %get3A_1231 = arith.constant 9 : i32
        %get3A_1232 = arith.index_cast %get3A_1230 : i32 to index
        %get3A_1233 = arith.index_cast %scan3A_269 : i32 to index
        %get3A_1234 = arith.index_cast %get3A_1231 : i32 to index
        %get3A_1235 = arith.constant 48 : index
        %get3A_1236 = tpu.vector_load %arg5[%get3A_1232, %get3A_1233, %get3A_1234, %get3A_1235] {strides = array<i32>} : memref<2x8x32x128xf32, #tpu.memory_space<vmem>>, vector<1x1x1x16xf32>,
        %get3A_1237 = vector.shape_cast %get3A_1236 : vector<1x1x1x16xf32> to vector<16xf32>
        %add3A_1238 = arith.addf %add3A_1229, %get3A_1237 : vector<16xf32>
        %get3A_1239 = arith.constant 0 : i32
        %get3A_1240 = arith.constant 10 : i32
        %get3A_1241 = arith.index_cast %get3A_1239 : i32 to index
        %get3A_1242 = arith.index_cast %scan3A_269 : i32 to index
        %get3A_1243 = arith.index_cast %get3A_1240 : i32 to index
        %get3A_1244 = arith.constant 48 : index
        %get3A_1245 = tpu.vector_load %arg5[%get3A_1241, %get3A_1242, %get3A_1243, %get3A_1244] {strides = array<i32>} : memref<2x8x32x128xf32, #tpu.memory_space<vmem>>, vector<1x1x1x16xf32>,
        %get3A_1246 = vector.shape_cast %get3A_1245 : vector<1x1x1x16xf32> to vector<16xf32>
        %add3A_1247 = arith.addf %add3A_1238, %get3A_1246 : vector<16xf32>
        %get3A_1248 = arith.constant 0 : i32
        %get3A_1249 = arith.constant 11 : i32
        %get3A_1250 = arith.index_cast %get3A_1248 : i32 to index
        %get3A_1251 = arith.index_cast %scan3A_269 : i32 to index
        %get3A_1252 = arith.index_cast %get3A_1249 : i32 to index
        %get3A_1253 = arith.constant 48 : index
        %get3A_1254 = tpu.vector_load %arg5[%get3A_1250, %get3A_1251, %get3A_1252, %get3A_1253] {strides = array<i32>} : memref<2x8x32x128xf32, #tpu.memory_space<vmem>>, vector<1x1x1x16xf32>,
        %get3A_1255 = vector.shape_cast %get3A_1254 : vector<1x1x1x16xf32> to vector<16xf32>
        %add3A_1256 = arith.addf %add3A_1247, %get3A_1255 : vector<16xf32>
        %get3A_1257 = arith.constant 0 : i32
        %get3A_1258 = arith.constant 12 : i32
        %get3A_1259 = arith.index_cast %get3A_1257 : i32 to index
        %get3A_1260 = arith.index_cast %scan3A_269 : i32 to index
        %get3A_1261 = arith.index_cast %get3A_1258 : i32 to index
        %get3A_1262 = arith.constant 48 : index
        %get3A_1263 = tpu.vector_load %arg5[%get3A_1259, %get3A_1260, %get3A_1261, %get3A_1262] {strides = array<i32>} : memref<2x8x32x128xf32, #tpu.memory_space<vmem>>, vector<1x1x1x16xf32>,
        %get3A_1264 = vector.shape_cast %get3A_1263 : vector<1x1x1x16xf32> to vector<16xf32>
        %add3A_1265 = arith.addf %add3A_1256, %get3A_1264 : vector<16xf32>
        %get3A_1266 = arith.constant 0 : i32
        %get3A_1267 = arith.constant 13 : i32
        %get3A_1268 = arith.index_cast %get3A_1266 : i32 to index
        %get3A_1269 = arith.index_cast %scan3A_269 : i32 to index
        %get3A_1270 = arith.index_cast %get3A_1267 : i32 to index
        %get3A_1271 = arith.constant 48 : index
        %get3A_1272 = tpu.vector_load %arg5[%get3A_1268, %get3A_1269, %get3A_1270, %get3A_1271] {strides = array<i32>} : memref<2x8x32x128xf32, #tpu.memory_space<vmem>>, vector<1x1x1x16xf32>,
        %get3A_1273 = vector.shape_cast %get3A_1272 : vector<1x1x1x16xf32> to vector<16xf32>
        %add3A_1274 = arith.addf %add3A_1265, %get3A_1273 : vector<16xf32>
        %get3A_1275 = arith.constant 0 : i32
        %get3A_1276 = arith.constant 14 : i32
        %get3A_1277 = arith.index_cast %get3A_1275 : i32 to index
        %get3A_1278 = arith.index_cast %scan3A_269 : i32 to index
        %get3A_1279 = arith.index_cast %get3A_1276 : i32 to index
        %get3A_1280 = arith.constant 48 : index
        %get3A_1281 = tpu.vector_load %arg5[%get3A_1277, %get3A_1278, %get3A_1279, %get3A_1280] {strides = array<i32>} : memref<2x8x32x128xf32, #tpu.memory_space<vmem>>, vector<1x1x1x16xf32>,
        %get3A_1282 = vector.shape_cast %get3A_1281 : vector<1x1x1x16xf32> to vector<16xf32>
        %add3A_1283 = arith.addf %add3A_1274, %get3A_1282 : vector<16xf32>
        %get3A_1284 = arith.constant 0 : i32
        %get3A_1285 = arith.constant 15 : i32
        %get3A_1286 = arith.index_cast %get3A_1284 : i32 to index
        %get3A_1287 = arith.index_cast %scan3A_269 : i32 to index
        %get3A_1288 = arith.index_cast %get3A_1285 : i32 to index
        %get3A_1289 = arith.constant 48 : index
        %get3A_1290 = tpu.vector_load %arg5[%get3A_1286, %get3A_1287, %get3A_1288, %get3A_1289] {strides = array<i32>} : memref<2x8x32x128xf32, #tpu.memory_space<vmem>>, vector<1x1x1x16xf32>,
        %get3A_1291 = vector.shape_cast %get3A_1290 : vector<1x1x1x16xf32> to vector<16xf32>
        %add3A_1292 = arith.addf %add3A_1283, %get3A_1291 : vector<16xf32>
        %get3A_1293 = arith.constant 0 : i32
        %get3A_1294 = arith.constant 16 : i32
        %get3A_1295 = arith.index_cast %get3A_1293 : i32 to index
        %get3A_1296 = arith.index_cast %scan3A_269 : i32 to index
        %get3A_1297 = arith.index_cast %get3A_1294 : i32 to index
        %get3A_1298 = arith.constant 48 : index
        %get3A_1299 = tpu.vector_load %arg5[%get3A_1295, %get3A_1296, %get3A_1297, %get3A_1298] {strides = array<i32>} : memref<2x8x32x128xf32, #tpu.memory_space<vmem>>, vector<1x1x1x16xf32>,
        %get3A_1300 = vector.shape_cast %get3A_1299 : vector<1x1x1x16xf32> to vector<16xf32>
        %add3A_1301 = arith.addf %add3A_1292, %get3A_1300 : vector<16xf32>
        %get3A_1302 = arith.constant 0 : i32
        %get3A_1303 = arith.constant 17 : i32
        %get3A_1304 = arith.index_cast %get3A_1302 : i32 to index
        %get3A_1305 = arith.index_cast %scan3A_269 : i32 to index
        %get3A_1306 = arith.index_cast %get3A_1303 : i32 to index
        %get3A_1307 = arith.constant 48 : index
        %get3A_1308 = tpu.vector_load %arg5[%get3A_1304, %get3A_1305, %get3A_1306, %get3A_1307] {strides = array<i32>} : memref<2x8x32x128xf32, #tpu.memory_space<vmem>>, vector<1x1x1x16xf32>,
        %get3A_1309 = vector.shape_cast %get3A_1308 : vector<1x1x1x16xf32> to vector<16xf32>
        %add3A_1310 = arith.addf %add3A_1301, %get3A_1309 : vector<16xf32>
        %get3A_1311 = arith.constant 0 : i32
        %get3A_1312 = arith.constant 18 : i32
        %get3A_1313 = arith.index_cast %get3A_1311 : i32 to index
        %get3A_1314 = arith.index_cast %scan3A_269 : i32 to index
        %get3A_1315 = arith.index_cast %get3A_1312 : i32 to index
        %get3A_1316 = arith.constant 48 : index
        %get3A_1317 = tpu.vector_load %arg5[%get3A_1313, %get3A_1314, %get3A_1315, %get3A_1316] {strides = array<i32>} : memref<2x8x32x128xf32, #tpu.memory_space<vmem>>, vector<1x1x1x16xf32>,
        %get3A_1318 = vector.shape_cast %get3A_1317 : vector<1x1x1x16xf32> to vector<16xf32>
        %add3A_1319 = arith.addf %add3A_1310, %get3A_1318 : vector<16xf32>
        %get3A_1320 = arith.constant 0 : i32
        %get3A_1321 = arith.constant 19 : i32
        %get3A_1322 = arith.index_cast %get3A_1320 : i32 to index
        %get3A_1323 = arith.index_cast %scan3A_269 : i32 to index
        %get3A_1324 = arith.index_cast %get3A_1321 : i32 to index
        %get3A_1325 = arith.constant 48 : index
        %get3A_1326 = tpu.vector_load %arg5[%get3A_1322, %get3A_1323, %get3A_1324, %get3A_1325] {strides = array<i32>} : memref<2x8x32x128xf32, #tpu.memory_space<vmem>>, vector<1x1x1x16xf32>,
        %get3A_1327 = vector.shape_cast %get3A_1326 : vector<1x1x1x16xf32> to vector<16xf32>
        %add3A_1328 = arith.addf %add3A_1319, %get3A_1327 : vector<16xf32>
        %get3A_1329 = arith.constant 0 : i32
        %get3A_1330 = arith.constant 20 : i32
        %get3A_1331 = arith.index_cast %get3A_1329 : i32 to index
        %get3A_1332 = arith.index_cast %scan3A_269 : i32 to index
        %get3A_1333 = arith.index_cast %get3A_1330 : i32 to index
        %get3A_1334 = arith.constant 48 : index
        %get3A_1335 = tpu.vector_load %arg5[%get3A_1331, %get3A_1332, %get3A_1333, %get3A_1334] {strides = array<i32>} : memref<2x8x32x128xf32, #tpu.memory_space<vmem>>, vector<1x1x1x16xf32>,
        %get3A_1336 = vector.shape_cast %get3A_1335 : vector<1x1x1x16xf32> to vector<16xf32>
        %add3A_1337 = arith.addf %add3A_1328, %get3A_1336 : vector<16xf32>
        %get3A_1338 = arith.constant 0 : i32
        %get3A_1339 = arith.constant 21 : i32
        %get3A_1340 = arith.index_cast %get3A_1338 : i32 to index
        %get3A_1341 = arith.index_cast %scan3A_269 : i32 to index
        %get3A_1342 = arith.index_cast %get3A_1339 : i32 to index
        %get3A_1343 = arith.constant 48 : index
        %get3A_1344 = tpu.vector_load %arg5[%get3A_1340, %get3A_1341, %get3A_1342, %get3A_1343] {strides = array<i32>} : memref<2x8x32x128xf32, #tpu.memory_space<vmem>>, vector<1x1x1x16xf32>,
        %get3A_1345 = vector.shape_cast %get3A_1344 : vector<1x1x1x16xf32> to vector<16xf32>
        %add3A_1346 = arith.addf %add3A_1337, %get3A_1345 : vector<16xf32>
        %get3A_1347 = arith.constant 0 : i32
        %get3A_1348 = arith.constant 22 : i32
        %get3A_1349 = arith.index_cast %get3A_1347 : i32 to index
        %get3A_1350 = arith.index_cast %scan3A_269 : i32 to index
        %get3A_1351 = arith.index_cast %get3A_1348 : i32 to index
        %get3A_1352 = arith.constant 48 : index
        %get3A_1353 = tpu.vector_load %arg5[%get3A_1349, %get3A_1350, %get3A_1351, %get3A_1352] {strides = array<i32>} : memref<2x8x32x128xf32, #tpu.memory_space<vmem>>, vector<1x1x1x16xf32>,
        %get3A_1354 = vector.shape_cast %get3A_1353 : vector<1x1x1x16xf32> to vector<16xf32>
        %add3A_1355 = arith.addf %add3A_1346, %get3A_1354 : vector<16xf32>
        %get3A_1356 = arith.constant 0 : i32
        %get3A_1357 = arith.constant 23 : i32
        %get3A_1358 = arith.index_cast %get3A_1356 : i32 to index
        %get3A_1359 = arith.index_cast %scan3A_269 : i32 to index
        %get3A_1360 = arith.index_cast %get3A_1357 : i32 to index
        %get3A_1361 = arith.constant 48 : index
        %get3A_1362 = tpu.vector_load %arg5[%get3A_1358, %get3A_1359, %get3A_1360, %get3A_1361] {strides = array<i32>} : memref<2x8x32x128xf32, #tpu.memory_space<vmem>>, vector<1x1x1x16xf32>,
        %get3A_1363 = vector.shape_cast %get3A_1362 : vector<1x1x1x16xf32> to vector<16xf32>
        %add3A_1364 = arith.addf %add3A_1355, %get3A_1363 : vector<16xf32>
        %get3A_1365 = arith.constant 0 : i32
        %get3A_1366 = arith.constant 24 : i32
        %get3A_1367 = arith.index_cast %get3A_1365 : i32 to index
        %get3A_1368 = arith.index_cast %scan3A_269 : i32 to index
        %get3A_1369 = arith.index_cast %get3A_1366 : i32 to index
        %get3A_1370 = arith.constant 48 : index
        %get3A_1371 = tpu.vector_load %arg5[%get3A_1367, %get3A_1368, %get3A_1369, %get3A_1370] {strides = array<i32>} : memref<2x8x32x128xf32, #tpu.memory_space<vmem>>, vector<1x1x1x16xf32>,
        %get3A_1372 = vector.shape_cast %get3A_1371 : vector<1x1x1x16xf32> to vector<16xf32>
        %add3A_1373 = arith.addf %add3A_1364, %get3A_1372 : vector<16xf32>
        %get3A_1374 = arith.constant 0 : i32
        %get3A_1375 = arith.constant 25 : i32
        %get3A_1376 = arith.index_cast %get3A_1374 : i32 to index
        %get3A_1377 = arith.index_cast %scan3A_269 : i32 to index
        %get3A_1378 = arith.index_cast %get3A_1375 : i32 to index
        %get3A_1379 = arith.constant 48 : index
        %get3A_1380 = tpu.vector_load %arg5[%get3A_1376, %get3A_1377, %get3A_1378, %get3A_1379] {strides = array<i32>} : memref<2x8x32x128xf32, #tpu.memory_space<vmem>>, vector<1x1x1x16xf32>,
        %get3A_1381 = vector.shape_cast %get3A_1380 : vector<1x1x1x16xf32> to vector<16xf32>
        %add3A_1382 = arith.addf %add3A_1373, %get3A_1381 : vector<16xf32>
        %get3A_1383 = arith.constant 0 : i32
        %get3A_1384 = arith.constant 26 : i32
        %get3A_1385 = arith.index_cast %get3A_1383 : i32 to index
        %get3A_1386 = arith.index_cast %scan3A_269 : i32 to index
        %get3A_1387 = arith.index_cast %get3A_1384 : i32 to index
        %get3A_1388 = arith.constant 48 : index
        %get3A_1389 = tpu.vector_load %arg5[%get3A_1385, %get3A_1386, %get3A_1387, %get3A_1388] {strides = array<i32>} : memref<2x8x32x128xf32, #tpu.memory_space<vmem>>, vector<1x1x1x16xf32>,
        %get3A_1390 = vector.shape_cast %get3A_1389 : vector<1x1x1x16xf32> to vector<16xf32>
        %add3A_1391 = arith.addf %add3A_1382, %get3A_1390 : vector<16xf32>
        %get3A_1392 = arith.constant 0 : i32
        %get3A_1393 = arith.constant 27 : i32
        %get3A_1394 = arith.index_cast %get3A_1392 : i32 to index
        %get3A_1395 = arith.index_cast %scan3A_269 : i32 to index
        %get3A_1396 = arith.index_cast %get3A_1393 : i32 to index
        %get3A_1397 = arith.constant 48 : index
        %get3A_1398 = tpu.vector_load %arg5[%get3A_1394, %get3A_1395, %get3A_1396, %get3A_1397] {strides = array<i32>} : memref<2x8x32x128xf32, #tpu.memory_space<vmem>>, vector<1x1x1x16xf32>,
        %get3A_1399 = vector.shape_cast %get3A_1398 : vector<1x1x1x16xf32> to vector<16xf32>
        %add3A_1400 = arith.addf %add3A_1391, %get3A_1399 : vector<16xf32>
        %get3A_1401 = arith.constant 0 : i32
        %get3A_1402 = arith.constant 28 : i32
        %get3A_1403 = arith.index_cast %get3A_1401 : i32 to index
        %get3A_1404 = arith.index_cast %scan3A_269 : i32 to index
        %get3A_1405 = arith.index_cast %get3A_1402 : i32 to index
        %get3A_1406 = arith.constant 48 : index
        %get3A_1407 = tpu.vector_load %arg5[%get3A_1403, %get3A_1404, %get3A_1405, %get3A_1406] {strides = array<i32>} : memref<2x8x32x128xf32, #tpu.memory_space<vmem>>, vector<1x1x1x16xf32>,
        %get3A_1408 = vector.shape_cast %get3A_1407 : vector<1x1x1x16xf32> to vector<16xf32>
        %add3A_1409 = arith.addf %add3A_1400, %get3A_1408 : vector<16xf32>
        %get3A_1410 = arith.constant 0 : i32
        %get3A_1411 = arith.constant 29 : i32
        %get3A_1412 = arith.index_cast %get3A_1410 : i32 to index
        %get3A_1413 = arith.index_cast %scan3A_269 : i32 to index
        %get3A_1414 = arith.index_cast %get3A_1411 : i32 to index
        %get3A_1415 = arith.constant 48 : index
        %get3A_1416 = tpu.vector_load %arg5[%get3A_1412, %get3A_1413, %get3A_1414, %get3A_1415] {strides = array<i32>} : memref<2x8x32x128xf32, #tpu.memory_space<vmem>>, vector<1x1x1x16xf32>,
        %get3A_1417 = vector.shape_cast %get3A_1416 : vector<1x1x1x16xf32> to vector<16xf32>
        %add3A_1418 = arith.addf %add3A_1409, %get3A_1417 : vector<16xf32>
        %get3A_1419 = arith.constant 0 : i32
        %get3A_1420 = arith.constant 30 : i32
        %get3A_1421 = arith.index_cast %get3A_1419 : i32 to index
        %get3A_1422 = arith.index_cast %scan3A_269 : i32 to index
        %get3A_1423 = arith.index_cast %get3A_1420 : i32 to index
        %get3A_1424 = arith.constant 48 : index
        %get3A_1425 = tpu.vector_load %arg5[%get3A_1421, %get3A_1422, %get3A_1423, %get3A_1424] {strides = array<i32>} : memref<2x8x32x128xf32, #tpu.memory_space<vmem>>, vector<1x1x1x16xf32>,
        %get3A_1426 = vector.shape_cast %get3A_1425 : vector<1x1x1x16xf32> to vector<16xf32>
        %add3A_1427 = arith.addf %add3A_1418, %get3A_1426 : vector<16xf32>
        %get3A_1428 = arith.constant 0 : i32
        %get3A_1429 = arith.constant 31 : i32
        %get3A_1430 = arith.index_cast %get3A_1428 : i32 to index
        %get3A_1431 = arith.index_cast %scan3A_269 : i32 to index
        %get3A_1432 = arith.index_cast %get3A_1429 : i32 to index
        %get3A_1433 = arith.constant 48 : index
        %get3A_1434 = tpu.vector_load %arg5[%get3A_1430, %get3A_1431, %get3A_1432, %get3A_1433] {strides = array<i32>} : memref<2x8x32x128xf32, #tpu.memory_space<vmem>>, vector<1x1x1x16xf32>,
        %get3A_1435 = vector.shape_cast %get3A_1434 : vector<1x1x1x16xf32> to vector<16xf32>
        %add3A_1436 = arith.addf %add3A_1427, %get3A_1435 : vector<16xf32>
        %swap3A_1437 = arith.constant 0 : i32
        %swap3A_1438 = arith.index_cast %swap3A_1437 : i32 to index
        %swap3A_1439 = arith.index_cast %scan3A_269 : i32 to index
        %swap3A_1440 = arith.constant 48 : index
        %swap3A_1441 = tpu.vector_load %arg6[%swap3A_1438, %swap3A_1439, %swap3A_1440] {strides = array<i32>} : memref<2x8x128xf32, #tpu.memory_space<vmem>>, vector<1x1x16xf32>,
        %swap3A_1442 = vector.shape_cast %swap3A_1441 : vector<1x1x16xf32> to vector<16xf32>
        %swap3A_1443 = vector.shape_cast %add3A_1436 : vector<16xf32> to vector<1x1x16xf32>
        tpu.vector_store %arg6[%swap3A_1438, %swap3A_1439, %swap3A_1440], %swap3A_1443 {strides = array<i32>} : memref<2x8x128xf32, #tpu.memory_space<vmem>>, vector<1x1x16xf32>,
        %get3A_1444 = arith.constant 0 : i32
        %get3A_1445 = arith.constant 0 : i32
        %get3A_1446 = arith.index_cast %get3A_1444 : i32 to index
        %get3A_1447 = arith.index_cast %scan3A_269 : i32 to index
        %get3A_1448 = arith.index_cast %get3A_1445 : i32 to index
        %get3A_1449 = arith.constant 64 : index
        %get3A_1450 = tpu.vector_load %arg5[%get3A_1446, %get3A_1447, %get3A_1448, %get3A_1449] {strides = array<i32>} : memref<2x8x32x128xf32, #tpu.memory_space<vmem>>, vector<1x1x1x16xf32>,
        %get3A_1451 = vector.shape_cast %get3A_1450 : vector<1x1x1x16xf32> to vector<16xf32>
        %get3A_1452 = arith.constant 0 : i32
        %get3A_1453 = arith.constant 1 : i32
        %get3A_1454 = arith.index_cast %get3A_1452 : i32 to index
        %get3A_1455 = arith.index_cast %scan3A_269 : i32 to index
        %get3A_1456 = arith.index_cast %get3A_1453 : i32 to index
        %get3A_1457 = arith.constant 64 : index
        %get3A_1458 = tpu.vector_load %arg5[%get3A_1454, %get3A_1455, %get3A_1456, %get3A_1457] {strides = array<i32>} : memref<2x8x32x128xf32, #tpu.memory_space<vmem>>, vector<1x1x1x16xf32>,
        %get3A_1459 = vector.shape_cast %get3A_1458 : vector<1x1x1x16xf32> to vector<16xf32>
        %add3A_1460 = arith.addf %get3A_1451, %get3A_1459 : vector<16xf32>
        %get3A_1461 = arith.constant 0 : i32
        %get3A_1462 = arith.constant 2 : i32
        %get3A_1463 = arith.index_cast %get3A_1461 : i32 to index
        %get3A_1464 = arith.index_cast %scan3A_269 : i32 to index
        %get3A_1465 = arith.index_cast %get3A_1462 : i32 to index
        %get3A_1466 = arith.constant 64 : index
        %get3A_1467 = tpu.vector_load %arg5[%get3A_1463, %get3A_1464, %get3A_1465, %get3A_1466] {strides = array<i32>} : memref<2x8x32x128xf32, #tpu.memory_space<vmem>>, vector<1x1x1x16xf32>,
        %get3A_1468 = vector.shape_cast %get3A_1467 : vector<1x1x1x16xf32> to vector<16xf32>
        %add3A_1469 = arith.addf %add3A_1460, %get3A_1468 : vector<16xf32>
        %get3A_1470 = arith.constant 0 : i32
        %get3A_1471 = arith.constant 3 : i32
        %get3A_1472 = arith.index_cast %get3A_1470 : i32 to index
        %get3A_1473 = arith.index_cast %scan3A_269 : i32 to index
        %get3A_1474 = arith.index_cast %get3A_1471 : i32 to index
        %get3A_1475 = arith.constant 64 : index
        %get3A_1476 = tpu.vector_load %arg5[%get3A_1472, %get3A_1473, %get3A_1474, %get3A_1475] {strides = array<i32>} : memref<2x8x32x128xf32, #tpu.memory_space<vmem>>, vector<1x1x1x16xf32>,
        %get3A_1477 = vector.shape_cast %get3A_1476 : vector<1x1x1x16xf32> to vector<16xf32>
        %add3A_1478 = arith.addf %add3A_1469, %get3A_1477 : vector<16xf32>
        %get3A_1479 = arith.constant 0 : i32
        %get3A_1480 = arith.constant 4 : i32
        %get3A_1481 = arith.index_cast %get3A_1479 : i32 to index
        %get3A_1482 = arith.index_cast %scan3A_269 : i32 to index
        %get3A_1483 = arith.index_cast %get3A_1480 : i32 to index
        %get3A_1484 = arith.constant 64 : index
        %get3A_1485 = tpu.vector_load %arg5[%get3A_1481, %get3A_1482, %get3A_1483, %get3A_1484] {strides = array<i32>} : memref<2x8x32x128xf32, #tpu.memory_space<vmem>>, vector<1x1x1x16xf32>,
        %get3A_1486 = vector.shape_cast %get3A_1485 : vector<1x1x1x16xf32> to vector<16xf32>
        %add3A_1487 = arith.addf %add3A_1478, %get3A_1486 : vector<16xf32>
        %get3A_1488 = arith.constant 0 : i32
        %get3A_1489 = arith.constant 5 : i32
        %get3A_1490 = arith.index_cast %get3A_1488 : i32 to index
        %get3A_1491 = arith.index_cast %scan3A_269 : i32 to index
        %get3A_1492 = arith.index_cast %get3A_1489 : i32 to index
        %get3A_1493 = arith.constant 64 : index
        %get3A_1494 = tpu.vector_load %arg5[%get3A_1490, %get3A_1491, %get3A_1492, %get3A_1493] {strides = array<i32>} : memref<2x8x32x128xf32, #tpu.memory_space<vmem>>, vector<1x1x1x16xf32>,
        %get3A_1495 = vector.shape_cast %get3A_1494 : vector<1x1x1x16xf32> to vector<16xf32>
        %add3A_1496 = arith.addf %add3A_1487, %get3A_1495 : vector<16xf32>
        %get3A_1497 = arith.constant 0 : i32
        %get3A_1498 = arith.constant 6 : i32
        %get3A_1499 = arith.index_cast %get3A_1497 : i32 to index
        %get3A_1500 = arith.index_cast %scan3A_269 : i32 to index
        %get3A_1501 = arith.index_cast %get3A_1498 : i32 to index
        %get3A_1502 = arith.constant 64 : index
        %get3A_1503 = tpu.vector_load %arg5[%get3A_1499, %get3A_1500, %get3A_1501, %get3A_1502] {strides = array<i32>} : memref<2x8x32x128xf32, #tpu.memory_space<vmem>>, vector<1x1x1x16xf32>,
        %get3A_1504 = vector.shape_cast %get3A_1503 : vector<1x1x1x16xf32> to vector<16xf32>
        %add3A_1505 = arith.addf %add3A_1496, %get3A_1504 : vector<16xf32>
        %get3A_1506 = arith.constant 0 : i32
        %get3A_1507 = arith.constant 7 : i32
        %get3A_1508 = arith.index_cast %get3A_1506 : i32 to index
        %get3A_1509 = arith.index_cast %scan3A_269 : i32 to index
        %get3A_1510 = arith.index_cast %get3A_1507 : i32 to index
        %get3A_1511 = arith.constant 64 : index
        %get3A_1512 = tpu.vector_load %arg5[%get3A_1508, %get3A_1509, %get3A_1510, %get3A_1511] {strides = array<i32>} : memref<2x8x32x128xf32, #tpu.memory_space<vmem>>, vector<1x1x1x16xf32>,
        %get3A_1513 = vector.shape_cast %get3A_1512 : vector<1x1x1x16xf32> to vector<16xf32>
        %add3A_1514 = arith.addf %add3A_1505, %get3A_1513 : vector<16xf32>
        %get3A_1515 = arith.constant 0 : i32
        %get3A_1516 = arith.constant 8 : i32
        %get3A_1517 = arith.index_cast %get3A_1515 : i32 to index
        %get3A_1518 = arith.index_cast %scan3A_269 : i32 to index
        %get3A_1519 = arith.index_cast %get3A_1516 : i32 to index
        %get3A_1520 = arith.constant 64 : index
        %get3A_1521 = tpu.vector_load %arg5[%get3A_1517, %get3A_1518, %get3A_1519, %get3A_1520] {strides = array<i32>} : memref<2x8x32x128xf32, #tpu.memory_space<vmem>>, vector<1x1x1x16xf32>,
        %get3A_1522 = vector.shape_cast %get3A_1521 : vector<1x1x1x16xf32> to vector<16xf32>
        %add3A_1523 = arith.addf %add3A_1514, %get3A_1522 : vector<16xf32>
        %get3A_1524 = arith.constant 0 : i32
        %get3A_1525 = arith.constant 9 : i32
        %get3A_1526 = arith.index_cast %get3A_1524 : i32 to index
        %get3A_1527 = arith.index_cast %scan3A_269 : i32 to index
        %get3A_1528 = arith.index_cast %get3A_1525 : i32 to index
        %get3A_1529 = arith.constant 64 : index
        %get3A_1530 = tpu.vector_load %arg5[%get3A_1526, %get3A_1527, %get3A_1528, %get3A_1529] {strides = array<i32>} : memref<2x8x32x128xf32, #tpu.memory_space<vmem>>, vector<1x1x1x16xf32>,
        %get3A_1531 = vector.shape_cast %get3A_1530 : vector<1x1x1x16xf32> to vector<16xf32>
        %add3A_1532 = arith.addf %add3A_1523, %get3A_1531 : vector<16xf32>
        %get3A_1533 = arith.constant 0 : i32
        %get3A_1534 = arith.constant 10 : i32
        %get3A_1535 = arith.index_cast %get3A_1533 : i32 to index
        %get3A_1536 = arith.index_cast %scan3A_269 : i32 to index
        %get3A_1537 = arith.index_cast %get3A_1534 : i32 to index
        %get3A_1538 = arith.constant 64 : index
        %get3A_1539 = tpu.vector_load %arg5[%get3A_1535, %get3A_1536, %get3A_1537, %get3A_1538] {strides = array<i32>} : memref<2x8x32x128xf32, #tpu.memory_space<vmem>>, vector<1x1x1x16xf32>,
        %get3A_1540 = vector.shape_cast %get3A_1539 : vector<1x1x1x16xf32> to vector<16xf32>
        %add3A_1541 = arith.addf %add3A_1532, %get3A_1540 : vector<16xf32>
        %get3A_1542 = arith.constant 0 : i32
        %get3A_1543 = arith.constant 11 : i32
        %get3A_1544 = arith.index_cast %get3A_1542 : i32 to index
        %get3A_1545 = arith.index_cast %scan3A_269 : i32 to index
        %get3A_1546 = arith.index_cast %get3A_1543 : i32 to index
        %get3A_1547 = arith.constant 64 : index
        %get3A_1548 = tpu.vector_load %arg5[%get3A_1544, %get3A_1545, %get3A_1546, %get3A_1547] {strides = array<i32>} : memref<2x8x32x128xf32, #tpu.memory_space<vmem>>, vector<1x1x1x16xf32>,
        %get3A_1549 = vector.shape_cast %get3A_1548 : vector<1x1x1x16xf32> to vector<16xf32>
        %add3A_1550 = arith.addf %add3A_1541, %get3A_1549 : vector<16xf32>
        %get3A_1551 = arith.constant 0 : i32
        %get3A_1552 = arith.constant 12 : i32
        %get3A_1553 = arith.index_cast %get3A_1551 : i32 to index
        %get3A_1554 = arith.index_cast %scan3A_269 : i32 to index
        %get3A_1555 = arith.index_cast %get3A_1552 : i32 to index
        %get3A_1556 = arith.constant 64 : index
        %get3A_1557 = tpu.vector_load %arg5[%get3A_1553, %get3A_1554, %get3A_1555, %get3A_1556] {strides = array<i32>} : memref<2x8x32x128xf32, #tpu.memory_space<vmem>>, vector<1x1x1x16xf32>,
        %get3A_1558 = vector.shape_cast %get3A_1557 : vector<1x1x1x16xf32> to vector<16xf32>
        %add3A_1559 = arith.addf %add3A_1550, %get3A_1558 : vector<16xf32>
        %get3A_1560 = arith.constant 0 : i32
        %get3A_1561 = arith.constant 13 : i32
        %get3A_1562 = arith.index_cast %get3A_1560 : i32 to index
        %get3A_1563 = arith.index_cast %scan3A_269 : i32 to index
        %get3A_1564 = arith.index_cast %get3A_1561 : i32 to index
        %get3A_1565 = arith.constant 64 : index
        %get3A_1566 = tpu.vector_load %arg5[%get3A_1562, %get3A_1563, %get3A_1564, %get3A_1565] {strides = array<i32>} : memref<2x8x32x128xf32, #tpu.memory_space<vmem>>, vector<1x1x1x16xf32>,
        %get3A_1567 = vector.shape_cast %get3A_1566 : vector<1x1x1x16xf32> to vector<16xf32>
        %add3A_1568 = arith.addf %add3A_1559, %get3A_1567 : vector<16xf32>
        %get3A_1569 = arith.constant 0 : i32
        %get3A_1570 = arith.constant 14 : i32
        %get3A_1571 = arith.index_cast %get3A_1569 : i32 to index
        %get3A_1572 = arith.index_cast %scan3A_269 : i32 to index
        %get3A_1573 = arith.index_cast %get3A_1570 : i32 to index
        %get3A_1574 = arith.constant 64 : index
        %get3A_1575 = tpu.vector_load %arg5[%get3A_1571, %get3A_1572, %get3A_1573, %get3A_1574] {strides = array<i32>} : memref<2x8x32x128xf32, #tpu.memory_space<vmem>>, vector<1x1x1x16xf32>,
        %get3A_1576 = vector.shape_cast %get3A_1575 : vector<1x1x1x16xf32> to vector<16xf32>
        %add3A_1577 = arith.addf %add3A_1568, %get3A_1576 : vector<16xf32>
        %get3A_1578 = arith.constant 0 : i32
        %get3A_1579 = arith.constant 15 : i32
        %get3A_1580 = arith.index_cast %get3A_1578 : i32 to index
        %get3A_1581 = arith.index_cast %scan3A_269 : i32 to index
        %get3A_1582 = arith.index_cast %get3A_1579 : i32 to index
        %get3A_1583 = arith.constant 64 : index
        %get3A_1584 = tpu.vector_load %arg5[%get3A_1580, %get3A_1581, %get3A_1582, %get3A_1583] {strides = array<i32>} : memref<2x8x32x128xf32, #tpu.memory_space<vmem>>, vector<1x1x1x16xf32>,
        %get3A_1585 = vector.shape_cast %get3A_1584 : vector<1x1x1x16xf32> to vector<16xf32>
        %add3A_1586 = arith.addf %add3A_1577, %get3A_1585 : vector<16xf32>
        %get3A_1587 = arith.constant 0 : i32
        %get3A_1588 = arith.constant 16 : i32
        %get3A_1589 = arith.index_cast %get3A_1587 : i32 to index
        %get3A_1590 = arith.index_cast %scan3A_269 : i32 to index
        %get3A_1591 = arith.index_cast %get3A_1588 : i32 to index
        %get3A_1592 = arith.constant 64 : index
        %get3A_1593 = tpu.vector_load %arg5[%get3A_1589, %get3A_1590, %get3A_1591, %get3A_1592] {strides = array<i32>} : memref<2x8x32x128xf32, #tpu.memory_space<vmem>>, vector<1x1x1x16xf32>,
        %get3A_1594 = vector.shape_cast %get3A_1593 : vector<1x1x1x16xf32> to vector<16xf32>
        %add3A_1595 = arith.addf %add3A_1586, %get3A_1594 : vector<16xf32>
        %get3A_1596 = arith.constant 0 : i32
        %get3A_1597 = arith.constant 17 : i32
        %get3A_1598 = arith.index_cast %get3A_1596 : i32 to index
        %get3A_1599 = arith.index_cast %scan3A_269 : i32 to index
        %get3A_1600 = arith.index_cast %get3A_1597 : i32 to index
        %get3A_1601 = arith.constant 64 : index
        %get3A_1602 = tpu.vector_load %arg5[%get3A_1598, %get3A_1599, %get3A_1600, %get3A_1601] {strides = array<i32>} : memref<2x8x32x128xf32, #tpu.memory_space<vmem>>, vector<1x1x1x16xf32>,
        %get3A_1603 = vector.shape_cast %get3A_1602 : vector<1x1x1x16xf32> to vector<16xf32>
        %add3A_1604 = arith.addf %add3A_1595, %get3A_1603 : vector<16xf32>
        %get3A_1605 = arith.constant 0 : i32
        %get3A_1606 = arith.constant 18 : i32
        %get3A_1607 = arith.index_cast %get3A_1605 : i32 to index
        %get3A_1608 = arith.index_cast %scan3A_269 : i32 to index
        %get3A_1609 = arith.index_cast %get3A_1606 : i32 to index
        %get3A_1610 = arith.constant 64 : index
        %get3A_1611 = tpu.vector_load %arg5[%get3A_1607, %get3A_1608, %get3A_1609, %get3A_1610] {strides = array<i32>} : memref<2x8x32x128xf32, #tpu.memory_space<vmem>>, vector<1x1x1x16xf32>,
        %get3A_1612 = vector.shape_cast %get3A_1611 : vector<1x1x1x16xf32> to vector<16xf32>
        %add3A_1613 = arith.addf %add3A_1604, %get3A_1612 : vector<16xf32>
        %get3A_1614 = arith.constant 0 : i32
        %get3A_1615 = arith.constant 19 : i32
        %get3A_1616 = arith.index_cast %get3A_1614 : i32 to index
        %get3A_1617 = arith.index_cast %scan3A_269 : i32 to index
        %get3A_1618 = arith.index_cast %get3A_1615 : i32 to index
        %get3A_1619 = arith.constant 64 : index
        %get3A_1620 = tpu.vector_load %arg5[%get3A_1616, %get3A_1617, %get3A_1618, %get3A_1619] {strides = array<i32>} : memref<2x8x32x128xf32, #tpu.memory_space<vmem>>, vector<1x1x1x16xf32>,
        %get3A_1621 = vector.shape_cast %get3A_1620 : vector<1x1x1x16xf32> to vector<16xf32>
        %add3A_1622 = arith.addf %add3A_1613, %get3A_1621 : vector<16xf32>
        %get3A_1623 = arith.constant 0 : i32
        %get3A_1624 = arith.constant 20 : i32
        %get3A_1625 = arith.index_cast %get3A_1623 : i32 to index
        %get3A_1626 = arith.index_cast %scan3A_269 : i32 to index
        %get3A_1627 = arith.index_cast %get3A_1624 : i32 to index
        %get3A_1628 = arith.constant 64 : index
        %get3A_1629 = tpu.vector_load %arg5[%get3A_1625, %get3A_1626, %get3A_1627, %get3A_1628] {strides = array<i32>} : memref<2x8x32x128xf32, #tpu.memory_space<vmem>>, vector<1x1x1x16xf32>,
        %get3A_1630 = vector.shape_cast %get3A_1629 : vector<1x1x1x16xf32> to vector<16xf32>
        %add3A_1631 = arith.addf %add3A_1622, %get3A_1630 : vector<16xf32>
        %get3A_1632 = arith.constant 0 : i32
        %get3A_1633 = arith.constant 21 : i32
        %get3A_1634 = arith.index_cast %get3A_1632 : i32 to index
        %get3A_1635 = arith.index_cast %scan3A_269 : i32 to index
        %get3A_1636 = arith.index_cast %get3A_1633 : i32 to index
        %get3A_1637 = arith.constant 64 : index
        %get3A_1638 = tpu.vector_load %arg5[%get3A_1634, %get3A_1635, %get3A_1636, %get3A_1637] {strides = array<i32>} : memref<2x8x32x128xf32, #tpu.memory_space<vmem>>, vector<1x1x1x16xf32>,
        %get3A_1639 = vector.shape_cast %get3A_1638 : vector<1x1x1x16xf32> to vector<16xf32>
        %add3A_1640 = arith.addf %add3A_1631, %get3A_1639 : vector<16xf32>
        %get3A_1641 = arith.constant 0 : i32
        %get3A_1642 = arith.constant 22 : i32
        %get3A_1643 = arith.index_cast %get3A_1641 : i32 to index
        %get3A_1644 = arith.index_cast %scan3A_269 : i32 to index
        %get3A_1645 = arith.index_cast %get3A_1642 : i32 to index
        %get3A_1646 = arith.constant 64 : index
        %get3A_1647 = tpu.vector_load %arg5[%get3A_1643, %get3A_1644, %get3A_1645, %get3A_1646] {strides = array<i32>} : memref<2x8x32x128xf32, #tpu.memory_space<vmem>>, vector<1x1x1x16xf32>,
        %get3A_1648 = vector.shape_cast %get3A_1647 : vector<1x1x1x16xf32> to vector<16xf32>
        %add3A_1649 = arith.addf %add3A_1640, %get3A_1648 : vector<16xf32>
        %get3A_1650 = arith.constant 0 : i32
        %get3A_1651 = arith.constant 23 : i32
        %get3A_1652 = arith.index_cast %get3A_1650 : i32 to index
        %get3A_1653 = arith.index_cast %scan3A_269 : i32 to index
        %get3A_1654 = arith.index_cast %get3A_1651 : i32 to index
        %get3A_1655 = arith.constant 64 : index
        %get3A_1656 = tpu.vector_load %arg5[%get3A_1652, %get3A_1653, %get3A_1654, %get3A_1655] {strides = array<i32>} : memref<2x8x32x128xf32, #tpu.memory_space<vmem>>, vector<1x1x1x16xf32>,
        %get3A_1657 = vector.shape_cast %get3A_1656 : vector<1x1x1x16xf32> to vector<16xf32>
        %add3A_1658 = arith.addf %add3A_1649, %get3A_1657 : vector<16xf32>
        %get3A_1659 = arith.constant 0 : i32
        %get3A_1660 = arith.constant 24 : i32
        %get3A_1661 = arith.index_cast %get3A_1659 : i32 to index
        %get3A_1662 = arith.index_cast %scan3A_269 : i32 to index
        %get3A_1663 = arith.index_cast %get3A_1660 : i32 to index
        %get3A_1664 = arith.constant 64 : index
        %get3A_1665 = tpu.vector_load %arg5[%get3A_1661, %get3A_1662, %get3A_1663, %get3A_1664] {strides = array<i32>} : memref<2x8x32x128xf32, #tpu.memory_space<vmem>>, vector<1x1x1x16xf32>,
        %get3A_1666 = vector.shape_cast %get3A_1665 : vector<1x1x1x16xf32> to vector<16xf32>
        %add3A_1667 = arith.addf %add3A_1658, %get3A_1666 : vector<16xf32>
        %get3A_1668 = arith.constant 0 : i32
        %get3A_1669 = arith.constant 25 : i32
        %get3A_1670 = arith.index_cast %get3A_1668 : i32 to index
        %get3A_1671 = arith.index_cast %scan3A_269 : i32 to index
        %get3A_1672 = arith.index_cast %get3A_1669 : i32 to index
        %get3A_1673 = arith.constant 64 : index
        %get3A_1674 = tpu.vector_load %arg5[%get3A_1670, %get3A_1671, %get3A_1672, %get3A_1673] {strides = array<i32>} : memref<2x8x32x128xf32, #tpu.memory_space<vmem>>, vector<1x1x1x16xf32>,
        %get3A_1675 = vector.shape_cast %get3A_1674 : vector<1x1x1x16xf32> to vector<16xf32>
        %add3A_1676 = arith.addf %add3A_1667, %get3A_1675 : vector<16xf32>
        %get3A_1677 = arith.constant 0 : i32
        %get3A_1678 = arith.constant 26 : i32
        %get3A_1679 = arith.index_cast %get3A_1677 : i32 to index
        %get3A_1680 = arith.index_cast %scan3A_269 : i32 to index
        %get3A_1681 = arith.index_cast %get3A_1678 : i32 to index
        %get3A_1682 = arith.constant 64 : index
        %get3A_1683 = tpu.vector_load %arg5[%get3A_1679, %get3A_1680, %get3A_1681, %get3A_1682] {strides = array<i32>} : memref<2x8x32x128xf32, #tpu.memory_space<vmem>>, vector<1x1x1x16xf32>,
        %get3A_1684 = vector.shape_cast %get3A_1683 : vector<1x1x1x16xf32> to vector<16xf32>
        %add3A_1685 = arith.addf %add3A_1676, %get3A_1684 : vector<16xf32>
        %get3A_1686 = arith.constant 0 : i32
        %get3A_1687 = arith.constant 27 : i32
        %get3A_1688 = arith.index_cast %get3A_1686 : i32 to index
        %get3A_1689 = arith.index_cast %scan3A_269 : i32 to index
        %get3A_1690 = arith.index_cast %get3A_1687 : i32 to index
        %get3A_1691 = arith.constant 64 : index
        %get3A_1692 = tpu.vector_load %arg5[%get3A_1688, %get3A_1689, %get3A_1690, %get3A_1691] {strides = array<i32>} : memref<2x8x32x128xf32, #tpu.memory_space<vmem>>, vector<1x1x1x16xf32>,
        %get3A_1693 = vector.shape_cast %get3A_1692 : vector<1x1x1x16xf32> to vector<16xf32>
        %add3A_1694 = arith.addf %add3A_1685, %get3A_1693 : vector<16xf32>
        %get3A_1695 = arith.constant 0 : i32
        %get3A_1696 = arith.constant 28 : i32
        %get3A_1697 = arith.index_cast %get3A_1695 : i32 to index
        %get3A_1698 = arith.index_cast %scan3A_269 : i32 to index
        %get3A_1699 = arith.index_cast %get3A_1696 : i32 to index
        %get3A_1700 = arith.constant 64 : index
        %get3A_1701 = tpu.vector_load %arg5[%get3A_1697, %get3A_1698, %get3A_1699, %get3A_1700] {strides = array<i32>} : memref<2x8x32x128xf32, #tpu.memory_space<vmem>>, vector<1x1x1x16xf32>,
        %get3A_1702 = vector.shape_cast %get3A_1701 : vector<1x1x1x16xf32> to vector<16xf32>
        %add3A_1703 = arith.addf %add3A_1694, %get3A_1702 : vector<16xf32>
        %get3A_1704 = arith.constant 0 : i32
        %get3A_1705 = arith.constant 29 : i32
        %get3A_1706 = arith.index_cast %get3A_1704 : i32 to index
        %get3A_1707 = arith.index_cast %scan3A_269 : i32 to index
        %get3A_1708 = arith.index_cast %get3A_1705 : i32 to index
        %get3A_1709 = arith.constant 64 : index
        %get3A_1710 = tpu.vector_load %arg5[%get3A_1706, %get3A_1707, %get3A_1708, %get3A_1709] {strides = array<i32>} : memref<2x8x32x128xf32, #tpu.memory_space<vmem>>, vector<1x1x1x16xf32>,
        %get3A_1711 = vector.shape_cast %get3A_1710 : vector<1x1x1x16xf32> to vector<16xf32>
        %add3A_1712 = arith.addf %add3A_1703, %get3A_1711 : vector<16xf32>
        %get3A_1713 = arith.constant 0 : i32
        %get3A_1714 = arith.constant 30 : i32
        %get3A_1715 = arith.index_cast %get3A_1713 : i32 to index
        %get3A_1716 = arith.index_cast %scan3A_269 : i32 to index
        %get3A_1717 = arith.index_cast %get3A_1714 : i32 to index
        %get3A_1718 = arith.constant 64 : index
        %get3A_1719 = tpu.vector_load %arg5[%get3A_1715, %get3A_1716, %get3A_1717, %get3A_1718] {strides = array<i32>} : memref<2x8x32x128xf32, #tpu.memory_space<vmem>>, vector<1x1x1x16xf32>,
        %get3A_1720 = vector.shape_cast %get3A_1719 : vector<1x1x1x16xf32> to vector<16xf32>
        %add3A_1721 = arith.addf %add3A_1712, %get3A_1720 : vector<16xf32>
        %get3A_1722 = arith.constant 0 : i32
        %get3A_1723 = arith.constant 31 : i32
        %get3A_1724 = arith.index_cast %get3A_1722 : i32 to index
        %get3A_1725 = arith.index_cast %scan3A_269 : i32 to index
        %get3A_1726 = arith.index_cast %get3A_1723 : i32 to index
        %get3A_1727 = arith.constant 64 : index
        %get3A_1728 = tpu.vector_load %arg5[%get3A_1724, %get3A_1725, %get3A_1726, %get3A_1727] {strides = array<i32>} : memref<2x8x32x128xf32, #tpu.memory_space<vmem>>, vector<1x1x1x16xf32>,
        %get3A_1729 = vector.shape_cast %get3A_1728 : vector<1x1x1x16xf32> to vector<16xf32>
        %add3A_1730 = arith.addf %add3A_1721, %get3A_1729 : vector<16xf32>
        %swap3A_1731 = arith.constant 0 : i32
        %swap3A_1732 = arith.index_cast %swap3A_1731 : i32 to index
        %swap3A_1733 = arith.index_cast %scan3A_269 : i32 to index
        %swap3A_1734 = arith.constant 64 : index
        %swap3A_1735 = tpu.vector_load %arg6[%swap3A_1732, %swap3A_1733, %swap3A_1734] {strides = array<i32>} : memref<2x8x128xf32, #tpu.memory_space<vmem>>, vector<1x1x16xf32>,
        %swap3A_1736 = vector.shape_cast %swap3A_1735 : vector<1x1x16xf32> to vector<16xf32>
        %swap3A_1737 = vector.shape_cast %add3A_1730 : vector<16xf32> to vector<1x1x16xf32>
        tpu.vector_store %arg6[%swap3A_1732, %swap3A_1733, %swap3A_1734], %swap3A_1737 {strides = array<i32>} : memref<2x8x128xf32, #tpu.memory_space<vmem>>, vector<1x1x16xf32>,
        %get3A_1738 = arith.constant 0 : i32
        %get3A_1739 = arith.constant 0 : i32
        %get3A_1740 = arith.index_cast %get3A_1738 : i32 to index
        %get3A_1741 = arith.index_cast %scan3A_269 : i32 to index
        %get3A_1742 = arith.index_cast %get3A_1739 : i32 to index
        %get3A_1743 = arith.constant 80 : index
        %get3A_1744 = tpu.vector_load %arg5[%get3A_1740, %get3A_1741, %get3A_1742, %get3A_1743] {strides = array<i32>} : memref<2x8x32x128xf32, #tpu.memory_space<vmem>>, vector<1x1x1x16xf32>,
        %get3A_1745 = vector.shape_cast %get3A_1744 : vector<1x1x1x16xf32> to vector<16xf32>
        %get3A_1746 = arith.constant 0 : i32
        %get3A_1747 = arith.constant 1 : i32
        %get3A_1748 = arith.index_cast %get3A_1746 : i32 to index
        %get3A_1749 = arith.index_cast %scan3A_269 : i32 to index
        %get3A_1750 = arith.index_cast %get3A_1747 : i32 to index
        %get3A_1751 = arith.constant 80 : index
        %get3A_1752 = tpu.vector_load %arg5[%get3A_1748, %get3A_1749, %get3A_1750, %get3A_1751] {strides = array<i32>} : memref<2x8x32x128xf32, #tpu.memory_space<vmem>>, vector<1x1x1x16xf32>,
        %get3A_1753 = vector.shape_cast %get3A_1752 : vector<1x1x1x16xf32> to vector<16xf32>
        %add3A_1754 = arith.addf %get3A_1745, %get3A_1753 : vector<16xf32>
        %get3A_1755 = arith.constant 0 : i32
        %get3A_1756 = arith.constant 2 : i32
        %get3A_1757 = arith.index_cast %get3A_1755 : i32 to index
        %get3A_1758 = arith.index_cast %scan3A_269 : i32 to index
        %get3A_1759 = arith.index_cast %get3A_1756 : i32 to index
        %get3A_1760 = arith.constant 80 : index
        %get3A_1761 = tpu.vector_load %arg5[%get3A_1757, %get3A_1758, %get3A_1759, %get3A_1760] {strides = array<i32>} : memref<2x8x32x128xf32, #tpu.memory_space<vmem>>, vector<1x1x1x16xf32>,
        %get3A_1762 = vector.shape_cast %get3A_1761 : vector<1x1x1x16xf32> to vector<16xf32>
        %add3A_1763 = arith.addf %add3A_1754, %get3A_1762 : vector<16xf32>
        %get3A_1764 = arith.constant 0 : i32
        %get3A_1765 = arith.constant 3 : i32
        %get3A_1766 = arith.index_cast %get3A_1764 : i32 to index
        %get3A_1767 = arith.index_cast %scan3A_269 : i32 to index
        %get3A_1768 = arith.index_cast %get3A_1765 : i32 to index
        %get3A_1769 = arith.constant 80 : index
        %get3A_1770 = tpu.vector_load %arg5[%get3A_1766, %get3A_1767, %get3A_1768, %get3A_1769] {strides = array<i32>} : memref<2x8x32x128xf32, #tpu.memory_space<vmem>>, vector<1x1x1x16xf32>,
        %get3A_1771 = vector.shape_cast %get3A_1770 : vector<1x1x1x16xf32> to vector<16xf32>
        %add3A_1772 = arith.addf %add3A_1763, %get3A_1771 : vector<16xf32>
        %get3A_1773 = arith.constant 0 : i32
        %get3A_1774 = arith.constant 4 : i32
        %get3A_1775 = arith.index_cast %get3A_1773 : i32 to index
        %get3A_1776 = arith.index_cast %scan3A_269 : i32 to index
        %get3A_1777 = arith.index_cast %get3A_1774 : i32 to index
        %get3A_1778 = arith.constant 80 : index
        %get3A_1779 = tpu.vector_load %arg5[%get3A_1775, %get3A_1776, %get3A_1777, %get3A_1778] {strides = array<i32>} : memref<2x8x32x128xf32, #tpu.memory_space<vmem>>, vector<1x1x1x16xf32>,
        %get3A_1780 = vector.shape_cast %get3A_1779 : vector<1x1x1x16xf32> to vector<16xf32>
        %add3A_1781 = arith.addf %add3A_1772, %get3A_1780 : vector<16xf32>
        %get3A_1782 = arith.constant 0 : i32
        %get3A_1783 = arith.constant 5 : i32
        %get3A_1784 = arith.index_cast %get3A_1782 : i32 to index
        %get3A_1785 = arith.index_cast %scan3A_269 : i32 to index
        %get3A_1786 = arith.index_cast %get3A_1783 : i32 to index
        %get3A_1787 = arith.constant 80 : index
        %get3A_1788 = tpu.vector_load %arg5[%get3A_1784, %get3A_1785, %get3A_1786, %get3A_1787] {strides = array<i32>} : memref<2x8x32x128xf32, #tpu.memory_space<vmem>>, vector<1x1x1x16xf32>,
        %get3A_1789 = vector.shape_cast %get3A_1788 : vector<1x1x1x16xf32> to vector<16xf32>
        %add3A_1790 = arith.addf %add3A_1781, %get3A_1789 : vector<16xf32>
        %get3A_1791 = arith.constant 0 : i32
        %get3A_1792 = arith.constant 6 : i32
        %get3A_1793 = arith.index_cast %get3A_1791 : i32 to index
        %get3A_1794 = arith.index_cast %scan3A_269 : i32 to index
        %get3A_1795 = arith.index_cast %get3A_1792 : i32 to index
        %get3A_1796 = arith.constant 80 : index
        %get3A_1797 = tpu.vector_load %arg5[%get3A_1793, %get3A_1794, %get3A_1795, %get3A_1796] {strides = array<i32>} : memref<2x8x32x128xf32, #tpu.memory_space<vmem>>, vector<1x1x1x16xf32>,
        %get3A_1798 = vector.shape_cast %get3A_1797 : vector<1x1x1x16xf32> to vector<16xf32>
        %add3A_1799 = arith.addf %add3A_1790, %get3A_1798 : vector<16xf32>
        %get3A_1800 = arith.constant 0 : i32
        %get3A_1801 = arith.constant 7 : i32
        %get3A_1802 = arith.index_cast %get3A_1800 : i32 to index
        %get3A_1803 = arith.index_cast %scan3A_269 : i32 to index
        %get3A_1804 = arith.index_cast %get3A_1801 : i32 to index
        %get3A_1805 = arith.constant 80 : index
        %get3A_1806 = tpu.vector_load %arg5[%get3A_1802, %get3A_1803, %get3A_1804, %get3A_1805] {strides = array<i32>} : memref<2x8x32x128xf32, #tpu.memory_space<vmem>>, vector<1x1x1x16xf32>,
        %get3A_1807 = vector.shape_cast %get3A_1806 : vector<1x1x1x16xf32> to vector<16xf32>
        %add3A_1808 = arith.addf %add3A_1799, %get3A_1807 : vector<16xf32>
        %get3A_1809 = arith.constant 0 : i32
        %get3A_1810 = arith.constant 8 : i32
        %get3A_1811 = arith.index_cast %get3A_1809 : i32 to index
        %get3A_1812 = arith.index_cast %scan3A_269 : i32 to index
        %get3A_1813 = arith.index_cast %get3A_1810 : i32 to index
        %get3A_1814 = arith.constant 80 : index
        %get3A_1815 = tpu.vector_load %arg5[%get3A_1811, %get3A_1812, %get3A_1813, %get3A_1814] {strides = array<i32>} : memref<2x8x32x128xf32, #tpu.memory_space<vmem>>, vector<1x1x1x16xf32>,
        %get3A_1816 = vector.shape_cast %get3A_1815 : vector<1x1x1x16xf32> to vector<16xf32>
        %add3A_1817 = arith.addf %add3A_1808, %get3A_1816 : vector<16xf32>
        %get3A_1818 = arith.constant 0 : i32
        %get3A_1819 = arith.constant 9 : i32
        %get3A_1820 = arith.index_cast %get3A_1818 : i32 to index
        %get3A_1821 = arith.index_cast %scan3A_269 : i32 to index
        %get3A_1822 = arith.index_cast %get3A_1819 : i32 to index
        %get3A_1823 = arith.constant 80 : index
        %get3A_1824 = tpu.vector_load %arg5[%get3A_1820, %get3A_1821, %get3A_1822, %get3A_1823] {strides = array<i32>} : memref<2x8x32x128xf32, #tpu.memory_space<vmem>>, vector<1x1x1x16xf32>,
        %get3A_1825 = vector.shape_cast %get3A_1824 : vector<1x1x1x16xf32> to vector<16xf32>
        %add3A_1826 = arith.addf %add3A_1817, %get3A_1825 : vector<16xf32>
        %get3A_1827 = arith.constant 0 : i32
        %get3A_1828 = arith.constant 10 : i32
        %get3A_1829 = arith.index_cast %get3A_1827 : i32 to index
        %get3A_1830 = arith.index_cast %scan3A_269 : i32 to index
        %get3A_1831 = arith.index_cast %get3A_1828 : i32 to index
        %get3A_1832 = arith.constant 80 : index
        %get3A_1833 = tpu.vector_load %arg5[%get3A_1829, %get3A_1830, %get3A_1831, %get3A_1832] {strides = array<i32>} : memref<2x8x32x128xf32, #tpu.memory_space<vmem>>, vector<1x1x1x16xf32>,
        %get3A_1834 = vector.shape_cast %get3A_1833 : vector<1x1x1x16xf32> to vector<16xf32>
        %add3A_1835 = arith.addf %add3A_1826, %get3A_1834 : vector<16xf32>
        %get3A_1836 = arith.constant 0 : i32
        %get3A_1837 = arith.constant 11 : i32
        %get3A_1838 = arith.index_cast %get3A_1836 : i32 to index
        %get3A_1839 = arith.index_cast %scan3A_269 : i32 to index
        %get3A_1840 = arith.index_cast %get3A_1837 : i32 to index
        %get3A_1841 = arith.constant 80 : index
        %get3A_1842 = tpu.vector_load %arg5[%get3A_1838, %get3A_1839, %get3A_1840, %get3A_1841] {strides = array<i32>} : memref<2x8x32x128xf32, #tpu.memory_space<vmem>>, vector<1x1x1x16xf32>,
        %get3A_1843 = vector.shape_cast %get3A_1842 : vector<1x1x1x16xf32> to vector<16xf32>
        %add3A_1844 = arith.addf %add3A_1835, %get3A_1843 : vector<16xf32>
        %get3A_1845 = arith.constant 0 : i32
        %get3A_1846 = arith.constant 12 : i32
        %get3A_1847 = arith.index_cast %get3A_1845 : i32 to index
        %get3A_1848 = arith.index_cast %scan3A_269 : i32 to index
        %get3A_1849 = arith.index_cast %get3A_1846 : i32 to index
        %get3A_1850 = arith.constant 80 : index
        %get3A_1851 = tpu.vector_load %arg5[%get3A_1847, %get3A_1848, %get3A_1849, %get3A_1850] {strides = array<i32>} : memref<2x8x32x128xf32, #tpu.memory_space<vmem>>, vector<1x1x1x16xf32>,
        %get3A_1852 = vector.shape_cast %get3A_1851 : vector<1x1x1x16xf32> to vector<16xf32>
        %add3A_1853 = arith.addf %add3A_1844, %get3A_1852 : vector<16xf32>
        %get3A_1854 = arith.constant 0 : i32
        %get3A_1855 = arith.constant 13 : i32
        %get3A_1856 = arith.index_cast %get3A_1854 : i32 to index
        %get3A_1857 = arith.index_cast %scan3A_269 : i32 to index
        %get3A_1858 = arith.index_cast %get3A_1855 : i32 to index
        %get3A_1859 = arith.constant 80 : index
        %get3A_1860 = tpu.vector_load %arg5[%get3A_1856, %get3A_1857, %get3A_1858, %get3A_1859] {strides = array<i32>} : memref<2x8x32x128xf32, #tpu.memory_space<vmem>>, vector<1x1x1x16xf32>,
        %get3A_1861 = vector.shape_cast %get3A_1860 : vector<1x1x1x16xf32> to vector<16xf32>
        %add3A_1862 = arith.addf %add3A_1853, %get3A_1861 : vector<16xf32>
        %get3A_1863 = arith.constant 0 : i32
        %get3A_1864 = arith.constant 14 : i32
        %get3A_1865 = arith.index_cast %get3A_1863 : i32 to index
        %get3A_1866 = arith.index_cast %scan3A_269 : i32 to index
        %get3A_1867 = arith.index_cast %get3A_1864 : i32 to index
        %get3A_1868 = arith.constant 80 : index
        %get3A_1869 = tpu.vector_load %arg5[%get3A_1865, %get3A_1866, %get3A_1867, %get3A_1868] {strides = array<i32>} : memref<2x8x32x128xf32, #tpu.memory_space<vmem>>, vector<1x1x1x16xf32>,
        %get3A_1870 = vector.shape_cast %get3A_1869 : vector<1x1x1x16xf32> to vector<16xf32>
        %add3A_1871 = arith.addf %add3A_1862, %get3A_1870 : vector<16xf32>
        %get3A_1872 = arith.constant 0 : i32
        %get3A_1873 = arith.constant 15 : i32
        %get3A_1874 = arith.index_cast %get3A_1872 : i32 to index
        %get3A_1875 = arith.index_cast %scan3A_269 : i32 to index
        %get3A_1876 = arith.index_cast %get3A_1873 : i32 to index
        %get3A_1877 = arith.constant 80 : index
        %get3A_1878 = tpu.vector_load %arg5[%get3A_1874, %get3A_1875, %get3A_1876, %get3A_1877] {strides = array<i32>} : memref<2x8x32x128xf32, #tpu.memory_space<vmem>>, vector<1x1x1x16xf32>,
        %get3A_1879 = vector.shape_cast %get3A_1878 : vector<1x1x1x16xf32> to vector<16xf32>
        %add3A_1880 = arith.addf %add3A_1871, %get3A_1879 : vector<16xf32>
        %get3A_1881 = arith.constant 0 : i32
        %get3A_1882 = arith.constant 16 : i32
        %get3A_1883 = arith.index_cast %get3A_1881 : i32 to index
        %get3A_1884 = arith.index_cast %scan3A_269 : i32 to index
        %get3A_1885 = arith.index_cast %get3A_1882 : i32 to index
        %get3A_1886 = arith.constant 80 : index
        %get3A_1887 = tpu.vector_load %arg5[%get3A_1883, %get3A_1884, %get3A_1885, %get3A_1886] {strides = array<i32>} : memref<2x8x32x128xf32, #tpu.memory_space<vmem>>, vector<1x1x1x16xf32>,
        %get3A_1888 = vector.shape_cast %get3A_1887 : vector<1x1x1x16xf32> to vector<16xf32>
        %add3A_1889 = arith.addf %add3A_1880, %get3A_1888 : vector<16xf32>
        %get3A_1890 = arith.constant 0 : i32
        %get3A_1891 = arith.constant 17 : i32
        %get3A_1892 = arith.index_cast %get3A_1890 : i32 to index
        %get3A_1893 = arith.index_cast %scan3A_269 : i32 to index
        %get3A_1894 = arith.index_cast %get3A_1891 : i32 to index
        %get3A_1895 = arith.constant 80 : index
        %get3A_1896 = tpu.vector_load %arg5[%get3A_1892, %get3A_1893, %get3A_1894, %get3A_1895] {strides = array<i32>} : memref<2x8x32x128xf32, #tpu.memory_space<vmem>>, vector<1x1x1x16xf32>,
        %get3A_1897 = vector.shape_cast %get3A_1896 : vector<1x1x1x16xf32> to vector<16xf32>
        %add3A_1898 = arith.addf %add3A_1889, %get3A_1897 : vector<16xf32>
        %get3A_1899 = arith.constant 0 : i32
        %get3A_1900 = arith.constant 18 : i32
        %get3A_1901 = arith.index_cast %get3A_1899 : i32 to index
        %get3A_1902 = arith.index_cast %scan3A_269 : i32 to index
        %get3A_1903 = arith.index_cast %get3A_1900 : i32 to index
        %get3A_1904 = arith.constant 80 : index
        %get3A_1905 = tpu.vector_load %arg5[%get3A_1901, %get3A_1902, %get3A_1903, %get3A_1904] {strides = array<i32>} : memref<2x8x32x128xf32, #tpu.memory_space<vmem>>, vector<1x1x1x16xf32>,
        %get3A_1906 = vector.shape_cast %get3A_1905 : vector<1x1x1x16xf32> to vector<16xf32>
        %add3A_1907 = arith.addf %add3A_1898, %get3A_1906 : vector<16xf32>
        %get3A_1908 = arith.constant 0 : i32
        %get3A_1909 = arith.constant 19 : i32
        %get3A_1910 = arith.index_cast %get3A_1908 : i32 to index
        %get3A_1911 = arith.index_cast %scan3A_269 : i32 to index
        %get3A_1912 = arith.index_cast %get3A_1909 : i32 to index
        %get3A_1913 = arith.constant 80 : index
        %get3A_1914 = tpu.vector_load %arg5[%get3A_1910, %get3A_1911, %get3A_1912, %get3A_1913] {strides = array<i32>} : memref<2x8x32x128xf32, #tpu.memory_space<vmem>>, vector<1x1x1x16xf32>,
        %get3A_1915 = vector.shape_cast %get3A_1914 : vector<1x1x1x16xf32> to vector<16xf32>
        %add3A_1916 = arith.addf %add3A_1907, %get3A_1915 : vector<16xf32>
        %get3A_1917 = arith.constant 0 : i32
        %get3A_1918 = arith.constant 20 : i32
        %get3A_1919 = arith.index_cast %get3A_1917 : i32 to index
        %get3A_1920 = arith.index_cast %scan3A_269 : i32 to index
        %get3A_1921 = arith.index_cast %get3A_1918 : i32 to index
        %get3A_1922 = arith.constant 80 : index
        %get3A_1923 = tpu.vector_load %arg5[%get3A_1919, %get3A_1920, %get3A_1921, %get3A_1922] {strides = array<i32>} : memref<2x8x32x128xf32, #tpu.memory_space<vmem>>, vector<1x1x1x16xf32>,
        %get3A_1924 = vector.shape_cast %get3A_1923 : vector<1x1x1x16xf32> to vector<16xf32>
        %add3A_1925 = arith.addf %add3A_1916, %get3A_1924 : vector<16xf32>
        %get3A_1926 = arith.constant 0 : i32
        %get3A_1927 = arith.constant 21 : i32
        %get3A_1928 = arith.index_cast %get3A_1926 : i32 to index
        %get3A_1929 = arith.index_cast %scan3A_269 : i32 to index
        %get3A_1930 = arith.index_cast %get3A_1927 : i32 to index
        %get3A_1931 = arith.constant 80 : index
        %get3A_1932 = tpu.vector_load %arg5[%get3A_1928, %get3A_1929, %get3A_1930, %get3A_1931] {strides = array<i32>} : memref<2x8x32x128xf32, #tpu.memory_space<vmem>>, vector<1x1x1x16xf32>,
        %get3A_1933 = vector.shape_cast %get3A_1932 : vector<1x1x1x16xf32> to vector<16xf32>
        %add3A_1934 = arith.addf %add3A_1925, %get3A_1933 : vector<16xf32>
        %get3A_1935 = arith.constant 0 : i32
        %get3A_1936 = arith.constant 22 : i32
        %get3A_1937 = arith.index_cast %get3A_1935 : i32 to index
        %get3A_1938 = arith.index_cast %scan3A_269 : i32 to index
        %get3A_1939 = arith.index_cast %get3A_1936 : i32 to index
        %get3A_1940 = arith.constant 80 : index
        %get3A_1941 = tpu.vector_load %arg5[%get3A_1937, %get3A_1938, %get3A_1939, %get3A_1940] {strides = array<i32>} : memref<2x8x32x128xf32, #tpu.memory_space<vmem>>, vector<1x1x1x16xf32>,
        %get3A_1942 = vector.shape_cast %get3A_1941 : vector<1x1x1x16xf32> to vector<16xf32>
        %add3A_1943 = arith.addf %add3A_1934, %get3A_1942 : vector<16xf32>
        %get3A_1944 = arith.constant 0 : i32
        %get3A_1945 = arith.constant 23 : i32
        %get3A_1946 = arith.index_cast %get3A_1944 : i32 to index
        %get3A_1947 = arith.index_cast %scan3A_269 : i32 to index
        %get3A_1948 = arith.index_cast %get3A_1945 : i32 to index
        %get3A_1949 = arith.constant 80 : index
        %get3A_1950 = tpu.vector_load %arg5[%get3A_1946, %get3A_1947, %get3A_1948, %get3A_1949] {strides = array<i32>} : memref<2x8x32x128xf32, #tpu.memory_space<vmem>>, vector<1x1x1x16xf32>,
        %get3A_1951 = vector.shape_cast %get3A_1950 : vector<1x1x1x16xf32> to vector<16xf32>
        %add3A_1952 = arith.addf %add3A_1943, %get3A_1951 : vector<16xf32>
        %get3A_1953 = arith.constant 0 : i32
        %get3A_1954 = arith.constant 24 : i32
        %get3A_1955 = arith.index_cast %get3A_1953 : i32 to index
        %get3A_1956 = arith.index_cast %scan3A_269 : i32 to index
        %get3A_1957 = arith.index_cast %get3A_1954 : i32 to index
        %get3A_1958 = arith.constant 80 : index
        %get3A_1959 = tpu.vector_load %arg5[%get3A_1955, %get3A_1956, %get3A_1957, %get3A_1958] {strides = array<i32>} : memref<2x8x32x128xf32, #tpu.memory_space<vmem>>, vector<1x1x1x16xf32>,
        %get3A_1960 = vector.shape_cast %get3A_1959 : vector<1x1x1x16xf32> to vector<16xf32>
        %add3A_1961 = arith.addf %add3A_1952, %get3A_1960 : vector<16xf32>
        %get3A_1962 = arith.constant 0 : i32
        %get3A_1963 = arith.constant 25 : i32
        %get3A_1964 = arith.index_cast %get3A_1962 : i32 to index
        %get3A_1965 = arith.index_cast %scan3A_269 : i32 to index
        %get3A_1966 = arith.index_cast %get3A_1963 : i32 to index
        %get3A_1967 = arith.constant 80 : index
        %get3A_1968 = tpu.vector_load %arg5[%get3A_1964, %get3A_1965, %get3A_1966, %get3A_1967] {strides = array<i32>} : memref<2x8x32x128xf32, #tpu.memory_space<vmem>>, vector<1x1x1x16xf32>,
        %get3A_1969 = vector.shape_cast %get3A_1968 : vector<1x1x1x16xf32> to vector<16xf32>
        %add3A_1970 = arith.addf %add3A_1961, %get3A_1969 : vector<16xf32>
        %get3A_1971 = arith.constant 0 : i32
        %get3A_1972 = arith.constant 26 : i32
        %get3A_1973 = arith.index_cast %get3A_1971 : i32 to index
        %get3A_1974 = arith.index_cast %scan3A_269 : i32 to index
        %get3A_1975 = arith.index_cast %get3A_1972 : i32 to index
        %get3A_1976 = arith.constant 80 : index
        %get3A_1977 = tpu.vector_load %arg5[%get3A_1973, %get3A_1974, %get3A_1975, %get3A_1976] {strides = array<i32>} : memref<2x8x32x128xf32, #tpu.memory_space<vmem>>, vector<1x1x1x16xf32>,
        %get3A_1978 = vector.shape_cast %get3A_1977 : vector<1x1x1x16xf32> to vector<16xf32>
        %add3A_1979 = arith.addf %add3A_1970, %get3A_1978 : vector<16xf32>
        %get3A_1980 = arith.constant 0 : i32
        %get3A_1981 = arith.constant 27 : i32
        %get3A_1982 = arith.index_cast %get3A_1980 : i32 to index
        %get3A_1983 = arith.index_cast %scan3A_269 : i32 to index
        %get3A_1984 = arith.index_cast %get3A_1981 : i32 to index
        %get3A_1985 = arith.constant 80 : index
        %get3A_1986 = tpu.vector_load %arg5[%get3A_1982, %get3A_1983, %get3A_1984, %get3A_1985] {strides = array<i32>} : memref<2x8x32x128xf32, #tpu.memory_space<vmem>>, vector<1x1x1x16xf32>,
        %get3A_1987 = vector.shape_cast %get3A_1986 : vector<1x1x1x16xf32> to vector<16xf32>
        %add3A_1988 = arith.addf %add3A_1979, %get3A_1987 : vector<16xf32>
        %get3A_1989 = arith.constant 0 : i32
        %get3A_1990 = arith.constant 28 : i32
        %get3A_1991 = arith.index_cast %get3A_1989 : i32 to index
        %get3A_1992 = arith.index_cast %scan3A_269 : i32 to index
        %get3A_1993 = arith.index_cast %get3A_1990 : i32 to index
        %get3A_1994 = arith.constant 80 : index
        %get3A_1995 = tpu.vector_load %arg5[%get3A_1991, %get3A_1992, %get3A_1993, %get3A_1994] {strides = array<i32>} : memref<2x8x32x128xf32, #tpu.memory_space<vmem>>, vector<1x1x1x16xf32>,
        %get3A_1996 = vector.shape_cast %get3A_1995 : vector<1x1x1x16xf32> to vector<16xf32>
        %add3A_1997 = arith.addf %add3A_1988, %get3A_1996 : vector<16xf32>
        %get3A_1998 = arith.constant 0 : i32
        %get3A_1999 = arith.constant 29 : i32
        %get3A_2000 = arith.index_cast %get3A_1998 : i32 to index
        %get3A_2001 = arith.index_cast %scan3A_269 : i32 to index
        %get3A_2002 = arith.index_cast %get3A_1999 : i32 to index
        %get3A_2003 = arith.constant 80 : index
        %get3A_2004 = tpu.vector_load %arg5[%get3A_2000, %get3A_2001, %get3A_2002, %get3A_2003] {strides = array<i32>} : memref<2x8x32x128xf32, #tpu.memory_space<vmem>>, vector<1x1x1x16xf32>,
        %get3A_2005 = vector.shape_cast %get3A_2004 : vector<1x1x1x16xf32> to vector<16xf32>
        %add3A_2006 = arith.addf %add3A_1997, %get3A_2005 : vector<16xf32>
        %get3A_2007 = arith.constant 0 : i32
        %get3A_2008 = arith.constant 30 : i32
        %get3A_2009 = arith.index_cast %get3A_2007 : i32 to index
        %get3A_2010 = arith.index_cast %scan3A_269 : i32 to index
        %get3A_2011 = arith.index_cast %get3A_2008 : i32 to index
        %get3A_2012 = arith.constant 80 : index
        %get3A_2013 = tpu.vector_load %arg5[%get3A_2009, %get3A_2010, %get3A_2011, %get3A_2012] {strides = array<i32>} : memref<2x8x32x128xf32, #tpu.memory_space<vmem>>, vector<1x1x1x16xf32>,
        %get3A_2014 = vector.shape_cast %get3A_2013 : vector<1x1x1x16xf32> to vector<16xf32>
        %add3A_2015 = arith.addf %add3A_2006, %get3A_2014 : vector<16xf32>
        %get3A_2016 = arith.constant 0 : i32
        %get3A_2017 = arith.constant 31 : i32
        %get3A_2018 = arith.index_cast %get3A_2016 : i32 to index
        %get3A_2019 = arith.index_cast %scan3A_269 : i32 to index
        %get3A_2020 = arith.index_cast %get3A_2017 : i32 to index
        %get3A_2021 = arith.constant 80 : index
        %get3A_2022 = tpu.vector_load %arg5[%get3A_2018, %get3A_2019, %get3A_2020, %get3A_2021] {strides = array<i32>} : memref<2x8x32x128xf32, #tpu.memory_space<vmem>>, vector<1x1x1x16xf32>,
        %get3A_2023 = vector.shape_cast %get3A_2022 : vector<1x1x1x16xf32> to vector<16xf32>
        %add3A_2024 = arith.addf %add3A_2015, %get3A_2023 : vector<16xf32>
        %swap3A_2025 = arith.constant 0 : i32
        %swap3A_2026 = arith.index_cast %swap3A_2025 : i32 to index
        %swap3A_2027 = arith.index_cast %scan3A_269 : i32 to index
        %swap3A_2028 = arith.constant 80 : index
        %swap3A_2029 = tpu.vector_load %arg6[%swap3A_2026, %swap3A_2027, %swap3A_2028] {strides = array<i32>} : memref<2x8x128xf32, #tpu.memory_space<vmem>>, vector<1x1x16xf32>,
        %swap3A_2030 = vector.shape_cast %swap3A_2029 : vector<1x1x16xf32> to vector<16xf32>
        %swap3A_2031 = vector.shape_cast %add3A_2024 : vector<16xf32> to vector<1x1x16xf32>
        tpu.vector_store %arg6[%swap3A_2026, %swap3A_2027, %swap3A_2028], %swap3A_2031 {strides = array<i32>} : memref<2x8x128xf32, #tpu.memory_space<vmem>>, vector<1x1x16xf32>,
        %get3A_2032 = arith.constant 0 : i32
        %get3A_2033 = arith.constant 0 : i32
        %get3A_2034 = arith.index_cast %get3A_2032 : i32 to index
        %get3A_2035 = arith.index_cast %scan3A_269 : i32 to index
        %get3A_2036 = arith.index_cast %get3A_2033 : i32 to index
        %get3A_2037 = arith.constant 96 : index
        %get3A_2038 = tpu.vector_load %arg5[%get3A_2034, %get3A_2035, %get3A_2036, %get3A_2037] {strides = array<i32>} : memref<2x8x32x128xf32, #tpu.memory_space<vmem>>, vector<1x1x1x16xf32>,
        %get3A_2039 = vector.shape_cast %get3A_2038 : vector<1x1x1x16xf32> to vector<16xf32>
        %get3A_2040 = arith.constant 0 : i32
        %get3A_2041 = arith.constant 1 : i32
        %get3A_2042 = arith.index_cast %get3A_2040 : i32 to index
        %get3A_2043 = arith.index_cast %scan3A_269 : i32 to index
        %get3A_2044 = arith.index_cast %get3A_2041 : i32 to index
        %get3A_2045 = arith.constant 96 : index
        %get3A_2046 = tpu.vector_load %arg5[%get3A_2042, %get3A_2043, %get3A_2044, %get3A_2045] {strides = array<i32>} : memref<2x8x32x128xf32, #tpu.memory_space<vmem>>, vector<1x1x1x16xf32>,
        %get3A_2047 = vector.shape_cast %get3A_2046 : vector<1x1x1x16xf32> to vector<16xf32>
        %add3A_2048 = arith.addf %get3A_2039, %get3A_2047 : vector<16xf32>
        %get3A_2049 = arith.constant 0 : i32
        %get3A_2050 = arith.constant 2 : i32
        %get3A_2051 = arith.index_cast %get3A_2049 : i32 to index
        %get3A_2052 = arith.index_cast %scan3A_269 : i32 to index
        %get3A_2053 = arith.index_cast %get3A_2050 : i32 to index
        %get3A_2054 = arith.constant 96 : index
        %get3A_2055 = tpu.vector_load %arg5[%get3A_2051, %get3A_2052, %get3A_2053, %get3A_2054] {strides = array<i32>} : memref<2x8x32x128xf32, #tpu.memory_space<vmem>>, vector<1x1x1x16xf32>,
        %get3A_2056 = vector.shape_cast %get3A_2055 : vector<1x1x1x16xf32> to vector<16xf32>
        %add3A_2057 = arith.addf %add3A_2048, %get3A_2056 : vector<16xf32>
        %get3A_2058 = arith.constant 0 : i32
        %get3A_2059 = arith.constant 3 : i32
        %get3A_2060 = arith.index_cast %get3A_2058 : i32 to index
        %get3A_2061 = arith.index_cast %scan3A_269 : i32 to index
        %get3A_2062 = arith.index_cast %get3A_2059 : i32 to index
        %get3A_2063 = arith.constant 96 : index
        %get3A_2064 = tpu.vector_load %arg5[%get3A_2060, %get3A_2061, %get3A_2062, %get3A_2063] {strides = array<i32>} : memref<2x8x32x128xf32, #tpu.memory_space<vmem>>, vector<1x1x1x16xf32>,
        %get3A_2065 = vector.shape_cast %get3A_2064 : vector<1x1x1x16xf32> to vector<16xf32>
        %add3A_2066 = arith.addf %add3A_2057, %get3A_2065 : vector<16xf32>
        %get3A_2067 = arith.constant 0 : i32
        %get3A_2068 = arith.constant 4 : i32
        %get3A_2069 = arith.index_cast %get3A_2067 : i32 to index
        %get3A_2070 = arith.index_cast %scan3A_269 : i32 to index
        %get3A_2071 = arith.index_cast %get3A_2068 : i32 to index
        %get3A_2072 = arith.constant 96 : index
        %get3A_2073 = tpu.vector_load %arg5[%get3A_2069, %get3A_2070, %get3A_2071, %get3A_2072] {strides = array<i32>} : memref<2x8x32x128xf32, #tpu.memory_space<vmem>>, vector<1x1x1x16xf32>,
        %get3A_2074 = vector.shape_cast %get3A_2073 : vector<1x1x1x16xf32> to vector<16xf32>
        %add3A_2075 = arith.addf %add3A_2066, %get3A_2074 : vector<16xf32>
        %get3A_2076 = arith.constant 0 : i32
        %get3A_2077 = arith.constant 5 : i32
        %get3A_2078 = arith.index_cast %get3A_2076 : i32 to index
        %get3A_2079 = arith.index_cast %scan3A_269 : i32 to index
        %get3A_2080 = arith.index_cast %get3A_2077 : i32 to index
        %get3A_2081 = arith.constant 96 : index
        %get3A_2082 = tpu.vector_load %arg5[%get3A_2078, %get3A_2079, %get3A_2080, %get3A_2081] {strides = array<i32>} : memref<2x8x32x128xf32, #tpu.memory_space<vmem>>, vector<1x1x1x16xf32>,
        %get3A_2083 = vector.shape_cast %get3A_2082 : vector<1x1x1x16xf32> to vector<16xf32>
        %add3A_2084 = arith.addf %add3A_2075, %get3A_2083 : vector<16xf32>
        %get3A_2085 = arith.constant 0 : i32
        %get3A_2086 = arith.constant 6 : i32
        %get3A_2087 = arith.index_cast %get3A_2085 : i32 to index
        %get3A_2088 = arith.index_cast %scan3A_269 : i32 to index
        %get3A_2089 = arith.index_cast %get3A_2086 : i32 to index
        %get3A_2090 = arith.constant 96 : index
        %get3A_2091 = tpu.vector_load %arg5[%get3A_2087, %get3A_2088, %get3A_2089, %get3A_2090] {strides = array<i32>} : memref<2x8x32x128xf32, #tpu.memory_space<vmem>>, vector<1x1x1x16xf32>,
        %get3A_2092 = vector.shape_cast %get3A_2091 : vector<1x1x1x16xf32> to vector<16xf32>
        %add3A_2093 = arith.addf %add3A_2084, %get3A_2092 : vector<16xf32>
        %get3A_2094 = arith.constant 0 : i32
        %get3A_2095 = arith.constant 7 : i32
        %get3A_2096 = arith.index_cast %get3A_2094 : i32 to index
        %get3A_2097 = arith.index_cast %scan3A_269 : i32 to index
        %get3A_2098 = arith.index_cast %get3A_2095 : i32 to index
        %get3A_2099 = arith.constant 96 : index
        %get3A_2100 = tpu.vector_load %arg5[%get3A_2096, %get3A_2097, %get3A_2098, %get3A_2099] {strides = array<i32>} : memref<2x8x32x128xf32, #tpu.memory_space<vmem>>, vector<1x1x1x16xf32>,
        %get3A_2101 = vector.shape_cast %get3A_2100 : vector<1x1x1x16xf32> to vector<16xf32>
        %add3A_2102 = arith.addf %add3A_2093, %get3A_2101 : vector<16xf32>
        %get3A_2103 = arith.constant 0 : i32
        %get3A_2104 = arith.constant 8 : i32
        %get3A_2105 = arith.index_cast %get3A_2103 : i32 to index
        %get3A_2106 = arith.index_cast %scan3A_269 : i32 to index
        %get3A_2107 = arith.index_cast %get3A_2104 : i32 to index
        %get3A_2108 = arith.constant 96 : index
        %get3A_2109 = tpu.vector_load %arg5[%get3A_2105, %get3A_2106, %get3A_2107, %get3A_2108] {strides = array<i32>} : memref<2x8x32x128xf32, #tpu.memory_space<vmem>>, vector<1x1x1x16xf32>,
        %get3A_2110 = vector.shape_cast %get3A_2109 : vector<1x1x1x16xf32> to vector<16xf32>
        %add3A_2111 = arith.addf %add3A_2102, %get3A_2110 : vector<16xf32>
        %get3A_2112 = arith.constant 0 : i32
        %get3A_2113 = arith.constant 9 : i32
        %get3A_2114 = arith.index_cast %get3A_2112 : i32 to index
        %get3A_2115 = arith.index_cast %scan3A_269 : i32 to index
        %get3A_2116 = arith.index_cast %get3A_2113 : i32 to index
        %get3A_2117 = arith.constant 96 : index
        %get3A_2118 = tpu.vector_load %arg5[%get3A_2114, %get3A_2115, %get3A_2116, %get3A_2117] {strides = array<i32>} : memref<2x8x32x128xf32, #tpu.memory_space<vmem>>, vector<1x1x1x16xf32>,
        %get3A_2119 = vector.shape_cast %get3A_2118 : vector<1x1x1x16xf32> to vector<16xf32>
        %add3A_2120 = arith.addf %add3A_2111, %get3A_2119 : vector<16xf32>
        %get3A_2121 = arith.constant 0 : i32
        %get3A_2122 = arith.constant 10 : i32
        %get3A_2123 = arith.index_cast %get3A_2121 : i32 to index
        %get3A_2124 = arith.index_cast %scan3A_269 : i32 to index
        %get3A_2125 = arith.index_cast %get3A_2122 : i32 to index
        %get3A_2126 = arith.constant 96 : index
        %get3A_2127 = tpu.vector_load %arg5[%get3A_2123, %get3A_2124, %get3A_2125, %get3A_2126] {strides = array<i32>} : memref<2x8x32x128xf32, #tpu.memory_space<vmem>>, vector<1x1x1x16xf32>,
        %get3A_2128 = vector.shape_cast %get3A_2127 : vector<1x1x1x16xf32> to vector<16xf32>
        %add3A_2129 = arith.addf %add3A_2120, %get3A_2128 : vector<16xf32>
        %get3A_2130 = arith.constant 0 : i32
        %get3A_2131 = arith.constant 11 : i32
        %get3A_2132 = arith.index_cast %get3A_2130 : i32 to index
        %get3A_2133 = arith.index_cast %scan3A_269 : i32 to index
        %get3A_2134 = arith.index_cast %get3A_2131 : i32 to index
        %get3A_2135 = arith.constant 96 : index
        %get3A_2136 = tpu.vector_load %arg5[%get3A_2132, %get3A_2133, %get3A_2134, %get3A_2135] {strides = array<i32>} : memref<2x8x32x128xf32, #tpu.memory_space<vmem>>, vector<1x1x1x16xf32>,
        %get3A_2137 = vector.shape_cast %get3A_2136 : vector<1x1x1x16xf32> to vector<16xf32>
        %add3A_2138 = arith.addf %add3A_2129, %get3A_2137 : vector<16xf32>
        %get3A_2139 = arith.constant 0 : i32
        %get3A_2140 = arith.constant 12 : i32
        %get3A_2141 = arith.index_cast %get3A_2139 : i32 to index
        %get3A_2142 = arith.index_cast %scan3A_269 : i32 to index
        %get3A_2143 = arith.index_cast %get3A_2140 : i32 to index
        %get3A_2144 = arith.constant 96 : index
        %get3A_2145 = tpu.vector_load %arg5[%get3A_2141, %get3A_2142, %get3A_2143, %get3A_2144] {strides = array<i32>} : memref<2x8x32x128xf32, #tpu.memory_space<vmem>>, vector<1x1x1x16xf32>,
        %get3A_2146 = vector.shape_cast %get3A_2145 : vector<1x1x1x16xf32> to vector<16xf32>
        %add3A_2147 = arith.addf %add3A_2138, %get3A_2146 : vector<16xf32>
        %get3A_2148 = arith.constant 0 : i32
        %get3A_2149 = arith.constant 13 : i32
        %get3A_2150 = arith.index_cast %get3A_2148 : i32 to index
        %get3A_2151 = arith.index_cast %scan3A_269 : i32 to index
        %get3A_2152 = arith.index_cast %get3A_2149 : i32 to index
        %get3A_2153 = arith.constant 96 : index
        %get3A_2154 = tpu.vector_load %arg5[%get3A_2150, %get3A_2151, %get3A_2152, %get3A_2153] {strides = array<i32>} : memref<2x8x32x128xf32, #tpu.memory_space<vmem>>, vector<1x1x1x16xf32>,
        %get3A_2155 = vector.shape_cast %get3A_2154 : vector<1x1x1x16xf32> to vector<16xf32>
        %add3A_2156 = arith.addf %add3A_2147, %get3A_2155 : vector<16xf32>
        %get3A_2157 = arith.constant 0 : i32
        %get3A_2158 = arith.constant 14 : i32
        %get3A_2159 = arith.index_cast %get3A_2157 : i32 to index
        %get3A_2160 = arith.index_cast %scan3A_269 : i32 to index
        %get3A_2161 = arith.index_cast %get3A_2158 : i32 to index
        %get3A_2162 = arith.constant 96 : index
        %get3A_2163 = tpu.vector_load %arg5[%get3A_2159, %get3A_2160, %get3A_2161, %get3A_2162] {strides = array<i32>} : memref<2x8x32x128xf32, #tpu.memory_space<vmem>>, vector<1x1x1x16xf32>,
        %get3A_2164 = vector.shape_cast %get3A_2163 : vector<1x1x1x16xf32> to vector<16xf32>
        %add3A_2165 = arith.addf %add3A_2156, %get3A_2164 : vector<16xf32>
        %get3A_2166 = arith.constant 0 : i32
        %get3A_2167 = arith.constant 15 : i32
        %get3A_2168 = arith.index_cast %get3A_2166 : i32 to index
        %get3A_2169 = arith.index_cast %scan3A_269 : i32 to index
        %get3A_2170 = arith.index_cast %get3A_2167 : i32 to index
        %get3A_2171 = arith.constant 96 : index
        %get3A_2172 = tpu.vector_load %arg5[%get3A_2168, %get3A_2169, %get3A_2170, %get3A_2171] {strides = array<i32>} : memref<2x8x32x128xf32, #tpu.memory_space<vmem>>, vector<1x1x1x16xf32>,
        %get3A_2173 = vector.shape_cast %get3A_2172 : vector<1x1x1x16xf32> to vector<16xf32>
        %add3A_2174 = arith.addf %add3A_2165, %get3A_2173 : vector<16xf32>
        %get3A_2175 = arith.constant 0 : i32
        %get3A_2176 = arith.constant 16 : i32
        %get3A_2177 = arith.index_cast %get3A_2175 : i32 to index
        %get3A_2178 = arith.index_cast %scan3A_269 : i32 to index
        %get3A_2179 = arith.index_cast %get3A_2176 : i32 to index
        %get3A_2180 = arith.constant 96 : index
        %get3A_2181 = tpu.vector_load %arg5[%get3A_2177, %get3A_2178, %get3A_2179, %get3A_2180] {strides = array<i32>} : memref<2x8x32x128xf32, #tpu.memory_space<vmem>>, vector<1x1x1x16xf32>,
        %get3A_2182 = vector.shape_cast %get3A_2181 : vector<1x1x1x16xf32> to vector<16xf32>
        %add3A_2183 = arith.addf %add3A_2174, %get3A_2182 : vector<16xf32>
        %get3A_2184 = arith.constant 0 : i32
        %get3A_2185 = arith.constant 17 : i32
        %get3A_2186 = arith.index_cast %get3A_2184 : i32 to index
        %get3A_2187 = arith.index_cast %scan3A_269 : i32 to index
        %get3A_2188 = arith.index_cast %get3A_2185 : i32 to index
        %get3A_2189 = arith.constant 96 : index
        %get3A_2190 = tpu.vector_load %arg5[%get3A_2186, %get3A_2187, %get3A_2188, %get3A_2189] {strides = array<i32>} : memref<2x8x32x128xf32, #tpu.memory_space<vmem>>, vector<1x1x1x16xf32>,
        %get3A_2191 = vector.shape_cast %get3A_2190 : vector<1x1x1x16xf32> to vector<16xf32>
        %add3A_2192 = arith.addf %add3A_2183, %get3A_2191 : vector<16xf32>
        %get3A_2193 = arith.constant 0 : i32
        %get3A_2194 = arith.constant 18 : i32
        %get3A_2195 = arith.index_cast %get3A_2193 : i32 to index
        %get3A_2196 = arith.index_cast %scan3A_269 : i32 to index
        %get3A_2197 = arith.index_cast %get3A_2194 : i32 to index
        %get3A_2198 = arith.constant 96 : index
        %get3A_2199 = tpu.vector_load %arg5[%get3A_2195, %get3A_2196, %get3A_2197, %get3A_2198] {strides = array<i32>} : memref<2x8x32x128xf32, #tpu.memory_space<vmem>>, vector<1x1x1x16xf32>,
        %get3A_2200 = vector.shape_cast %get3A_2199 : vector<1x1x1x16xf32> to vector<16xf32>
        %add3A_2201 = arith.addf %add3A_2192, %get3A_2200 : vector<16xf32>
        %get3A_2202 = arith.constant 0 : i32
        %get3A_2203 = arith.constant 19 : i32
        %get3A_2204 = arith.index_cast %get3A_2202 : i32 to index
        %get3A_2205 = arith.index_cast %scan3A_269 : i32 to index
        %get3A_2206 = arith.index_cast %get3A_2203 : i32 to index
        %get3A_2207 = arith.constant 96 : index
        %get3A_2208 = tpu.vector_load %arg5[%get3A_2204, %get3A_2205, %get3A_2206, %get3A_2207] {strides = array<i32>} : memref<2x8x32x128xf32, #tpu.memory_space<vmem>>, vector<1x1x1x16xf32>,
        %get3A_2209 = vector.shape_cast %get3A_2208 : vector<1x1x1x16xf32> to vector<16xf32>
        %add3A_2210 = arith.addf %add3A_2201, %get3A_2209 : vector<16xf32>
        %get3A_2211 = arith.constant 0 : i32
        %get3A_2212 = arith.constant 20 : i32
        %get3A_2213 = arith.index_cast %get3A_2211 : i32 to index
        %get3A_2214 = arith.index_cast %scan3A_269 : i32 to index
        %get3A_2215 = arith.index_cast %get3A_2212 : i32 to index
        %get3A_2216 = arith.constant 96 : index
        %get3A_2217 = tpu.vector_load %arg5[%get3A_2213, %get3A_2214, %get3A_2215, %get3A_2216] {strides = array<i32>} : memref<2x8x32x128xf32, #tpu.memory_space<vmem>>, vector<1x1x1x16xf32>,
        %get3A_2218 = vector.shape_cast %get3A_2217 : vector<1x1x1x16xf32> to vector<16xf32>
        %add3A_2219 = arith.addf %add3A_2210, %get3A_2218 : vector<16xf32>
        %get3A_2220 = arith.constant 0 : i32
        %get3A_2221 = arith.constant 21 : i32
        %get3A_2222 = arith.index_cast %get3A_2220 : i32 to index
        %get3A_2223 = arith.index_cast %scan3A_269 : i32 to index
        %get3A_2224 = arith.index_cast %get3A_2221 : i32 to index
        %get3A_2225 = arith.constant 96 : index
        %get3A_2226 = tpu.vector_load %arg5[%get3A_2222, %get3A_2223, %get3A_2224, %get3A_2225] {strides = array<i32>} : memref<2x8x32x128xf32, #tpu.memory_space<vmem>>, vector<1x1x1x16xf32>,
        %get3A_2227 = vector.shape_cast %get3A_2226 : vector<1x1x1x16xf32> to vector<16xf32>
        %add3A_2228 = arith.addf %add3A_2219, %get3A_2227 : vector<16xf32>
        %get3A_2229 = arith.constant 0 : i32
        %get3A_2230 = arith.constant 22 : i32
        %get3A_2231 = arith.index_cast %get3A_2229 : i32 to index
        %get3A_2232 = arith.index_cast %scan3A_269 : i32 to index
        %get3A_2233 = arith.index_cast %get3A_2230 : i32 to index
        %get3A_2234 = arith.constant 96 : index
        %get3A_2235 = tpu.vector_load %arg5[%get3A_2231, %get3A_2232, %get3A_2233, %get3A_2234] {strides = array<i32>} : memref<2x8x32x128xf32, #tpu.memory_space<vmem>>, vector<1x1x1x16xf32>,
        %get3A_2236 = vector.shape_cast %get3A_2235 : vector<1x1x1x16xf32> to vector<16xf32>
        %add3A_2237 = arith.addf %add3A_2228, %get3A_2236 : vector<16xf32>
        %get3A_2238 = arith.constant 0 : i32
        %get3A_2239 = arith.constant 23 : i32
        %get3A_2240 = arith.index_cast %get3A_2238 : i32 to index
        %get3A_2241 = arith.index_cast %scan3A_269 : i32 to index
        %get3A_2242 = arith.index_cast %get3A_2239 : i32 to index
        %get3A_2243 = arith.constant 96 : index
        %get3A_2244 = tpu.vector_load %arg5[%get3A_2240, %get3A_2241, %get3A_2242, %get3A_2243] {strides = array<i32>} : memref<2x8x32x128xf32, #tpu.memory_space<vmem>>, vector<1x1x1x16xf32>,
        %get3A_2245 = vector.shape_cast %get3A_2244 : vector<1x1x1x16xf32> to vector<16xf32>
        %add3A_2246 = arith.addf %add3A_2237, %get3A_2245 : vector<16xf32>
        %get3A_2247 = arith.constant 0 : i32
        %get3A_2248 = arith.constant 24 : i32
        %get3A_2249 = arith.index_cast %get3A_2247 : i32 to index
        %get3A_2250 = arith.index_cast %scan3A_269 : i32 to index
        %get3A_2251 = arith.index_cast %get3A_2248 : i32 to index
        %get3A_2252 = arith.constant 96 : index
        %get3A_2253 = tpu.vector_load %arg5[%get3A_2249, %get3A_2250, %get3A_2251, %get3A_2252] {strides = array<i32>} : memref<2x8x32x128xf32, #tpu.memory_space<vmem>>, vector<1x1x1x16xf32>,
        %get3A_2254 = vector.shape_cast %get3A_2253 : vector<1x1x1x16xf32> to vector<16xf32>
        %add3A_2255 = arith.addf %add3A_2246, %get3A_2254 : vector<16xf32>
        %get3A_2256 = arith.constant 0 : i32
        %get3A_2257 = arith.constant 25 : i32
        %get3A_2258 = arith.index_cast %get3A_2256 : i32 to index
        %get3A_2259 = arith.index_cast %scan3A_269 : i32 to index
        %get3A_2260 = arith.index_cast %get3A_2257 : i32 to index
        %get3A_2261 = arith.constant 96 : index
        %get3A_2262 = tpu.vector_load %arg5[%get3A_2258, %get3A_2259, %get3A_2260, %get3A_2261] {strides = array<i32>} : memref<2x8x32x128xf32, #tpu.memory_space<vmem>>, vector<1x1x1x16xf32>,
        %get3A_2263 = vector.shape_cast %get3A_2262 : vector<1x1x1x16xf32> to vector<16xf32>
        %add3A_2264 = arith.addf %add3A_2255, %get3A_2263 : vector<16xf32>
        %get3A_2265 = arith.constant 0 : i32
        %get3A_2266 = arith.constant 26 : i32
        %get3A_2267 = arith.index_cast %get3A_2265 : i32 to index
        %get3A_2268 = arith.index_cast %scan3A_269 : i32 to index
        %get3A_2269 = arith.index_cast %get3A_2266 : i32 to index
        %get3A_2270 = arith.constant 96 : index
        %get3A_2271 = tpu.vector_load %arg5[%get3A_2267, %get3A_2268, %get3A_2269, %get3A_2270] {strides = array<i32>} : memref<2x8x32x128xf32, #tpu.memory_space<vmem>>, vector<1x1x1x16xf32>,
        %get3A_2272 = vector.shape_cast %get3A_2271 : vector<1x1x1x16xf32> to vector<16xf32>
        %add3A_2273 = arith.addf %add3A_2264, %get3A_2272 : vector<16xf32>
        %get3A_2274 = arith.constant 0 : i32
        %get3A_2275 = arith.constant 27 : i32
        %get3A_2276 = arith.index_cast %get3A_2274 : i32 to index
        %get3A_2277 = arith.index_cast %scan3A_269 : i32 to index
        %get3A_2278 = arith.index_cast %get3A_2275 : i32 to index
        %get3A_2279 = arith.constant 96 : index
        %get3A_2280 = tpu.vector_load %arg5[%get3A_2276, %get3A_2277, %get3A_2278, %get3A_2279] {strides = array<i32>} : memref<2x8x32x128xf32, #tpu.memory_space<vmem>>, vector<1x1x1x16xf32>,
        %get3A_2281 = vector.shape_cast %get3A_2280 : vector<1x1x1x16xf32> to vector<16xf32>
        %add3A_2282 = arith.addf %add3A_2273, %get3A_2281 : vector<16xf32>
        %get3A_2283 = arith.constant 0 : i32
        %get3A_2284 = arith.constant 28 : i32
        %get3A_2285 = arith.index_cast %get3A_2283 : i32 to index
        %get3A_2286 = arith.index_cast %scan3A_269 : i32 to index
        %get3A_2287 = arith.index_cast %get3A_2284 : i32 to index
        %get3A_2288 = arith.constant 96 : index
        %get3A_2289 = tpu.vector_load %arg5[%get3A_2285, %get3A_2286, %get3A_2287, %get3A_2288] {strides = array<i32>} : memref<2x8x32x128xf32, #tpu.memory_space<vmem>>, vector<1x1x1x16xf32>,
        %get3A_2290 = vector.shape_cast %get3A_2289 : vector<1x1x1x16xf32> to vector<16xf32>
        %add3A_2291 = arith.addf %add3A_2282, %get3A_2290 : vector<16xf32>
        %get3A_2292 = arith.constant 0 : i32
        %get3A_2293 = arith.constant 29 : i32
        %get3A_2294 = arith.index_cast %get3A_2292 : i32 to index
        %get3A_2295 = arith.index_cast %scan3A_269 : i32 to index
        %get3A_2296 = arith.index_cast %get3A_2293 : i32 to index
        %get3A_2297 = arith.constant 96 : index
        %get3A_2298 = tpu.vector_load %arg5[%get3A_2294, %get3A_2295, %get3A_2296, %get3A_2297] {strides = array<i32>} : memref<2x8x32x128xf32, #tpu.memory_space<vmem>>, vector<1x1x1x16xf32>,
        %get3A_2299 = vector.shape_cast %get3A_2298 : vector<1x1x1x16xf32> to vector<16xf32>
        %add3A_2300 = arith.addf %add3A_2291, %get3A_2299 : vector<16xf32>
        %get3A_2301 = arith.constant 0 : i32
        %get3A_2302 = arith.constant 30 : i32
        %get3A_2303 = arith.index_cast %get3A_2301 : i32 to index
        %get3A_2304 = arith.index_cast %scan3A_269 : i32 to index
        %get3A_2305 = arith.index_cast %get3A_2302 : i32 to index
        %get3A_2306 = arith.constant 96 : index
        %get3A_2307 = tpu.vector_load %arg5[%get3A_2303, %get3A_2304, %get3A_2305, %get3A_2306] {strides = array<i32>} : memref<2x8x32x128xf32, #tpu.memory_space<vmem>>, vector<1x1x1x16xf32>,
        %get3A_2308 = vector.shape_cast %get3A_2307 : vector<1x1x1x16xf32> to vector<16xf32>
        %add3A_2309 = arith.addf %add3A_2300, %get3A_2308 : vector<16xf32>
        %get3A_2310 = arith.constant 0 : i32
        %get3A_2311 = arith.constant 31 : i32
        %get3A_2312 = arith.index_cast %get3A_2310 : i32 to index
        %get3A_2313 = arith.index_cast %scan3A_269 : i32 to index
        %get3A_2314 = arith.index_cast %get3A_2311 : i32 to index
        %get3A_2315 = arith.constant 96 : index
        %get3A_2316 = tpu.vector_load %arg5[%get3A_2312, %get3A_2313, %get3A_2314, %get3A_2315] {strides = array<i32>} : memref<2x8x32x128xf32, #tpu.memory_space<vmem>>, vector<1x1x1x16xf32>,
        %get3A_2317 = vector.shape_cast %get3A_2316 : vector<1x1x1x16xf32> to vector<16xf32>
        %add3A_2318 = arith.addf %add3A_2309, %get3A_2317 : vector<16xf32>
        %swap3A_2319 = arith.constant 0 : i32
        %swap3A_2320 = arith.index_cast %swap3A_2319 : i32 to index
        %swap3A_2321 = arith.index_cast %scan3A_269 : i32 to index
        %swap3A_2322 = arith.constant 96 : index
        %swap3A_2323 = tpu.vector_load %arg6[%swap3A_2320, %swap3A_2321, %swap3A_2322] {strides = array<i32>} : memref<2x8x128xf32, #tpu.memory_space<vmem>>, vector<1x1x16xf32>,
        %swap3A_2324 = vector.shape_cast %swap3A_2323 : vector<1x1x16xf32> to vector<16xf32>
        %swap3A_2325 = vector.shape_cast %add3A_2318 : vector<16xf32> to vector<1x1x16xf32>
        tpu.vector_store %arg6[%swap3A_2320, %swap3A_2321, %swap3A_2322], %swap3A_2325 {strides = array<i32>} : memref<2x8x128xf32, #tpu.memory_space<vmem>>, vector<1x1x16xf32>,
        %get3A_2326 = arith.constant 0 : i32
        %get3A_2327 = arith.constant 0 : i32
        %get3A_2328 = arith.index_cast %get3A_2326 : i32 to index
        %get3A_2329 = arith.index_cast %scan3A_269 : i32 to index
        %get3A_2330 = arith.index_cast %get3A_2327 : i32 to index
        %get3A_2331 = arith.constant 112 : index
        %get3A_2332 = tpu.vector_load %arg5[%get3A_2328, %get3A_2329, %get3A_2330, %get3A_2331] {strides = array<i32>} : memref<2x8x32x128xf32, #tpu.memory_space<vmem>>, vector<1x1x1x16xf32>,
        %get3A_2333 = vector.shape_cast %get3A_2332 : vector<1x1x1x16xf32> to vector<16xf32>
        %get3A_2334 = arith.constant 0 : i32
        %get3A_2335 = arith.constant 1 : i32
        %get3A_2336 = arith.index_cast %get3A_2334 : i32 to index
        %get3A_2337 = arith.index_cast %scan3A_269 : i32 to index
        %get3A_2338 = arith.index_cast %get3A_2335 : i32 to index
        %get3A_2339 = arith.constant 112 : index
        %get3A_2340 = tpu.vector_load %arg5[%get3A_2336, %get3A_2337, %get3A_2338, %get3A_2339] {strides = array<i32>} : memref<2x8x32x128xf32, #tpu.memory_space<vmem>>, vector<1x1x1x16xf32>,
        %get3A_2341 = vector.shape_cast %get3A_2340 : vector<1x1x1x16xf32> to vector<16xf32>
        %add3A_2342 = arith.addf %get3A_2333, %get3A_2341 : vector<16xf32>
        %get3A_2343 = arith.constant 0 : i32
        %get3A_2344 = arith.constant 2 : i32
        %get3A_2345 = arith.index_cast %get3A_2343 : i32 to index
        %get3A_2346 = arith.index_cast %scan3A_269 : i32 to index
        %get3A_2347 = arith.index_cast %get3A_2344 : i32 to index
        %get3A_2348 = arith.constant 112 : index
        %get3A_2349 = tpu.vector_load %arg5[%get3A_2345, %get3A_2346, %get3A_2347, %get3A_2348] {strides = array<i32>} : memref<2x8x32x128xf32, #tpu.memory_space<vmem>>, vector<1x1x1x16xf32>,
        %get3A_2350 = vector.shape_cast %get3A_2349 : vector<1x1x1x16xf32> to vector<16xf32>
        %add3A_2351 = arith.addf %add3A_2342, %get3A_2350 : vector<16xf32>
        %get3A_2352 = arith.constant 0 : i32
        %get3A_2353 = arith.constant 3 : i32
        %get3A_2354 = arith.index_cast %get3A_2352 : i32 to index
        %get3A_2355 = arith.index_cast %scan3A_269 : i32 to index
        %get3A_2356 = arith.index_cast %get3A_2353 : i32 to index
        %get3A_2357 = arith.constant 112 : index
        %get3A_2358 = tpu.vector_load %arg5[%get3A_2354, %get3A_2355, %get3A_2356, %get3A_2357] {strides = array<i32>} : memref<2x8x32x128xf32, #tpu.memory_space<vmem>>, vector<1x1x1x16xf32>,
        %get3A_2359 = vector.shape_cast %get3A_2358 : vector<1x1x1x16xf32> to vector<16xf32>
        %add3A_2360 = arith.addf %add3A_2351, %get3A_2359 : vector<16xf32>
        %get3A_2361 = arith.constant 0 : i32
        %get3A_2362 = arith.constant 4 : i32
        %get3A_2363 = arith.index_cast %get3A_2361 : i32 to index
        %get3A_2364 = arith.index_cast %scan3A_269 : i32 to index
        %get3A_2365 = arith.index_cast %get3A_2362 : i32 to index
        %get3A_2366 = arith.constant 112 : index
        %get3A_2367 = tpu.vector_load %arg5[%get3A_2363, %get3A_2364, %get3A_2365, %get3A_2366] {strides = array<i32>} : memref<2x8x32x128xf32, #tpu.memory_space<vmem>>, vector<1x1x1x16xf32>,
        %get3A_2368 = vector.shape_cast %get3A_2367 : vector<1x1x1x16xf32> to vector<16xf32>
        %add3A_2369 = arith.addf %add3A_2360, %get3A_2368 : vector<16xf32>
        %get3A_2370 = arith.constant 0 : i32
        %get3A_2371 = arith.constant 5 : i32
        %get3A_2372 = arith.index_cast %get3A_2370 : i32 to index
        %get3A_2373 = arith.index_cast %scan3A_269 : i32 to index
        %get3A_2374 = arith.index_cast %get3A_2371 : i32 to index
        %get3A_2375 = arith.constant 112 : index
        %get3A_2376 = tpu.vector_load %arg5[%get3A_2372, %get3A_2373, %get3A_2374, %get3A_2375] {strides = array<i32>} : memref<2x8x32x128xf32, #tpu.memory_space<vmem>>, vector<1x1x1x16xf32>,
        %get3A_2377 = vector.shape_cast %get3A_2376 : vector<1x1x1x16xf32> to vector<16xf32>
        %add3A_2378 = arith.addf %add3A_2369, %get3A_2377 : vector<16xf32>
        %get3A_2379 = arith.constant 0 : i32
        %get3A_2380 = arith.constant 6 : i32
        %get3A_2381 = arith.index_cast %get3A_2379 : i32 to index
        %get3A_2382 = arith.index_cast %scan3A_269 : i32 to index
        %get3A_2383 = arith.index_cast %get3A_2380 : i32 to index
        %get3A_2384 = arith.constant 112 : index
        %get3A_2385 = tpu.vector_load %arg5[%get3A_2381, %get3A_2382, %get3A_2383, %get3A_2384] {strides = array<i32>} : memref<2x8x32x128xf32, #tpu.memory_space<vmem>>, vector<1x1x1x16xf32>,
        %get3A_2386 = vector.shape_cast %get3A_2385 : vector<1x1x1x16xf32> to vector<16xf32>
        %add3A_2387 = arith.addf %add3A_2378, %get3A_2386 : vector<16xf32>
        %get3A_2388 = arith.constant 0 : i32
        %get3A_2389 = arith.constant 7 : i32
        %get3A_2390 = arith.index_cast %get3A_2388 : i32 to index
        %get3A_2391 = arith.index_cast %scan3A_269 : i32 to index
        %get3A_2392 = arith.index_cast %get3A_2389 : i32 to index
        %get3A_2393 = arith.constant 112 : index
        %get3A_2394 = tpu.vector_load %arg5[%get3A_2390, %get3A_2391, %get3A_2392, %get3A_2393] {strides = array<i32>} : memref<2x8x32x128xf32, #tpu.memory_space<vmem>>, vector<1x1x1x16xf32>,
        %get3A_2395 = vector.shape_cast %get3A_2394 : vector<1x1x1x16xf32> to vector<16xf32>
        %add3A_2396 = arith.addf %add3A_2387, %get3A_2395 : vector<16xf32>
        %get3A_2397 = arith.constant 0 : i32
        %get3A_2398 = arith.constant 8 : i32
        %get3A_2399 = arith.index_cast %get3A_2397 : i32 to index
        %get3A_2400 = arith.index_cast %scan3A_269 : i32 to index
        %get3A_2401 = arith.index_cast %get3A_2398 : i32 to index
        %get3A_2402 = arith.constant 112 : index
        %get3A_2403 = tpu.vector_load %arg5[%get3A_2399, %get3A_2400, %get3A_2401, %get3A_2402] {strides = array<i32>} : memref<2x8x32x128xf32, #tpu.memory_space<vmem>>, vector<1x1x1x16xf32>,
        %get3A_2404 = vector.shape_cast %get3A_2403 : vector<1x1x1x16xf32> to vector<16xf32>
        %add3A_2405 = arith.addf %add3A_2396, %get3A_2404 : vector<16xf32>
        %get3A_2406 = arith.constant 0 : i32
        %get3A_2407 = arith.constant 9 : i32
        %get3A_2408 = arith.index_cast %get3A_2406 : i32 to index
        %get3A_2409 = arith.index_cast %scan3A_269 : i32 to index
        %get3A_2410 = arith.index_cast %get3A_2407 : i32 to index
        %get3A_2411 = arith.constant 112 : index
        %get3A_2412 = tpu.vector_load %arg5[%get3A_2408, %get3A_2409, %get3A_2410, %get3A_2411] {strides = array<i32>} : memref<2x8x32x128xf32, #tpu.memory_space<vmem>>, vector<1x1x1x16xf32>,
        %get3A_2413 = vector.shape_cast %get3A_2412 : vector<1x1x1x16xf32> to vector<16xf32>
        %add3A_2414 = arith.addf %add3A_2405, %get3A_2413 : vector<16xf32>
        %get3A_2415 = arith.constant 0 : i32
        %get3A_2416 = arith.constant 10 : i32
        %get3A_2417 = arith.index_cast %get3A_2415 : i32 to index
        %get3A_2418 = arith.index_cast %scan3A_269 : i32 to index
        %get3A_2419 = arith.index_cast %get3A_2416 : i32 to index
        %get3A_2420 = arith.constant 112 : index
        %get3A_2421 = tpu.vector_load %arg5[%get3A_2417, %get3A_2418, %get3A_2419, %get3A_2420] {strides = array<i32>} : memref<2x8x32x128xf32, #tpu.memory_space<vmem>>, vector<1x1x1x16xf32>,
        %get3A_2422 = vector.shape_cast %get3A_2421 : vector<1x1x1x16xf32> to vector<16xf32>
        %add3A_2423 = arith.addf %add3A_2414, %get3A_2422 : vector<16xf32>
        %get3A_2424 = arith.constant 0 : i32
        %get3A_2425 = arith.constant 11 : i32
        %get3A_2426 = arith.index_cast %get3A_2424 : i32 to index
        %get3A_2427 = arith.index_cast %scan3A_269 : i32 to index
        %get3A_2428 = arith.index_cast %get3A_2425 : i32 to index
        %get3A_2429 = arith.constant 112 : index
        %get3A_2430 = tpu.vector_load %arg5[%get3A_2426, %get3A_2427, %get3A_2428, %get3A_2429] {strides = array<i32>} : memref<2x8x32x128xf32, #tpu.memory_space<vmem>>, vector<1x1x1x16xf32>,
        %get3A_2431 = vector.shape_cast %get3A_2430 : vector<1x1x1x16xf32> to vector<16xf32>
        %add3A_2432 = arith.addf %add3A_2423, %get3A_2431 : vector<16xf32>
        %get3A_2433 = arith.constant 0 : i32
        %get3A_2434 = arith.constant 12 : i32
        %get3A_2435 = arith.index_cast %get3A_2433 : i32 to index
        %get3A_2436 = arith.index_cast %scan3A_269 : i32 to index
        %get3A_2437 = arith.index_cast %get3A_2434 : i32 to index
        %get3A_2438 = arith.constant 112 : index
        %get3A_2439 = tpu.vector_load %arg5[%get3A_2435, %get3A_2436, %get3A_2437, %get3A_2438] {strides = array<i32>} : memref<2x8x32x128xf32, #tpu.memory_space<vmem>>, vector<1x1x1x16xf32>,
        %get3A_2440 = vector.shape_cast %get3A_2439 : vector<1x1x1x16xf32> to vector<16xf32>
        %add3A_2441 = arith.addf %add3A_2432, %get3A_2440 : vector<16xf32>
        %get3A_2442 = arith.constant 0 : i32
        %get3A_2443 = arith.constant 13 : i32
        %get3A_2444 = arith.index_cast %get3A_2442 : i32 to index
        %get3A_2445 = arith.index_cast %scan3A_269 : i32 to index
        %get3A_2446 = arith.index_cast %get3A_2443 : i32 to index
        %get3A_2447 = arith.constant 112 : index
        %get3A_2448 = tpu.vector_load %arg5[%get3A_2444, %get3A_2445, %get3A_2446, %get3A_2447] {strides = array<i32>} : memref<2x8x32x128xf32, #tpu.memory_space<vmem>>, vector<1x1x1x16xf32>,
        %get3A_2449 = vector.shape_cast %get3A_2448 : vector<1x1x1x16xf32> to vector<16xf32>
        %add3A_2450 = arith.addf %add3A_2441, %get3A_2449 : vector<16xf32>
        %get3A_2451 = arith.constant 0 : i32
        %get3A_2452 = arith.constant 14 : i32
        %get3A_2453 = arith.index_cast %get3A_2451 : i32 to index
        %get3A_2454 = arith.index_cast %scan3A_269 : i32 to index
        %get3A_2455 = arith.index_cast %get3A_2452 : i32 to index
        %get3A_2456 = arith.constant 112 : index
        %get3A_2457 = tpu.vector_load %arg5[%get3A_2453, %get3A_2454, %get3A_2455, %get3A_2456] {strides = array<i32>} : memref<2x8x32x128xf32, #tpu.memory_space<vmem>>, vector<1x1x1x16xf32>,
        %get3A_2458 = vector.shape_cast %get3A_2457 : vector<1x1x1x16xf32> to vector<16xf32>
        %add3A_2459 = arith.addf %add3A_2450, %get3A_2458 : vector<16xf32>
        %get3A_2460 = arith.constant 0 : i32
        %get3A_2461 = arith.constant 15 : i32
        %get3A_2462 = arith.index_cast %get3A_2460 : i32 to index
        %get3A_2463 = arith.index_cast %scan3A_269 : i32 to index
        %get3A_2464 = arith.index_cast %get3A_2461 : i32 to index
        %get3A_2465 = arith.constant 112 : index
        %get3A_2466 = tpu.vector_load %arg5[%get3A_2462, %get3A_2463, %get3A_2464, %get3A_2465] {strides = array<i32>} : memref<2x8x32x128xf32, #tpu.memory_space<vmem>>, vector<1x1x1x16xf32>,
        %get3A_2467 = vector.shape_cast %get3A_2466 : vector<1x1x1x16xf32> to vector<16xf32>
        %add3A_2468 = arith.addf %add3A_2459, %get3A_2467 : vector<16xf32>
        %get3A_2469 = arith.constant 0 : i32
        %get3A_2470 = arith.constant 16 : i32
        %get3A_2471 = arith.index_cast %get3A_2469 : i32 to index
        %get3A_2472 = arith.index_cast %scan3A_269 : i32 to index
        %get3A_2473 = arith.index_cast %get3A_2470 : i32 to index
        %get3A_2474 = arith.constant 112 : index
        %get3A_2475 = tpu.vector_load %arg5[%get3A_2471, %get3A_2472, %get3A_2473, %get3A_2474] {strides = array<i32>} : memref<2x8x32x128xf32, #tpu.memory_space<vmem>>, vector<1x1x1x16xf32>,
        %get3A_2476 = vector.shape_cast %get3A_2475 : vector<1x1x1x16xf32> to vector<16xf32>
        %add3A_2477 = arith.addf %add3A_2468, %get3A_2476 : vector<16xf32>
        %get3A_2478 = arith.constant 0 : i32
        %get3A_2479 = arith.constant 17 : i32
        %get3A_2480 = arith.index_cast %get3A_2478 : i32 to index
        %get3A_2481 = arith.index_cast %scan3A_269 : i32 to index
        %get3A_2482 = arith.index_cast %get3A_2479 : i32 to index
        %get3A_2483 = arith.constant 112 : index
        %get3A_2484 = tpu.vector_load %arg5[%get3A_2480, %get3A_2481, %get3A_2482, %get3A_2483] {strides = array<i32>} : memref<2x8x32x128xf32, #tpu.memory_space<vmem>>, vector<1x1x1x16xf32>,
        %get3A_2485 = vector.shape_cast %get3A_2484 : vector<1x1x1x16xf32> to vector<16xf32>
        %add3A_2486 = arith.addf %add3A_2477, %get3A_2485 : vector<16xf32>
        %get3A_2487 = arith.constant 0 : i32
        %get3A_2488 = arith.constant 18 : i32
        %get3A_2489 = arith.index_cast %get3A_2487 : i32 to index
        %get3A_2490 = arith.index_cast %scan3A_269 : i32 to index
        %get3A_2491 = arith.index_cast %get3A_2488 : i32 to index
        %get3A_2492 = arith.constant 112 : index
        %get3A_2493 = tpu.vector_load %arg5[%get3A_2489, %get3A_2490, %get3A_2491, %get3A_2492] {strides = array<i32>} : memref<2x8x32x128xf32, #tpu.memory_space<vmem>>, vector<1x1x1x16xf32>,
        %get3A_2494 = vector.shape_cast %get3A_2493 : vector<1x1x1x16xf32> to vector<16xf32>
        %add3A_2495 = arith.addf %add3A_2486, %get3A_2494 : vector<16xf32>
        %get3A_2496 = arith.constant 0 : i32
        %get3A_2497 = arith.constant 19 : i32
        %get3A_2498 = arith.index_cast %get3A_2496 : i32 to index
        %get3A_2499 = arith.index_cast %scan3A_269 : i32 to index
        %get3A_2500 = arith.index_cast %get3A_2497 : i32 to index
        %get3A_2501 = arith.constant 112 : index
        %get3A_2502 = tpu.vector_load %arg5[%get3A_2498, %get3A_2499, %get3A_2500, %get3A_2501] {strides = array<i32>} : memref<2x8x32x128xf32, #tpu.memory_space<vmem>>, vector<1x1x1x16xf32>,
        %get3A_2503 = vector.shape_cast %get3A_2502 : vector<1x1x1x16xf32> to vector<16xf32>
        %add3A_2504 = arith.addf %add3A_2495, %get3A_2503 : vector<16xf32>
        %get3A_2505 = arith.constant 0 : i32
        %get3A_2506 = arith.constant 20 : i32
        %get3A_2507 = arith.index_cast %get3A_2505 : i32 to index
        %get3A_2508 = arith.index_cast %scan3A_269 : i32 to index
        %get3A_2509 = arith.index_cast %get3A_2506 : i32 to index
        %get3A_2510 = arith.constant 112 : index
        %get3A_2511 = tpu.vector_load %arg5[%get3A_2507, %get3A_2508, %get3A_2509, %get3A_2510] {strides = array<i32>} : memref<2x8x32x128xf32, #tpu.memory_space<vmem>>, vector<1x1x1x16xf32>,
        %get3A_2512 = vector.shape_cast %get3A_2511 : vector<1x1x1x16xf32> to vector<16xf32>
        %add3A_2513 = arith.addf %add3A_2504, %get3A_2512 : vector<16xf32>
        %get3A_2514 = arith.constant 0 : i32
        %get3A_2515 = arith.constant 21 : i32
        %get3A_2516 = arith.index_cast %get3A_2514 : i32 to index
        %get3A_2517 = arith.index_cast %scan3A_269 : i32 to index
        %get3A_2518 = arith.index_cast %get3A_2515 : i32 to index
        %get3A_2519 = arith.constant 112 : index
        %get3A_2520 = tpu.vector_load %arg5[%get3A_2516, %get3A_2517, %get3A_2518, %get3A_2519] {strides = array<i32>} : memref<2x8x32x128xf32, #tpu.memory_space<vmem>>, vector<1x1x1x16xf32>,
        %get3A_2521 = vector.shape_cast %get3A_2520 : vector<1x1x1x16xf32> to vector<16xf32>
        %add3A_2522 = arith.addf %add3A_2513, %get3A_2521 : vector<16xf32>
        %get3A_2523 = arith.constant 0 : i32
        %get3A_2524 = arith.constant 22 : i32
        %get3A_2525 = arith.index_cast %get3A_2523 : i32 to index
        %get3A_2526 = arith.index_cast %scan3A_269 : i32 to index
        %get3A_2527 = arith.index_cast %get3A_2524 : i32 to index
        %get3A_2528 = arith.constant 112 : index
        %get3A_2529 = tpu.vector_load %arg5[%get3A_2525, %get3A_2526, %get3A_2527, %get3A_2528] {strides = array<i32>} : memref<2x8x32x128xf32, #tpu.memory_space<vmem>>, vector<1x1x1x16xf32>,
        %get3A_2530 = vector.shape_cast %get3A_2529 : vector<1x1x1x16xf32> to vector<16xf32>
        %add3A_2531 = arith.addf %add3A_2522, %get3A_2530 : vector<16xf32>
        %get3A_2532 = arith.constant 0 : i32
        %get3A_2533 = arith.constant 23 : i32
        %get3A_2534 = arith.index_cast %get3A_2532 : i32 to index
        %get3A_2535 = arith.index_cast %scan3A_269 : i32 to index
        %get3A_2536 = arith.index_cast %get3A_2533 : i32 to index
        %get3A_2537 = arith.constant 112 : index
        %get3A_2538 = tpu.vector_load %arg5[%get3A_2534, %get3A_2535, %get3A_2536, %get3A_2537] {strides = array<i32>} : memref<2x8x32x128xf32, #tpu.memory_space<vmem>>, vector<1x1x1x16xf32>,
        %get3A_2539 = vector.shape_cast %get3A_2538 : vector<1x1x1x16xf32> to vector<16xf32>
        %add3A_2540 = arith.addf %add3A_2531, %get3A_2539 : vector<16xf32>
        %get3A_2541 = arith.constant 0 : i32
        %get3A_2542 = arith.constant 24 : i32
        %get3A_2543 = arith.index_cast %get3A_2541 : i32 to index
        %get3A_2544 = arith.index_cast %scan3A_269 : i32 to index
        %get3A_2545 = arith.index_cast %get3A_2542 : i32 to index
        %get3A_2546 = arith.constant 112 : index
        %get3A_2547 = tpu.vector_load %arg5[%get3A_2543, %get3A_2544, %get3A_2545, %get3A_2546] {strides = array<i32>} : memref<2x8x32x128xf32, #tpu.memory_space<vmem>>, vector<1x1x1x16xf32>,
        %get3A_2548 = vector.shape_cast %get3A_2547 : vector<1x1x1x16xf32> to vector<16xf32>
        %add3A_2549 = arith.addf %add3A_2540, %get3A_2548 : vector<16xf32>
        %get3A_2550 = arith.constant 0 : i32
        %get3A_2551 = arith.constant 25 : i32
        %get3A_2552 = arith.index_cast %get3A_2550 : i32 to index
        %get3A_2553 = arith.index_cast %scan3A_269 : i32 to index
        %get3A_2554 = arith.index_cast %get3A_2551 : i32 to index
        %get3A_2555 = arith.constant 112 : index
        %get3A_2556 = tpu.vector_load %arg5[%get3A_2552, %get3A_2553, %get3A_2554, %get3A_2555] {strides = array<i32>} : memref<2x8x32x128xf32, #tpu.memory_space<vmem>>, vector<1x1x1x16xf32>,
        %get3A_2557 = vector.shape_cast %get3A_2556 : vector<1x1x1x16xf32> to vector<16xf32>
        %add3A_2558 = arith.addf %add3A_2549, %get3A_2557 : vector<16xf32>
        %get3A_2559 = arith.constant 0 : i32
        %get3A_2560 = arith.constant 26 : i32
        %get3A_2561 = arith.index_cast %get3A_2559 : i32 to index
        %get3A_2562 = arith.index_cast %scan3A_269 : i32 to index
        %get3A_2563 = arith.index_cast %get3A_2560 : i32 to index
        %get3A_2564 = arith.constant 112 : index
        %get3A_2565 = tpu.vector_load %arg5[%get3A_2561, %get3A_2562, %get3A_2563, %get3A_2564] {strides = array<i32>} : memref<2x8x32x128xf32, #tpu.memory_space<vmem>>, vector<1x1x1x16xf32>,
        %get3A_2566 = vector.shape_cast %get3A_2565 : vector<1x1x1x16xf32> to vector<16xf32>
        %add3A_2567 = arith.addf %add3A_2558, %get3A_2566 : vector<16xf32>
        %get3A_2568 = arith.constant 0 : i32
        %get3A_2569 = arith.constant 27 : i32
        %get3A_2570 = arith.index_cast %get3A_2568 : i32 to index
        %get3A_2571 = arith.index_cast %scan3A_269 : i32 to index
        %get3A_2572 = arith.index_cast %get3A_2569 : i32 to index
        %get3A_2573 = arith.constant 112 : index
        %get3A_2574 = tpu.vector_load %arg5[%get3A_2570, %get3A_2571, %get3A_2572, %get3A_2573] {strides = array<i32>} : memref<2x8x32x128xf32, #tpu.memory_space<vmem>>, vector<1x1x1x16xf32>,
        %get3A_2575 = vector.shape_cast %get3A_2574 : vector<1x1x1x16xf32> to vector<16xf32>
        %add3A_2576 = arith.addf %add3A_2567, %get3A_2575 : vector<16xf32>
        %get3A_2577 = arith.constant 0 : i32
        %get3A_2578 = arith.constant 28 : i32
        %get3A_2579 = arith.index_cast %get3A_2577 : i32 to index
        %get3A_2580 = arith.index_cast %scan3A_269 : i32 to index
        %get3A_2581 = arith.index_cast %get3A_2578 : i32 to index
        %get3A_2582 = arith.constant 112 : index
        %get3A_2583 = tpu.vector_load %arg5[%get3A_2579, %get3A_2580, %get3A_2581, %get3A_2582] {strides = array<i32>} : memref<2x8x32x128xf32, #tpu.memory_space<vmem>>, vector<1x1x1x16xf32>,
        %get3A_2584 = vector.shape_cast %get3A_2583 : vector<1x1x1x16xf32> to vector<16xf32>
        %add3A_2585 = arith.addf %add3A_2576, %get3A_2584 : vector<16xf32>
        %get3A_2586 = arith.constant 0 : i32
        %get3A_2587 = arith.constant 29 : i32
        %get3A_2588 = arith.index_cast %get3A_2586 : i32 to index
        %get3A_2589 = arith.index_cast %scan3A_269 : i32 to index
        %get3A_2590 = arith.index_cast %get3A_2587 : i32 to index
        %get3A_2591 = arith.constant 112 : index
        %get3A_2592 = tpu.vector_load %arg5[%get3A_2588, %get3A_2589, %get3A_2590, %get3A_2591] {strides = array<i32>} : memref<2x8x32x128xf32, #tpu.memory_space<vmem>>, vector<1x1x1x16xf32>,
        %get3A_2593 = vector.shape_cast %get3A_2592 : vector<1x1x1x16xf32> to vector<16xf32>
        %add3A_2594 = arith.addf %add3A_2585, %get3A_2593 : vector<16xf32>
        %get3A_2595 = arith.constant 0 : i32
        %get3A_2596 = arith.constant 30 : i32
        %get3A_2597 = arith.index_cast %get3A_2595 : i32 to index
        %get3A_2598 = arith.index_cast %scan3A_269 : i32 to index
        %get3A_2599 = arith.index_cast %get3A_2596 : i32 to index
        %get3A_2600 = arith.constant 112 : index
        %get3A_2601 = tpu.vector_load %arg5[%get3A_2597, %get3A_2598, %get3A_2599, %get3A_2600] {strides = array<i32>} : memref<2x8x32x128xf32, #tpu.memory_space<vmem>>, vector<1x1x1x16xf32>,
        %get3A_2602 = vector.shape_cast %get3A_2601 : vector<1x1x1x16xf32> to vector<16xf32>
        %add3A_2603 = arith.addf %add3A_2594, %get3A_2602 : vector<16xf32>
        %get3A_2604 = arith.constant 0 : i32
        %get3A_2605 = arith.constant 31 : i32
        %get3A_2606 = arith.index_cast %get3A_2604 : i32 to index
        %get3A_2607 = arith.index_cast %scan3A_269 : i32 to index
        %get3A_2608 = arith.index_cast %get3A_2605 : i32 to index
        %get3A_2609 = arith.constant 112 : index
        %get3A_2610 = tpu.vector_load %arg5[%get3A_2606, %get3A_2607, %get3A_2608, %get3A_2609] {strides = array<i32>} : memref<2x8x32x128xf32, #tpu.memory_space<vmem>>, vector<1x1x1x16xf32>,
        %get3A_2611 = vector.shape_cast %get3A_2610 : vector<1x1x1x16xf32> to vector<16xf32>
        %add3A_2612 = arith.addf %add3A_2603, %get3A_2611 : vector<16xf32>
        %swap3A_2613 = arith.constant 0 : i32
        %swap3A_2614 = arith.index_cast %swap3A_2613 : i32 to index
        %swap3A_2615 = arith.index_cast %scan3A_269 : i32 to index
        %swap3A_2616 = arith.constant 112 : index
        %swap3A_2617 = tpu.vector_load %arg6[%swap3A_2614, %swap3A_2615, %swap3A_2616] {strides = array<i32>} : memref<2x8x128xf32, #tpu.memory_space<vmem>>, vector<1x1x16xf32>,
        %swap3A_2618 = vector.shape_cast %swap3A_2617 : vector<1x1x16xf32> to vector<16xf32>
        %swap3A_2619 = vector.shape_cast %add3A_2612 : vector<16xf32> to vector<1x1x16xf32>
        tpu.vector_store %arg6[%swap3A_2614, %swap3A_2615, %swap3A_2616], %swap3A_2619 {strides = array<i32>} : memref<2x8x128xf32, #tpu.memory_space<vmem>>, vector<1x1x16xf32>,
      }
      %scan3A_169 = arith.constant 8 : i32
      %mul3A_170 = arith.constant 8 : i32
      %mul3A_171 = arith.muli %add3A_120, %mul3A_170 : i32
      %add3A_172 = arith.addi %mul3A_2, %mul3A_171 : i32
      %dma_start3A_173 = arith.constant 0 : i32
      %dma_start3A_174 = arith.constant 0 : i32
      %dma_start3A_175 = arith.constant 0 : i32
      %dma_start3A_176 = tpu.memref_slice %arg6[%dma_start3A_173, %dma_start3A_174, %dma_start3A_175] : memref<2x8x128xf32, #tpu.memory_space<vmem>> -> memref<1x8x128xf32, #tpu.memory_space<vmem>>
      %dma_start3A_177 = tpu.memref_squeeze %dma_start3A_176 : memref<1x8x128xf32, #tpu.memory_space<vmem>> -> memref<8x128xf32, #tpu.memory_space<vmem>>
      %dma_start3A_178 = arith.constant 0 : i32
      %dma_start3A_179 = tpu.memref_slice %arg4[%add3A_172, %dma_start3A_178] : memref<2560x128xf32, #tpu.memory_space<hbm>> -> memref<8x128xf32, #tpu.memory_space<hbm>>
      %dma_start3A_180 = arith.constant 0 : i32
      %dma_start3A_181 = tpu.memref_slice %arg4[%add3A_172, %dma_start3A_180] : memref<2560x128xf32, #tpu.memory_space<hbm>> -> memref<8x128xf32, #tpu.memory_space<hbm>>
      %dma_start3A_182 = arith.constant 0 : i32
      %dma_start3A_183 = arith.constant 0 : i32
      %dma_start3A_184 = tpu.memref_slice %arg6[%dma_start3A_173, %dma_start3A_182, %dma_start3A_183] : memref<2x8x128xf32, #tpu.memory_space<vmem>> -> memref<1x8x128xf32, #tpu.memory_space<vmem>>
      %dma_start3A_185 = tpu.memref_squeeze %dma_start3A_184 : memref<1x8x128xf32, #tpu.memory_space<vmem>> -> memref<8x128xf32, #tpu.memory_space<vmem>>
      tpu.enqueue_dma source(%dma_start3A_185 : memref<8x128xf32, #tpu.memory_space<vmem>>) target(%dma_start3A_181 : memref<8x128xf32, #tpu.memory_space<hbm>>) target_semaphore(%arg11 : memref<!tpu.dma_semaphore, #tpu.memory_space<semaphore_mem>>)
      %add3A_186 = arith.constant 2 : i32
      %add3A_187 = arith.addi %add3A_120, %add3A_186 : i32
      %lt3A = arith.constant 10 : i32
      %lt3A_188 = arith.cmpi slt, %add3A_187, %lt3A : i32
      %convert_element_type3A_189 = arith.extui %lt3A_188 : i1 to i32
      %cond3A_190 = arith.constant 0 : i32
      %cond3A_191 = arith.cmpi ne, %convert_element_type3A_189, %cond3A_190 : i32
      scf.if %cond3A_191 {
        %add3A_269 = arith.constant 2 : i32
        %add3A_270 = arith.addi %add3A_120, %add3A_269 : i32
        %add3A_271 = arith.constant 7440 : i32
        %add3A_272 = arith.addi %add3A_271, %mul3A_2 : i32
        %mul3A_273 = arith.constant 8 : i32
        %mul3A_274 = arith.muli %add3A_270, %mul3A_273 : i32
        %add3A_275 = arith.addi %add3A_272, %mul3A_274 : i32
        %add3A_276 = arith.constant 4 : i32
        %add3A_277 = arith.addi %add3A_275, %add3A_276 : i32
        %dma_start3A_278 = arith.constant 0 : i32
        %dma_start3A_279 = arith.constant 0 : i32
        %dma_start3A_280 = arith.constant 0 : i32
        %dma_start3A_281 = arith.constant 0 : i32
        %dma_start3A_282 = tpu.memref_slice %arg5[%dma_start3A_278, %dma_start3A_279, %dma_start3A_280, %dma_start3A_281] : memref<2x8x32x128xf32, #tpu.memory_space<vmem>> -> memref<1x4x32x128xf32, #tpu.memory_space<vmem>>
        %dma_start3A_283 = tpu.memref_squeeze %dma_start3A_282 : memref<1x4x32x128xf32, #tpu.memory_space<vmem>> -> memref<4x32x128xf32, #tpu.memory_space<vmem>>
        %dma_start3A_284 = arith.constant 0 : i32
        %dma_start3A_285 = arith.constant 0 : i32
        %dma_start3A_286 = tpu.memref_slice %arg3[%add3A_275, %dma_start3A_284, %dma_start3A_285] : memref<10000x32x128xf32, #tpu.memory_space<hbm>> -> memref<4x32x128xf32, #tpu.memory_space<hbm>>
        %dma_start3A_287 = arith.constant 0 : i32
        %dma_start3A_288 = arith.constant 0 : i32
        %dma_start3A_289 = arith.constant 0 : i32
        %dma_start3A_290 = tpu.memref_slice %arg5[%dma_start3A_278, %dma_start3A_287, %dma_start3A_288, %dma_start3A_289] : memref<2x8x32x128xf32, #tpu.memory_space<vmem>> -> memref<1x4x32x128xf32, #tpu.memory_space<vmem>>
        %dma_start3A_291 = tpu.memref_squeeze %dma_start3A_290 : memref<1x4x32x128xf32, #tpu.memory_space<vmem>> -> memref<4x32x128xf32, #tpu.memory_space<vmem>>
        %dma_start3A_292 = arith.constant 0 : i32
        %dma_start3A_293 = arith.constant 0 : i32
        %dma_start3A_294 = tpu.memref_slice %arg3[%add3A_275, %dma_start3A_292, %dma_start3A_293] : memref<10000x32x128xf32, #tpu.memory_space<hbm>> -> memref<4x32x128xf32, #tpu.memory_space<hbm>>
        tpu.enqueue_dma source(%dma_start3A_294 : memref<4x32x128xf32, #tpu.memory_space<hbm>>) target(%dma_start3A_291 : memref<4x32x128xf32, #tpu.memory_space<vmem>>) target_semaphore(%arg7 : memref<!tpu.dma_semaphore, #tpu.memory_space<semaphore_mem>>)
        %dma_start3A_295 = arith.constant 0 : i32
        %dma_start3A_296 = arith.constant 4 : i32
        %dma_start3A_297 = arith.constant 0 : i32
        %dma_start3A_298 = arith.constant 0 : i32
        %dma_start3A_299 = tpu.memref_slice %arg5[%dma_start3A_295, %dma_start3A_296, %dma_start3A_297, %dma_start3A_298] : memref<2x8x32x128xf32, #tpu.memory_space<vmem>> -> memref<1x4x32x128xf32, #tpu.memory_space<vmem>>
        %dma_start3A_300 = tpu.memref_squeeze %dma_start3A_299 : memref<1x4x32x128xf32, #tpu.memory_space<vmem>> -> memref<4x32x128xf32, #tpu.memory_space<vmem>>
        %dma_start3A_301 = arith.constant 0 : i32
        %dma_start3A_302 = arith.constant 0 : i32
        %dma_start3A_303 = tpu.memref_slice %arg3[%add3A_277, %dma_start3A_301, %dma_start3A_302] : memref<10000x32x128xf32, #tpu.memory_space<hbm>> -> memref<4x32x128xf32, #tpu.memory_space<hbm>>
        %dma_start3A_304 = arith.constant 4 : i32
        %dma_start3A_305 = arith.constant 0 : i32
        %dma_start3A_306 = arith.constant 0 : i32
        %dma_start3A_307 = tpu.memref_slice %arg5[%dma_start3A_295, %dma_start3A_304, %dma_start3A_305, %dma_start3A_306] : memref<2x8x32x128xf32, #tpu.memory_space<vmem>> -> memref<1x4x32x128xf32, #tpu.memory_space<vmem>>
        %dma_start3A_308 = tpu.memref_squeeze %dma_start3A_307 : memref<1x4x32x128xf32, #tpu.memory_space<vmem>> -> memref<4x32x128xf32, #tpu.memory_space<vmem>>
        %dma_start3A_309 = arith.constant 0 : i32
        %dma_start3A_310 = arith.constant 0 : i32
        %dma_start3A_311 = tpu.memref_slice %arg3[%add3A_277, %dma_start3A_309, %dma_start3A_310] : memref<10000x32x128xf32, #tpu.memory_space<hbm>> -> memref<4x32x128xf32, #tpu.memory_space<hbm>>
        tpu.enqueue_dma source(%dma_start3A_311 : memref<4x32x128xf32, #tpu.memory_space<hbm>>) target(%dma_start3A_308 : memref<4x32x128xf32, #tpu.memory_space<vmem>>) target_semaphore(%arg8 : memref<!tpu.dma_semaphore, #tpu.memory_space<semaphore_mem>>)
      } else {
      }
      %add3A_192 = arith.constant 1 : i32
      %add3A_193 = arith.addi %mul3A_118, %add3A_192 : i32
      %add3A_194 = arith.constant 7440 : i32
      %add3A_195 = arith.addi %add3A_194, %mul3A_2 : i32
      %mul3A_196 = arith.constant 8 : i32
      %mul3A_197 = arith.muli %add3A_193, %mul3A_196 : i32
      %add3A_198 = arith.addi %add3A_195, %mul3A_197 : i32
      %add3A_199 = arith.constant 4 : i32
      %add3A_200 = arith.addi %add3A_198, %add3A_199 : i32
      %dma_wait3A_201 = arith.constant 1 : i32
      %dma_wait3A_202 = arith.constant 0 : i32
      %dma_wait3A_203 = arith.constant 0 : i32
      %dma_wait3A_204 = arith.constant 0 : i32
      %dma_wait3A_205 = tpu.memref_slice %arg5[%dma_wait3A_201, %dma_wait3A_202, %dma_wait3A_203, %dma_wait3A_204] : memref<2x8x32x128xf32, #tpu.memory_space<vmem>> -> memref<1x4x32x128xf32, #tpu.memory_space<vmem>>
      %dma_wait3A_206 = tpu.memref_squeeze %dma_wait3A_205 : memref<1x4x32x128xf32, #tpu.memory_space<vmem>> -> memref<4x32x128xf32, #tpu.memory_space<vmem>>
      %dma_wait3A_207 = arith.constant 0 : i32
      %dma_wait3A_208 = arith.constant 0 : i32
      %dma_wait3A_209 = tpu.memref_slice %arg3[%add3A_198, %dma_wait3A_207, %dma_wait3A_208] : memref<10000x32x128xf32, #tpu.memory_space<hbm>> -> memref<4x32x128xf32, #tpu.memory_space<hbm>>
      %dma_wait3A_210 = arith.constant 0 : i32
      %dma_wait3A_211 = arith.constant 0 : i32
      %dma_wait3A_212 = arith.constant 0 : i32
      %dma_wait3A_213 = tpu.memref_slice %arg5[%dma_wait3A_201, %dma_wait3A_210, %dma_wait3A_211, %dma_wait3A_212] : memref<2x8x32x128xf32, #tpu.memory_space<vmem>> -> memref<1x4x32x128xf32, #tpu.memory_space<vmem>>
      %dma_wait3A_214 = tpu.memref_squeeze %dma_wait3A_213 : memref<1x4x32x128xf32, #tpu.memory_space<vmem>> -> memref<4x32x128xf32, #tpu.memory_space<vmem>>
      %dma_wait3A_215 = arith.constant 0 : i32
      %dma_wait3A_216 = arith.constant 0 : i32
      %dma_wait3A_217 = tpu.memref_slice %arg3[%add3A_198, %dma_wait3A_215, %dma_wait3A_216] : memref<10000x32x128xf32, #tpu.memory_space<hbm>> -> memref<4x32x128xf32, #tpu.memory_space<hbm>>
      tpu.wait_dma2 semaphore(%arg9 : memref<!tpu.dma_semaphore, #tpu.memory_space<semaphore_mem>>) src(%dma_wait3A_217 : memref<4x32x128xf32, #tpu.memory_space<hbm>>) dst(%dma_wait3A_214 : memref<4x32x128xf32, #tpu.memory_space<vmem>>)
      %dma_wait3A_218 = arith.constant 1 : i32
      %dma_wait3A_219 = arith.constant 4 : i32
      %dma_wait3A_220 = arith.constant 0 : i32
      %dma_wait3A_221 = arith.constant 0 : i32
      %dma_wait3A_222 = tpu.memref_slice %arg5[%dma_wait3A_218, %dma_wait3A_219, %dma_wait3A_220, %dma_wait3A_221] : memref<2x8x32x128xf32, #tpu.memory_space<vmem>> -> memref<1x4x32x128xf32, #tpu.memory_space<vmem>>
      %dma_wait3A_223 = tpu.memref_squeeze %dma_wait3A_222 : memref<1x4x32x128xf32, #tpu.memory_space<vmem>> -> memref<4x32x128xf32, #tpu.memory_space<vmem>>
      %dma_wait3A_224 = arith.constant 0 : i32
      %dma_wait3A_225 = arith.constant 0 : i32
      %dma_wait3A_226 = tpu.memref_slice %arg3[%add3A_200, %dma_wait3A_224, %dma_wait3A_225] : memref<10000x32x128xf32, #tpu.memory_space<hbm>> -> memref<4x32x128xf32, #tpu.memory_space<hbm>>
      %dma_wait3A_227 = arith.constant 4 : i32
      %dma_wait3A_228 = arith.constant 0 : i32
      %dma_wait3A_229 = arith.constant 0 : i32
      %dma_wait3A_230 = tpu.memref_slice %arg5[%dma_wait3A_218, %dma_wait3A_227, %dma_wait3A_228, %dma_wait3A_229] : memref<2x8x32x128xf32, #tpu.memory_space<vmem>> -> memref<1x4x32x128xf32, #tpu.memory_space<vmem>>
      %dma_wait3A_231 = tpu.memref_squeeze %dma_wait3A_230 : memref<1x4x32x128xf32, #tpu.memory_space<vmem>> -> memref<4x32x128xf32, #tpu.memory_space<vmem>>
      %dma_wait3A_232 = arith.constant 0 : i32
      %dma_wait3A_233 = arith.constant 0 : i32
      %dma_wait3A_234 = tpu.memref_slice %arg3[%add3A_200, %dma_wait3A_232, %dma_wait3A_233] : memref<10000x32x128xf32, #tpu.memory_space<hbm>> -> memref<4x32x128xf32, #tpu.memory_space<hbm>>
      tpu.wait_dma2 semaphore(%arg10 : memref<!tpu.dma_semaphore, #tpu.memory_space<semaphore_mem>>) src(%dma_wait3A_234 : memref<4x32x128xf32, #tpu.memory_space<hbm>>) dst(%dma_wait3A_231 : memref<4x32x128xf32, #tpu.memory_space<vmem>>)
      %ge3A_235 = arith.constant 2 : i32
      %ge3A_236 = arith.cmpi sge, %add3A_193, %ge3A_235 : i32
      %convert_element_type3A_237 = arith.extui %ge3A_236 : i1 to i32
      %cond3A_238 = arith.constant 0 : i32
      %cond3A_239 = arith.cmpi ne, %convert_element_type3A_237, %cond3A_238 : i32
      scf.if %cond3A_239 {
        %sub3A = arith.constant 2 : i32
        %sub3A_269 = arith.subi %add3A_193, %sub3A : i32
        %mul3A_270 = arith.constant 8 : i32
        %mul3A_271 = arith.muli %sub3A_269, %mul3A_270 : i32
        %add3A_272 = arith.addi %mul3A_2, %mul3A_271 : i32
        %dma_wait3A_273 = arith.constant 1 : i32
        %dma_wait3A_274 = arith.constant 0 : i32
        %dma_wait3A_275 = arith.constant 0 : i32
        %dma_wait3A_276 = tpu.memref_slice %arg6[%dma_wait3A_273, %dma_wait3A_274, %dma_wait3A_275] : memref<2x8x128xf32, #tpu.memory_space<vmem>> -> memref<1x8x128xf32, #tpu.memory_space<vmem>>
        %dma_wait3A_277 = tpu.memref_squeeze %dma_wait3A_276 : memref<1x8x128xf32, #tpu.memory_space<vmem>> -> memref<8x128xf32, #tpu.memory_space<vmem>>
        %dma_wait3A_278 = arith.constant 0 : i32
        %dma_wait3A_279 = tpu.memref_slice %arg4[%add3A_272, %dma_wait3A_278] : memref<2560x128xf32, #tpu.memory_space<hbm>> -> memref<8x128xf32, #tpu.memory_space<hbm>>
        %dma_wait3A_280 = arith.constant 0 : i32
        %dma_wait3A_281 = tpu.memref_slice %arg4[%add3A_272, %dma_wait3A_280] : memref<2560x128xf32, #tpu.memory_space<hbm>> -> memref<8x128xf32, #tpu.memory_space<hbm>>
        %dma_wait3A_282 = arith.constant 0 : i32
        %dma_wait3A_283 = arith.constant 0 : i32
        %dma_wait3A_284 = tpu.memref_slice %arg6[%dma_wait3A_273, %dma_wait3A_282, %dma_wait3A_283] : memref<2x8x128xf32, #tpu.memory_space<vmem>> -> memref<1x8x128xf32, #tpu.memory_space<vmem>>
        %dma_wait3A_285 = tpu.memref_squeeze %dma_wait3A_284 : memref<1x8x128xf32, #tpu.memory_space<vmem>> -> memref<8x128xf32, #tpu.memory_space<vmem>>
        tpu.wait_dma2 semaphore(%arg12 : memref<!tpu.dma_semaphore, #tpu.memory_space<semaphore_mem>>) src(%dma_wait3A_285 : memref<8x128xf32, #tpu.memory_space<vmem>>) dst(%dma_wait3A_281 : memref<8x128xf32, #tpu.memory_space<hbm>>)
      } else {
      }
      %scan3A_240 = arith.constant 0 : i32
      %scan3A_241 = arith.constant 0 : i32
      %scan3A_242 = arith.constant 8 : i32
      %scan3A_243 = arith.addi %scan3A_241, %scan3A_242 : i32
      %scan3A_244 = arith.constant 1 : i32
      scf.for %scan3A_269 = %scan3A_241 to %scan3A_243 step %scan3A_244  : i32 {
        %get3A = arith.constant 1 : i32
        %get3A_270 = arith.constant 0 : i32
        %get3A_271 = arith.index_cast %get3A : i32 to index
        %get3A_272 = arith.index_cast %scan3A_269 : i32 to index
        %get3A_273 = arith.index_cast %get3A_270 : i32 to index
        %get3A_274 = arith.constant 0 : index
        %get3A_275 = tpu.vector_load %arg5[%get3A_271, %get3A_272, %get3A_273, %get3A_274] {strides = array<i32>} : memref<2x8x32x128xf32, #tpu.memory_space<vmem>>, vector<1x1x1x16xf32>,
        %get3A_276 = vector.shape_cast %get3A_275 : vector<1x1x1x16xf32> to vector<16xf32>
        %get3A_277 = arith.constant 1 : i32
        %get3A_278 = arith.constant 1 : i32
        %get3A_279 = arith.index_cast %get3A_277 : i32 to index
        %get3A_280 = arith.index_cast %scan3A_269 : i32 to index
        %get3A_281 = arith.index_cast %get3A_278 : i32 to index
        %get3A_282 = arith.constant 0 : index
        %get3A_283 = tpu.vector_load %arg5[%get3A_279, %get3A_280, %get3A_281, %get3A_282] {strides = array<i32>} : memref<2x8x32x128xf32, #tpu.memory_space<vmem>>, vector<1x1x1x16xf32>,
        %get3A_284 = vector.shape_cast %get3A_283 : vector<1x1x1x16xf32> to vector<16xf32>
        %add3A_285 = arith.addf %get3A_276, %get3A_284 : vector<16xf32>
        %get3A_286 = arith.constant 1 : i32
        %get3A_287 = arith.constant 2 : i32
        %get3A_288 = arith.index_cast %get3A_286 : i32 to index
        %get3A_289 = arith.index_cast %scan3A_269 : i32 to index
        %get3A_290 = arith.index_cast %get3A_287 : i32 to index
        %get3A_291 = arith.constant 0 : index
        %get3A_292 = tpu.vector_load %arg5[%get3A_288, %get3A_289, %get3A_290, %get3A_291] {strides = array<i32>} : memref<2x8x32x128xf32, #tpu.memory_space<vmem>>, vector<1x1x1x16xf32>,
        %get3A_293 = vector.shape_cast %get3A_292 : vector<1x1x1x16xf32> to vector<16xf32>
        %add3A_294 = arith.addf %add3A_285, %get3A_293 : vector<16xf32>
        %get3A_295 = arith.constant 1 : i32
        %get3A_296 = arith.constant 3 : i32
        %get3A_297 = arith.index_cast %get3A_295 : i32 to index
        %get3A_298 = arith.index_cast %scan3A_269 : i32 to index
        %get3A_299 = arith.index_cast %get3A_296 : i32 to index
        %get3A_300 = arith.constant 0 : index
        %get3A_301 = tpu.vector_load %arg5[%get3A_297, %get3A_298, %get3A_299, %get3A_300] {strides = array<i32>} : memref<2x8x32x128xf32, #tpu.memory_space<vmem>>, vector<1x1x1x16xf32>,
        %get3A_302 = vector.shape_cast %get3A_301 : vector<1x1x1x16xf32> to vector<16xf32>
        %add3A_303 = arith.addf %add3A_294, %get3A_302 : vector<16xf32>
        %get3A_304 = arith.constant 1 : i32
        %get3A_305 = arith.constant 4 : i32
        %get3A_306 = arith.index_cast %get3A_304 : i32 to index
        %get3A_307 = arith.index_cast %scan3A_269 : i32 to index
        %get3A_308 = arith.index_cast %get3A_305 : i32 to index
        %get3A_309 = arith.constant 0 : index
        %get3A_310 = tpu.vector_load %arg5[%get3A_306, %get3A_307, %get3A_308, %get3A_309] {strides = array<i32>} : memref<2x8x32x128xf32, #tpu.memory_space<vmem>>, vector<1x1x1x16xf32>,
        %get3A_311 = vector.shape_cast %get3A_310 : vector<1x1x1x16xf32> to vector<16xf32>
        %add3A_312 = arith.addf %add3A_303, %get3A_311 : vector<16xf32>
        %get3A_313 = arith.constant 1 : i32
        %get3A_314 = arith.constant 5 : i32
        %get3A_315 = arith.index_cast %get3A_313 : i32 to index
        %get3A_316 = arith.index_cast %scan3A_269 : i32 to index
        %get3A_317 = arith.index_cast %get3A_314 : i32 to index
        %get3A_318 = arith.constant 0 : index
        %get3A_319 = tpu.vector_load %arg5[%get3A_315, %get3A_316, %get3A_317, %get3A_318] {strides = array<i32>} : memref<2x8x32x128xf32, #tpu.memory_space<vmem>>, vector<1x1x1x16xf32>,
        %get3A_320 = vector.shape_cast %get3A_319 : vector<1x1x1x16xf32> to vector<16xf32>
        %add3A_321 = arith.addf %add3A_312, %get3A_320 : vector<16xf32>
        %get3A_322 = arith.constant 1 : i32
        %get3A_323 = arith.constant 6 : i32
        %get3A_324 = arith.index_cast %get3A_322 : i32 to index
        %get3A_325 = arith.index_cast %scan3A_269 : i32 to index
        %get3A_326 = arith.index_cast %get3A_323 : i32 to index
        %get3A_327 = arith.constant 0 : index
        %get3A_328 = tpu.vector_load %arg5[%get3A_324, %get3A_325, %get3A_326, %get3A_327] {strides = array<i32>} : memref<2x8x32x128xf32, #tpu.memory_space<vmem>>, vector<1x1x1x16xf32>,
        %get3A_329 = vector.shape_cast %get3A_328 : vector<1x1x1x16xf32> to vector<16xf32>
        %add3A_330 = arith.addf %add3A_321, %get3A_329 : vector<16xf32>
        %get3A_331 = arith.constant 1 : i32
        %get3A_332 = arith.constant 7 : i32
        %get3A_333 = arith.index_cast %get3A_331 : i32 to index
        %get3A_334 = arith.index_cast %scan3A_269 : i32 to index
        %get3A_335 = arith.index_cast %get3A_332 : i32 to index
        %get3A_336 = arith.constant 0 : index
        %get3A_337 = tpu.vector_load %arg5[%get3A_333, %get3A_334, %get3A_335, %get3A_336] {strides = array<i32>} : memref<2x8x32x128xf32, #tpu.memory_space<vmem>>, vector<1x1x1x16xf32>,
        %get3A_338 = vector.shape_cast %get3A_337 : vector<1x1x1x16xf32> to vector<16xf32>
        %add3A_339 = arith.addf %add3A_330, %get3A_338 : vector<16xf32>
        %get3A_340 = arith.constant 1 : i32
        %get3A_341 = arith.constant 8 : i32
        %get3A_342 = arith.index_cast %get3A_340 : i32 to index
        %get3A_343 = arith.index_cast %scan3A_269 : i32 to index
        %get3A_344 = arith.index_cast %get3A_341 : i32 to index
        %get3A_345 = arith.constant 0 : index
        %get3A_346 = tpu.vector_load %arg5[%get3A_342, %get3A_343, %get3A_344, %get3A_345] {strides = array<i32>} : memref<2x8x32x128xf32, #tpu.memory_space<vmem>>, vector<1x1x1x16xf32>,
        %get3A_347 = vector.shape_cast %get3A_346 : vector<1x1x1x16xf32> to vector<16xf32>
        %add3A_348 = arith.addf %add3A_339, %get3A_347 : vector<16xf32>
        %get3A_349 = arith.constant 1 : i32
        %get3A_350 = arith.constant 9 : i32
        %get3A_351 = arith.index_cast %get3A_349 : i32 to index
        %get3A_352 = arith.index_cast %scan3A_269 : i32 to index
        %get3A_353 = arith.index_cast %get3A_350 : i32 to index
        %get3A_354 = arith.constant 0 : index
        %get3A_355 = tpu.vector_load %arg5[%get3A_351, %get3A_352, %get3A_353, %get3A_354] {strides = array<i32>} : memref<2x8x32x128xf32, #tpu.memory_space<vmem>>, vector<1x1x1x16xf32>,
        %get3A_356 = vector.shape_cast %get3A_355 : vector<1x1x1x16xf32> to vector<16xf32>
        %add3A_357 = arith.addf %add3A_348, %get3A_356 : vector<16xf32>
        %get3A_358 = arith.constant 1 : i32
        %get3A_359 = arith.constant 10 : i32
        %get3A_360 = arith.index_cast %get3A_358 : i32 to index
        %get3A_361 = arith.index_cast %scan3A_269 : i32 to index
        %get3A_362 = arith.index_cast %get3A_359 : i32 to index
        %get3A_363 = arith.constant 0 : index
        %get3A_364 = tpu.vector_load %arg5[%get3A_360, %get3A_361, %get3A_362, %get3A_363] {strides = array<i32>} : memref<2x8x32x128xf32, #tpu.memory_space<vmem>>, vector<1x1x1x16xf32>,
        %get3A_365 = vector.shape_cast %get3A_364 : vector<1x1x1x16xf32> to vector<16xf32>
        %add3A_366 = arith.addf %add3A_357, %get3A_365 : vector<16xf32>
        %get3A_367 = arith.constant 1 : i32
        %get3A_368 = arith.constant 11 : i32
        %get3A_369 = arith.index_cast %get3A_367 : i32 to index
        %get3A_370 = arith.index_cast %scan3A_269 : i32 to index
        %get3A_371 = arith.index_cast %get3A_368 : i32 to index
        %get3A_372 = arith.constant 0 : index
        %get3A_373 = tpu.vector_load %arg5[%get3A_369, %get3A_370, %get3A_371, %get3A_372] {strides = array<i32>} : memref<2x8x32x128xf32, #tpu.memory_space<vmem>>, vector<1x1x1x16xf32>,
        %get3A_374 = vector.shape_cast %get3A_373 : vector<1x1x1x16xf32> to vector<16xf32>
        %add3A_375 = arith.addf %add3A_366, %get3A_374 : vector<16xf32>
        %get3A_376 = arith.constant 1 : i32
        %get3A_377 = arith.constant 12 : i32
        %get3A_378 = arith.index_cast %get3A_376 : i32 to index
        %get3A_379 = arith.index_cast %scan3A_269 : i32 to index
        %get3A_380 = arith.index_cast %get3A_377 : i32 to index
        %get3A_381 = arith.constant 0 : index
        %get3A_382 = tpu.vector_load %arg5[%get3A_378, %get3A_379, %get3A_380, %get3A_381] {strides = array<i32>} : memref<2x8x32x128xf32, #tpu.memory_space<vmem>>, vector<1x1x1x16xf32>,
        %get3A_383 = vector.shape_cast %get3A_382 : vector<1x1x1x16xf32> to vector<16xf32>
        %add3A_384 = arith.addf %add3A_375, %get3A_383 : vector<16xf32>
        %get3A_385 = arith.constant 1 : i32
        %get3A_386 = arith.constant 13 : i32
        %get3A_387 = arith.index_cast %get3A_385 : i32 to index
        %get3A_388 = arith.index_cast %scan3A_269 : i32 to index
        %get3A_389 = arith.index_cast %get3A_386 : i32 to index
        %get3A_390 = arith.constant 0 : index
        %get3A_391 = tpu.vector_load %arg5[%get3A_387, %get3A_388, %get3A_389, %get3A_390] {strides = array<i32>} : memref<2x8x32x128xf32, #tpu.memory_space<vmem>>, vector<1x1x1x16xf32>,
        %get3A_392 = vector.shape_cast %get3A_391 : vector<1x1x1x16xf32> to vector<16xf32>
        %add3A_393 = arith.addf %add3A_384, %get3A_392 : vector<16xf32>
        %get3A_394 = arith.constant 1 : i32
        %get3A_395 = arith.constant 14 : i32
        %get3A_396 = arith.index_cast %get3A_394 : i32 to index
        %get3A_397 = arith.index_cast %scan3A_269 : i32 to index
        %get3A_398 = arith.index_cast %get3A_395 : i32 to index
        %get3A_399 = arith.constant 0 : index
        %get3A_400 = tpu.vector_load %arg5[%get3A_396, %get3A_397, %get3A_398, %get3A_399] {strides = array<i32>} : memref<2x8x32x128xf32, #tpu.memory_space<vmem>>, vector<1x1x1x16xf32>,
        %get3A_401 = vector.shape_cast %get3A_400 : vector<1x1x1x16xf32> to vector<16xf32>
        %add3A_402 = arith.addf %add3A_393, %get3A_401 : vector<16xf32>
        %get3A_403 = arith.constant 1 : i32
        %get3A_404 = arith.constant 15 : i32
        %get3A_405 = arith.index_cast %get3A_403 : i32 to index
        %get3A_406 = arith.index_cast %scan3A_269 : i32 to index
        %get3A_407 = arith.index_cast %get3A_404 : i32 to index
        %get3A_408 = arith.constant 0 : index
        %get3A_409 = tpu.vector_load %arg5[%get3A_405, %get3A_406, %get3A_407, %get3A_408] {strides = array<i32>} : memref<2x8x32x128xf32, #tpu.memory_space<vmem>>, vector<1x1x1x16xf32>,
        %get3A_410 = vector.shape_cast %get3A_409 : vector<1x1x1x16xf32> to vector<16xf32>
        %add3A_411 = arith.addf %add3A_402, %get3A_410 : vector<16xf32>
        %get3A_412 = arith.constant 1 : i32
        %get3A_413 = arith.constant 16 : i32
        %get3A_414 = arith.index_cast %get3A_412 : i32 to index
        %get3A_415 = arith.index_cast %scan3A_269 : i32 to index
        %get3A_416 = arith.index_cast %get3A_413 : i32 to index
        %get3A_417 = arith.constant 0 : index
        %get3A_418 = tpu.vector_load %arg5[%get3A_414, %get3A_415, %get3A_416, %get3A_417] {strides = array<i32>} : memref<2x8x32x128xf32, #tpu.memory_space<vmem>>, vector<1x1x1x16xf32>,
        %get3A_419 = vector.shape_cast %get3A_418 : vector<1x1x1x16xf32> to vector<16xf32>
        %add3A_420 = arith.addf %add3A_411, %get3A_419 : vector<16xf32>
        %get3A_421 = arith.constant 1 : i32
        %get3A_422 = arith.constant 17 : i32
        %get3A_423 = arith.index_cast %get3A_421 : i32 to index
        %get3A_424 = arith.index_cast %scan3A_269 : i32 to index
        %get3A_425 = arith.index_cast %get3A_422 : i32 to index
        %get3A_426 = arith.constant 0 : index
        %get3A_427 = tpu.vector_load %arg5[%get3A_423, %get3A_424, %get3A_425, %get3A_426] {strides = array<i32>} : memref<2x8x32x128xf32, #tpu.memory_space<vmem>>, vector<1x1x1x16xf32>,
        %get3A_428 = vector.shape_cast %get3A_427 : vector<1x1x1x16xf32> to vector<16xf32>
        %add3A_429 = arith.addf %add3A_420, %get3A_428 : vector<16xf32>
        %get3A_430 = arith.constant 1 : i32
        %get3A_431 = arith.constant 18 : i32
        %get3A_432 = arith.index_cast %get3A_430 : i32 to index
        %get3A_433 = arith.index_cast %scan3A_269 : i32 to index
        %get3A_434 = arith.index_cast %get3A_431 : i32 to index
        %get3A_435 = arith.constant 0 : index
        %get3A_436 = tpu.vector_load %arg5[%get3A_432, %get3A_433, %get3A_434, %get3A_435] {strides = array<i32>} : memref<2x8x32x128xf32, #tpu.memory_space<vmem>>, vector<1x1x1x16xf32>,
        %get3A_437 = vector.shape_cast %get3A_436 : vector<1x1x1x16xf32> to vector<16xf32>
        %add3A_438 = arith.addf %add3A_429, %get3A_437 : vector<16xf32>
        %get3A_439 = arith.constant 1 : i32
        %get3A_440 = arith.constant 19 : i32
        %get3A_441 = arith.index_cast %get3A_439 : i32 to index
        %get3A_442 = arith.index_cast %scan3A_269 : i32 to index
        %get3A_443 = arith.index_cast %get3A_440 : i32 to index
        %get3A_444 = arith.constant 0 : index
        %get3A_445 = tpu.vector_load %arg5[%get3A_441, %get3A_442, %get3A_443, %get3A_444] {strides = array<i32>} : memref<2x8x32x128xf32, #tpu.memory_space<vmem>>, vector<1x1x1x16xf32>,
        %get3A_446 = vector.shape_cast %get3A_445 : vector<1x1x1x16xf32> to vector<16xf32>
        %add3A_447 = arith.addf %add3A_438, %get3A_446 : vector<16xf32>
        %get3A_448 = arith.constant 1 : i32
        %get3A_449 = arith.constant 20 : i32
        %get3A_450 = arith.index_cast %get3A_448 : i32 to index
        %get3A_451 = arith.index_cast %scan3A_269 : i32 to index
        %get3A_452 = arith.index_cast %get3A_449 : i32 to index
        %get3A_453 = arith.constant 0 : index
        %get3A_454 = tpu.vector_load %arg5[%get3A_450, %get3A_451, %get3A_452, %get3A_453] {strides = array<i32>} : memref<2x8x32x128xf32, #tpu.memory_space<vmem>>, vector<1x1x1x16xf32>,
        %get3A_455 = vector.shape_cast %get3A_454 : vector<1x1x1x16xf32> to vector<16xf32>
        %add3A_456 = arith.addf %add3A_447, %get3A_455 : vector<16xf32>
        %get3A_457 = arith.constant 1 : i32
        %get3A_458 = arith.constant 21 : i32
        %get3A_459 = arith.index_cast %get3A_457 : i32 to index
        %get3A_460 = arith.index_cast %scan3A_269 : i32 to index
        %get3A_461 = arith.index_cast %get3A_458 : i32 to index
        %get3A_462 = arith.constant 0 : index
        %get3A_463 = tpu.vector_load %arg5[%get3A_459, %get3A_460, %get3A_461, %get3A_462] {strides = array<i32>} : memref<2x8x32x128xf32, #tpu.memory_space<vmem>>, vector<1x1x1x16xf32>,
        %get3A_464 = vector.shape_cast %get3A_463 : vector<1x1x1x16xf32> to vector<16xf32>
        %add3A_465 = arith.addf %add3A_456, %get3A_464 : vector<16xf32>
        %get3A_466 = arith.constant 1 : i32
        %get3A_467 = arith.constant 22 : i32
        %get3A_468 = arith.index_cast %get3A_466 : i32 to index
        %get3A_469 = arith.index_cast %scan3A_269 : i32 to index
        %get3A_470 = arith.index_cast %get3A_467 : i32 to index
        %get3A_471 = arith.constant 0 : index
        %get3A_472 = tpu.vector_load %arg5[%get3A_468, %get3A_469, %get3A_470, %get3A_471] {strides = array<i32>} : memref<2x8x32x128xf32, #tpu.memory_space<vmem>>, vector<1x1x1x16xf32>,
        %get3A_473 = vector.shape_cast %get3A_472 : vector<1x1x1x16xf32> to vector<16xf32>
        %add3A_474 = arith.addf %add3A_465, %get3A_473 : vector<16xf32>
        %get3A_475 = arith.constant 1 : i32
        %get3A_476 = arith.constant 23 : i32
        %get3A_477 = arith.index_cast %get3A_475 : i32 to index
        %get3A_478 = arith.index_cast %scan3A_269 : i32 to index
        %get3A_479 = arith.index_cast %get3A_476 : i32 to index
        %get3A_480 = arith.constant 0 : index
        %get3A_481 = tpu.vector_load %arg5[%get3A_477, %get3A_478, %get3A_479, %get3A_480] {strides = array<i32>} : memref<2x8x32x128xf32, #tpu.memory_space<vmem>>, vector<1x1x1x16xf32>,
        %get3A_482 = vector.shape_cast %get3A_481 : vector<1x1x1x16xf32> to vector<16xf32>
        %add3A_483 = arith.addf %add3A_474, %get3A_482 : vector<16xf32>
        %get3A_484 = arith.constant 1 : i32
        %get3A_485 = arith.constant 24 : i32
        %get3A_486 = arith.index_cast %get3A_484 : i32 to index
        %get3A_487 = arith.index_cast %scan3A_269 : i32 to index
        %get3A_488 = arith.index_cast %get3A_485 : i32 to index
        %get3A_489 = arith.constant 0 : index
        %get3A_490 = tpu.vector_load %arg5[%get3A_486, %get3A_487, %get3A_488, %get3A_489] {strides = array<i32>} : memref<2x8x32x128xf32, #tpu.memory_space<vmem>>, vector<1x1x1x16xf32>,
        %get3A_491 = vector.shape_cast %get3A_490 : vector<1x1x1x16xf32> to vector<16xf32>
        %add3A_492 = arith.addf %add3A_483, %get3A_491 : vector<16xf32>
        %get3A_493 = arith.constant 1 : i32
        %get3A_494 = arith.constant 25 : i32
        %get3A_495 = arith.index_cast %get3A_493 : i32 to index
        %get3A_496 = arith.index_cast %scan3A_269 : i32 to index
        %get3A_497 = arith.index_cast %get3A_494 : i32 to index
        %get3A_498 = arith.constant 0 : index
        %get3A_499 = tpu.vector_load %arg5[%get3A_495, %get3A_496, %get3A_497, %get3A_498] {strides = array<i32>} : memref<2x8x32x128xf32, #tpu.memory_space<vmem>>, vector<1x1x1x16xf32>,
        %get3A_500 = vector.shape_cast %get3A_499 : vector<1x1x1x16xf32> to vector<16xf32>
        %add3A_501 = arith.addf %add3A_492, %get3A_500 : vector<16xf32>
        %get3A_502 = arith.constant 1 : i32
        %get3A_503 = arith.constant 26 : i32
        %get3A_504 = arith.index_cast %get3A_502 : i32 to index
        %get3A_505 = arith.index_cast %scan3A_269 : i32 to index
        %get3A_506 = arith.index_cast %get3A_503 : i32 to index
        %get3A_507 = arith.constant 0 : index
        %get3A_508 = tpu.vector_load %arg5[%get3A_504, %get3A_505, %get3A_506, %get3A_507] {strides = array<i32>} : memref<2x8x32x128xf32, #tpu.memory_space<vmem>>, vector<1x1x1x16xf32>,
        %get3A_509 = vector.shape_cast %get3A_508 : vector<1x1x1x16xf32> to vector<16xf32>
        %add3A_510 = arith.addf %add3A_501, %get3A_509 : vector<16xf32>
        %get3A_511 = arith.constant 1 : i32
        %get3A_512 = arith.constant 27 : i32
        %get3A_513 = arith.index_cast %get3A_511 : i32 to index
        %get3A_514 = arith.index_cast %scan3A_269 : i32 to index
        %get3A_515 = arith.index_cast %get3A_512 : i32 to index
        %get3A_516 = arith.constant 0 : index
        %get3A_517 = tpu.vector_load %arg5[%get3A_513, %get3A_514, %get3A_515, %get3A_516] {strides = array<i32>} : memref<2x8x32x128xf32, #tpu.memory_space<vmem>>, vector<1x1x1x16xf32>,
        %get3A_518 = vector.shape_cast %get3A_517 : vector<1x1x1x16xf32> to vector<16xf32>
        %add3A_519 = arith.addf %add3A_510, %get3A_518 : vector<16xf32>
        %get3A_520 = arith.constant 1 : i32
        %get3A_521 = arith.constant 28 : i32
        %get3A_522 = arith.index_cast %get3A_520 : i32 to index
        %get3A_523 = arith.index_cast %scan3A_269 : i32 to index
        %get3A_524 = arith.index_cast %get3A_521 : i32 to index
        %get3A_525 = arith.constant 0 : index
        %get3A_526 = tpu.vector_load %arg5[%get3A_522, %get3A_523, %get3A_524, %get3A_525] {strides = array<i32>} : memref<2x8x32x128xf32, #tpu.memory_space<vmem>>, vector<1x1x1x16xf32>,
        %get3A_527 = vector.shape_cast %get3A_526 : vector<1x1x1x16xf32> to vector<16xf32>
        %add3A_528 = arith.addf %add3A_519, %get3A_527 : vector<16xf32>
        %get3A_529 = arith.constant 1 : i32
        %get3A_530 = arith.constant 29 : i32
        %get3A_531 = arith.index_cast %get3A_529 : i32 to index
        %get3A_532 = arith.index_cast %scan3A_269 : i32 to index
        %get3A_533 = arith.index_cast %get3A_530 : i32 to index
        %get3A_534 = arith.constant 0 : index
        %get3A_535 = tpu.vector_load %arg5[%get3A_531, %get3A_532, %get3A_533, %get3A_534] {strides = array<i32>} : memref<2x8x32x128xf32, #tpu.memory_space<vmem>>, vector<1x1x1x16xf32>,
        %get3A_536 = vector.shape_cast %get3A_535 : vector<1x1x1x16xf32> to vector<16xf32>
        %add3A_537 = arith.addf %add3A_528, %get3A_536 : vector<16xf32>
        %get3A_538 = arith.constant 1 : i32
        %get3A_539 = arith.constant 30 : i32
        %get3A_540 = arith.index_cast %get3A_538 : i32 to index
        %get3A_541 = arith.index_cast %scan3A_269 : i32 to index
        %get3A_542 = arith.index_cast %get3A_539 : i32 to index
        %get3A_543 = arith.constant 0 : index
        %get3A_544 = tpu.vector_load %arg5[%get3A_540, %get3A_541, %get3A_542, %get3A_543] {strides = array<i32>} : memref<2x8x32x128xf32, #tpu.memory_space<vmem>>, vector<1x1x1x16xf32>,
        %get3A_545 = vector.shape_cast %get3A_544 : vector<1x1x1x16xf32> to vector<16xf32>
        %add3A_546 = arith.addf %add3A_537, %get3A_545 : vector<16xf32>
        %get3A_547 = arith.constant 1 : i32
        %get3A_548 = arith.constant 31 : i32
        %get3A_549 = arith.index_cast %get3A_547 : i32 to index
        %get3A_550 = arith.index_cast %scan3A_269 : i32 to index
        %get3A_551 = arith.index_cast %get3A_548 : i32 to index
        %get3A_552 = arith.constant 0 : index
        %get3A_553 = tpu.vector_load %arg5[%get3A_549, %get3A_550, %get3A_551, %get3A_552] {strides = array<i32>} : memref<2x8x32x128xf32, #tpu.memory_space<vmem>>, vector<1x1x1x16xf32>,
        %get3A_554 = vector.shape_cast %get3A_553 : vector<1x1x1x16xf32> to vector<16xf32>
        %add3A_555 = arith.addf %add3A_546, %get3A_554 : vector<16xf32>
        %swap3A = arith.constant 1 : i32
        %swap3A_556 = arith.index_cast %swap3A : i32 to index
        %swap3A_557 = arith.index_cast %scan3A_269 : i32 to index
        %swap3A_558 = arith.constant 0 : index
        %swap3A_559 = tpu.vector_load %arg6[%swap3A_556, %swap3A_557, %swap3A_558] {strides = array<i32>} : memref<2x8x128xf32, #tpu.memory_space<vmem>>, vector<1x1x16xf32>,
        %swap3A_560 = vector.shape_cast %swap3A_559 : vector<1x1x16xf32> to vector<16xf32>
        %swap3A_561 = vector.shape_cast %add3A_555 : vector<16xf32> to vector<1x1x16xf32>
        tpu.vector_store %arg6[%swap3A_556, %swap3A_557, %swap3A_558], %swap3A_561 {strides = array<i32>} : memref<2x8x128xf32, #tpu.memory_space<vmem>>, vector<1x1x16xf32>,
        %get3A_562 = arith.constant 1 : i32
        %get3A_563 = arith.constant 0 : i32
        %get3A_564 = arith.index_cast %get3A_562 : i32 to index
        %get3A_565 = arith.index_cast %scan3A_269 : i32 to index
        %get3A_566 = arith.index_cast %get3A_563 : i32 to index
        %get3A_567 = arith.constant 16 : index
        %get3A_568 = tpu.vector_load %arg5[%get3A_564, %get3A_565, %get3A_566, %get3A_567] {strides = array<i32>} : memref<2x8x32x128xf32, #tpu.memory_space<vmem>>, vector<1x1x1x16xf32>,
        %get3A_569 = vector.shape_cast %get3A_568 : vector<1x1x1x16xf32> to vector<16xf32>
        %get3A_570 = arith.constant 1 : i32
        %get3A_571 = arith.constant 1 : i32
        %get3A_572 = arith.index_cast %get3A_570 : i32 to index
        %get3A_573 = arith.index_cast %scan3A_269 : i32 to index
        %get3A_574 = arith.index_cast %get3A_571 : i32 to index
        %get3A_575 = arith.constant 16 : index
        %get3A_576 = tpu.vector_load %arg5[%get3A_572, %get3A_573, %get3A_574, %get3A_575] {strides = array<i32>} : memref<2x8x32x128xf32, #tpu.memory_space<vmem>>, vector<1x1x1x16xf32>,
        %get3A_577 = vector.shape_cast %get3A_576 : vector<1x1x1x16xf32> to vector<16xf32>
        %add3A_578 = arith.addf %get3A_569, %get3A_577 : vector<16xf32>
        %get3A_579 = arith.constant 1 : i32
        %get3A_580 = arith.constant 2 : i32
        %get3A_581 = arith.index_cast %get3A_579 : i32 to index
        %get3A_582 = arith.index_cast %scan3A_269 : i32 to index
        %get3A_583 = arith.index_cast %get3A_580 : i32 to index
        %get3A_584 = arith.constant 16 : index
        %get3A_585 = tpu.vector_load %arg5[%get3A_581, %get3A_582, %get3A_583, %get3A_584] {strides = array<i32>} : memref<2x8x32x128xf32, #tpu.memory_space<vmem>>, vector<1x1x1x16xf32>,
        %get3A_586 = vector.shape_cast %get3A_585 : vector<1x1x1x16xf32> to vector<16xf32>
        %add3A_587 = arith.addf %add3A_578, %get3A_586 : vector<16xf32>
        %get3A_588 = arith.constant 1 : i32
        %get3A_589 = arith.constant 3 : i32
        %get3A_590 = arith.index_cast %get3A_588 : i32 to index
        %get3A_591 = arith.index_cast %scan3A_269 : i32 to index
        %get3A_592 = arith.index_cast %get3A_589 : i32 to index
        %get3A_593 = arith.constant 16 : index
        %get3A_594 = tpu.vector_load %arg5[%get3A_590, %get3A_591, %get3A_592, %get3A_593] {strides = array<i32>} : memref<2x8x32x128xf32, #tpu.memory_space<vmem>>, vector<1x1x1x16xf32>,
        %get3A_595 = vector.shape_cast %get3A_594 : vector<1x1x1x16xf32> to vector<16xf32>
        %add3A_596 = arith.addf %add3A_587, %get3A_595 : vector<16xf32>
        %get3A_597 = arith.constant 1 : i32
        %get3A_598 = arith.constant 4 : i32
        %get3A_599 = arith.index_cast %get3A_597 : i32 to index
        %get3A_600 = arith.index_cast %scan3A_269 : i32 to index
        %get3A_601 = arith.index_cast %get3A_598 : i32 to index
        %get3A_602 = arith.constant 16 : index
        %get3A_603 = tpu.vector_load %arg5[%get3A_599, %get3A_600, %get3A_601, %get3A_602] {strides = array<i32>} : memref<2x8x32x128xf32, #tpu.memory_space<vmem>>, vector<1x1x1x16xf32>,
        %get3A_604 = vector.shape_cast %get3A_603 : vector<1x1x1x16xf32> to vector<16xf32>
        %add3A_605 = arith.addf %add3A_596, %get3A_604 : vector<16xf32>
        %get3A_606 = arith.constant 1 : i32
        %get3A_607 = arith.constant 5 : i32
        %get3A_608 = arith.index_cast %get3A_606 : i32 to index
        %get3A_609 = arith.index_cast %scan3A_269 : i32 to index
        %get3A_610 = arith.index_cast %get3A_607 : i32 to index
        %get3A_611 = arith.constant 16 : index
        %get3A_612 = tpu.vector_load %arg5[%get3A_608, %get3A_609, %get3A_610, %get3A_611] {strides = array<i32>} : memref<2x8x32x128xf32, #tpu.memory_space<vmem>>, vector<1x1x1x16xf32>,
        %get3A_613 = vector.shape_cast %get3A_612 : vector<1x1x1x16xf32> to vector<16xf32>
        %add3A_614 = arith.addf %add3A_605, %get3A_613 : vector<16xf32>
        %get3A_615 = arith.constant 1 : i32
        %get3A_616 = arith.constant 6 : i32
        %get3A_617 = arith.index_cast %get3A_615 : i32 to index
        %get3A_618 = arith.index_cast %scan3A_269 : i32 to index
        %get3A_619 = arith.index_cast %get3A_616 : i32 to index
        %get3A_620 = arith.constant 16 : index
        %get3A_621 = tpu.vector_load %arg5[%get3A_617, %get3A_618, %get3A_619, %get3A_620] {strides = array<i32>} : memref<2x8x32x128xf32, #tpu.memory_space<vmem>>, vector<1x1x1x16xf32>,
        %get3A_622 = vector.shape_cast %get3A_621 : vector<1x1x1x16xf32> to vector<16xf32>
        %add3A_623 = arith.addf %add3A_614, %get3A_622 : vector<16xf32>
        %get3A_624 = arith.constant 1 : i32
        %get3A_625 = arith.constant 7 : i32
        %get3A_626 = arith.index_cast %get3A_624 : i32 to index
        %get3A_627 = arith.index_cast %scan3A_269 : i32 to index
        %get3A_628 = arith.index_cast %get3A_625 : i32 to index
        %get3A_629 = arith.constant 16 : index
        %get3A_630 = tpu.vector_load %arg5[%get3A_626, %get3A_627, %get3A_628, %get3A_629] {strides = array<i32>} : memref<2x8x32x128xf32, #tpu.memory_space<vmem>>, vector<1x1x1x16xf32>,
        %get3A_631 = vector.shape_cast %get3A_630 : vector<1x1x1x16xf32> to vector<16xf32>
        %add3A_632 = arith.addf %add3A_623, %get3A_631 : vector<16xf32>
        %get3A_633 = arith.constant 1 : i32
        %get3A_634 = arith.constant 8 : i32
        %get3A_635 = arith.index_cast %get3A_633 : i32 to index
        %get3A_636 = arith.index_cast %scan3A_269 : i32 to index
        %get3A_637 = arith.index_cast %get3A_634 : i32 to index
        %get3A_638 = arith.constant 16 : index
        %get3A_639 = tpu.vector_load %arg5[%get3A_635, %get3A_636, %get3A_637, %get3A_638] {strides = array<i32>} : memref<2x8x32x128xf32, #tpu.memory_space<vmem>>, vector<1x1x1x16xf32>,
        %get3A_640 = vector.shape_cast %get3A_639 : vector<1x1x1x16xf32> to vector<16xf32>
        %add3A_641 = arith.addf %add3A_632, %get3A_640 : vector<16xf32>
        %get3A_642 = arith.constant 1 : i32
        %get3A_643 = arith.constant 9 : i32
        %get3A_644 = arith.index_cast %get3A_642 : i32 to index
        %get3A_645 = arith.index_cast %scan3A_269 : i32 to index
        %get3A_646 = arith.index_cast %get3A_643 : i32 to index
        %get3A_647 = arith.constant 16 : index
        %get3A_648 = tpu.vector_load %arg5[%get3A_644, %get3A_645, %get3A_646, %get3A_647] {strides = array<i32>} : memref<2x8x32x128xf32, #tpu.memory_space<vmem>>, vector<1x1x1x16xf32>,
        %get3A_649 = vector.shape_cast %get3A_648 : vector<1x1x1x16xf32> to vector<16xf32>
        %add3A_650 = arith.addf %add3A_641, %get3A_649 : vector<16xf32>
        %get3A_651 = arith.constant 1 : i32
        %get3A_652 = arith.constant 10 : i32
        %get3A_653 = arith.index_cast %get3A_651 : i32 to index
        %get3A_654 = arith.index_cast %scan3A_269 : i32 to index
        %get3A_655 = arith.index_cast %get3A_652 : i32 to index
        %get3A_656 = arith.constant 16 : index
        %get3A_657 = tpu.vector_load %arg5[%get3A_653, %get3A_654, %get3A_655, %get3A_656] {strides = array<i32>} : memref<2x8x32x128xf32, #tpu.memory_space<vmem>>, vector<1x1x1x16xf32>,
        %get3A_658 = vector.shape_cast %get3A_657 : vector<1x1x1x16xf32> to vector<16xf32>
        %add3A_659 = arith.addf %add3A_650, %get3A_658 : vector<16xf32>
        %get3A_660 = arith.constant 1 : i32
        %get3A_661 = arith.constant 11 : i32
        %get3A_662 = arith.index_cast %get3A_660 : i32 to index
        %get3A_663 = arith.index_cast %scan3A_269 : i32 to index
        %get3A_664 = arith.index_cast %get3A_661 : i32 to index
        %get3A_665 = arith.constant 16 : index
        %get3A_666 = tpu.vector_load %arg5[%get3A_662, %get3A_663, %get3A_664, %get3A_665] {strides = array<i32>} : memref<2x8x32x128xf32, #tpu.memory_space<vmem>>, vector<1x1x1x16xf32>,
        %get3A_667 = vector.shape_cast %get3A_666 : vector<1x1x1x16xf32> to vector<16xf32>
        %add3A_668 = arith.addf %add3A_659, %get3A_667 : vector<16xf32>
        %get3A_669 = arith.constant 1 : i32
        %get3A_670 = arith.constant 12 : i32
        %get3A_671 = arith.index_cast %get3A_669 : i32 to index
        %get3A_672 = arith.index_cast %scan3A_269 : i32 to index
        %get3A_673 = arith.index_cast %get3A_670 : i32 to index
        %get3A_674 = arith.constant 16 : index
        %get3A_675 = tpu.vector_load %arg5[%get3A_671, %get3A_672, %get3A_673, %get3A_674] {strides = array<i32>} : memref<2x8x32x128xf32, #tpu.memory_space<vmem>>, vector<1x1x1x16xf32>,
        %get3A_676 = vector.shape_cast %get3A_675 : vector<1x1x1x16xf32> to vector<16xf32>
        %add3A_677 = arith.addf %add3A_668, %get3A_676 : vector<16xf32>
        %get3A_678 = arith.constant 1 : i32
        %get3A_679 = arith.constant 13 : i32
        %get3A_680 = arith.index_cast %get3A_678 : i32 to index
        %get3A_681 = arith.index_cast %scan3A_269 : i32 to index
        %get3A_682 = arith.index_cast %get3A_679 : i32 to index
        %get3A_683 = arith.constant 16 : index
        %get3A_684 = tpu.vector_load %arg5[%get3A_680, %get3A_681, %get3A_682, %get3A_683] {strides = array<i32>} : memref<2x8x32x128xf32, #tpu.memory_space<vmem>>, vector<1x1x1x16xf32>,
        %get3A_685 = vector.shape_cast %get3A_684 : vector<1x1x1x16xf32> to vector<16xf32>
        %add3A_686 = arith.addf %add3A_677, %get3A_685 : vector<16xf32>
        %get3A_687 = arith.constant 1 : i32
        %get3A_688 = arith.constant 14 : i32
        %get3A_689 = arith.index_cast %get3A_687 : i32 to index
        %get3A_690 = arith.index_cast %scan3A_269 : i32 to index
        %get3A_691 = arith.index_cast %get3A_688 : i32 to index
        %get3A_692 = arith.constant 16 : index
        %get3A_693 = tpu.vector_load %arg5[%get3A_689, %get3A_690, %get3A_691, %get3A_692] {strides = array<i32>} : memref<2x8x32x128xf32, #tpu.memory_space<vmem>>, vector<1x1x1x16xf32>,
        %get3A_694 = vector.shape_cast %get3A_693 : vector<1x1x1x16xf32> to vector<16xf32>
        %add3A_695 = arith.addf %add3A_686, %get3A_694 : vector<16xf32>
        %get3A_696 = arith.constant 1 : i32
        %get3A_697 = arith.constant 15 : i32
        %get3A_698 = arith.index_cast %get3A_696 : i32 to index
        %get3A_699 = arith.index_cast %scan3A_269 : i32 to index
        %get3A_700 = arith.index_cast %get3A_697 : i32 to index
        %get3A_701 = arith.constant 16 : index
        %get3A_702 = tpu.vector_load %arg5[%get3A_698, %get3A_699, %get3A_700, %get3A_701] {strides = array<i32>} : memref<2x8x32x128xf32, #tpu.memory_space<vmem>>, vector<1x1x1x16xf32>,
        %get3A_703 = vector.shape_cast %get3A_702 : vector<1x1x1x16xf32> to vector<16xf32>
        %add3A_704 = arith.addf %add3A_695, %get3A_703 : vector<16xf32>
        %get3A_705 = arith.constant 1 : i32
        %get3A_706 = arith.constant 16 : i32
        %get3A_707 = arith.index_cast %get3A_705 : i32 to index
        %get3A_708 = arith.index_cast %scan3A_269 : i32 to index
        %get3A_709 = arith.index_cast %get3A_706 : i32 to index
        %get3A_710 = arith.constant 16 : index
        %get3A_711 = tpu.vector_load %arg5[%get3A_707, %get3A_708, %get3A_709, %get3A_710] {strides = array<i32>} : memref<2x8x32x128xf32, #tpu.memory_space<vmem>>, vector<1x1x1x16xf32>,
        %get3A_712 = vector.shape_cast %get3A_711 : vector<1x1x1x16xf32> to vector<16xf32>
        %add3A_713 = arith.addf %add3A_704, %get3A_712 : vector<16xf32>
        %get3A_714 = arith.constant 1 : i32
        %get3A_715 = arith.constant 17 : i32
        %get3A_716 = arith.index_cast %get3A_714 : i32 to index
        %get3A_717 = arith.index_cast %scan3A_269 : i32 to index
        %get3A_718 = arith.index_cast %get3A_715 : i32 to index
        %get3A_719 = arith.constant 16 : index
        %get3A_720 = tpu.vector_load %arg5[%get3A_716, %get3A_717, %get3A_718, %get3A_719] {strides = array<i32>} : memref<2x8x32x128xf32, #tpu.memory_space<vmem>>, vector<1x1x1x16xf32>,
        %get3A_721 = vector.shape_cast %get3A_720 : vector<1x1x1x16xf32> to vector<16xf32>
        %add3A_722 = arith.addf %add3A_713, %get3A_721 : vector<16xf32>
        %get3A_723 = arith.constant 1 : i32
        %get3A_724 = arith.constant 18 : i32
        %get3A_725 = arith.index_cast %get3A_723 : i32 to index
        %get3A_726 = arith.index_cast %scan3A_269 : i32 to index
        %get3A_727 = arith.index_cast %get3A_724 : i32 to index
        %get3A_728 = arith.constant 16 : index
        %get3A_729 = tpu.vector_load %arg5[%get3A_725, %get3A_726, %get3A_727, %get3A_728] {strides = array<i32>} : memref<2x8x32x128xf32, #tpu.memory_space<vmem>>, vector<1x1x1x16xf32>,
        %get3A_730 = vector.shape_cast %get3A_729 : vector<1x1x1x16xf32> to vector<16xf32>
        %add3A_731 = arith.addf %add3A_722, %get3A_730 : vector<16xf32>
        %get3A_732 = arith.constant 1 : i32
        %get3A_733 = arith.constant 19 : i32
        %get3A_734 = arith.index_cast %get3A_732 : i32 to index
        %get3A_735 = arith.index_cast %scan3A_269 : i32 to index
        %get3A_736 = arith.index_cast %get3A_733 : i32 to index
        %get3A_737 = arith.constant 16 : index
        %get3A_738 = tpu.vector_load %arg5[%get3A_734, %get3A_735, %get3A_736, %get3A_737] {strides = array<i32>} : memref<2x8x32x128xf32, #tpu.memory_space<vmem>>, vector<1x1x1x16xf32>,
        %get3A_739 = vector.shape_cast %get3A_738 : vector<1x1x1x16xf32> to vector<16xf32>
        %add3A_740 = arith.addf %add3A_731, %get3A_739 : vector<16xf32>
        %get3A_741 = arith.constant 1 : i32
        %get3A_742 = arith.constant 20 : i32
        %get3A_743 = arith.index_cast %get3A_741 : i32 to index
        %get3A_744 = arith.index_cast %scan3A_269 : i32 to index
        %get3A_745 = arith.index_cast %get3A_742 : i32 to index
        %get3A_746 = arith.constant 16 : index
        %get3A_747 = tpu.vector_load %arg5[%get3A_743, %get3A_744, %get3A_745, %get3A_746] {strides = array<i32>} : memref<2x8x32x128xf32, #tpu.memory_space<vmem>>, vector<1x1x1x16xf32>,
        %get3A_748 = vector.shape_cast %get3A_747 : vector<1x1x1x16xf32> to vector<16xf32>
        %add3A_749 = arith.addf %add3A_740, %get3A_748 : vector<16xf32>
        %get3A_750 = arith.constant 1 : i32
        %get3A_751 = arith.constant 21 : i32
        %get3A_752 = arith.index_cast %get3A_750 : i32 to index
        %get3A_753 = arith.index_cast %scan3A_269 : i32 to index
        %get3A_754 = arith.index_cast %get3A_751 : i32 to index
        %get3A_755 = arith.constant 16 : index
        %get3A_756 = tpu.vector_load %arg5[%get3A_752, %get3A_753, %get3A_754, %get3A_755] {strides = array<i32>} : memref<2x8x32x128xf32, #tpu.memory_space<vmem>>, vector<1x1x1x16xf32>,
        %get3A_757 = vector.shape_cast %get3A_756 : vector<1x1x1x16xf32> to vector<16xf32>
        %add3A_758 = arith.addf %add3A_749, %get3A_757 : vector<16xf32>
        %get3A_759 = arith.constant 1 : i32
        %get3A_760 = arith.constant 22 : i32
        %get3A_761 = arith.index_cast %get3A_759 : i32 to index
        %get3A_762 = arith.index_cast %scan3A_269 : i32 to index
        %get3A_763 = arith.index_cast %get3A_760 : i32 to index
        %get3A_764 = arith.constant 16 : index
        %get3A_765 = tpu.vector_load %arg5[%get3A_761, %get3A_762, %get3A_763, %get3A_764] {strides = array<i32>} : memref<2x8x32x128xf32, #tpu.memory_space<vmem>>, vector<1x1x1x16xf32>,
        %get3A_766 = vector.shape_cast %get3A_765 : vector<1x1x1x16xf32> to vector<16xf32>
        %add3A_767 = arith.addf %add3A_758, %get3A_766 : vector<16xf32>
        %get3A_768 = arith.constant 1 : i32
        %get3A_769 = arith.constant 23 : i32
        %get3A_770 = arith.index_cast %get3A_768 : i32 to index
        %get3A_771 = arith.index_cast %scan3A_269 : i32 to index
        %get3A_772 = arith.index_cast %get3A_769 : i32 to index
        %get3A_773 = arith.constant 16 : index
        %get3A_774 = tpu.vector_load %arg5[%get3A_770, %get3A_771, %get3A_772, %get3A_773] {strides = array<i32>} : memref<2x8x32x128xf32, #tpu.memory_space<vmem>>, vector<1x1x1x16xf32>,
        %get3A_775 = vector.shape_cast %get3A_774 : vector<1x1x1x16xf32> to vector<16xf32>
        %add3A_776 = arith.addf %add3A_767, %get3A_775 : vector<16xf32>
        %get3A_777 = arith.constant 1 : i32
        %get3A_778 = arith.constant 24 : i32
        %get3A_779 = arith.index_cast %get3A_777 : i32 to index
        %get3A_780 = arith.index_cast %scan3A_269 : i32 to index
        %get3A_781 = arith.index_cast %get3A_778 : i32 to index
        %get3A_782 = arith.constant 16 : index
        %get3A_783 = tpu.vector_load %arg5[%get3A_779, %get3A_780, %get3A_781, %get3A_782] {strides = array<i32>} : memref<2x8x32x128xf32, #tpu.memory_space<vmem>>, vector<1x1x1x16xf32>,
        %get3A_784 = vector.shape_cast %get3A_783 : vector<1x1x1x16xf32> to vector<16xf32>
        %add3A_785 = arith.addf %add3A_776, %get3A_784 : vector<16xf32>
        %get3A_786 = arith.constant 1 : i32
        %get3A_787 = arith.constant 25 : i32
        %get3A_788 = arith.index_cast %get3A_786 : i32 to index
        %get3A_789 = arith.index_cast %scan3A_269 : i32 to index
        %get3A_790 = arith.index_cast %get3A_787 : i32 to index
        %get3A_791 = arith.constant 16 : index
        %get3A_792 = tpu.vector_load %arg5[%get3A_788, %get3A_789, %get3A_790, %get3A_791] {strides = array<i32>} : memref<2x8x32x128xf32, #tpu.memory_space<vmem>>, vector<1x1x1x16xf32>,
        %get3A_793 = vector.shape_cast %get3A_792 : vector<1x1x1x16xf32> to vector<16xf32>
        %add3A_794 = arith.addf %add3A_785, %get3A_793 : vector<16xf32>
        %get3A_795 = arith.constant 1 : i32
        %get3A_796 = arith.constant 26 : i32
        %get3A_797 = arith.index_cast %get3A_795 : i32 to index
        %get3A_798 = arith.index_cast %scan3A_269 : i32 to index
        %get3A_799 = arith.index_cast %get3A_796 : i32 to index
        %get3A_800 = arith.constant 16 : index
        %get3A_801 = tpu.vector_load %arg5[%get3A_797, %get3A_798, %get3A_799, %get3A_800] {strides = array<i32>} : memref<2x8x32x128xf32, #tpu.memory_space<vmem>>, vector<1x1x1x16xf32>,
        %get3A_802 = vector.shape_cast %get3A_801 : vector<1x1x1x16xf32> to vector<16xf32>
        %add3A_803 = arith.addf %add3A_794, %get3A_802 : vector<16xf32>
        %get3A_804 = arith.constant 1 : i32
        %get3A_805 = arith.constant 27 : i32
        %get3A_806 = arith.index_cast %get3A_804 : i32 to index
        %get3A_807 = arith.index_cast %scan3A_269 : i32 to index
        %get3A_808 = arith.index_cast %get3A_805 : i32 to index
        %get3A_809 = arith.constant 16 : index
        %get3A_810 = tpu.vector_load %arg5[%get3A_806, %get3A_807, %get3A_808, %get3A_809] {strides = array<i32>} : memref<2x8x32x128xf32, #tpu.memory_space<vmem>>, vector<1x1x1x16xf32>,
        %get3A_811 = vector.shape_cast %get3A_810 : vector<1x1x1x16xf32> to vector<16xf32>
        %add3A_812 = arith.addf %add3A_803, %get3A_811 : vector<16xf32>
        %get3A_813 = arith.constant 1 : i32
        %get3A_814 = arith.constant 28 : i32
        %get3A_815 = arith.index_cast %get3A_813 : i32 to index
        %get3A_816 = arith.index_cast %scan3A_269 : i32 to index
        %get3A_817 = arith.index_cast %get3A_814 : i32 to index
        %get3A_818 = arith.constant 16 : index
        %get3A_819 = tpu.vector_load %arg5[%get3A_815, %get3A_816, %get3A_817, %get3A_818] {strides = array<i32>} : memref<2x8x32x128xf32, #tpu.memory_space<vmem>>, vector<1x1x1x16xf32>,
        %get3A_820 = vector.shape_cast %get3A_819 : vector<1x1x1x16xf32> to vector<16xf32>
        %add3A_821 = arith.addf %add3A_812, %get3A_820 : vector<16xf32>
        %get3A_822 = arith.constant 1 : i32
        %get3A_823 = arith.constant 29 : i32
        %get3A_824 = arith.index_cast %get3A_822 : i32 to index
        %get3A_825 = arith.index_cast %scan3A_269 : i32 to index
        %get3A_826 = arith.index_cast %get3A_823 : i32 to index
        %get3A_827 = arith.constant 16 : index
        %get3A_828 = tpu.vector_load %arg5[%get3A_824, %get3A_825, %get3A_826, %get3A_827] {strides = array<i32>} : memref<2x8x32x128xf32, #tpu.memory_space<vmem>>, vector<1x1x1x16xf32>,
        %get3A_829 = vector.shape_cast %get3A_828 : vector<1x1x1x16xf32> to vector<16xf32>
        %add3A_830 = arith.addf %add3A_821, %get3A_829 : vector<16xf32>
        %get3A_831 = arith.constant 1 : i32
        %get3A_832 = arith.constant 30 : i32
        %get3A_833 = arith.index_cast %get3A_831 : i32 to index
        %get3A_834 = arith.index_cast %scan3A_269 : i32 to index
        %get3A_835 = arith.index_cast %get3A_832 : i32 to index
        %get3A_836 = arith.constant 16 : index
        %get3A_837 = tpu.vector_load %arg5[%get3A_833, %get3A_834, %get3A_835, %get3A_836] {strides = array<i32>} : memref<2x8x32x128xf32, #tpu.memory_space<vmem>>, vector<1x1x1x16xf32>,
        %get3A_838 = vector.shape_cast %get3A_837 : vector<1x1x1x16xf32> to vector<16xf32>
        %add3A_839 = arith.addf %add3A_830, %get3A_838 : vector<16xf32>
        %get3A_840 = arith.constant 1 : i32
        %get3A_841 = arith.constant 31 : i32
        %get3A_842 = arith.index_cast %get3A_840 : i32 to index
        %get3A_843 = arith.index_cast %scan3A_269 : i32 to index
        %get3A_844 = arith.index_cast %get3A_841 : i32 to index
        %get3A_845 = arith.constant 16 : index
        %get3A_846 = tpu.vector_load %arg5[%get3A_842, %get3A_843, %get3A_844, %get3A_845] {strides = array<i32>} : memref<2x8x32x128xf32, #tpu.memory_space<vmem>>, vector<1x1x1x16xf32>,
        %get3A_847 = vector.shape_cast %get3A_846 : vector<1x1x1x16xf32> to vector<16xf32>
        %add3A_848 = arith.addf %add3A_839, %get3A_847 : vector<16xf32>
        %swap3A_849 = arith.constant 1 : i32
        %swap3A_850 = arith.index_cast %swap3A_849 : i32 to index
        %swap3A_851 = arith.index_cast %scan3A_269 : i32 to index
        %swap3A_852 = arith.constant 16 : index
        %swap3A_853 = tpu.vector_load %arg6[%swap3A_850, %swap3A_851, %swap3A_852] {strides = array<i32>} : memref<2x8x128xf32, #tpu.memory_space<vmem>>, vector<1x1x16xf32>,
        %swap3A_854 = vector.shape_cast %swap3A_853 : vector<1x1x16xf32> to vector<16xf32>
        %swap3A_855 = vector.shape_cast %add3A_848 : vector<16xf32> to vector<1x1x16xf32>
        tpu.vector_store %arg6[%swap3A_850, %swap3A_851, %swap3A_852], %swap3A_855 {strides = array<i32>} : memref<2x8x128xf32, #tpu.memory_space<vmem>>, vector<1x1x16xf32>,
        %get3A_856 = arith.constant 1 : i32
        %get3A_857 = arith.constant 0 : i32
        %get3A_858 = arith.index_cast %get3A_856 : i32 to index
        %get3A_859 = arith.index_cast %scan3A_269 : i32 to index
        %get3A_860 = arith.index_cast %get3A_857 : i32 to index
        %get3A_861 = arith.constant 32 : index
        %get3A_862 = tpu.vector_load %arg5[%get3A_858, %get3A_859, %get3A_860, %get3A_861] {strides = array<i32>} : memref<2x8x32x128xf32, #tpu.memory_space<vmem>>, vector<1x1x1x16xf32>,
        %get3A_863 = vector.shape_cast %get3A_862 : vector<1x1x1x16xf32> to vector<16xf32>
        %get3A_864 = arith.constant 1 : i32
        %get3A_865 = arith.constant 1 : i32
        %get3A_866 = arith.index_cast %get3A_864 : i32 to index
        %get3A_867 = arith.index_cast %scan3A_269 : i32 to index
        %get3A_868 = arith.index_cast %get3A_865 : i32 to index
        %get3A_869 = arith.constant 32 : index
        %get3A_870 = tpu.vector_load %arg5[%get3A_866, %get3A_867, %get3A_868, %get3A_869] {strides = array<i32>} : memref<2x8x32x128xf32, #tpu.memory_space<vmem>>, vector<1x1x1x16xf32>,
        %get3A_871 = vector.shape_cast %get3A_870 : vector<1x1x1x16xf32> to vector<16xf32>
        %add3A_872 = arith.addf %get3A_863, %get3A_871 : vector<16xf32>
        %get3A_873 = arith.constant 1 : i32
        %get3A_874 = arith.constant 2 : i32
        %get3A_875 = arith.index_cast %get3A_873 : i32 to index
        %get3A_876 = arith.index_cast %scan3A_269 : i32 to index
        %get3A_877 = arith.index_cast %get3A_874 : i32 to index
        %get3A_878 = arith.constant 32 : index
        %get3A_879 = tpu.vector_load %arg5[%get3A_875, %get3A_876, %get3A_877, %get3A_878] {strides = array<i32>} : memref<2x8x32x128xf32, #tpu.memory_space<vmem>>, vector<1x1x1x16xf32>,
        %get3A_880 = vector.shape_cast %get3A_879 : vector<1x1x1x16xf32> to vector<16xf32>
        %add3A_881 = arith.addf %add3A_872, %get3A_880 : vector<16xf32>
        %get3A_882 = arith.constant 1 : i32
        %get3A_883 = arith.constant 3 : i32
        %get3A_884 = arith.index_cast %get3A_882 : i32 to index
        %get3A_885 = arith.index_cast %scan3A_269 : i32 to index
        %get3A_886 = arith.index_cast %get3A_883 : i32 to index
        %get3A_887 = arith.constant 32 : index
        %get3A_888 = tpu.vector_load %arg5[%get3A_884, %get3A_885, %get3A_886, %get3A_887] {strides = array<i32>} : memref<2x8x32x128xf32, #tpu.memory_space<vmem>>, vector<1x1x1x16xf32>,
        %get3A_889 = vector.shape_cast %get3A_888 : vector<1x1x1x16xf32> to vector<16xf32>
        %add3A_890 = arith.addf %add3A_881, %get3A_889 : vector<16xf32>
        %get3A_891 = arith.constant 1 : i32
        %get3A_892 = arith.constant 4 : i32
        %get3A_893 = arith.index_cast %get3A_891 : i32 to index
        %get3A_894 = arith.index_cast %scan3A_269 : i32 to index
        %get3A_895 = arith.index_cast %get3A_892 : i32 to index
        %get3A_896 = arith.constant 32 : index
        %get3A_897 = tpu.vector_load %arg5[%get3A_893, %get3A_894, %get3A_895, %get3A_896] {strides = array<i32>} : memref<2x8x32x128xf32, #tpu.memory_space<vmem>>, vector<1x1x1x16xf32>,
        %get3A_898 = vector.shape_cast %get3A_897 : vector<1x1x1x16xf32> to vector<16xf32>
        %add3A_899 = arith.addf %add3A_890, %get3A_898 : vector<16xf32>
        %get3A_900 = arith.constant 1 : i32
        %get3A_901 = arith.constant 5 : i32
        %get3A_902 = arith.index_cast %get3A_900 : i32 to index
        %get3A_903 = arith.index_cast %scan3A_269 : i32 to index
        %get3A_904 = arith.index_cast %get3A_901 : i32 to index
        %get3A_905 = arith.constant 32 : index
        %get3A_906 = tpu.vector_load %arg5[%get3A_902, %get3A_903, %get3A_904, %get3A_905] {strides = array<i32>} : memref<2x8x32x128xf32, #tpu.memory_space<vmem>>, vector<1x1x1x16xf32>,
        %get3A_907 = vector.shape_cast %get3A_906 : vector<1x1x1x16xf32> to vector<16xf32>
        %add3A_908 = arith.addf %add3A_899, %get3A_907 : vector<16xf32>
        %get3A_909 = arith.constant 1 : i32
        %get3A_910 = arith.constant 6 : i32
        %get3A_911 = arith.index_cast %get3A_909 : i32 to index
        %get3A_912 = arith.index_cast %scan3A_269 : i32 to index
        %get3A_913 = arith.index_cast %get3A_910 : i32 to index
        %get3A_914 = arith.constant 32 : index
        %get3A_915 = tpu.vector_load %arg5[%get3A_911, %get3A_912, %get3A_913, %get3A_914] {strides = array<i32>} : memref<2x8x32x128xf32, #tpu.memory_space<vmem>>, vector<1x1x1x16xf32>,
        %get3A_916 = vector.shape_cast %get3A_915 : vector<1x1x1x16xf32> to vector<16xf32>
        %add3A_917 = arith.addf %add3A_908, %get3A_916 : vector<16xf32>
        %get3A_918 = arith.constant 1 : i32
        %get3A_919 = arith.constant 7 : i32
        %get3A_920 = arith.index_cast %get3A_918 : i32 to index
        %get3A_921 = arith.index_cast %scan3A_269 : i32 to index
        %get3A_922 = arith.index_cast %get3A_919 : i32 to index
        %get3A_923 = arith.constant 32 : index
        %get3A_924 = tpu.vector_load %arg5[%get3A_920, %get3A_921, %get3A_922, %get3A_923] {strides = array<i32>} : memref<2x8x32x128xf32, #tpu.memory_space<vmem>>, vector<1x1x1x16xf32>,
        %get3A_925 = vector.shape_cast %get3A_924 : vector<1x1x1x16xf32> to vector<16xf32>
        %add3A_926 = arith.addf %add3A_917, %get3A_925 : vector<16xf32>
        %get3A_927 = arith.constant 1 : i32
        %get3A_928 = arith.constant 8 : i32
        %get3A_929 = arith.index_cast %get3A_927 : i32 to index
        %get3A_930 = arith.index_cast %scan3A_269 : i32 to index
        %get3A_931 = arith.index_cast %get3A_928 : i32 to index
        %get3A_932 = arith.constant 32 : index
        %get3A_933 = tpu.vector_load %arg5[%get3A_929, %get3A_930, %get3A_931, %get3A_932] {strides = array<i32>} : memref<2x8x32x128xf32, #tpu.memory_space<vmem>>, vector<1x1x1x16xf32>,
        %get3A_934 = vector.shape_cast %get3A_933 : vector<1x1x1x16xf32> to vector<16xf32>
        %add3A_935 = arith.addf %add3A_926, %get3A_934 : vector<16xf32>
        %get3A_936 = arith.constant 1 : i32
        %get3A_937 = arith.constant 9 : i32
        %get3A_938 = arith.index_cast %get3A_936 : i32 to index
        %get3A_939 = arith.index_cast %scan3A_269 : i32 to index
        %get3A_940 = arith.index_cast %get3A_937 : i32 to index
        %get3A_941 = arith.constant 32 : index
        %get3A_942 = tpu.vector_load %arg5[%get3A_938, %get3A_939, %get3A_940, %get3A_941] {strides = array<i32>} : memref<2x8x32x128xf32, #tpu.memory_space<vmem>>, vector<1x1x1x16xf32>,
        %get3A_943 = vector.shape_cast %get3A_942 : vector<1x1x1x16xf32> to vector<16xf32>
        %add3A_944 = arith.addf %add3A_935, %get3A_943 : vector<16xf32>
        %get3A_945 = arith.constant 1 : i32
        %get3A_946 = arith.constant 10 : i32
        %get3A_947 = arith.index_cast %get3A_945 : i32 to index
        %get3A_948 = arith.index_cast %scan3A_269 : i32 to index
        %get3A_949 = arith.index_cast %get3A_946 : i32 to index
        %get3A_950 = arith.constant 32 : index
        %get3A_951 = tpu.vector_load %arg5[%get3A_947, %get3A_948, %get3A_949, %get3A_950] {strides = array<i32>} : memref<2x8x32x128xf32, #tpu.memory_space<vmem>>, vector<1x1x1x16xf32>,
        %get3A_952 = vector.shape_cast %get3A_951 : vector<1x1x1x16xf32> to vector<16xf32>
        %add3A_953 = arith.addf %add3A_944, %get3A_952 : vector<16xf32>
        %get3A_954 = arith.constant 1 : i32
        %get3A_955 = arith.constant 11 : i32
        %get3A_956 = arith.index_cast %get3A_954 : i32 to index
        %get3A_957 = arith.index_cast %scan3A_269 : i32 to index
        %get3A_958 = arith.index_cast %get3A_955 : i32 to index
        %get3A_959 = arith.constant 32 : index
        %get3A_960 = tpu.vector_load %arg5[%get3A_956, %get3A_957, %get3A_958, %get3A_959] {strides = array<i32>} : memref<2x8x32x128xf32, #tpu.memory_space<vmem>>, vector<1x1x1x16xf32>,
        %get3A_961 = vector.shape_cast %get3A_960 : vector<1x1x1x16xf32> to vector<16xf32>
        %add3A_962 = arith.addf %add3A_953, %get3A_961 : vector<16xf32>
        %get3A_963 = arith.constant 1 : i32
        %get3A_964 = arith.constant 12 : i32
        %get3A_965 = arith.index_cast %get3A_963 : i32 to index
        %get3A_966 = arith.index_cast %scan3A_269 : i32 to index
        %get3A_967 = arith.index_cast %get3A_964 : i32 to index
        %get3A_968 = arith.constant 32 : index
        %get3A_969 = tpu.vector_load %arg5[%get3A_965, %get3A_966, %get3A_967, %get3A_968] {strides = array<i32>} : memref<2x8x32x128xf32, #tpu.memory_space<vmem>>, vector<1x1x1x16xf32>,
        %get3A_970 = vector.shape_cast %get3A_969 : vector<1x1x1x16xf32> to vector<16xf32>
        %add3A_971 = arith.addf %add3A_962, %get3A_970 : vector<16xf32>
        %get3A_972 = arith.constant 1 : i32
        %get3A_973 = arith.constant 13 : i32
        %get3A_974 = arith.index_cast %get3A_972 : i32 to index
        %get3A_975 = arith.index_cast %scan3A_269 : i32 to index
        %get3A_976 = arith.index_cast %get3A_973 : i32 to index
        %get3A_977 = arith.constant 32 : index
        %get3A_978 = tpu.vector_load %arg5[%get3A_974, %get3A_975, %get3A_976, %get3A_977] {strides = array<i32>} : memref<2x8x32x128xf32, #tpu.memory_space<vmem>>, vector<1x1x1x16xf32>,
        %get3A_979 = vector.shape_cast %get3A_978 : vector<1x1x1x16xf32> to vector<16xf32>
        %add3A_980 = arith.addf %add3A_971, %get3A_979 : vector<16xf32>
        %get3A_981 = arith.constant 1 : i32
        %get3A_982 = arith.constant 14 : i32
        %get3A_983 = arith.index_cast %get3A_981 : i32 to index
        %get3A_984 = arith.index_cast %scan3A_269 : i32 to index
        %get3A_985 = arith.index_cast %get3A_982 : i32 to index
        %get3A_986 = arith.constant 32 : index
        %get3A_987 = tpu.vector_load %arg5[%get3A_983, %get3A_984, %get3A_985, %get3A_986] {strides = array<i32>} : memref<2x8x32x128xf32, #tpu.memory_space<vmem>>, vector<1x1x1x16xf32>,
        %get3A_988 = vector.shape_cast %get3A_987 : vector<1x1x1x16xf32> to vector<16xf32>
        %add3A_989 = arith.addf %add3A_980, %get3A_988 : vector<16xf32>
        %get3A_990 = arith.constant 1 : i32
        %get3A_991 = arith.constant 15 : i32
        %get3A_992 = arith.index_cast %get3A_990 : i32 to index
        %get3A_993 = arith.index_cast %scan3A_269 : i32 to index
        %get3A_994 = arith.index_cast %get3A_991 : i32 to index
        %get3A_995 = arith.constant 32 : index
        %get3A_996 = tpu.vector_load %arg5[%get3A_992, %get3A_993, %get3A_994, %get3A_995] {strides = array<i32>} : memref<2x8x32x128xf32, #tpu.memory_space<vmem>>, vector<1x1x1x16xf32>,
        %get3A_997 = vector.shape_cast %get3A_996 : vector<1x1x1x16xf32> to vector<16xf32>
        %add3A_998 = arith.addf %add3A_989, %get3A_997 : vector<16xf32>
        %get3A_999 = arith.constant 1 : i32
        %get3A_1000 = arith.constant 16 : i32
        %get3A_1001 = arith.index_cast %get3A_999 : i32 to index
        %get3A_1002 = arith.index_cast %scan3A_269 : i32 to index
        %get3A_1003 = arith.index_cast %get3A_1000 : i32 to index
        %get3A_1004 = arith.constant 32 : index
        %get3A_1005 = tpu.vector_load %arg5[%get3A_1001, %get3A_1002, %get3A_1003, %get3A_1004] {strides = array<i32>} : memref<2x8x32x128xf32, #tpu.memory_space<vmem>>, vector<1x1x1x16xf32>,
        %get3A_1006 = vector.shape_cast %get3A_1005 : vector<1x1x1x16xf32> to vector<16xf32>
        %add3A_1007 = arith.addf %add3A_998, %get3A_1006 : vector<16xf32>
        %get3A_1008 = arith.constant 1 : i32
        %get3A_1009 = arith.constant 17 : i32
        %get3A_1010 = arith.index_cast %get3A_1008 : i32 to index
        %get3A_1011 = arith.index_cast %scan3A_269 : i32 to index
        %get3A_1012 = arith.index_cast %get3A_1009 : i32 to index
        %get3A_1013 = arith.constant 32 : index
        %get3A_1014 = tpu.vector_load %arg5[%get3A_1010, %get3A_1011, %get3A_1012, %get3A_1013] {strides = array<i32>} : memref<2x8x32x128xf32, #tpu.memory_space<vmem>>, vector<1x1x1x16xf32>,
        %get3A_1015 = vector.shape_cast %get3A_1014 : vector<1x1x1x16xf32> to vector<16xf32>
        %add3A_1016 = arith.addf %add3A_1007, %get3A_1015 : vector<16xf32>
        %get3A_1017 = arith.constant 1 : i32
        %get3A_1018 = arith.constant 18 : i32
        %get3A_1019 = arith.index_cast %get3A_1017 : i32 to index
        %get3A_1020 = arith.index_cast %scan3A_269 : i32 to index
        %get3A_1021 = arith.index_cast %get3A_1018 : i32 to index
        %get3A_1022 = arith.constant 32 : index
        %get3A_1023 = tpu.vector_load %arg5[%get3A_1019, %get3A_1020, %get3A_1021, %get3A_1022] {strides = array<i32>} : memref<2x8x32x128xf32, #tpu.memory_space<vmem>>, vector<1x1x1x16xf32>,
        %get3A_1024 = vector.shape_cast %get3A_1023 : vector<1x1x1x16xf32> to vector<16xf32>
        %add3A_1025 = arith.addf %add3A_1016, %get3A_1024 : vector<16xf32>
        %get3A_1026 = arith.constant 1 : i32
        %get3A_1027 = arith.constant 19 : i32
        %get3A_1028 = arith.index_cast %get3A_1026 : i32 to index
        %get3A_1029 = arith.index_cast %scan3A_269 : i32 to index
        %get3A_1030 = arith.index_cast %get3A_1027 : i32 to index
        %get3A_1031 = arith.constant 32 : index
        %get3A_1032 = tpu.vector_load %arg5[%get3A_1028, %get3A_1029, %get3A_1030, %get3A_1031] {strides = array<i32>} : memref<2x8x32x128xf32, #tpu.memory_space<vmem>>, vector<1x1x1x16xf32>,
        %get3A_1033 = vector.shape_cast %get3A_1032 : vector<1x1x1x16xf32> to vector<16xf32>
        %add3A_1034 = arith.addf %add3A_1025, %get3A_1033 : vector<16xf32>
        %get3A_1035 = arith.constant 1 : i32
        %get3A_1036 = arith.constant 20 : i32
        %get3A_1037 = arith.index_cast %get3A_1035 : i32 to index
        %get3A_1038 = arith.index_cast %scan3A_269 : i32 to index
        %get3A_1039 = arith.index_cast %get3A_1036 : i32 to index
        %get3A_1040 = arith.constant 32 : index
        %get3A_1041 = tpu.vector_load %arg5[%get3A_1037, %get3A_1038, %get3A_1039, %get3A_1040] {strides = array<i32>} : memref<2x8x32x128xf32, #tpu.memory_space<vmem>>, vector<1x1x1x16xf32>,
        %get3A_1042 = vector.shape_cast %get3A_1041 : vector<1x1x1x16xf32> to vector<16xf32>
        %add3A_1043 = arith.addf %add3A_1034, %get3A_1042 : vector<16xf32>
        %get3A_1044 = arith.constant 1 : i32
        %get3A_1045 = arith.constant 21 : i32
        %get3A_1046 = arith.index_cast %get3A_1044 : i32 to index
        %get3A_1047 = arith.index_cast %scan3A_269 : i32 to index
        %get3A_1048 = arith.index_cast %get3A_1045 : i32 to index
        %get3A_1049 = arith.constant 32 : index
        %get3A_1050 = tpu.vector_load %arg5[%get3A_1046, %get3A_1047, %get3A_1048, %get3A_1049] {strides = array<i32>} : memref<2x8x32x128xf32, #tpu.memory_space<vmem>>, vector<1x1x1x16xf32>,
        %get3A_1051 = vector.shape_cast %get3A_1050 : vector<1x1x1x16xf32> to vector<16xf32>
        %add3A_1052 = arith.addf %add3A_1043, %get3A_1051 : vector<16xf32>
        %get3A_1053 = arith.constant 1 : i32
        %get3A_1054 = arith.constant 22 : i32
        %get3A_1055 = arith.index_cast %get3A_1053 : i32 to index
        %get3A_1056 = arith.index_cast %scan3A_269 : i32 to index
        %get3A_1057 = arith.index_cast %get3A_1054 : i32 to index
        %get3A_1058 = arith.constant 32 : index
        %get3A_1059 = tpu.vector_load %arg5[%get3A_1055, %get3A_1056, %get3A_1057, %get3A_1058] {strides = array<i32>} : memref<2x8x32x128xf32, #tpu.memory_space<vmem>>, vector<1x1x1x16xf32>,
        %get3A_1060 = vector.shape_cast %get3A_1059 : vector<1x1x1x16xf32> to vector<16xf32>
        %add3A_1061 = arith.addf %add3A_1052, %get3A_1060 : vector<16xf32>
        %get3A_1062 = arith.constant 1 : i32
        %get3A_1063 = arith.constant 23 : i32
        %get3A_1064 = arith.index_cast %get3A_1062 : i32 to index
        %get3A_1065 = arith.index_cast %scan3A_269 : i32 to index
        %get3A_1066 = arith.index_cast %get3A_1063 : i32 to index
        %get3A_1067 = arith.constant 32 : index
        %get3A_1068 = tpu.vector_load %arg5[%get3A_1064, %get3A_1065, %get3A_1066, %get3A_1067] {strides = array<i32>} : memref<2x8x32x128xf32, #tpu.memory_space<vmem>>, vector<1x1x1x16xf32>,
        %get3A_1069 = vector.shape_cast %get3A_1068 : vector<1x1x1x16xf32> to vector<16xf32>
        %add3A_1070 = arith.addf %add3A_1061, %get3A_1069 : vector<16xf32>
        %get3A_1071 = arith.constant 1 : i32
        %get3A_1072 = arith.constant 24 : i32
        %get3A_1073 = arith.index_cast %get3A_1071 : i32 to index
        %get3A_1074 = arith.index_cast %scan3A_269 : i32 to index
        %get3A_1075 = arith.index_cast %get3A_1072 : i32 to index
        %get3A_1076 = arith.constant 32 : index
        %get3A_1077 = tpu.vector_load %arg5[%get3A_1073, %get3A_1074, %get3A_1075, %get3A_1076] {strides = array<i32>} : memref<2x8x32x128xf32, #tpu.memory_space<vmem>>, vector<1x1x1x16xf32>,
        %get3A_1078 = vector.shape_cast %get3A_1077 : vector<1x1x1x16xf32> to vector<16xf32>
        %add3A_1079 = arith.addf %add3A_1070, %get3A_1078 : vector<16xf32>
        %get3A_1080 = arith.constant 1 : i32
        %get3A_1081 = arith.constant 25 : i32
        %get3A_1082 = arith.index_cast %get3A_1080 : i32 to index
        %get3A_1083 = arith.index_cast %scan3A_269 : i32 to index
        %get3A_1084 = arith.index_cast %get3A_1081 : i32 to index
        %get3A_1085 = arith.constant 32 : index
        %get3A_1086 = tpu.vector_load %arg5[%get3A_1082, %get3A_1083, %get3A_1084, %get3A_1085] {strides = array<i32>} : memref<2x8x32x128xf32, #tpu.memory_space<vmem>>, vector<1x1x1x16xf32>,
        %get3A_1087 = vector.shape_cast %get3A_1086 : vector<1x1x1x16xf32> to vector<16xf32>
        %add3A_1088 = arith.addf %add3A_1079, %get3A_1087 : vector<16xf32>
        %get3A_1089 = arith.constant 1 : i32
        %get3A_1090 = arith.constant 26 : i32
        %get3A_1091 = arith.index_cast %get3A_1089 : i32 to index
        %get3A_1092 = arith.index_cast %scan3A_269 : i32 to index
        %get3A_1093 = arith.index_cast %get3A_1090 : i32 to index
        %get3A_1094 = arith.constant 32 : index
        %get3A_1095 = tpu.vector_load %arg5[%get3A_1091, %get3A_1092, %get3A_1093, %get3A_1094] {strides = array<i32>} : memref<2x8x32x128xf32, #tpu.memory_space<vmem>>, vector<1x1x1x16xf32>,
        %get3A_1096 = vector.shape_cast %get3A_1095 : vector<1x1x1x16xf32> to vector<16xf32>
        %add3A_1097 = arith.addf %add3A_1088, %get3A_1096 : vector<16xf32>
        %get3A_1098 = arith.constant 1 : i32
        %get3A_1099 = arith.constant 27 : i32
        %get3A_1100 = arith.index_cast %get3A_1098 : i32 to index
        %get3A_1101 = arith.index_cast %scan3A_269 : i32 to index
        %get3A_1102 = arith.index_cast %get3A_1099 : i32 to index
        %get3A_1103 = arith.constant 32 : index
        %get3A_1104 = tpu.vector_load %arg5[%get3A_1100, %get3A_1101, %get3A_1102, %get3A_1103] {strides = array<i32>} : memref<2x8x32x128xf32, #tpu.memory_space<vmem>>, vector<1x1x1x16xf32>,
        %get3A_1105 = vector.shape_cast %get3A_1104 : vector<1x1x1x16xf32> to vector<16xf32>
        %add3A_1106 = arith.addf %add3A_1097, %get3A_1105 : vector<16xf32>
        %get3A_1107 = arith.constant 1 : i32
        %get3A_1108 = arith.constant 28 : i32
        %get3A_1109 = arith.index_cast %get3A_1107 : i32 to index
        %get3A_1110 = arith.index_cast %scan3A_269 : i32 to index
        %get3A_1111 = arith.index_cast %get3A_1108 : i32 to index
        %get3A_1112 = arith.constant 32 : index
        %get3A_1113 = tpu.vector_load %arg5[%get3A_1109, %get3A_1110, %get3A_1111, %get3A_1112] {strides = array<i32>} : memref<2x8x32x128xf32, #tpu.memory_space<vmem>>, vector<1x1x1x16xf32>,
        %get3A_1114 = vector.shape_cast %get3A_1113 : vector<1x1x1x16xf32> to vector<16xf32>
        %add3A_1115 = arith.addf %add3A_1106, %get3A_1114 : vector<16xf32>
        %get3A_1116 = arith.constant 1 : i32
        %get3A_1117 = arith.constant 29 : i32
        %get3A_1118 = arith.index_cast %get3A_1116 : i32 to index
        %get3A_1119 = arith.index_cast %scan3A_269 : i32 to index
        %get3A_1120 = arith.index_cast %get3A_1117 : i32 to index
        %get3A_1121 = arith.constant 32 : index
        %get3A_1122 = tpu.vector_load %arg5[%get3A_1118, %get3A_1119, %get3A_1120, %get3A_1121] {strides = array<i32>} : memref<2x8x32x128xf32, #tpu.memory_space<vmem>>, vector<1x1x1x16xf32>,
        %get3A_1123 = vector.shape_cast %get3A_1122 : vector<1x1x1x16xf32> to vector<16xf32>
        %add3A_1124 = arith.addf %add3A_1115, %get3A_1123 : vector<16xf32>
        %get3A_1125 = arith.constant 1 : i32
        %get3A_1126 = arith.constant 30 : i32
        %get3A_1127 = arith.index_cast %get3A_1125 : i32 to index
        %get3A_1128 = arith.index_cast %scan3A_269 : i32 to index
        %get3A_1129 = arith.index_cast %get3A_1126 : i32 to index
        %get3A_1130 = arith.constant 32 : index
        %get3A_1131 = tpu.vector_load %arg5[%get3A_1127, %get3A_1128, %get3A_1129, %get3A_1130] {strides = array<i32>} : memref<2x8x32x128xf32, #tpu.memory_space<vmem>>, vector<1x1x1x16xf32>,
        %get3A_1132 = vector.shape_cast %get3A_1131 : vector<1x1x1x16xf32> to vector<16xf32>
        %add3A_1133 = arith.addf %add3A_1124, %get3A_1132 : vector<16xf32>
        %get3A_1134 = arith.constant 1 : i32
        %get3A_1135 = arith.constant 31 : i32
        %get3A_1136 = arith.index_cast %get3A_1134 : i32 to index
        %get3A_1137 = arith.index_cast %scan3A_269 : i32 to index
        %get3A_1138 = arith.index_cast %get3A_1135 : i32 to index
        %get3A_1139 = arith.constant 32 : index
        %get3A_1140 = tpu.vector_load %arg5[%get3A_1136, %get3A_1137, %get3A_1138, %get3A_1139] {strides = array<i32>} : memref<2x8x32x128xf32, #tpu.memory_space<vmem>>, vector<1x1x1x16xf32>,
        %get3A_1141 = vector.shape_cast %get3A_1140 : vector<1x1x1x16xf32> to vector<16xf32>
        %add3A_1142 = arith.addf %add3A_1133, %get3A_1141 : vector<16xf32>
        %swap3A_1143 = arith.constant 1 : i32
        %swap3A_1144 = arith.index_cast %swap3A_1143 : i32 to index
        %swap3A_1145 = arith.index_cast %scan3A_269 : i32 to index
        %swap3A_1146 = arith.constant 32 : index
        %swap3A_1147 = tpu.vector_load %arg6[%swap3A_1144, %swap3A_1145, %swap3A_1146] {strides = array<i32>} : memref<2x8x128xf32, #tpu.memory_space<vmem>>, vector<1x1x16xf32>,
        %swap3A_1148 = vector.shape_cast %swap3A_1147 : vector<1x1x16xf32> to vector<16xf32>
        %swap3A_1149 = vector.shape_cast %add3A_1142 : vector<16xf32> to vector<1x1x16xf32>
        tpu.vector_store %arg6[%swap3A_1144, %swap3A_1145, %swap3A_1146], %swap3A_1149 {strides = array<i32>} : memref<2x8x128xf32, #tpu.memory_space<vmem>>, vector<1x1x16xf32>,
        %get3A_1150 = arith.constant 1 : i32
        %get3A_1151 = arith.constant 0 : i32
        %get3A_1152 = arith.index_cast %get3A_1150 : i32 to index
        %get3A_1153 = arith.index_cast %scan3A_269 : i32 to index
        %get3A_1154 = arith.index_cast %get3A_1151 : i32 to index
        %get3A_1155 = arith.constant 48 : index
        %get3A_1156 = tpu.vector_load %arg5[%get3A_1152, %get3A_1153, %get3A_1154, %get3A_1155] {strides = array<i32>} : memref<2x8x32x128xf32, #tpu.memory_space<vmem>>, vector<1x1x1x16xf32>,
        %get3A_1157 = vector.shape_cast %get3A_1156 : vector<1x1x1x16xf32> to vector<16xf32>
        %get3A_1158 = arith.constant 1 : i32
        %get3A_1159 = arith.constant 1 : i32
        %get3A_1160 = arith.index_cast %get3A_1158 : i32 to index
        %get3A_1161 = arith.index_cast %scan3A_269 : i32 to index
        %get3A_1162 = arith.index_cast %get3A_1159 : i32 to index
        %get3A_1163 = arith.constant 48 : index
        %get3A_1164 = tpu.vector_load %arg5[%get3A_1160, %get3A_1161, %get3A_1162, %get3A_1163] {strides = array<i32>} : memref<2x8x32x128xf32, #tpu.memory_space<vmem>>, vector<1x1x1x16xf32>,
        %get3A_1165 = vector.shape_cast %get3A_1164 : vector<1x1x1x16xf32> to vector<16xf32>
        %add3A_1166 = arith.addf %get3A_1157, %get3A_1165 : vector<16xf32>
        %get3A_1167 = arith.constant 1 : i32
        %get3A_1168 = arith.constant 2 : i32
        %get3A_1169 = arith.index_cast %get3A_1167 : i32 to index
        %get3A_1170 = arith.index_cast %scan3A_269 : i32 to index
        %get3A_1171 = arith.index_cast %get3A_1168 : i32 to index
        %get3A_1172 = arith.constant 48 : index
        %get3A_1173 = tpu.vector_load %arg5[%get3A_1169, %get3A_1170, %get3A_1171, %get3A_1172] {strides = array<i32>} : memref<2x8x32x128xf32, #tpu.memory_space<vmem>>, vector<1x1x1x16xf32>,
        %get3A_1174 = vector.shape_cast %get3A_1173 : vector<1x1x1x16xf32> to vector<16xf32>
        %add3A_1175 = arith.addf %add3A_1166, %get3A_1174 : vector<16xf32>
        %get3A_1176 = arith.constant 1 : i32
        %get3A_1177 = arith.constant 3 : i32
        %get3A_1178 = arith.index_cast %get3A_1176 : i32 to index
        %get3A_1179 = arith.index_cast %scan3A_269 : i32 to index
        %get3A_1180 = arith.index_cast %get3A_1177 : i32 to index
        %get3A_1181 = arith.constant 48 : index
        %get3A_1182 = tpu.vector_load %arg5[%get3A_1178, %get3A_1179, %get3A_1180, %get3A_1181] {strides = array<i32>} : memref<2x8x32x128xf32, #tpu.memory_space<vmem>>, vector<1x1x1x16xf32>,
        %get3A_1183 = vector.shape_cast %get3A_1182 : vector<1x1x1x16xf32> to vector<16xf32>
        %add3A_1184 = arith.addf %add3A_1175, %get3A_1183 : vector<16xf32>
        %get3A_1185 = arith.constant 1 : i32
        %get3A_1186 = arith.constant 4 : i32
        %get3A_1187 = arith.index_cast %get3A_1185 : i32 to index
        %get3A_1188 = arith.index_cast %scan3A_269 : i32 to index
        %get3A_1189 = arith.index_cast %get3A_1186 : i32 to index
        %get3A_1190 = arith.constant 48 : index
        %get3A_1191 = tpu.vector_load %arg5[%get3A_1187, %get3A_1188, %get3A_1189, %get3A_1190] {strides = array<i32>} : memref<2x8x32x128xf32, #tpu.memory_space<vmem>>, vector<1x1x1x16xf32>,
        %get3A_1192 = vector.shape_cast %get3A_1191 : vector<1x1x1x16xf32> to vector<16xf32>
        %add3A_1193 = arith.addf %add3A_1184, %get3A_1192 : vector<16xf32>
        %get3A_1194 = arith.constant 1 : i32
        %get3A_1195 = arith.constant 5 : i32
        %get3A_1196 = arith.index_cast %get3A_1194 : i32 to index
        %get3A_1197 = arith.index_cast %scan3A_269 : i32 to index
        %get3A_1198 = arith.index_cast %get3A_1195 : i32 to index
        %get3A_1199 = arith.constant 48 : index
        %get3A_1200 = tpu.vector_load %arg5[%get3A_1196, %get3A_1197, %get3A_1198, %get3A_1199] {strides = array<i32>} : memref<2x8x32x128xf32, #tpu.memory_space<vmem>>, vector<1x1x1x16xf32>,
        %get3A_1201 = vector.shape_cast %get3A_1200 : vector<1x1x1x16xf32> to vector<16xf32>
        %add3A_1202 = arith.addf %add3A_1193, %get3A_1201 : vector<16xf32>
        %get3A_1203 = arith.constant 1 : i32
        %get3A_1204 = arith.constant 6 : i32
        %get3A_1205 = arith.index_cast %get3A_1203 : i32 to index
        %get3A_1206 = arith.index_cast %scan3A_269 : i32 to index
        %get3A_1207 = arith.index_cast %get3A_1204 : i32 to index
        %get3A_1208 = arith.constant 48 : index
        %get3A_1209 = tpu.vector_load %arg5[%get3A_1205, %get3A_1206, %get3A_1207, %get3A_1208] {strides = array<i32>} : memref<2x8x32x128xf32, #tpu.memory_space<vmem>>, vector<1x1x1x16xf32>,
        %get3A_1210 = vector.shape_cast %get3A_1209 : vector<1x1x1x16xf32> to vector<16xf32>
        %add3A_1211 = arith.addf %add3A_1202, %get3A_1210 : vector<16xf32>
        %get3A_1212 = arith.constant 1 : i32
        %get3A_1213 = arith.constant 7 : i32
        %get3A_1214 = arith.index_cast %get3A_1212 : i32 to index
        %get3A_1215 = arith.index_cast %scan3A_269 : i32 to index
        %get3A_1216 = arith.index_cast %get3A_1213 : i32 to index
        %get3A_1217 = arith.constant 48 : index
        %get3A_1218 = tpu.vector_load %arg5[%get3A_1214, %get3A_1215, %get3A_1216, %get3A_1217] {strides = array<i32>} : memref<2x8x32x128xf32, #tpu.memory_space<vmem>>, vector<1x1x1x16xf32>,
        %get3A_1219 = vector.shape_cast %get3A_1218 : vector<1x1x1x16xf32> to vector<16xf32>
        %add3A_1220 = arith.addf %add3A_1211, %get3A_1219 : vector<16xf32>
        %get3A_1221 = arith.constant 1 : i32
        %get3A_1222 = arith.constant 8 : i32
        %get3A_1223 = arith.index_cast %get3A_1221 : i32 to index
        %get3A_1224 = arith.index_cast %scan3A_269 : i32 to index
        %get3A_1225 = arith.index_cast %get3A_1222 : i32 to index
        %get3A_1226 = arith.constant 48 : index
        %get3A_1227 = tpu.vector_load %arg5[%get3A_1223, %get3A_1224, %get3A_1225, %get3A_1226] {strides = array<i32>} : memref<2x8x32x128xf32, #tpu.memory_space<vmem>>, vector<1x1x1x16xf32>,
        %get3A_1228 = vector.shape_cast %get3A_1227 : vector<1x1x1x16xf32> to vector<16xf32>
        %add3A_1229 = arith.addf %add3A_1220, %get3A_1228 : vector<16xf32>
        %get3A_1230 = arith.constant 1 : i32
        %get3A_1231 = arith.constant 9 : i32
        %get3A_1232 = arith.index_cast %get3A_1230 : i32 to index
        %get3A_1233 = arith.index_cast %scan3A_269 : i32 to index
        %get3A_1234 = arith.index_cast %get3A_1231 : i32 to index
        %get3A_1235 = arith.constant 48 : index
        %get3A_1236 = tpu.vector_load %arg5[%get3A_1232, %get3A_1233, %get3A_1234, %get3A_1235] {strides = array<i32>} : memref<2x8x32x128xf32, #tpu.memory_space<vmem>>, vector<1x1x1x16xf32>,
        %get3A_1237 = vector.shape_cast %get3A_1236 : vector<1x1x1x16xf32> to vector<16xf32>
        %add3A_1238 = arith.addf %add3A_1229, %get3A_1237 : vector<16xf32>
        %get3A_1239 = arith.constant 1 : i32
        %get3A_1240 = arith.constant 10 : i32
        %get3A_1241 = arith.index_cast %get3A_1239 : i32 to index
        %get3A_1242 = arith.index_cast %scan3A_269 : i32 to index
        %get3A_1243 = arith.index_cast %get3A_1240 : i32 to index
        %get3A_1244 = arith.constant 48 : index
        %get3A_1245 = tpu.vector_load %arg5[%get3A_1241, %get3A_1242, %get3A_1243, %get3A_1244] {strides = array<i32>} : memref<2x8x32x128xf32, #tpu.memory_space<vmem>>, vector<1x1x1x16xf32>,
        %get3A_1246 = vector.shape_cast %get3A_1245 : vector<1x1x1x16xf32> to vector<16xf32>
        %add3A_1247 = arith.addf %add3A_1238, %get3A_1246 : vector<16xf32>
        %get3A_1248 = arith.constant 1 : i32
        %get3A_1249 = arith.constant 11 : i32
        %get3A_1250 = arith.index_cast %get3A_1248 : i32 to index
        %get3A_1251 = arith.index_cast %scan3A_269 : i32 to index
        %get3A_1252 = arith.index_cast %get3A_1249 : i32 to index
        %get3A_1253 = arith.constant 48 : index
        %get3A_1254 = tpu.vector_load %arg5[%get3A_1250, %get3A_1251, %get3A_1252, %get3A_1253] {strides = array<i32>} : memref<2x8x32x128xf32, #tpu.memory_space<vmem>>, vector<1x1x1x16xf32>,
        %get3A_1255 = vector.shape_cast %get3A_1254 : vector<1x1x1x16xf32> to vector<16xf32>
        %add3A_1256 = arith.addf %add3A_1247, %get3A_1255 : vector<16xf32>
        %get3A_1257 = arith.constant 1 : i32
        %get3A_1258 = arith.constant 12 : i32
        %get3A_1259 = arith.index_cast %get3A_1257 : i32 to index
        %get3A_1260 = arith.index_cast %scan3A_269 : i32 to index
        %get3A_1261 = arith.index_cast %get3A_1258 : i32 to index
        %get3A_1262 = arith.constant 48 : index
        %get3A_1263 = tpu.vector_load %arg5[%get3A_1259, %get3A_1260, %get3A_1261, %get3A_1262] {strides = array<i32>} : memref<2x8x32x128xf32, #tpu.memory_space<vmem>>, vector<1x1x1x16xf32>,
        %get3A_1264 = vector.shape_cast %get3A_1263 : vector<1x1x1x16xf32> to vector<16xf32>
        %add3A_1265 = arith.addf %add3A_1256, %get3A_1264 : vector<16xf32>
        %get3A_1266 = arith.constant 1 : i32
        %get3A_1267 = arith.constant 13 : i32
        %get3A_1268 = arith.index_cast %get3A_1266 : i32 to index
        %get3A_1269 = arith.index_cast %scan3A_269 : i32 to index
        %get3A_1270 = arith.index_cast %get3A_1267 : i32 to index
        %get3A_1271 = arith.constant 48 : index
        %get3A_1272 = tpu.vector_load %arg5[%get3A_1268, %get3A_1269, %get3A_1270, %get3A_1271] {strides = array<i32>} : memref<2x8x32x128xf32, #tpu.memory_space<vmem>>, vector<1x1x1x16xf32>,
        %get3A_1273 = vector.shape_cast %get3A_1272 : vector<1x1x1x16xf32> to vector<16xf32>
        %add3A_1274 = arith.addf %add3A_1265, %get3A_1273 : vector<16xf32>
        %get3A_1275 = arith.constant 1 : i32
        %get3A_1276 = arith.constant 14 : i32
        %get3A_1277 = arith.index_cast %get3A_1275 : i32 to index
        %get3A_1278 = arith.index_cast %scan3A_269 : i32 to index
        %get3A_1279 = arith.index_cast %get3A_1276 : i32 to index
        %get3A_1280 = arith.constant 48 : index
        %get3A_1281 = tpu.vector_load %arg5[%get3A_1277, %get3A_1278, %get3A_1279, %get3A_1280] {strides = array<i32>} : memref<2x8x32x128xf32, #tpu.memory_space<vmem>>, vector<1x1x1x16xf32>,
        %get3A_1282 = vector.shape_cast %get3A_1281 : vector<1x1x1x16xf32> to vector<16xf32>
        %add3A_1283 = arith.addf %add3A_1274, %get3A_1282 : vector<16xf32>
        %get3A_1284 = arith.constant 1 : i32
        %get3A_1285 = arith.constant 15 : i32
        %get3A_1286 = arith.index_cast %get3A_1284 : i32 to index
        %get3A_1287 = arith.index_cast %scan3A_269 : i32 to index
        %get3A_1288 = arith.index_cast %get3A_1285 : i32 to index
        %get3A_1289 = arith.constant 48 : index
        %get3A_1290 = tpu.vector_load %arg5[%get3A_1286, %get3A_1287, %get3A_1288, %get3A_1289] {strides = array<i32>} : memref<2x8x32x128xf32, #tpu.memory_space<vmem>>, vector<1x1x1x16xf32>,
        %get3A_1291 = vector.shape_cast %get3A_1290 : vector<1x1x1x16xf32> to vector<16xf32>
        %add3A_1292 = arith.addf %add3A_1283, %get3A_1291 : vector<16xf32>
        %get3A_1293 = arith.constant 1 : i32
        %get3A_1294 = arith.constant 16 : i32
        %get3A_1295 = arith.index_cast %get3A_1293 : i32 to index
        %get3A_1296 = arith.index_cast %scan3A_269 : i32 to index
        %get3A_1297 = arith.index_cast %get3A_1294 : i32 to index
        %get3A_1298 = arith.constant 48 : index
        %get3A_1299 = tpu.vector_load %arg5[%get3A_1295, %get3A_1296, %get3A_1297, %get3A_1298] {strides = array<i32>} : memref<2x8x32x128xf32, #tpu.memory_space<vmem>>, vector<1x1x1x16xf32>,
        %get3A_1300 = vector.shape_cast %get3A_1299 : vector<1x1x1x16xf32> to vector<16xf32>
        %add3A_1301 = arith.addf %add3A_1292, %get3A_1300 : vector<16xf32>
        %get3A_1302 = arith.constant 1 : i32
        %get3A_1303 = arith.constant 17 : i32
        %get3A_1304 = arith.index_cast %get3A_1302 : i32 to index
        %get3A_1305 = arith.index_cast %scan3A_269 : i32 to index
        %get3A_1306 = arith.index_cast %get3A_1303 : i32 to index
        %get3A_1307 = arith.constant 48 : index
        %get3A_1308 = tpu.vector_load %arg5[%get3A_1304, %get3A_1305, %get3A_1306, %get3A_1307] {strides = array<i32>} : memref<2x8x32x128xf32, #tpu.memory_space<vmem>>, vector<1x1x1x16xf32>,
        %get3A_1309 = vector.shape_cast %get3A_1308 : vector<1x1x1x16xf32> to vector<16xf32>
        %add3A_1310 = arith.addf %add3A_1301, %get3A_1309 : vector<16xf32>
        %get3A_1311 = arith.constant 1 : i32
        %get3A_1312 = arith.constant 18 : i32
        %get3A_1313 = arith.index_cast %get3A_1311 : i32 to index
        %get3A_1314 = arith.index_cast %scan3A_269 : i32 to index
        %get3A_1315 = arith.index_cast %get3A_1312 : i32 to index
        %get3A_1316 = arith.constant 48 : index
        %get3A_1317 = tpu.vector_load %arg5[%get3A_1313, %get3A_1314, %get3A_1315, %get3A_1316] {strides = array<i32>} : memref<2x8x32x128xf32, #tpu.memory_space<vmem>>, vector<1x1x1x16xf32>,
        %get3A_1318 = vector.shape_cast %get3A_1317 : vector<1x1x1x16xf32> to vector<16xf32>
        %add3A_1319 = arith.addf %add3A_1310, %get3A_1318 : vector<16xf32>
        %get3A_1320 = arith.constant 1 : i32
        %get3A_1321 = arith.constant 19 : i32
        %get3A_1322 = arith.index_cast %get3A_1320 : i32 to index
        %get3A_1323 = arith.index_cast %scan3A_269 : i32 to index
        %get3A_1324 = arith.index_cast %get3A_1321 : i32 to index
        %get3A_1325 = arith.constant 48 : index
        %get3A_1326 = tpu.vector_load %arg5[%get3A_1322, %get3A_1323, %get3A_1324, %get3A_1325] {strides = array<i32>} : memref<2x8x32x128xf32, #tpu.memory_space<vmem>>, vector<1x1x1x16xf32>,
        %get3A_1327 = vector.shape_cast %get3A_1326 : vector<1x1x1x16xf32> to vector<16xf32>
        %add3A_1328 = arith.addf %add3A_1319, %get3A_1327 : vector<16xf32>
        %get3A_1329 = arith.constant 1 : i32
        %get3A_1330 = arith.constant 20 : i32
        %get3A_1331 = arith.index_cast %get3A_1329 : i32 to index
        %get3A_1332 = arith.index_cast %scan3A_269 : i32 to index
        %get3A_1333 = arith.index_cast %get3A_1330 : i32 to index
        %get3A_1334 = arith.constant 48 : index
        %get3A_1335 = tpu.vector_load %arg5[%get3A_1331, %get3A_1332, %get3A_1333, %get3A_1334] {strides = array<i32>} : memref<2x8x32x128xf32, #tpu.memory_space<vmem>>, vector<1x1x1x16xf32>,
        %get3A_1336 = vector.shape_cast %get3A_1335 : vector<1x1x1x16xf32> to vector<16xf32>
        %add3A_1337 = arith.addf %add3A_1328, %get3A_1336 : vector<16xf32>
        %get3A_1338 = arith.constant 1 : i32
        %get3A_1339 = arith.constant 21 : i32
        %get3A_1340 = arith.index_cast %get3A_1338 : i32 to index
        %get3A_1341 = arith.index_cast %scan3A_269 : i32 to index
        %get3A_1342 = arith.index_cast %get3A_1339 : i32 to index
        %get3A_1343 = arith.constant 48 : index
        %get3A_1344 = tpu.vector_load %arg5[%get3A_1340, %get3A_1341, %get3A_1342, %get3A_1343] {strides = array<i32>} : memref<2x8x32x128xf32, #tpu.memory_space<vmem>>, vector<1x1x1x16xf32>,
        %get3A_1345 = vector.shape_cast %get3A_1344 : vector<1x1x1x16xf32> to vector<16xf32>
        %add3A_1346 = arith.addf %add3A_1337, %get3A_1345 : vector<16xf32>
        %get3A_1347 = arith.constant 1 : i32
        %get3A_1348 = arith.constant 22 : i32
        %get3A_1349 = arith.index_cast %get3A_1347 : i32 to index
        %get3A_1350 = arith.index_cast %scan3A_269 : i32 to index
        %get3A_1351 = arith.index_cast %get3A_1348 : i32 to index
        %get3A_1352 = arith.constant 48 : index
        %get3A_1353 = tpu.vector_load %arg5[%get3A_1349, %get3A_1350, %get3A_1351, %get3A_1352] {strides = array<i32>} : memref<2x8x32x128xf32, #tpu.memory_space<vmem>>, vector<1x1x1x16xf32>,
        %get3A_1354 = vector.shape_cast %get3A_1353 : vector<1x1x1x16xf32> to vector<16xf32>
        %add3A_1355 = arith.addf %add3A_1346, %get3A_1354 : vector<16xf32>
        %get3A_1356 = arith.constant 1 : i32
        %get3A_1357 = arith.constant 23 : i32
        %get3A_1358 = arith.index_cast %get3A_1356 : i32 to index
        %get3A_1359 = arith.index_cast %scan3A_269 : i32 to index
        %get3A_1360 = arith.index_cast %get3A_1357 : i32 to index
        %get3A_1361 = arith.constant 48 : index
        %get3A_1362 = tpu.vector_load %arg5[%get3A_1358, %get3A_1359, %get3A_1360, %get3A_1361] {strides = array<i32>} : memref<2x8x32x128xf32, #tpu.memory_space<vmem>>, vector<1x1x1x16xf32>,
        %get3A_1363 = vector.shape_cast %get3A_1362 : vector<1x1x1x16xf32> to vector<16xf32>
        %add3A_1364 = arith.addf %add3A_1355, %get3A_1363 : vector<16xf32>
        %get3A_1365 = arith.constant 1 : i32
        %get3A_1366 = arith.constant 24 : i32
        %get3A_1367 = arith.index_cast %get3A_1365 : i32 to index
        %get3A_1368 = arith.index_cast %scan3A_269 : i32 to index
        %get3A_1369 = arith.index_cast %get3A_1366 : i32 to index
        %get3A_1370 = arith.constant 48 : index
        %get3A_1371 = tpu.vector_load %arg5[%get3A_1367, %get3A_1368, %get3A_1369, %get3A_1370] {strides = array<i32>} : memref<2x8x32x128xf32, #tpu.memory_space<vmem>>, vector<1x1x1x16xf32>,
        %get3A_1372 = vector.shape_cast %get3A_1371 : vector<1x1x1x16xf32> to vector<16xf32>
        %add3A_1373 = arith.addf %add3A_1364, %get3A_1372 : vector<16xf32>
        %get3A_1374 = arith.constant 1 : i32
        %get3A_1375 = arith.constant 25 : i32
        %get3A_1376 = arith.index_cast %get3A_1374 : i32 to index
        %get3A_1377 = arith.index_cast %scan3A_269 : i32 to index
        %get3A_1378 = arith.index_cast %get3A_1375 : i32 to index
        %get3A_1379 = arith.constant 48 : index
        %get3A_1380 = tpu.vector_load %arg5[%get3A_1376, %get3A_1377, %get3A_1378, %get3A_1379] {strides = array<i32>} : memref<2x8x32x128xf32, #tpu.memory_space<vmem>>, vector<1x1x1x16xf32>,
        %get3A_1381 = vector.shape_cast %get3A_1380 : vector<1x1x1x16xf32> to vector<16xf32>
        %add3A_1382 = arith.addf %add3A_1373, %get3A_1381 : vector<16xf32>
        %get3A_1383 = arith.constant 1 : i32
        %get3A_1384 = arith.constant 26 : i32
        %get3A_1385 = arith.index_cast %get3A_1383 : i32 to index
        %get3A_1386 = arith.index_cast %scan3A_269 : i32 to index
        %get3A_1387 = arith.index_cast %get3A_1384 : i32 to index
        %get3A_1388 = arith.constant 48 : index
        %get3A_1389 = tpu.vector_load %arg5[%get3A_1385, %get3A_1386, %get3A_1387, %get3A_1388] {strides = array<i32>} : memref<2x8x32x128xf32, #tpu.memory_space<vmem>>, vector<1x1x1x16xf32>,
        %get3A_1390 = vector.shape_cast %get3A_1389 : vector<1x1x1x16xf32> to vector<16xf32>
        %add3A_1391 = arith.addf %add3A_1382, %get3A_1390 : vector<16xf32>
        %get3A_1392 = arith.constant 1 : i32
        %get3A_1393 = arith.constant 27 : i32
        %get3A_1394 = arith.index_cast %get3A_1392 : i32 to index
        %get3A_1395 = arith.index_cast %scan3A_269 : i32 to index
        %get3A_1396 = arith.index_cast %get3A_1393 : i32 to index
        %get3A_1397 = arith.constant 48 : index
        %get3A_1398 = tpu.vector_load %arg5[%get3A_1394, %get3A_1395, %get3A_1396, %get3A_1397] {strides = array<i32>} : memref<2x8x32x128xf32, #tpu.memory_space<vmem>>, vector<1x1x1x16xf32>,
        %get3A_1399 = vector.shape_cast %get3A_1398 : vector<1x1x1x16xf32> to vector<16xf32>
        %add3A_1400 = arith.addf %add3A_1391, %get3A_1399 : vector<16xf32>
        %get3A_1401 = arith.constant 1 : i32
        %get3A_1402 = arith.constant 28 : i32
        %get3A_1403 = arith.index_cast %get3A_1401 : i32 to index
        %get3A_1404 = arith.index_cast %scan3A_269 : i32 to index
        %get3A_1405 = arith.index_cast %get3A_1402 : i32 to index
        %get3A_1406 = arith.constant 48 : index
        %get3A_1407 = tpu.vector_load %arg5[%get3A_1403, %get3A_1404, %get3A_1405, %get3A_1406] {strides = array<i32>} : memref<2x8x32x128xf32, #tpu.memory_space<vmem>>, vector<1x1x1x16xf32>,
        %get3A_1408 = vector.shape_cast %get3A_1407 : vector<1x1x1x16xf32> to vector<16xf32>
        %add3A_1409 = arith.addf %add3A_1400, %get3A_1408 : vector<16xf32>
        %get3A_1410 = arith.constant 1 : i32
        %get3A_1411 = arith.constant 29 : i32
        %get3A_1412 = arith.index_cast %get3A_1410 : i32 to index
        %get3A_1413 = arith.index_cast %scan3A_269 : i32 to index
        %get3A_1414 = arith.index_cast %get3A_1411 : i32 to index
        %get3A_1415 = arith.constant 48 : index
        %get3A_1416 = tpu.vector_load %arg5[%get3A_1412, %get3A_1413, %get3A_1414, %get3A_1415] {strides = array<i32>} : memref<2x8x32x128xf32, #tpu.memory_space<vmem>>, vector<1x1x1x16xf32>,
        %get3A_1417 = vector.shape_cast %get3A_1416 : vector<1x1x1x16xf32> to vector<16xf32>
        %add3A_1418 = arith.addf %add3A_1409, %get3A_1417 : vector<16xf32>
        %get3A_1419 = arith.constant 1 : i32
        %get3A_1420 = arith.constant 30 : i32
        %get3A_1421 = arith.index_cast %get3A_1419 : i32 to index
        %get3A_1422 = arith.index_cast %scan3A_269 : i32 to index
        %get3A_1423 = arith.index_cast %get3A_1420 : i32 to index
        %get3A_1424 = arith.constant 48 : index
        %get3A_1425 = tpu.vector_load %arg5[%get3A_1421, %get3A_1422, %get3A_1423, %get3A_1424] {strides = array<i32>} : memref<2x8x32x128xf32, #tpu.memory_space<vmem>>, vector<1x1x1x16xf32>,
        %get3A_1426 = vector.shape_cast %get3A_1425 : vector<1x1x1x16xf32> to vector<16xf32>
        %add3A_1427 = arith.addf %add3A_1418, %get3A_1426 : vector<16xf32>
        %get3A_1428 = arith.constant 1 : i32
        %get3A_1429 = arith.constant 31 : i32
        %get3A_1430 = arith.index_cast %get3A_1428 : i32 to index
        %get3A_1431 = arith.index_cast %scan3A_269 : i32 to index
        %get3A_1432 = arith.index_cast %get3A_1429 : i32 to index
        %get3A_1433 = arith.constant 48 : index
        %get3A_1434 = tpu.vector_load %arg5[%get3A_1430, %get3A_1431, %get3A_1432, %get3A_1433] {strides = array<i32>} : memref<2x8x32x128xf32, #tpu.memory_space<vmem>>, vector<1x1x1x16xf32>,
        %get3A_1435 = vector.shape_cast %get3A_1434 : vector<1x1x1x16xf32> to vector<16xf32>
        %add3A_1436 = arith.addf %add3A_1427, %get3A_1435 : vector<16xf32>
        %swap3A_1437 = arith.constant 1 : i32
        %swap3A_1438 = arith.index_cast %swap3A_1437 : i32 to index
        %swap3A_1439 = arith.index_cast %scan3A_269 : i32 to index
        %swap3A_1440 = arith.constant 48 : index
        %swap3A_1441 = tpu.vector_load %arg6[%swap3A_1438, %swap3A_1439, %swap3A_1440] {strides = array<i32>} : memref<2x8x128xf32, #tpu.memory_space<vmem>>, vector<1x1x16xf32>,
        %swap3A_1442 = vector.shape_cast %swap3A_1441 : vector<1x1x16xf32> to vector<16xf32>
        %swap3A_1443 = vector.shape_cast %add3A_1436 : vector<16xf32> to vector<1x1x16xf32>
        tpu.vector_store %arg6[%swap3A_1438, %swap3A_1439, %swap3A_1440], %swap3A_1443 {strides = array<i32>} : memref<2x8x128xf32, #tpu.memory_space<vmem>>, vector<1x1x16xf32>,
        %get3A_1444 = arith.constant 1 : i32
        %get3A_1445 = arith.constant 0 : i32
        %get3A_1446 = arith.index_cast %get3A_1444 : i32 to index
        %get3A_1447 = arith.index_cast %scan3A_269 : i32 to index
        %get3A_1448 = arith.index_cast %get3A_1445 : i32 to index
        %get3A_1449 = arith.constant 64 : index
        %get3A_1450 = tpu.vector_load %arg5[%get3A_1446, %get3A_1447, %get3A_1448, %get3A_1449] {strides = array<i32>} : memref<2x8x32x128xf32, #tpu.memory_space<vmem>>, vector<1x1x1x16xf32>,
        %get3A_1451 = vector.shape_cast %get3A_1450 : vector<1x1x1x16xf32> to vector<16xf32>
        %get3A_1452 = arith.constant 1 : i32
        %get3A_1453 = arith.constant 1 : i32
        %get3A_1454 = arith.index_cast %get3A_1452 : i32 to index
        %get3A_1455 = arith.index_cast %scan3A_269 : i32 to index
        %get3A_1456 = arith.index_cast %get3A_1453 : i32 to index
        %get3A_1457 = arith.constant 64 : index
        %get3A_1458 = tpu.vector_load %arg5[%get3A_1454, %get3A_1455, %get3A_1456, %get3A_1457] {strides = array<i32>} : memref<2x8x32x128xf32, #tpu.memory_space<vmem>>, vector<1x1x1x16xf32>,
        %get3A_1459 = vector.shape_cast %get3A_1458 : vector<1x1x1x16xf32> to vector<16xf32>
        %add3A_1460 = arith.addf %get3A_1451, %get3A_1459 : vector<16xf32>
        %get3A_1461 = arith.constant 1 : i32
        %get3A_1462 = arith.constant 2 : i32
        %get3A_1463 = arith.index_cast %get3A_1461 : i32 to index
        %get3A_1464 = arith.index_cast %scan3A_269 : i32 to index
        %get3A_1465 = arith.index_cast %get3A_1462 : i32 to index
        %get3A_1466 = arith.constant 64 : index
        %get3A_1467 = tpu.vector_load %arg5[%get3A_1463, %get3A_1464, %get3A_1465, %get3A_1466] {strides = array<i32>} : memref<2x8x32x128xf32, #tpu.memory_space<vmem>>, vector<1x1x1x16xf32>,
        %get3A_1468 = vector.shape_cast %get3A_1467 : vector<1x1x1x16xf32> to vector<16xf32>
        %add3A_1469 = arith.addf %add3A_1460, %get3A_1468 : vector<16xf32>
        %get3A_1470 = arith.constant 1 : i32
        %get3A_1471 = arith.constant 3 : i32
        %get3A_1472 = arith.index_cast %get3A_1470 : i32 to index
        %get3A_1473 = arith.index_cast %scan3A_269 : i32 to index
        %get3A_1474 = arith.index_cast %get3A_1471 : i32 to index
        %get3A_1475 = arith.constant 64 : index
        %get3A_1476 = tpu.vector_load %arg5[%get3A_1472, %get3A_1473, %get3A_1474, %get3A_1475] {strides = array<i32>} : memref<2x8x32x128xf32, #tpu.memory_space<vmem>>, vector<1x1x1x16xf32>,
        %get3A_1477 = vector.shape_cast %get3A_1476 : vector<1x1x1x16xf32> to vector<16xf32>
        %add3A_1478 = arith.addf %add3A_1469, %get3A_1477 : vector<16xf32>
        %get3A_1479 = arith.constant 1 : i32
        %get3A_1480 = arith.constant 4 : i32
        %get3A_1481 = arith.index_cast %get3A_1479 : i32 to index
        %get3A_1482 = arith.index_cast %scan3A_269 : i32 to index
        %get3A_1483 = arith.index_cast %get3A_1480 : i32 to index
        %get3A_1484 = arith.constant 64 : index
        %get3A_1485 = tpu.vector_load %arg5[%get3A_1481, %get3A_1482, %get3A_1483, %get3A_1484] {strides = array<i32>} : memref<2x8x32x128xf32, #tpu.memory_space<vmem>>, vector<1x1x1x16xf32>,
        %get3A_1486 = vector.shape_cast %get3A_1485 : vector<1x1x1x16xf32> to vector<16xf32>
        %add3A_1487 = arith.addf %add3A_1478, %get3A_1486 : vector<16xf32>
        %get3A_1488 = arith.constant 1 : i32
        %get3A_1489 = arith.constant 5 : i32
        %get3A_1490 = arith.index_cast %get3A_1488 : i32 to index
        %get3A_1491 = arith.index_cast %scan3A_269 : i32 to index
        %get3A_1492 = arith.index_cast %get3A_1489 : i32 to index
        %get3A_1493 = arith.constant 64 : index
        %get3A_1494 = tpu.vector_load %arg5[%get3A_1490, %get3A_1491, %get3A_1492, %get3A_1493] {strides = array<i32>} : memref<2x8x32x128xf32, #tpu.memory_space<vmem>>, vector<1x1x1x16xf32>,
        %get3A_1495 = vector.shape_cast %get3A_1494 : vector<1x1x1x16xf32> to vector<16xf32>
        %add3A_1496 = arith.addf %add3A_1487, %get3A_1495 : vector<16xf32>
        %get3A_1497 = arith.constant 1 : i32
        %get3A_1498 = arith.constant 6 : i32
        %get3A_1499 = arith.index_cast %get3A_1497 : i32 to index
        %get3A_1500 = arith.index_cast %scan3A_269 : i32 to index
        %get3A_1501 = arith.index_cast %get3A_1498 : i32 to index
        %get3A_1502 = arith.constant 64 : index
        %get3A_1503 = tpu.vector_load %arg5[%get3A_1499, %get3A_1500, %get3A_1501, %get3A_1502] {strides = array<i32>} : memref<2x8x32x128xf32, #tpu.memory_space<vmem>>, vector<1x1x1x16xf32>,
        %get3A_1504 = vector.shape_cast %get3A_1503 : vector<1x1x1x16xf32> to vector<16xf32>
        %add3A_1505 = arith.addf %add3A_1496, %get3A_1504 : vector<16xf32>
        %get3A_1506 = arith.constant 1 : i32
        %get3A_1507 = arith.constant 7 : i32
        %get3A_1508 = arith.index_cast %get3A_1506 : i32 to index
        %get3A_1509 = arith.index_cast %scan3A_269 : i32 to index
        %get3A_1510 = arith.index_cast %get3A_1507 : i32 to index
        %get3A_1511 = arith.constant 64 : index
        %get3A_1512 = tpu.vector_load %arg5[%get3A_1508, %get3A_1509, %get3A_1510, %get3A_1511] {strides = array<i32>} : memref<2x8x32x128xf32, #tpu.memory_space<vmem>>, vector<1x1x1x16xf32>,
        %get3A_1513 = vector.shape_cast %get3A_1512 : vector<1x1x1x16xf32> to vector<16xf32>
        %add3A_1514 = arith.addf %add3A_1505, %get3A_1513 : vector<16xf32>
        %get3A_1515 = arith.constant 1 : i32
        %get3A_1516 = arith.constant 8 : i32
        %get3A_1517 = arith.index_cast %get3A_1515 : i32 to index
        %get3A_1518 = arith.index_cast %scan3A_269 : i32 to index
        %get3A_1519 = arith.index_cast %get3A_1516 : i32 to index
        %get3A_1520 = arith.constant 64 : index
        %get3A_1521 = tpu.vector_load %arg5[%get3A_1517, %get3A_1518, %get3A_1519, %get3A_1520] {strides = array<i32>} : memref<2x8x32x128xf32, #tpu.memory_space<vmem>>, vector<1x1x1x16xf32>,
        %get3A_1522 = vector.shape_cast %get3A_1521 : vector<1x1x1x16xf32> to vector<16xf32>
        %add3A_1523 = arith.addf %add3A_1514, %get3A_1522 : vector<16xf32>
        %get3A_1524 = arith.constant 1 : i32
        %get3A_1525 = arith.constant 9 : i32
        %get3A_1526 = arith.index_cast %get3A_1524 : i32 to index
        %get3A_1527 = arith.index_cast %scan3A_269 : i32 to index
        %get3A_1528 = arith.index_cast %get3A_1525 : i32 to index
        %get3A_1529 = arith.constant 64 : index
        %get3A_1530 = tpu.vector_load %arg5[%get3A_1526, %get3A_1527, %get3A_1528, %get3A_1529] {strides = array<i32>} : memref<2x8x32x128xf32, #tpu.memory_space<vmem>>, vector<1x1x1x16xf32>,
        %get3A_1531 = vector.shape_cast %get3A_1530 : vector<1x1x1x16xf32> to vector<16xf32>
        %add3A_1532 = arith.addf %add3A_1523, %get3A_1531 : vector<16xf32>
        %get3A_1533 = arith.constant 1 : i32
        %get3A_1534 = arith.constant 10 : i32
        %get3A_1535 = arith.index_cast %get3A_1533 : i32 to index
        %get3A_1536 = arith.index_cast %scan3A_269 : i32 to index
        %get3A_1537 = arith.index_cast %get3A_1534 : i32 to index
        %get3A_1538 = arith.constant 64 : index
        %get3A_1539 = tpu.vector_load %arg5[%get3A_1535, %get3A_1536, %get3A_1537, %get3A_1538] {strides = array<i32>} : memref<2x8x32x128xf32, #tpu.memory_space<vmem>>, vector<1x1x1x16xf32>,
        %get3A_1540 = vector.shape_cast %get3A_1539 : vector<1x1x1x16xf32> to vector<16xf32>
        %add3A_1541 = arith.addf %add3A_1532, %get3A_1540 : vector<16xf32>
        %get3A_1542 = arith.constant 1 : i32
        %get3A_1543 = arith.constant 11 : i32
        %get3A_1544 = arith.index_cast %get3A_1542 : i32 to index
        %get3A_1545 = arith.index_cast %scan3A_269 : i32 to index
        %get3A_1546 = arith.index_cast %get3A_1543 : i32 to index
        %get3A_1547 = arith.constant 64 : index
        %get3A_1548 = tpu.vector_load %arg5[%get3A_1544, %get3A_1545, %get3A_1546, %get3A_1547] {strides = array<i32>} : memref<2x8x32x128xf32, #tpu.memory_space<vmem>>, vector<1x1x1x16xf32>,
        %get3A_1549 = vector.shape_cast %get3A_1548 : vector<1x1x1x16xf32> to vector<16xf32>
        %add3A_1550 = arith.addf %add3A_1541, %get3A_1549 : vector<16xf32>
        %get3A_1551 = arith.constant 1 : i32
        %get3A_1552 = arith.constant 12 : i32
        %get3A_1553 = arith.index_cast %get3A_1551 : i32 to index
        %get3A_1554 = arith.index_cast %scan3A_269 : i32 to index
        %get3A_1555 = arith.index_cast %get3A_1552 : i32 to index
        %get3A_1556 = arith.constant 64 : index
        %get3A_1557 = tpu.vector_load %arg5[%get3A_1553, %get3A_1554, %get3A_1555, %get3A_1556] {strides = array<i32>} : memref<2x8x32x128xf32, #tpu.memory_space<vmem>>, vector<1x1x1x16xf32>,
        %get3A_1558 = vector.shape_cast %get3A_1557 : vector<1x1x1x16xf32> to vector<16xf32>
        %add3A_1559 = arith.addf %add3A_1550, %get3A_1558 : vector<16xf32>
        %get3A_1560 = arith.constant 1 : i32
        %get3A_1561 = arith.constant 13 : i32
        %get3A_1562 = arith.index_cast %get3A_1560 : i32 to index
        %get3A_1563 = arith.index_cast %scan3A_269 : i32 to index
        %get3A_1564 = arith.index_cast %get3A_1561 : i32 to index
        %get3A_1565 = arith.constant 64 : index
        %get3A_1566 = tpu.vector_load %arg5[%get3A_1562, %get3A_1563, %get3A_1564, %get3A_1565] {strides = array<i32>} : memref<2x8x32x128xf32, #tpu.memory_space<vmem>>, vector<1x1x1x16xf32>,
        %get3A_1567 = vector.shape_cast %get3A_1566 : vector<1x1x1x16xf32> to vector<16xf32>
        %add3A_1568 = arith.addf %add3A_1559, %get3A_1567 : vector<16xf32>
        %get3A_1569 = arith.constant 1 : i32
        %get3A_1570 = arith.constant 14 : i32
        %get3A_1571 = arith.index_cast %get3A_1569 : i32 to index
        %get3A_1572 = arith.index_cast %scan3A_269 : i32 to index
        %get3A_1573 = arith.index_cast %get3A_1570 : i32 to index
        %get3A_1574 = arith.constant 64 : index
        %get3A_1575 = tpu.vector_load %arg5[%get3A_1571, %get3A_1572, %get3A_1573, %get3A_1574] {strides = array<i32>} : memref<2x8x32x128xf32, #tpu.memory_space<vmem>>, vector<1x1x1x16xf32>,
        %get3A_1576 = vector.shape_cast %get3A_1575 : vector<1x1x1x16xf32> to vector<16xf32>
        %add3A_1577 = arith.addf %add3A_1568, %get3A_1576 : vector<16xf32>
        %get3A_1578 = arith.constant 1 : i32
        %get3A_1579 = arith.constant 15 : i32
        %get3A_1580 = arith.index_cast %get3A_1578 : i32 to index
        %get3A_1581 = arith.index_cast %scan3A_269 : i32 to index
        %get3A_1582 = arith.index_cast %get3A_1579 : i32 to index
        %get3A_1583 = arith.constant 64 : index
        %get3A_1584 = tpu.vector_load %arg5[%get3A_1580, %get3A_1581, %get3A_1582, %get3A_1583] {strides = array<i32>} : memref<2x8x32x128xf32, #tpu.memory_space<vmem>>, vector<1x1x1x16xf32>,
        %get3A_1585 = vector.shape_cast %get3A_1584 : vector<1x1x1x16xf32> to vector<16xf32>
        %add3A_1586 = arith.addf %add3A_1577, %get3A_1585 : vector<16xf32>
        %get3A_1587 = arith.constant 1 : i32
        %get3A_1588 = arith.constant 16 : i32
        %get3A_1589 = arith.index_cast %get3A_1587 : i32 to index
        %get3A_1590 = arith.index_cast %scan3A_269 : i32 to index
        %get3A_1591 = arith.index_cast %get3A_1588 : i32 to index
        %get3A_1592 = arith.constant 64 : index
        %get3A_1593 = tpu.vector_load %arg5[%get3A_1589, %get3A_1590, %get3A_1591, %get3A_1592] {strides = array<i32>} : memref<2x8x32x128xf32, #tpu.memory_space<vmem>>, vector<1x1x1x16xf32>,
        %get3A_1594 = vector.shape_cast %get3A_1593 : vector<1x1x1x16xf32> to vector<16xf32>
        %add3A_1595 = arith.addf %add3A_1586, %get3A_1594 : vector<16xf32>
        %get3A_1596 = arith.constant 1 : i32
        %get3A_1597 = arith.constant 17 : i32
        %get3A_1598 = arith.index_cast %get3A_1596 : i32 to index
        %get3A_1599 = arith.index_cast %scan3A_269 : i32 to index
        %get3A_1600 = arith.index_cast %get3A_1597 : i32 to index
        %get3A_1601 = arith.constant 64 : index
        %get3A_1602 = tpu.vector_load %arg5[%get3A_1598, %get3A_1599, %get3A_1600, %get3A_1601] {strides = array<i32>} : memref<2x8x32x128xf32, #tpu.memory_space<vmem>>, vector<1x1x1x16xf32>,
        %get3A_1603 = vector.shape_cast %get3A_1602 : vector<1x1x1x16xf32> to vector<16xf32>
        %add3A_1604 = arith.addf %add3A_1595, %get3A_1603 : vector<16xf32>
        %get3A_1605 = arith.constant 1 : i32
        %get3A_1606 = arith.constant 18 : i32
        %get3A_1607 = arith.index_cast %get3A_1605 : i32 to index
        %get3A_1608 = arith.index_cast %scan3A_269 : i32 to index
        %get3A_1609 = arith.index_cast %get3A_1606 : i32 to index
        %get3A_1610 = arith.constant 64 : index
        %get3A_1611 = tpu.vector_load %arg5[%get3A_1607, %get3A_1608, %get3A_1609, %get3A_1610] {strides = array<i32>} : memref<2x8x32x128xf32, #tpu.memory_space<vmem>>, vector<1x1x1x16xf32>,
        %get3A_1612 = vector.shape_cast %get3A_1611 : vector<1x1x1x16xf32> to vector<16xf32>
        %add3A_1613 = arith.addf %add3A_1604, %get3A_1612 : vector<16xf32>
        %get3A_1614 = arith.constant 1 : i32
        %get3A_1615 = arith.constant 19 : i32
        %get3A_1616 = arith.index_cast %get3A_1614 : i32 to index
        %get3A_1617 = arith.index_cast %scan3A_269 : i32 to index
        %get3A_1618 = arith.index_cast %get3A_1615 : i32 to index
        %get3A_1619 = arith.constant 64 : index
        %get3A_1620 = tpu.vector_load %arg5[%get3A_1616, %get3A_1617, %get3A_1618, %get3A_1619] {strides = array<i32>} : memref<2x8x32x128xf32, #tpu.memory_space<vmem>>, vector<1x1x1x16xf32>,
        %get3A_1621 = vector.shape_cast %get3A_1620 : vector<1x1x1x16xf32> to vector<16xf32>
        %add3A_1622 = arith.addf %add3A_1613, %get3A_1621 : vector<16xf32>
        %get3A_1623 = arith.constant 1 : i32
        %get3A_1624 = arith.constant 20 : i32
        %get3A_1625 = arith.index_cast %get3A_1623 : i32 to index
        %get3A_1626 = arith.index_cast %scan3A_269 : i32 to index
        %get3A_1627 = arith.index_cast %get3A_1624 : i32 to index
        %get3A_1628 = arith.constant 64 : index
        %get3A_1629 = tpu.vector_load %arg5[%get3A_1625, %get3A_1626, %get3A_1627, %get3A_1628] {strides = array<i32>} : memref<2x8x32x128xf32, #tpu.memory_space<vmem>>, vector<1x1x1x16xf32>,
        %get3A_1630 = vector.shape_cast %get3A_1629 : vector<1x1x1x16xf32> to vector<16xf32>
        %add3A_1631 = arith.addf %add3A_1622, %get3A_1630 : vector<16xf32>
        %get3A_1632 = arith.constant 1 : i32
        %get3A_1633 = arith.constant 21 : i32
        %get3A_1634 = arith.index_cast %get3A_1632 : i32 to index
        %get3A_1635 = arith.index_cast %scan3A_269 : i32 to index
        %get3A_1636 = arith.index_cast %get3A_1633 : i32 to index
        %get3A_1637 = arith.constant 64 : index
        %get3A_1638 = tpu.vector_load %arg5[%get3A_1634, %get3A_1635, %get3A_1636, %get3A_1637] {strides = array<i32>} : memref<2x8x32x128xf32, #tpu.memory_space<vmem>>, vector<1x1x1x16xf32>,
        %get3A_1639 = vector.shape_cast %get3A_1638 : vector<1x1x1x16xf32> to vector<16xf32>
        %add3A_1640 = arith.addf %add3A_1631, %get3A_1639 : vector<16xf32>
        %get3A_1641 = arith.constant 1 : i32
        %get3A_1642 = arith.constant 22 : i32
        %get3A_1643 = arith.index_cast %get3A_1641 : i32 to index
        %get3A_1644 = arith.index_cast %scan3A_269 : i32 to index
        %get3A_1645 = arith.index_cast %get3A_1642 : i32 to index
        %get3A_1646 = arith.constant 64 : index
        %get3A_1647 = tpu.vector_load %arg5[%get3A_1643, %get3A_1644, %get3A_1645, %get3A_1646] {strides = array<i32>} : memref<2x8x32x128xf32, #tpu.memory_space<vmem>>, vector<1x1x1x16xf32>,
        %get3A_1648 = vector.shape_cast %get3A_1647 : vector<1x1x1x16xf32> to vector<16xf32>
        %add3A_1649 = arith.addf %add3A_1640, %get3A_1648 : vector<16xf32>
        %get3A_1650 = arith.constant 1 : i32
        %get3A_1651 = arith.constant 23 : i32
        %get3A_1652 = arith.index_cast %get3A_1650 : i32 to index
        %get3A_1653 = arith.index_cast %scan3A_269 : i32 to index
        %get3A_1654 = arith.index_cast %get3A_1651 : i32 to index
        %get3A_1655 = arith.constant 64 : index
        %get3A_1656 = tpu.vector_load %arg5[%get3A_1652, %get3A_1653, %get3A_1654, %get3A_1655] {strides = array<i32>} : memref<2x8x32x128xf32, #tpu.memory_space<vmem>>, vector<1x1x1x16xf32>,
        %get3A_1657 = vector.shape_cast %get3A_1656 : vector<1x1x1x16xf32> to vector<16xf32>
        %add3A_1658 = arith.addf %add3A_1649, %get3A_1657 : vector<16xf32>
        %get3A_1659 = arith.constant 1 : i32
        %get3A_1660 = arith.constant 24 : i32
        %get3A_1661 = arith.index_cast %get3A_1659 : i32 to index
        %get3A_1662 = arith.index_cast %scan3A_269 : i32 to index
        %get3A_1663 = arith.index_cast %get3A_1660 : i32 to index
        %get3A_1664 = arith.constant 64 : index
        %get3A_1665 = tpu.vector_load %arg5[%get3A_1661, %get3A_1662, %get3A_1663, %get3A_1664] {strides = array<i32>} : memref<2x8x32x128xf32, #tpu.memory_space<vmem>>, vector<1x1x1x16xf32>,
        %get3A_1666 = vector.shape_cast %get3A_1665 : vector<1x1x1x16xf32> to vector<16xf32>
        %add3A_1667 = arith.addf %add3A_1658, %get3A_1666 : vector<16xf32>
        %get3A_1668 = arith.constant 1 : i32
        %get3A_1669 = arith.constant 25 : i32
        %get3A_1670 = arith.index_cast %get3A_1668 : i32 to index
        %get3A_1671 = arith.index_cast %scan3A_269 : i32 to index
        %get3A_1672 = arith.index_cast %get3A_1669 : i32 to index
        %get3A_1673 = arith.constant 64 : index
        %get3A_1674 = tpu.vector_load %arg5[%get3A_1670, %get3A_1671, %get3A_1672, %get3A_1673] {strides = array<i32>} : memref<2x8x32x128xf32, #tpu.memory_space<vmem>>, vector<1x1x1x16xf32>,
        %get3A_1675 = vector.shape_cast %get3A_1674 : vector<1x1x1x16xf32> to vector<16xf32>
        %add3A_1676 = arith.addf %add3A_1667, %get3A_1675 : vector<16xf32>
        %get3A_1677 = arith.constant 1 : i32
        %get3A_1678 = arith.constant 26 : i32
        %get3A_1679 = arith.index_cast %get3A_1677 : i32 to index
        %get3A_1680 = arith.index_cast %scan3A_269 : i32 to index
        %get3A_1681 = arith.index_cast %get3A_1678 : i32 to index
        %get3A_1682 = arith.constant 64 : index
        %get3A_1683 = tpu.vector_load %arg5[%get3A_1679, %get3A_1680, %get3A_1681, %get3A_1682] {strides = array<i32>} : memref<2x8x32x128xf32, #tpu.memory_space<vmem>>, vector<1x1x1x16xf32>,
        %get3A_1684 = vector.shape_cast %get3A_1683 : vector<1x1x1x16xf32> to vector<16xf32>
        %add3A_1685 = arith.addf %add3A_1676, %get3A_1684 : vector<16xf32>
        %get3A_1686 = arith.constant 1 : i32
        %get3A_1687 = arith.constant 27 : i32
        %get3A_1688 = arith.index_cast %get3A_1686 : i32 to index
        %get3A_1689 = arith.index_cast %scan3A_269 : i32 to index
        %get3A_1690 = arith.index_cast %get3A_1687 : i32 to index
        %get3A_1691 = arith.constant 64 : index
        %get3A_1692 = tpu.vector_load %arg5[%get3A_1688, %get3A_1689, %get3A_1690, %get3A_1691] {strides = array<i32>} : memref<2x8x32x128xf32, #tpu.memory_space<vmem>>, vector<1x1x1x16xf32>,
        %get3A_1693 = vector.shape_cast %get3A_1692 : vector<1x1x1x16xf32> to vector<16xf32>
        %add3A_1694 = arith.addf %add3A_1685, %get3A_1693 : vector<16xf32>
        %get3A_1695 = arith.constant 1 : i32
        %get3A_1696 = arith.constant 28 : i32
        %get3A_1697 = arith.index_cast %get3A_1695 : i32 to index
        %get3A_1698 = arith.index_cast %scan3A_269 : i32 to index
        %get3A_1699 = arith.index_cast %get3A_1696 : i32 to index
        %get3A_1700 = arith.constant 64 : index
        %get3A_1701 = tpu.vector_load %arg5[%get3A_1697, %get3A_1698, %get3A_1699, %get3A_1700] {strides = array<i32>} : memref<2x8x32x128xf32, #tpu.memory_space<vmem>>, vector<1x1x1x16xf32>,
        %get3A_1702 = vector.shape_cast %get3A_1701 : vector<1x1x1x16xf32> to vector<16xf32>
        %add3A_1703 = arith.addf %add3A_1694, %get3A_1702 : vector<16xf32>
        %get3A_1704 = arith.constant 1 : i32
        %get3A_1705 = arith.constant 29 : i32
        %get3A_1706 = arith.index_cast %get3A_1704 : i32 to index
        %get3A_1707 = arith.index_cast %scan3A_269 : i32 to index
        %get3A_1708 = arith.index_cast %get3A_1705 : i32 to index
        %get3A_1709 = arith.constant 64 : index
        %get3A_1710 = tpu.vector_load %arg5[%get3A_1706, %get3A_1707, %get3A_1708, %get3A_1709] {strides = array<i32>} : memref<2x8x32x128xf32, #tpu.memory_space<vmem>>, vector<1x1x1x16xf32>,
        %get3A_1711 = vector.shape_cast %get3A_1710 : vector<1x1x1x16xf32> to vector<16xf32>
        %add3A_1712 = arith.addf %add3A_1703, %get3A_1711 : vector<16xf32>
        %get3A_1713 = arith.constant 1 : i32
        %get3A_1714 = arith.constant 30 : i32
        %get3A_1715 = arith.index_cast %get3A_1713 : i32 to index
        %get3A_1716 = arith.index_cast %scan3A_269 : i32 to index
        %get3A_1717 = arith.index_cast %get3A_1714 : i32 to index
        %get3A_1718 = arith.constant 64 : index
        %get3A_1719 = tpu.vector_load %arg5[%get3A_1715, %get3A_1716, %get3A_1717, %get3A_1718] {strides = array<i32>} : memref<2x8x32x128xf32, #tpu.memory_space<vmem>>, vector<1x1x1x16xf32>,
        %get3A_1720 = vector.shape_cast %get3A_1719 : vector<1x1x1x16xf32> to vector<16xf32>
        %add3A_1721 = arith.addf %add3A_1712, %get3A_1720 : vector<16xf32>
        %get3A_1722 = arith.constant 1 : i32
        %get3A_1723 = arith.constant 31 : i32
        %get3A_1724 = arith.index_cast %get3A_1722 : i32 to index
        %get3A_1725 = arith.index_cast %scan3A_269 : i32 to index
        %get3A_1726 = arith.index_cast %get3A_1723 : i32 to index
        %get3A_1727 = arith.constant 64 : index
        %get3A_1728 = tpu.vector_load %arg5[%get3A_1724, %get3A_1725, %get3A_1726, %get3A_1727] {strides = array<i32>} : memref<2x8x32x128xf32, #tpu.memory_space<vmem>>, vector<1x1x1x16xf32>,
        %get3A_1729 = vector.shape_cast %get3A_1728 : vector<1x1x1x16xf32> to vector<16xf32>
        %add3A_1730 = arith.addf %add3A_1721, %get3A_1729 : vector<16xf32>
        %swap3A_1731 = arith.constant 1 : i32
        %swap3A_1732 = arith.index_cast %swap3A_1731 : i32 to index
        %swap3A_1733 = arith.index_cast %scan3A_269 : i32 to index
        %swap3A_1734 = arith.constant 64 : index
        %swap3A_1735 = tpu.vector_load %arg6[%swap3A_1732, %swap3A_1733, %swap3A_1734] {strides = array<i32>} : memref<2x8x128xf32, #tpu.memory_space<vmem>>, vector<1x1x16xf32>,
        %swap3A_1736 = vector.shape_cast %swap3A_1735 : vector<1x1x16xf32> to vector<16xf32>
        %swap3A_1737 = vector.shape_cast %add3A_1730 : vector<16xf32> to vector<1x1x16xf32>
        tpu.vector_store %arg6[%swap3A_1732, %swap3A_1733, %swap3A_1734], %swap3A_1737 {strides = array<i32>} : memref<2x8x128xf32, #tpu.memory_space<vmem>>, vector<1x1x16xf32>,
        %get3A_1738 = arith.constant 1 : i32
        %get3A_1739 = arith.constant 0 : i32
        %get3A_1740 = arith.index_cast %get3A_1738 : i32 to index
        %get3A_1741 = arith.index_cast %scan3A_269 : i32 to index
        %get3A_1742 = arith.index_cast %get3A_1739 : i32 to index
        %get3A_1743 = arith.constant 80 : index
        %get3A_1744 = tpu.vector_load %arg5[%get3A_1740, %get3A_1741, %get3A_1742, %get3A_1743] {strides = array<i32>} : memref<2x8x32x128xf32, #tpu.memory_space<vmem>>, vector<1x1x1x16xf32>,
        %get3A_1745 = vector.shape_cast %get3A_1744 : vector<1x1x1x16xf32> to vector<16xf32>
        %get3A_1746 = arith.constant 1 : i32
        %get3A_1747 = arith.constant 1 : i32
        %get3A_1748 = arith.index_cast %get3A_1746 : i32 to index
        %get3A_1749 = arith.index_cast %scan3A_269 : i32 to index
        %get3A_1750 = arith.index_cast %get3A_1747 : i32 to index
        %get3A_1751 = arith.constant 80 : index
        %get3A_1752 = tpu.vector_load %arg5[%get3A_1748, %get3A_1749, %get3A_1750, %get3A_1751] {strides = array<i32>} : memref<2x8x32x128xf32, #tpu.memory_space<vmem>>, vector<1x1x1x16xf32>,
        %get3A_1753 = vector.shape_cast %get3A_1752 : vector<1x1x1x16xf32> to vector<16xf32>
        %add3A_1754 = arith.addf %get3A_1745, %get3A_1753 : vector<16xf32>
        %get3A_1755 = arith.constant 1 : i32
        %get3A_1756 = arith.constant 2 : i32
        %get3A_1757 = arith.index_cast %get3A_1755 : i32 to index
        %get3A_1758 = arith.index_cast %scan3A_269 : i32 to index
        %get3A_1759 = arith.index_cast %get3A_1756 : i32 to index
        %get3A_1760 = arith.constant 80 : index
        %get3A_1761 = tpu.vector_load %arg5[%get3A_1757, %get3A_1758, %get3A_1759, %get3A_1760] {strides = array<i32>} : memref<2x8x32x128xf32, #tpu.memory_space<vmem>>, vector<1x1x1x16xf32>,
        %get3A_1762 = vector.shape_cast %get3A_1761 : vector<1x1x1x16xf32> to vector<16xf32>
        %add3A_1763 = arith.addf %add3A_1754, %get3A_1762 : vector<16xf32>
        %get3A_1764 = arith.constant 1 : i32
        %get3A_1765 = arith.constant 3 : i32
        %get3A_1766 = arith.index_cast %get3A_1764 : i32 to index
        %get3A_1767 = arith.index_cast %scan3A_269 : i32 to index
        %get3A_1768 = arith.index_cast %get3A_1765 : i32 to index
        %get3A_1769 = arith.constant 80 : index
        %get3A_1770 = tpu.vector_load %arg5[%get3A_1766, %get3A_1767, %get3A_1768, %get3A_1769] {strides = array<i32>} : memref<2x8x32x128xf32, #tpu.memory_space<vmem>>, vector<1x1x1x16xf32>,
        %get3A_1771 = vector.shape_cast %get3A_1770 : vector<1x1x1x16xf32> to vector<16xf32>
        %add3A_1772 = arith.addf %add3A_1763, %get3A_1771 : vector<16xf32>
        %get3A_1773 = arith.constant 1 : i32
        %get3A_1774 = arith.constant 4 : i32
        %get3A_1775 = arith.index_cast %get3A_1773 : i32 to index
        %get3A_1776 = arith.index_cast %scan3A_269 : i32 to index
        %get3A_1777 = arith.index_cast %get3A_1774 : i32 to index
        %get3A_1778 = arith.constant 80 : index
        %get3A_1779 = tpu.vector_load %arg5[%get3A_1775, %get3A_1776, %get3A_1777, %get3A_1778] {strides = array<i32>} : memref<2x8x32x128xf32, #tpu.memory_space<vmem>>, vector<1x1x1x16xf32>,
        %get3A_1780 = vector.shape_cast %get3A_1779 : vector<1x1x1x16xf32> to vector<16xf32>
        %add3A_1781 = arith.addf %add3A_1772, %get3A_1780 : vector<16xf32>
        %get3A_1782 = arith.constant 1 : i32
        %get3A_1783 = arith.constant 5 : i32
        %get3A_1784 = arith.index_cast %get3A_1782 : i32 to index
        %get3A_1785 = arith.index_cast %scan3A_269 : i32 to index
        %get3A_1786 = arith.index_cast %get3A_1783 : i32 to index
        %get3A_1787 = arith.constant 80 : index
        %get3A_1788 = tpu.vector_load %arg5[%get3A_1784, %get3A_1785, %get3A_1786, %get3A_1787] {strides = array<i32>} : memref<2x8x32x128xf32, #tpu.memory_space<vmem>>, vector<1x1x1x16xf32>,
        %get3A_1789 = vector.shape_cast %get3A_1788 : vector<1x1x1x16xf32> to vector<16xf32>
        %add3A_1790 = arith.addf %add3A_1781, %get3A_1789 : vector<16xf32>
        %get3A_1791 = arith.constant 1 : i32
        %get3A_1792 = arith.constant 6 : i32
        %get3A_1793 = arith.index_cast %get3A_1791 : i32 to index
        %get3A_1794 = arith.index_cast %scan3A_269 : i32 to index
        %get3A_1795 = arith.index_cast %get3A_1792 : i32 to index
        %get3A_1796 = arith.constant 80 : index
        %get3A_1797 = tpu.vector_load %arg5[%get3A_1793, %get3A_1794, %get3A_1795, %get3A_1796] {strides = array<i32>} : memref<2x8x32x128xf32, #tpu.memory_space<vmem>>, vector<1x1x1x16xf32>,
        %get3A_1798 = vector.shape_cast %get3A_1797 : vector<1x1x1x16xf32> to vector<16xf32>
        %add3A_1799 = arith.addf %add3A_1790, %get3A_1798 : vector<16xf32>
        %get3A_1800 = arith.constant 1 : i32
        %get3A_1801 = arith.constant 7 : i32
        %get3A_1802 = arith.index_cast %get3A_1800 : i32 to index
        %get3A_1803 = arith.index_cast %scan3A_269 : i32 to index
        %get3A_1804 = arith.index_cast %get3A_1801 : i32 to index
        %get3A_1805 = arith.constant 80 : index
        %get3A_1806 = tpu.vector_load %arg5[%get3A_1802, %get3A_1803, %get3A_1804, %get3A_1805] {strides = array<i32>} : memref<2x8x32x128xf32, #tpu.memory_space<vmem>>, vector<1x1x1x16xf32>,
        %get3A_1807 = vector.shape_cast %get3A_1806 : vector<1x1x1x16xf32> to vector<16xf32>
        %add3A_1808 = arith.addf %add3A_1799, %get3A_1807 : vector<16xf32>
        %get3A_1809 = arith.constant 1 : i32
        %get3A_1810 = arith.constant 8 : i32
        %get3A_1811 = arith.index_cast %get3A_1809 : i32 to index
        %get3A_1812 = arith.index_cast %scan3A_269 : i32 to index
        %get3A_1813 = arith.index_cast %get3A_1810 : i32 to index
        %get3A_1814 = arith.constant 80 : index
        %get3A_1815 = tpu.vector_load %arg5[%get3A_1811, %get3A_1812, %get3A_1813, %get3A_1814] {strides = array<i32>} : memref<2x8x32x128xf32, #tpu.memory_space<vmem>>, vector<1x1x1x16xf32>,
        %get3A_1816 = vector.shape_cast %get3A_1815 : vector<1x1x1x16xf32> to vector<16xf32>
        %add3A_1817 = arith.addf %add3A_1808, %get3A_1816 : vector<16xf32>
        %get3A_1818 = arith.constant 1 : i32
        %get3A_1819 = arith.constant 9 : i32
        %get3A_1820 = arith.index_cast %get3A_1818 : i32 to index
        %get3A_1821 = arith.index_cast %scan3A_269 : i32 to index
        %get3A_1822 = arith.index_cast %get3A_1819 : i32 to index
        %get3A_1823 = arith.constant 80 : index
        %get3A_1824 = tpu.vector_load %arg5[%get3A_1820, %get3A_1821, %get3A_1822, %get3A_1823] {strides = array<i32>} : memref<2x8x32x128xf32, #tpu.memory_space<vmem>>, vector<1x1x1x16xf32>,
        %get3A_1825 = vector.shape_cast %get3A_1824 : vector<1x1x1x16xf32> to vector<16xf32>
        %add3A_1826 = arith.addf %add3A_1817, %get3A_1825 : vector<16xf32>
        %get3A_1827 = arith.constant 1 : i32
        %get3A_1828 = arith.constant 10 : i32
        %get3A_1829 = arith.index_cast %get3A_1827 : i32 to index
        %get3A_1830 = arith.index_cast %scan3A_269 : i32 to index
        %get3A_1831 = arith.index_cast %get3A_1828 : i32 to index
        %get3A_1832 = arith.constant 80 : index
        %get3A_1833 = tpu.vector_load %arg5[%get3A_1829, %get3A_1830, %get3A_1831, %get3A_1832] {strides = array<i32>} : memref<2x8x32x128xf32, #tpu.memory_space<vmem>>, vector<1x1x1x16xf32>,
        %get3A_1834 = vector.shape_cast %get3A_1833 : vector<1x1x1x16xf32> to vector<16xf32>
        %add3A_1835 = arith.addf %add3A_1826, %get3A_1834 : vector<16xf32>
        %get3A_1836 = arith.constant 1 : i32
        %get3A_1837 = arith.constant 11 : i32
        %get3A_1838 = arith.index_cast %get3A_1836 : i32 to index
        %get3A_1839 = arith.index_cast %scan3A_269 : i32 to index
        %get3A_1840 = arith.index_cast %get3A_1837 : i32 to index
        %get3A_1841 = arith.constant 80 : index
        %get3A_1842 = tpu.vector_load %arg5[%get3A_1838, %get3A_1839, %get3A_1840, %get3A_1841] {strides = array<i32>} : memref<2x8x32x128xf32, #tpu.memory_space<vmem>>, vector<1x1x1x16xf32>,
        %get3A_1843 = vector.shape_cast %get3A_1842 : vector<1x1x1x16xf32> to vector<16xf32>
        %add3A_1844 = arith.addf %add3A_1835, %get3A_1843 : vector<16xf32>
        %get3A_1845 = arith.constant 1 : i32
        %get3A_1846 = arith.constant 12 : i32
        %get3A_1847 = arith.index_cast %get3A_1845 : i32 to index
        %get3A_1848 = arith.index_cast %scan3A_269 : i32 to index
        %get3A_1849 = arith.index_cast %get3A_1846 : i32 to index
        %get3A_1850 = arith.constant 80 : index
        %get3A_1851 = tpu.vector_load %arg5[%get3A_1847, %get3A_1848, %get3A_1849, %get3A_1850] {strides = array<i32>} : memref<2x8x32x128xf32, #tpu.memory_space<vmem>>, vector<1x1x1x16xf32>,
        %get3A_1852 = vector.shape_cast %get3A_1851 : vector<1x1x1x16xf32> to vector<16xf32>
        %add3A_1853 = arith.addf %add3A_1844, %get3A_1852 : vector<16xf32>
        %get3A_1854 = arith.constant 1 : i32
        %get3A_1855 = arith.constant 13 : i32
        %get3A_1856 = arith.index_cast %get3A_1854 : i32 to index
        %get3A_1857 = arith.index_cast %scan3A_269 : i32 to index
        %get3A_1858 = arith.index_cast %get3A_1855 : i32 to index
        %get3A_1859 = arith.constant 80 : index
        %get3A_1860 = tpu.vector_load %arg5[%get3A_1856, %get3A_1857, %get3A_1858, %get3A_1859] {strides = array<i32>} : memref<2x8x32x128xf32, #tpu.memory_space<vmem>>, vector<1x1x1x16xf32>,
        %get3A_1861 = vector.shape_cast %get3A_1860 : vector<1x1x1x16xf32> to vector<16xf32>
        %add3A_1862 = arith.addf %add3A_1853, %get3A_1861 : vector<16xf32>
        %get3A_1863 = arith.constant 1 : i32
        %get3A_1864 = arith.constant 14 : i32
        %get3A_1865 = arith.index_cast %get3A_1863 : i32 to index
        %get3A_1866 = arith.index_cast %scan3A_269 : i32 to index
        %get3A_1867 = arith.index_cast %get3A_1864 : i32 to index
        %get3A_1868 = arith.constant 80 : index
        %get3A_1869 = tpu.vector_load %arg5[%get3A_1865, %get3A_1866, %get3A_1867, %get3A_1868] {strides = array<i32>} : memref<2x8x32x128xf32, #tpu.memory_space<vmem>>, vector<1x1x1x16xf32>,
        %get3A_1870 = vector.shape_cast %get3A_1869 : vector<1x1x1x16xf32> to vector<16xf32>
        %add3A_1871 = arith.addf %add3A_1862, %get3A_1870 : vector<16xf32>
        %get3A_1872 = arith.constant 1 : i32
        %get3A_1873 = arith.constant 15 : i32
        %get3A_1874 = arith.index_cast %get3A_1872 : i32 to index
        %get3A_1875 = arith.index_cast %scan3A_269 : i32 to index
        %get3A_1876 = arith.index_cast %get3A_1873 : i32 to index
        %get3A_1877 = arith.constant 80 : index
        %get3A_1878 = tpu.vector_load %arg5[%get3A_1874, %get3A_1875, %get3A_1876, %get3A_1877] {strides = array<i32>} : memref<2x8x32x128xf32, #tpu.memory_space<vmem>>, vector<1x1x1x16xf32>,
        %get3A_1879 = vector.shape_cast %get3A_1878 : vector<1x1x1x16xf32> to vector<16xf32>
        %add3A_1880 = arith.addf %add3A_1871, %get3A_1879 : vector<16xf32>
        %get3A_1881 = arith.constant 1 : i32
        %get3A_1882 = arith.constant 16 : i32
        %get3A_1883 = arith.index_cast %get3A_1881 : i32 to index
        %get3A_1884 = arith.index_cast %scan3A_269 : i32 to index
        %get3A_1885 = arith.index_cast %get3A_1882 : i32 to index
        %get3A_1886 = arith.constant 80 : index
        %get3A_1887 = tpu.vector_load %arg5[%get3A_1883, %get3A_1884, %get3A_1885, %get3A_1886] {strides = array<i32>} : memref<2x8x32x128xf32, #tpu.memory_space<vmem>>, vector<1x1x1x16xf32>,
        %get3A_1888 = vector.shape_cast %get3A_1887 : vector<1x1x1x16xf32> to vector<16xf32>
        %add3A_1889 = arith.addf %add3A_1880, %get3A_1888 : vector<16xf32>
        %get3A_1890 = arith.constant 1 : i32
        %get3A_1891 = arith.constant 17 : i32
        %get3A_1892 = arith.index_cast %get3A_1890 : i32 to index
        %get3A_1893 = arith.index_cast %scan3A_269 : i32 to index
        %get3A_1894 = arith.index_cast %get3A_1891 : i32 to index
        %get3A_1895 = arith.constant 80 : index
        %get3A_1896 = tpu.vector_load %arg5[%get3A_1892, %get3A_1893, %get3A_1894, %get3A_1895] {strides = array<i32>} : memref<2x8x32x128xf32, #tpu.memory_space<vmem>>, vector<1x1x1x16xf32>,
        %get3A_1897 = vector.shape_cast %get3A_1896 : vector<1x1x1x16xf32> to vector<16xf32>
        %add3A_1898 = arith.addf %add3A_1889, %get3A_1897 : vector<16xf32>
        %get3A_1899 = arith.constant 1 : i32
        %get3A_1900 = arith.constant 18 : i32
        %get3A_1901 = arith.index_cast %get3A_1899 : i32 to index
        %get3A_1902 = arith.index_cast %scan3A_269 : i32 to index
        %get3A_1903 = arith.index_cast %get3A_1900 : i32 to index
        %get3A_1904 = arith.constant 80 : index
        %get3A_1905 = tpu.vector_load %arg5[%get3A_1901, %get3A_1902, %get3A_1903, %get3A_1904] {strides = array<i32>} : memref<2x8x32x128xf32, #tpu.memory_space<vmem>>, vector<1x1x1x16xf32>,
        %get3A_1906 = vector.shape_cast %get3A_1905 : vector<1x1x1x16xf32> to vector<16xf32>
        %add3A_1907 = arith.addf %add3A_1898, %get3A_1906 : vector<16xf32>
        %get3A_1908 = arith.constant 1 : i32
        %get3A_1909 = arith.constant 19 : i32
        %get3A_1910 = arith.index_cast %get3A_1908 : i32 to index
        %get3A_1911 = arith.index_cast %scan3A_269 : i32 to index
        %get3A_1912 = arith.index_cast %get3A_1909 : i32 to index
        %get3A_1913 = arith.constant 80 : index
        %get3A_1914 = tpu.vector_load %arg5[%get3A_1910, %get3A_1911, %get3A_1912, %get3A_1913] {strides = array<i32>} : memref<2x8x32x128xf32, #tpu.memory_space<vmem>>, vector<1x1x1x16xf32>,
        %get3A_1915 = vector.shape_cast %get3A_1914 : vector<1x1x1x16xf32> to vector<16xf32>
        %add3A_1916 = arith.addf %add3A_1907, %get3A_1915 : vector<16xf32>
        %get3A_1917 = arith.constant 1 : i32
        %get3A_1918 = arith.constant 20 : i32
        %get3A_1919 = arith.index_cast %get3A_1917 : i32 to index
        %get3A_1920 = arith.index_cast %scan3A_269 : i32 to index
        %get3A_1921 = arith.index_cast %get3A_1918 : i32 to index
        %get3A_1922 = arith.constant 80 : index
        %get3A_1923 = tpu.vector_load %arg5[%get3A_1919, %get3A_1920, %get3A_1921, %get3A_1922] {strides = array<i32>} : memref<2x8x32x128xf32, #tpu.memory_space<vmem>>, vector<1x1x1x16xf32>,
        %get3A_1924 = vector.shape_cast %get3A_1923 : vector<1x1x1x16xf32> to vector<16xf32>
        %add3A_1925 = arith.addf %add3A_1916, %get3A_1924 : vector<16xf32>
        %get3A_1926 = arith.constant 1 : i32
        %get3A_1927 = arith.constant 21 : i32
        %get3A_1928 = arith.index_cast %get3A_1926 : i32 to index
        %get3A_1929 = arith.index_cast %scan3A_269 : i32 to index
        %get3A_1930 = arith.index_cast %get3A_1927 : i32 to index
        %get3A_1931 = arith.constant 80 : index
        %get3A_1932 = tpu.vector_load %arg5[%get3A_1928, %get3A_1929, %get3A_1930, %get3A_1931] {strides = array<i32>} : memref<2x8x32x128xf32, #tpu.memory_space<vmem>>, vector<1x1x1x16xf32>,
        %get3A_1933 = vector.shape_cast %get3A_1932 : vector<1x1x1x16xf32> to vector<16xf32>
        %add3A_1934 = arith.addf %add3A_1925, %get3A_1933 : vector<16xf32>
        %get3A_1935 = arith.constant 1 : i32
        %get3A_1936 = arith.constant 22 : i32
        %get3A_1937 = arith.index_cast %get3A_1935 : i32 to index
        %get3A_1938 = arith.index_cast %scan3A_269 : i32 to index
        %get3A_1939 = arith.index_cast %get3A_1936 : i32 to index
        %get3A_1940 = arith.constant 80 : index
        %get3A_1941 = tpu.vector_load %arg5[%get3A_1937, %get3A_1938, %get3A_1939, %get3A_1940] {strides = array<i32>} : memref<2x8x32x128xf32, #tpu.memory_space<vmem>>, vector<1x1x1x16xf32>,
        %get3A_1942 = vector.shape_cast %get3A_1941 : vector<1x1x1x16xf32> to vector<16xf32>
        %add3A_1943 = arith.addf %add3A_1934, %get3A_1942 : vector<16xf32>
        %get3A_1944 = arith.constant 1 : i32
        %get3A_1945 = arith.constant 23 : i32
        %get3A_1946 = arith.index_cast %get3A_1944 : i32 to index
        %get3A_1947 = arith.index_cast %scan3A_269 : i32 to index
        %get3A_1948 = arith.index_cast %get3A_1945 : i32 to index
        %get3A_1949 = arith.constant 80 : index
        %get3A_1950 = tpu.vector_load %arg5[%get3A_1946, %get3A_1947, %get3A_1948, %get3A_1949] {strides = array<i32>} : memref<2x8x32x128xf32, #tpu.memory_space<vmem>>, vector<1x1x1x16xf32>,
        %get3A_1951 = vector.shape_cast %get3A_1950 : vector<1x1x1x16xf32> to vector<16xf32>
        %add3A_1952 = arith.addf %add3A_1943, %get3A_1951 : vector<16xf32>
        %get3A_1953 = arith.constant 1 : i32
        %get3A_1954 = arith.constant 24 : i32
        %get3A_1955 = arith.index_cast %get3A_1953 : i32 to index
        %get3A_1956 = arith.index_cast %scan3A_269 : i32 to index
        %get3A_1957 = arith.index_cast %get3A_1954 : i32 to index
        %get3A_1958 = arith.constant 80 : index
        %get3A_1959 = tpu.vector_load %arg5[%get3A_1955, %get3A_1956, %get3A_1957, %get3A_1958] {strides = array<i32>} : memref<2x8x32x128xf32, #tpu.memory_space<vmem>>, vector<1x1x1x16xf32>,
        %get3A_1960 = vector.shape_cast %get3A_1959 : vector<1x1x1x16xf32> to vector<16xf32>
        %add3A_1961 = arith.addf %add3A_1952, %get3A_1960 : vector<16xf32>
        %get3A_1962 = arith.constant 1 : i32
        %get3A_1963 = arith.constant 25 : i32
        %get3A_1964 = arith.index_cast %get3A_1962 : i32 to index
        %get3A_1965 = arith.index_cast %scan3A_269 : i32 to index
        %get3A_1966 = arith.index_cast %get3A_1963 : i32 to index
        %get3A_1967 = arith.constant 80 : index
        %get3A_1968 = tpu.vector_load %arg5[%get3A_1964, %get3A_1965, %get3A_1966, %get3A_1967] {strides = array<i32>} : memref<2x8x32x128xf32, #tpu.memory_space<vmem>>, vector<1x1x1x16xf32>,
        %get3A_1969 = vector.shape_cast %get3A_1968 : vector<1x1x1x16xf32> to vector<16xf32>
        %add3A_1970 = arith.addf %add3A_1961, %get3A_1969 : vector<16xf32>
        %get3A_1971 = arith.constant 1 : i32
        %get3A_1972 = arith.constant 26 : i32
        %get3A_1973 = arith.index_cast %get3A_1971 : i32 to index
        %get3A_1974 = arith.index_cast %scan3A_269 : i32 to index
        %get3A_1975 = arith.index_cast %get3A_1972 : i32 to index
        %get3A_1976 = arith.constant 80 : index
        %get3A_1977 = tpu.vector_load %arg5[%get3A_1973, %get3A_1974, %get3A_1975, %get3A_1976] {strides = array<i32>} : memref<2x8x32x128xf32, #tpu.memory_space<vmem>>, vector<1x1x1x16xf32>,
        %get3A_1978 = vector.shape_cast %get3A_1977 : vector<1x1x1x16xf32> to vector<16xf32>
        %add3A_1979 = arith.addf %add3A_1970, %get3A_1978 : vector<16xf32>
        %get3A_1980 = arith.constant 1 : i32
        %get3A_1981 = arith.constant 27 : i32
        %get3A_1982 = arith.index_cast %get3A_1980 : i32 to index
        %get3A_1983 = arith.index_cast %scan3A_269 : i32 to index
        %get3A_1984 = arith.index_cast %get3A_1981 : i32 to index
        %get3A_1985 = arith.constant 80 : index
        %get3A_1986 = tpu.vector_load %arg5[%get3A_1982, %get3A_1983, %get3A_1984, %get3A_1985] {strides = array<i32>} : memref<2x8x32x128xf32, #tpu.memory_space<vmem>>, vector<1x1x1x16xf32>,
        %get3A_1987 = vector.shape_cast %get3A_1986 : vector<1x1x1x16xf32> to vector<16xf32>
        %add3A_1988 = arith.addf %add3A_1979, %get3A_1987 : vector<16xf32>
        %get3A_1989 = arith.constant 1 : i32
        %get3A_1990 = arith.constant 28 : i32
        %get3A_1991 = arith.index_cast %get3A_1989 : i32 to index
        %get3A_1992 = arith.index_cast %scan3A_269 : i32 to index
        %get3A_1993 = arith.index_cast %get3A_1990 : i32 to index
        %get3A_1994 = arith.constant 80 : index
        %get3A_1995 = tpu.vector_load %arg5[%get3A_1991, %get3A_1992, %get3A_1993, %get3A_1994] {strides = array<i32>} : memref<2x8x32x128xf32, #tpu.memory_space<vmem>>, vector<1x1x1x16xf32>,
        %get3A_1996 = vector.shape_cast %get3A_1995 : vector<1x1x1x16xf32> to vector<16xf32>
        %add3A_1997 = arith.addf %add3A_1988, %get3A_1996 : vector<16xf32>
        %get3A_1998 = arith.constant 1 : i32
        %get3A_1999 = arith.constant 29 : i32
        %get3A_2000 = arith.index_cast %get3A_1998 : i32 to index
        %get3A_2001 = arith.index_cast %scan3A_269 : i32 to index
        %get3A_2002 = arith.index_cast %get3A_1999 : i32 to index
        %get3A_2003 = arith.constant 80 : index
        %get3A_2004 = tpu.vector_load %arg5[%get3A_2000, %get3A_2001, %get3A_2002, %get3A_2003] {strides = array<i32>} : memref<2x8x32x128xf32, #tpu.memory_space<vmem>>, vector<1x1x1x16xf32>,
        %get3A_2005 = vector.shape_cast %get3A_2004 : vector<1x1x1x16xf32> to vector<16xf32>
        %add3A_2006 = arith.addf %add3A_1997, %get3A_2005 : vector<16xf32>
        %get3A_2007 = arith.constant 1 : i32
        %get3A_2008 = arith.constant 30 : i32
        %get3A_2009 = arith.index_cast %get3A_2007 : i32 to index
        %get3A_2010 = arith.index_cast %scan3A_269 : i32 to index
        %get3A_2011 = arith.index_cast %get3A_2008 : i32 to index
        %get3A_2012 = arith.constant 80 : index
        %get3A_2013 = tpu.vector_load %arg5[%get3A_2009, %get3A_2010, %get3A_2011, %get3A_2012] {strides = array<i32>} : memref<2x8x32x128xf32, #tpu.memory_space<vmem>>, vector<1x1x1x16xf32>,
        %get3A_2014 = vector.shape_cast %get3A_2013 : vector<1x1x1x16xf32> to vector<16xf32>
        %add3A_2015 = arith.addf %add3A_2006, %get3A_2014 : vector<16xf32>
        %get3A_2016 = arith.constant 1 : i32
        %get3A_2017 = arith.constant 31 : i32
        %get3A_2018 = arith.index_cast %get3A_2016 : i32 to index
        %get3A_2019 = arith.index_cast %scan3A_269 : i32 to index
        %get3A_2020 = arith.index_cast %get3A_2017 : i32 to index
        %get3A_2021 = arith.constant 80 : index
        %get3A_2022 = tpu.vector_load %arg5[%get3A_2018, %get3A_2019, %get3A_2020, %get3A_2021] {strides = array<i32>} : memref<2x8x32x128xf32, #tpu.memory_space<vmem>>, vector<1x1x1x16xf32>,
        %get3A_2023 = vector.shape_cast %get3A_2022 : vector<1x1x1x16xf32> to vector<16xf32>
        %add3A_2024 = arith.addf %add3A_2015, %get3A_2023 : vector<16xf32>
        %swap3A_2025 = arith.constant 1 : i32
        %swap3A_2026 = arith.index_cast %swap3A_2025 : i32 to index
        %swap3A_2027 = arith.index_cast %scan3A_269 : i32 to index
        %swap3A_2028 = arith.constant 80 : index
        %swap3A_2029 = tpu.vector_load %arg6[%swap3A_2026, %swap3A_2027, %swap3A_2028] {strides = array<i32>} : memref<2x8x128xf32, #tpu.memory_space<vmem>>, vector<1x1x16xf32>,
        %swap3A_2030 = vector.shape_cast %swap3A_2029 : vector<1x1x16xf32> to vector<16xf32>
        %swap3A_2031 = vector.shape_cast %add3A_2024 : vector<16xf32> to vector<1x1x16xf32>
        tpu.vector_store %arg6[%swap3A_2026, %swap3A_2027, %swap3A_2028], %swap3A_2031 {strides = array<i32>} : memref<2x8x128xf32, #tpu.memory_space<vmem>>, vector<1x1x16xf32>,
        %get3A_2032 = arith.constant 1 : i32
        %get3A_2033 = arith.constant 0 : i32
        %get3A_2034 = arith.index_cast %get3A_2032 : i32 to index
        %get3A_2035 = arith.index_cast %scan3A_269 : i32 to index
        %get3A_2036 = arith.index_cast %get3A_2033 : i32 to index
        %get3A_2037 = arith.constant 96 : index
        %get3A_2038 = tpu.vector_load %arg5[%get3A_2034, %get3A_2035, %get3A_2036, %get3A_2037] {strides = array<i32>} : memref<2x8x32x128xf32, #tpu.memory_space<vmem>>, vector<1x1x1x16xf32>,
        %get3A_2039 = vector.shape_cast %get3A_2038 : vector<1x1x1x16xf32> to vector<16xf32>
        %get3A_2040 = arith.constant 1 : i32
        %get3A_2041 = arith.constant 1 : i32
        %get3A_2042 = arith.index_cast %get3A_2040 : i32 to index
        %get3A_2043 = arith.index_cast %scan3A_269 : i32 to index
        %get3A_2044 = arith.index_cast %get3A_2041 : i32 to index
        %get3A_2045 = arith.constant 96 : index
        %get3A_2046 = tpu.vector_load %arg5[%get3A_2042, %get3A_2043, %get3A_2044, %get3A_2045] {strides = array<i32>} : memref<2x8x32x128xf32, #tpu.memory_space<vmem>>, vector<1x1x1x16xf32>,
        %get3A_2047 = vector.shape_cast %get3A_2046 : vector<1x1x1x16xf32> to vector<16xf32>
        %add3A_2048 = arith.addf %get3A_2039, %get3A_2047 : vector<16xf32>
        %get3A_2049 = arith.constant 1 : i32
        %get3A_2050 = arith.constant 2 : i32
        %get3A_2051 = arith.index_cast %get3A_2049 : i32 to index
        %get3A_2052 = arith.index_cast %scan3A_269 : i32 to index
        %get3A_2053 = arith.index_cast %get3A_2050 : i32 to index
        %get3A_2054 = arith.constant 96 : index
        %get3A_2055 = tpu.vector_load %arg5[%get3A_2051, %get3A_2052, %get3A_2053, %get3A_2054] {strides = array<i32>} : memref<2x8x32x128xf32, #tpu.memory_space<vmem>>, vector<1x1x1x16xf32>,
        %get3A_2056 = vector.shape_cast %get3A_2055 : vector<1x1x1x16xf32> to vector<16xf32>
        %add3A_2057 = arith.addf %add3A_2048, %get3A_2056 : vector<16xf32>
        %get3A_2058 = arith.constant 1 : i32
        %get3A_2059 = arith.constant 3 : i32
        %get3A_2060 = arith.index_cast %get3A_2058 : i32 to index
        %get3A_2061 = arith.index_cast %scan3A_269 : i32 to index
        %get3A_2062 = arith.index_cast %get3A_2059 : i32 to index
        %get3A_2063 = arith.constant 96 : index
        %get3A_2064 = tpu.vector_load %arg5[%get3A_2060, %get3A_2061, %get3A_2062, %get3A_2063] {strides = array<i32>} : memref<2x8x32x128xf32, #tpu.memory_space<vmem>>, vector<1x1x1x16xf32>,
        %get3A_2065 = vector.shape_cast %get3A_2064 : vector<1x1x1x16xf32> to vector<16xf32>
        %add3A_2066 = arith.addf %add3A_2057, %get3A_2065 : vector<16xf32>
        %get3A_2067 = arith.constant 1 : i32
        %get3A_2068 = arith.constant 4 : i32
        %get3A_2069 = arith.index_cast %get3A_2067 : i32 to index
        %get3A_2070 = arith.index_cast %scan3A_269 : i32 to index
        %get3A_2071 = arith.index_cast %get3A_2068 : i32 to index
        %get3A_2072 = arith.constant 96 : index
        %get3A_2073 = tpu.vector_load %arg5[%get3A_2069, %get3A_2070, %get3A_2071, %get3A_2072] {strides = array<i32>} : memref<2x8x32x128xf32, #tpu.memory_space<vmem>>, vector<1x1x1x16xf32>,
        %get3A_2074 = vector.shape_cast %get3A_2073 : vector<1x1x1x16xf32> to vector<16xf32>
        %add3A_2075 = arith.addf %add3A_2066, %get3A_2074 : vector<16xf32>
        %get3A_2076 = arith.constant 1 : i32
        %get3A_2077 = arith.constant 5 : i32
        %get3A_2078 = arith.index_cast %get3A_2076 : i32 to index
        %get3A_2079 = arith.index_cast %scan3A_269 : i32 to index
        %get3A_2080 = arith.index_cast %get3A_2077 : i32 to index
        %get3A_2081 = arith.constant 96 : index
        %get3A_2082 = tpu.vector_load %arg5[%get3A_2078, %get3A_2079, %get3A_2080, %get3A_2081] {strides = array<i32>} : memref<2x8x32x128xf32, #tpu.memory_space<vmem>>, vector<1x1x1x16xf32>,
        %get3A_2083 = vector.shape_cast %get3A_2082 : vector<1x1x1x16xf32> to vector<16xf32>
        %add3A_2084 = arith.addf %add3A_2075, %get3A_2083 : vector<16xf32>
        %get3A_2085 = arith.constant 1 : i32
        %get3A_2086 = arith.constant 6 : i32
        %get3A_2087 = arith.index_cast %get3A_2085 : i32 to index
        %get3A_2088 = arith.index_cast %scan3A_269 : i32 to index
        %get3A_2089 = arith.index_cast %get3A_2086 : i32 to index
        %get3A_2090 = arith.constant 96 : index
        %get3A_2091 = tpu.vector_load %arg5[%get3A_2087, %get3A_2088, %get3A_2089, %get3A_2090] {strides = array<i32>} : memref<2x8x32x128xf32, #tpu.memory_space<vmem>>, vector<1x1x1x16xf32>,
        %get3A_2092 = vector.shape_cast %get3A_2091 : vector<1x1x1x16xf32> to vector<16xf32>
        %add3A_2093 = arith.addf %add3A_2084, %get3A_2092 : vector<16xf32>
        %get3A_2094 = arith.constant 1 : i32
        %get3A_2095 = arith.constant 7 : i32
        %get3A_2096 = arith.index_cast %get3A_2094 : i32 to index
        %get3A_2097 = arith.index_cast %scan3A_269 : i32 to index
        %get3A_2098 = arith.index_cast %get3A_2095 : i32 to index
        %get3A_2099 = arith.constant 96 : index
        %get3A_2100 = tpu.vector_load %arg5[%get3A_2096, %get3A_2097, %get3A_2098, %get3A_2099] {strides = array<i32>} : memref<2x8x32x128xf32, #tpu.memory_space<vmem>>, vector<1x1x1x16xf32>,
        %get3A_2101 = vector.shape_cast %get3A_2100 : vector<1x1x1x16xf32> to vector<16xf32>
        %add3A_2102 = arith.addf %add3A_2093, %get3A_2101 : vector<16xf32>
        %get3A_2103 = arith.constant 1 : i32
        %get3A_2104 = arith.constant 8 : i32
        %get3A_2105 = arith.index_cast %get3A_2103 : i32 to index
        %get3A_2106 = arith.index_cast %scan3A_269 : i32 to index
        %get3A_2107 = arith.index_cast %get3A_2104 : i32 to index
        %get3A_2108 = arith.constant 96 : index
        %get3A_2109 = tpu.vector_load %arg5[%get3A_2105, %get3A_2106, %get3A_2107, %get3A_2108] {strides = array<i32>} : memref<2x8x32x128xf32, #tpu.memory_space<vmem>>, vector<1x1x1x16xf32>,
        %get3A_2110 = vector.shape_cast %get3A_2109 : vector<1x1x1x16xf32> to vector<16xf32>
        %add3A_2111 = arith.addf %add3A_2102, %get3A_2110 : vector<16xf32>
        %get3A_2112 = arith.constant 1 : i32
        %get3A_2113 = arith.constant 9 : i32
        %get3A_2114 = arith.index_cast %get3A_2112 : i32 to index
        %get3A_2115 = arith.index_cast %scan3A_269 : i32 to index
        %get3A_2116 = arith.index_cast %get3A_2113 : i32 to index
        %get3A_2117 = arith.constant 96 : index
        %get3A_2118 = tpu.vector_load %arg5[%get3A_2114, %get3A_2115, %get3A_2116, %get3A_2117] {strides = array<i32>} : memref<2x8x32x128xf32, #tpu.memory_space<vmem>>, vector<1x1x1x16xf32>,
        %get3A_2119 = vector.shape_cast %get3A_2118 : vector<1x1x1x16xf32> to vector<16xf32>
        %add3A_2120 = arith.addf %add3A_2111, %get3A_2119 : vector<16xf32>
        %get3A_2121 = arith.constant 1 : i32
        %get3A_2122 = arith.constant 10 : i32
        %get3A_2123 = arith.index_cast %get3A_2121 : i32 to index
        %get3A_2124 = arith.index_cast %scan3A_269 : i32 to index
        %get3A_2125 = arith.index_cast %get3A_2122 : i32 to index
        %get3A_2126 = arith.constant 96 : index
        %get3A_2127 = tpu.vector_load %arg5[%get3A_2123, %get3A_2124, %get3A_2125, %get3A_2126] {strides = array<i32>} : memref<2x8x32x128xf32, #tpu.memory_space<vmem>>, vector<1x1x1x16xf32>,
        %get3A_2128 = vector.shape_cast %get3A_2127 : vector<1x1x1x16xf32> to vector<16xf32>
        %add3A_2129 = arith.addf %add3A_2120, %get3A_2128 : vector<16xf32>
        %get3A_2130 = arith.constant 1 : i32
        %get3A_2131 = arith.constant 11 : i32
        %get3A_2132 = arith.index_cast %get3A_2130 : i32 to index
        %get3A_2133 = arith.index_cast %scan3A_269 : i32 to index
        %get3A_2134 = arith.index_cast %get3A_2131 : i32 to index
        %get3A_2135 = arith.constant 96 : index
        %get3A_2136 = tpu.vector_load %arg5[%get3A_2132, %get3A_2133, %get3A_2134, %get3A_2135] {strides = array<i32>} : memref<2x8x32x128xf32, #tpu.memory_space<vmem>>, vector<1x1x1x16xf32>,
        %get3A_2137 = vector.shape_cast %get3A_2136 : vector<1x1x1x16xf32> to vector<16xf32>
        %add3A_2138 = arith.addf %add3A_2129, %get3A_2137 : vector<16xf32>
        %get3A_2139 = arith.constant 1 : i32
        %get3A_2140 = arith.constant 12 : i32
        %get3A_2141 = arith.index_cast %get3A_2139 : i32 to index
        %get3A_2142 = arith.index_cast %scan3A_269 : i32 to index
        %get3A_2143 = arith.index_cast %get3A_2140 : i32 to index
        %get3A_2144 = arith.constant 96 : index
        %get3A_2145 = tpu.vector_load %arg5[%get3A_2141, %get3A_2142, %get3A_2143, %get3A_2144] {strides = array<i32>} : memref<2x8x32x128xf32, #tpu.memory_space<vmem>>, vector<1x1x1x16xf32>,
        %get3A_2146 = vector.shape_cast %get3A_2145 : vector<1x1x1x16xf32> to vector<16xf32>
        %add3A_2147 = arith.addf %add3A_2138, %get3A_2146 : vector<16xf32>
        %get3A_2148 = arith.constant 1 : i32
        %get3A_2149 = arith.constant 13 : i32
        %get3A_2150 = arith.index_cast %get3A_2148 : i32 to index
        %get3A_2151 = arith.index_cast %scan3A_269 : i32 to index
        %get3A_2152 = arith.index_cast %get3A_2149 : i32 to index
        %get3A_2153 = arith.constant 96 : index
        %get3A_2154 = tpu.vector_load %arg5[%get3A_2150, %get3A_2151, %get3A_2152, %get3A_2153] {strides = array<i32>} : memref<2x8x32x128xf32, #tpu.memory_space<vmem>>, vector<1x1x1x16xf32>,
        %get3A_2155 = vector.shape_cast %get3A_2154 : vector<1x1x1x16xf32> to vector<16xf32>
        %add3A_2156 = arith.addf %add3A_2147, %get3A_2155 : vector<16xf32>
        %get3A_2157 = arith.constant 1 : i32
        %get3A_2158 = arith.constant 14 : i32
        %get3A_2159 = arith.index_cast %get3A_2157 : i32 to index
        %get3A_2160 = arith.index_cast %scan3A_269 : i32 to index
        %get3A_2161 = arith.index_cast %get3A_2158 : i32 to index
        %get3A_2162 = arith.constant 96 : index
        %get3A_2163 = tpu.vector_load %arg5[%get3A_2159, %get3A_2160, %get3A_2161, %get3A_2162] {strides = array<i32>} : memref<2x8x32x128xf32, #tpu.memory_space<vmem>>, vector<1x1x1x16xf32>,
        %get3A_2164 = vector.shape_cast %get3A_2163 : vector<1x1x1x16xf32> to vector<16xf32>
        %add3A_2165 = arith.addf %add3A_2156, %get3A_2164 : vector<16xf32>
        %get3A_2166 = arith.constant 1 : i32
        %get3A_2167 = arith.constant 15 : i32
        %get3A_2168 = arith.index_cast %get3A_2166 : i32 to index
        %get3A_2169 = arith.index_cast %scan3A_269 : i32 to index
        %get3A_2170 = arith.index_cast %get3A_2167 : i32 to index
        %get3A_2171 = arith.constant 96 : index
        %get3A_2172 = tpu.vector_load %arg5[%get3A_2168, %get3A_2169, %get3A_2170, %get3A_2171] {strides = array<i32>} : memref<2x8x32x128xf32, #tpu.memory_space<vmem>>, vector<1x1x1x16xf32>,
        %get3A_2173 = vector.shape_cast %get3A_2172 : vector<1x1x1x16xf32> to vector<16xf32>
        %add3A_2174 = arith.addf %add3A_2165, %get3A_2173 : vector<16xf32>
        %get3A_2175 = arith.constant 1 : i32
        %get3A_2176 = arith.constant 16 : i32
        %get3A_2177 = arith.index_cast %get3A_2175 : i32 to index
        %get3A_2178 = arith.index_cast %scan3A_269 : i32 to index
        %get3A_2179 = arith.index_cast %get3A_2176 : i32 to index
        %get3A_2180 = arith.constant 96 : index
        %get3A_2181 = tpu.vector_load %arg5[%get3A_2177, %get3A_2178, %get3A_2179, %get3A_2180] {strides = array<i32>} : memref<2x8x32x128xf32, #tpu.memory_space<vmem>>, vector<1x1x1x16xf32>,
        %get3A_2182 = vector.shape_cast %get3A_2181 : vector<1x1x1x16xf32> to vector<16xf32>
        %add3A_2183 = arith.addf %add3A_2174, %get3A_2182 : vector<16xf32>
        %get3A_2184 = arith.constant 1 : i32
        %get3A_2185 = arith.constant 17 : i32
        %get3A_2186 = arith.index_cast %get3A_2184 : i32 to index
        %get3A_2187 = arith.index_cast %scan3A_269 : i32 to index
        %get3A_2188 = arith.index_cast %get3A_2185 : i32 to index
        %get3A_2189 = arith.constant 96 : index
        %get3A_2190 = tpu.vector_load %arg5[%get3A_2186, %get3A_2187, %get3A_2188, %get3A_2189] {strides = array<i32>} : memref<2x8x32x128xf32, #tpu.memory_space<vmem>>, vector<1x1x1x16xf32>,
        %get3A_2191 = vector.shape_cast %get3A_2190 : vector<1x1x1x16xf32> to vector<16xf32>
        %add3A_2192 = arith.addf %add3A_2183, %get3A_2191 : vector<16xf32>
        %get3A_2193 = arith.constant 1 : i32
        %get3A_2194 = arith.constant 18 : i32
        %get3A_2195 = arith.index_cast %get3A_2193 : i32 to index
        %get3A_2196 = arith.index_cast %scan3A_269 : i32 to index
        %get3A_2197 = arith.index_cast %get3A_2194 : i32 to index
        %get3A_2198 = arith.constant 96 : index
        %get3A_2199 = tpu.vector_load %arg5[%get3A_2195, %get3A_2196, %get3A_2197, %get3A_2198] {strides = array<i32>} : memref<2x8x32x128xf32, #tpu.memory_space<vmem>>, vector<1x1x1x16xf32>,
        %get3A_2200 = vector.shape_cast %get3A_2199 : vector<1x1x1x16xf32> to vector<16xf32>
        %add3A_2201 = arith.addf %add3A_2192, %get3A_2200 : vector<16xf32>
        %get3A_2202 = arith.constant 1 : i32
        %get3A_2203 = arith.constant 19 : i32
        %get3A_2204 = arith.index_cast %get3A_2202 : i32 to index
        %get3A_2205 = arith.index_cast %scan3A_269 : i32 to index
        %get3A_2206 = arith.index_cast %get3A_2203 : i32 to index
        %get3A_2207 = arith.constant 96 : index
        %get3A_2208 = tpu.vector_load %arg5[%get3A_2204, %get3A_2205, %get3A_2206, %get3A_2207] {strides = array<i32>} : memref<2x8x32x128xf32, #tpu.memory_space<vmem>>, vector<1x1x1x16xf32>,
        %get3A_2209 = vector.shape_cast %get3A_2208 : vector<1x1x1x16xf32> to vector<16xf32>
        %add3A_2210 = arith.addf %add3A_2201, %get3A_2209 : vector<16xf32>
        %get3A_2211 = arith.constant 1 : i32
        %get3A_2212 = arith.constant 20 : i32
        %get3A_2213 = arith.index_cast %get3A_2211 : i32 to index
        %get3A_2214 = arith.index_cast %scan3A_269 : i32 to index
        %get3A_2215 = arith.index_cast %get3A_2212 : i32 to index
        %get3A_2216 = arith.constant 96 : index
        %get3A_2217 = tpu.vector_load %arg5[%get3A_2213, %get3A_2214, %get3A_2215, %get3A_2216] {strides = array<i32>} : memref<2x8x32x128xf32, #tpu.memory_space<vmem>>, vector<1x1x1x16xf32>,
        %get3A_2218 = vector.shape_cast %get3A_2217 : vector<1x1x1x16xf32> to vector<16xf32>
        %add3A_2219 = arith.addf %add3A_2210, %get3A_2218 : vector<16xf32>
        %get3A_2220 = arith.constant 1 : i32
        %get3A_2221 = arith.constant 21 : i32
        %get3A_2222 = arith.index_cast %get3A_2220 : i32 to index
        %get3A_2223 = arith.index_cast %scan3A_269 : i32 to index
        %get3A_2224 = arith.index_cast %get3A_2221 : i32 to index
        %get3A_2225 = arith.constant 96 : index
        %get3A_2226 = tpu.vector_load %arg5[%get3A_2222, %get3A_2223, %get3A_2224, %get3A_2225] {strides = array<i32>} : memref<2x8x32x128xf32, #tpu.memory_space<vmem>>, vector<1x1x1x16xf32>,
        %get3A_2227 = vector.shape_cast %get3A_2226 : vector<1x1x1x16xf32> to vector<16xf32>
        %add3A_2228 = arith.addf %add3A_2219, %get3A_2227 : vector<16xf32>
        %get3A_2229 = arith.constant 1 : i32
        %get3A_2230 = arith.constant 22 : i32
        %get3A_2231 = arith.index_cast %get3A_2229 : i32 to index
        %get3A_2232 = arith.index_cast %scan3A_269 : i32 to index
        %get3A_2233 = arith.index_cast %get3A_2230 : i32 to index
        %get3A_2234 = arith.constant 96 : index
        %get3A_2235 = tpu.vector_load %arg5[%get3A_2231, %get3A_2232, %get3A_2233, %get3A_2234] {strides = array<i32>} : memref<2x8x32x128xf32, #tpu.memory_space<vmem>>, vector<1x1x1x16xf32>,
        %get3A_2236 = vector.shape_cast %get3A_2235 : vector<1x1x1x16xf32> to vector<16xf32>
        %add3A_2237 = arith.addf %add3A_2228, %get3A_2236 : vector<16xf32>
        %get3A_2238 = arith.constant 1 : i32
        %get3A_2239 = arith.constant 23 : i32
        %get3A_2240 = arith.index_cast %get3A_2238 : i32 to index
        %get3A_2241 = arith.index_cast %scan3A_269 : i32 to index
        %get3A_2242 = arith.index_cast %get3A_2239 : i32 to index
        %get3A_2243 = arith.constant 96 : index
        %get3A_2244 = tpu.vector_load %arg5[%get3A_2240, %get3A_2241, %get3A_2242, %get3A_2243] {strides = array<i32>} : memref<2x8x32x128xf32, #tpu.memory_space<vmem>>, vector<1x1x1x16xf32>,
        %get3A_2245 = vector.shape_cast %get3A_2244 : vector<1x1x1x16xf32> to vector<16xf32>
        %add3A_2246 = arith.addf %add3A_2237, %get3A_2245 : vector<16xf32>
        %get3A_2247 = arith.constant 1 : i32
        %get3A_2248 = arith.constant 24 : i32
        %get3A_2249 = arith.index_cast %get3A_2247 : i32 to index
        %get3A_2250 = arith.index_cast %scan3A_269 : i32 to index
        %get3A_2251 = arith.index_cast %get3A_2248 : i32 to index
        %get3A_2252 = arith.constant 96 : index
        %get3A_2253 = tpu.vector_load %arg5[%get3A_2249, %get3A_2250, %get3A_2251, %get3A_2252] {strides = array<i32>} : memref<2x8x32x128xf32, #tpu.memory_space<vmem>>, vector<1x1x1x16xf32>,
        %get3A_2254 = vector.shape_cast %get3A_2253 : vector<1x1x1x16xf32> to vector<16xf32>
        %add3A_2255 = arith.addf %add3A_2246, %get3A_2254 : vector<16xf32>
        %get3A_2256 = arith.constant 1 : i32
        %get3A_2257 = arith.constant 25 : i32
        %get3A_2258 = arith.index_cast %get3A_2256 : i32 to index
        %get3A_2259 = arith.index_cast %scan3A_269 : i32 to index
        %get3A_2260 = arith.index_cast %get3A_2257 : i32 to index
        %get3A_2261 = arith.constant 96 : index
        %get3A_2262 = tpu.vector_load %arg5[%get3A_2258, %get3A_2259, %get3A_2260, %get3A_2261] {strides = array<i32>} : memref<2x8x32x128xf32, #tpu.memory_space<vmem>>, vector<1x1x1x16xf32>,
        %get3A_2263 = vector.shape_cast %get3A_2262 : vector<1x1x1x16xf32> to vector<16xf32>
        %add3A_2264 = arith.addf %add3A_2255, %get3A_2263 : vector<16xf32>
        %get3A_2265 = arith.constant 1 : i32
        %get3A_2266 = arith.constant 26 : i32
        %get3A_2267 = arith.index_cast %get3A_2265 : i32 to index
        %get3A_2268 = arith.index_cast %scan3A_269 : i32 to index
        %get3A_2269 = arith.index_cast %get3A_2266 : i32 to index
        %get3A_2270 = arith.constant 96 : index
        %get3A_2271 = tpu.vector_load %arg5[%get3A_2267, %get3A_2268, %get3A_2269, %get3A_2270] {strides = array<i32>} : memref<2x8x32x128xf32, #tpu.memory_space<vmem>>, vector<1x1x1x16xf32>,
        %get3A_2272 = vector.shape_cast %get3A_2271 : vector<1x1x1x16xf32> to vector<16xf32>
        %add3A_2273 = arith.addf %add3A_2264, %get3A_2272 : vector<16xf32>
        %get3A_2274 = arith.constant 1 : i32
        %get3A_2275 = arith.constant 27 : i32
        %get3A_2276 = arith.index_cast %get3A_2274 : i32 to index
        %get3A_2277 = arith.index_cast %scan3A_269 : i32 to index
        %get3A_2278 = arith.index_cast %get3A_2275 : i32 to index
        %get3A_2279 = arith.constant 96 : index
        %get3A_2280 = tpu.vector_load %arg5[%get3A_2276, %get3A_2277, %get3A_2278, %get3A_2279] {strides = array<i32>} : memref<2x8x32x128xf32, #tpu.memory_space<vmem>>, vector<1x1x1x16xf32>,
        %get3A_2281 = vector.shape_cast %get3A_2280 : vector<1x1x1x16xf32> to vector<16xf32>
        %add3A_2282 = arith.addf %add3A_2273, %get3A_2281 : vector<16xf32>
        %get3A_2283 = arith.constant 1 : i32
        %get3A_2284 = arith.constant 28 : i32
        %get3A_2285 = arith.index_cast %get3A_2283 : i32 to index
        %get3A_2286 = arith.index_cast %scan3A_269 : i32 to index
        %get3A_2287 = arith.index_cast %get3A_2284 : i32 to index
        %get3A_2288 = arith.constant 96 : index
        %get3A_2289 = tpu.vector_load %arg5[%get3A_2285, %get3A_2286, %get3A_2287, %get3A_2288] {strides = array<i32>} : memref<2x8x32x128xf32, #tpu.memory_space<vmem>>, vector<1x1x1x16xf32>,
        %get3A_2290 = vector.shape_cast %get3A_2289 : vector<1x1x1x16xf32> to vector<16xf32>
        %add3A_2291 = arith.addf %add3A_2282, %get3A_2290 : vector<16xf32>
        %get3A_2292 = arith.constant 1 : i32
        %get3A_2293 = arith.constant 29 : i32
        %get3A_2294 = arith.index_cast %get3A_2292 : i32 to index
        %get3A_2295 = arith.index_cast %scan3A_269 : i32 to index
        %get3A_2296 = arith.index_cast %get3A_2293 : i32 to index
        %get3A_2297 = arith.constant 96 : index
        %get3A_2298 = tpu.vector_load %arg5[%get3A_2294, %get3A_2295, %get3A_2296, %get3A_2297] {strides = array<i32>} : memref<2x8x32x128xf32, #tpu.memory_space<vmem>>, vector<1x1x1x16xf32>,
        %get3A_2299 = vector.shape_cast %get3A_2298 : vector<1x1x1x16xf32> to vector<16xf32>
        %add3A_2300 = arith.addf %add3A_2291, %get3A_2299 : vector<16xf32>
        %get3A_2301 = arith.constant 1 : i32
        %get3A_2302 = arith.constant 30 : i32
        %get3A_2303 = arith.index_cast %get3A_2301 : i32 to index
        %get3A_2304 = arith.index_cast %scan3A_269 : i32 to index
        %get3A_2305 = arith.index_cast %get3A_2302 : i32 to index
        %get3A_2306 = arith.constant 96 : index
        %get3A_2307 = tpu.vector_load %arg5[%get3A_2303, %get3A_2304, %get3A_2305, %get3A_2306] {strides = array<i32>} : memref<2x8x32x128xf32, #tpu.memory_space<vmem>>, vector<1x1x1x16xf32>,
        %get3A_2308 = vector.shape_cast %get3A_2307 : vector<1x1x1x16xf32> to vector<16xf32>
        %add3A_2309 = arith.addf %add3A_2300, %get3A_2308 : vector<16xf32>
        %get3A_2310 = arith.constant 1 : i32
        %get3A_2311 = arith.constant 31 : i32
        %get3A_2312 = arith.index_cast %get3A_2310 : i32 to index
        %get3A_2313 = arith.index_cast %scan3A_269 : i32 to index
        %get3A_2314 = arith.index_cast %get3A_2311 : i32 to index
        %get3A_2315 = arith.constant 96 : index
        %get3A_2316 = tpu.vector_load %arg5[%get3A_2312, %get3A_2313, %get3A_2314, %get3A_2315] {strides = array<i32>} : memref<2x8x32x128xf32, #tpu.memory_space<vmem>>, vector<1x1x1x16xf32>,
        %get3A_2317 = vector.shape_cast %get3A_2316 : vector<1x1x1x16xf32> to vector<16xf32>
        %add3A_2318 = arith.addf %add3A_2309, %get3A_2317 : vector<16xf32>
        %swap3A_2319 = arith.constant 1 : i32
        %swap3A_2320 = arith.index_cast %swap3A_2319 : i32 to index
        %swap3A_2321 = arith.index_cast %scan3A_269 : i32 to index
        %swap3A_2322 = arith.constant 96 : index
        %swap3A_2323 = tpu.vector_load %arg6[%swap3A_2320, %swap3A_2321, %swap3A_2322] {strides = array<i32>} : memref<2x8x128xf32, #tpu.memory_space<vmem>>, vector<1x1x16xf32>,
        %swap3A_2324 = vector.shape_cast %swap3A_2323 : vector<1x1x16xf32> to vector<16xf32>
        %swap3A_2325 = vector.shape_cast %add3A_2318 : vector<16xf32> to vector<1x1x16xf32>
        tpu.vector_store %arg6[%swap3A_2320, %swap3A_2321, %swap3A_2322], %swap3A_2325 {strides = array<i32>} : memref<2x8x128xf32, #tpu.memory_space<vmem>>, vector<1x1x16xf32>,
        %get3A_2326 = arith.constant 1 : i32
        %get3A_2327 = arith.constant 0 : i32
        %get3A_2328 = arith.index_cast %get3A_2326 : i32 to index
        %get3A_2329 = arith.index_cast %scan3A_269 : i32 to index
        %get3A_2330 = arith.index_cast %get3A_2327 : i32 to index
        %get3A_2331 = arith.constant 112 : index
        %get3A_2332 = tpu.vector_load %arg5[%get3A_2328, %get3A_2329, %get3A_2330, %get3A_2331] {strides = array<i32>} : memref<2x8x32x128xf32, #tpu.memory_space<vmem>>, vector<1x1x1x16xf32>,
        %get3A_2333 = vector.shape_cast %get3A_2332 : vector<1x1x1x16xf32> to vector<16xf32>
        %get3A_2334 = arith.constant 1 : i32
        %get3A_2335 = arith.constant 1 : i32
        %get3A_2336 = arith.index_cast %get3A_2334 : i32 to index
        %get3A_2337 = arith.index_cast %scan3A_269 : i32 to index
        %get3A_2338 = arith.index_cast %get3A_2335 : i32 to index
        %get3A_2339 = arith.constant 112 : index
        %get3A_2340 = tpu.vector_load %arg5[%get3A_2336, %get3A_2337, %get3A_2338, %get3A_2339] {strides = array<i32>} : memref<2x8x32x128xf32, #tpu.memory_space<vmem>>, vector<1x1x1x16xf32>,
        %get3A_2341 = vector.shape_cast %get3A_2340 : vector<1x1x1x16xf32> to vector<16xf32>
        %add3A_2342 = arith.addf %get3A_2333, %get3A_2341 : vector<16xf32>
        %get3A_2343 = arith.constant 1 : i32
        %get3A_2344 = arith.constant 2 : i32
        %get3A_2345 = arith.index_cast %get3A_2343 : i32 to index
        %get3A_2346 = arith.index_cast %scan3A_269 : i32 to index
        %get3A_2347 = arith.index_cast %get3A_2344 : i32 to index
        %get3A_2348 = arith.constant 112 : index
        %get3A_2349 = tpu.vector_load %arg5[%get3A_2345, %get3A_2346, %get3A_2347, %get3A_2348] {strides = array<i32>} : memref<2x8x32x128xf32, #tpu.memory_space<vmem>>, vector<1x1x1x16xf32>,
        %get3A_2350 = vector.shape_cast %get3A_2349 : vector<1x1x1x16xf32> to vector<16xf32>
        %add3A_2351 = arith.addf %add3A_2342, %get3A_2350 : vector<16xf32>
        %get3A_2352 = arith.constant 1 : i32
        %get3A_2353 = arith.constant 3 : i32
        %get3A_2354 = arith.index_cast %get3A_2352 : i32 to index
        %get3A_2355 = arith.index_cast %scan3A_269 : i32 to index
        %get3A_2356 = arith.index_cast %get3A_2353 : i32 to index
        %get3A_2357 = arith.constant 112 : index
        %get3A_2358 = tpu.vector_load %arg5[%get3A_2354, %get3A_2355, %get3A_2356, %get3A_2357] {strides = array<i32>} : memref<2x8x32x128xf32, #tpu.memory_space<vmem>>, vector<1x1x1x16xf32>,
        %get3A_2359 = vector.shape_cast %get3A_2358 : vector<1x1x1x16xf32> to vector<16xf32>
        %add3A_2360 = arith.addf %add3A_2351, %get3A_2359 : vector<16xf32>
        %get3A_2361 = arith.constant 1 : i32
        %get3A_2362 = arith.constant 4 : i32
        %get3A_2363 = arith.index_cast %get3A_2361 : i32 to index
        %get3A_2364 = arith.index_cast %scan3A_269 : i32 to index
        %get3A_2365 = arith.index_cast %get3A_2362 : i32 to index
        %get3A_2366 = arith.constant 112 : index
        %get3A_2367 = tpu.vector_load %arg5[%get3A_2363, %get3A_2364, %get3A_2365, %get3A_2366] {strides = array<i32>} : memref<2x8x32x128xf32, #tpu.memory_space<vmem>>, vector<1x1x1x16xf32>,
        %get3A_2368 = vector.shape_cast %get3A_2367 : vector<1x1x1x16xf32> to vector<16xf32>
        %add3A_2369 = arith.addf %add3A_2360, %get3A_2368 : vector<16xf32>
        %get3A_2370 = arith.constant 1 : i32
        %get3A_2371 = arith.constant 5 : i32
        %get3A_2372 = arith.index_cast %get3A_2370 : i32 to index
        %get3A_2373 = arith.index_cast %scan3A_269 : i32 to index
        %get3A_2374 = arith.index_cast %get3A_2371 : i32 to index
        %get3A_2375 = arith.constant 112 : index
        %get3A_2376 = tpu.vector_load %arg5[%get3A_2372, %get3A_2373, %get3A_2374, %get3A_2375] {strides = array<i32>} : memref<2x8x32x128xf32, #tpu.memory_space<vmem>>, vector<1x1x1x16xf32>,
        %get3A_2377 = vector.shape_cast %get3A_2376 : vector<1x1x1x16xf32> to vector<16xf32>
        %add3A_2378 = arith.addf %add3A_2369, %get3A_2377 : vector<16xf32>
        %get3A_2379 = arith.constant 1 : i32
        %get3A_2380 = arith.constant 6 : i32
        %get3A_2381 = arith.index_cast %get3A_2379 : i32 to index
        %get3A_2382 = arith.index_cast %scan3A_269 : i32 to index
        %get3A_2383 = arith.index_cast %get3A_2380 : i32 to index
        %get3A_2384 = arith.constant 112 : index
        %get3A_2385 = tpu.vector_load %arg5[%get3A_2381, %get3A_2382, %get3A_2383, %get3A_2384] {strides = array<i32>} : memref<2x8x32x128xf32, #tpu.memory_space<vmem>>, vector<1x1x1x16xf32>,
        %get3A_2386 = vector.shape_cast %get3A_2385 : vector<1x1x1x16xf32> to vector<16xf32>
        %add3A_2387 = arith.addf %add3A_2378, %get3A_2386 : vector<16xf32>
        %get3A_2388 = arith.constant 1 : i32
        %get3A_2389 = arith.constant 7 : i32
        %get3A_2390 = arith.index_cast %get3A_2388 : i32 to index
        %get3A_2391 = arith.index_cast %scan3A_269 : i32 to index
        %get3A_2392 = arith.index_cast %get3A_2389 : i32 to index
        %get3A_2393 = arith.constant 112 : index
        %get3A_2394 = tpu.vector_load %arg5[%get3A_2390, %get3A_2391, %get3A_2392, %get3A_2393] {strides = array<i32>} : memref<2x8x32x128xf32, #tpu.memory_space<vmem>>, vector<1x1x1x16xf32>,
        %get3A_2395 = vector.shape_cast %get3A_2394 : vector<1x1x1x16xf32> to vector<16xf32>
        %add3A_2396 = arith.addf %add3A_2387, %get3A_2395 : vector<16xf32>
        %get3A_2397 = arith.constant 1 : i32
        %get3A_2398 = arith.constant 8 : i32
        %get3A_2399 = arith.index_cast %get3A_2397 : i32 to index
        %get3A_2400 = arith.index_cast %scan3A_269 : i32 to index
        %get3A_2401 = arith.index_cast %get3A_2398 : i32 to index
        %get3A_2402 = arith.constant 112 : index
        %get3A_2403 = tpu.vector_load %arg5[%get3A_2399, %get3A_2400, %get3A_2401, %get3A_2402] {strides = array<i32>} : memref<2x8x32x128xf32, #tpu.memory_space<vmem>>, vector<1x1x1x16xf32>,
        %get3A_2404 = vector.shape_cast %get3A_2403 : vector<1x1x1x16xf32> to vector<16xf32>
        %add3A_2405 = arith.addf %add3A_2396, %get3A_2404 : vector<16xf32>
        %get3A_2406 = arith.constant 1 : i32
        %get3A_2407 = arith.constant 9 : i32
        %get3A_2408 = arith.index_cast %get3A_2406 : i32 to index
        %get3A_2409 = arith.index_cast %scan3A_269 : i32 to index
        %get3A_2410 = arith.index_cast %get3A_2407 : i32 to index
        %get3A_2411 = arith.constant 112 : index
        %get3A_2412 = tpu.vector_load %arg5[%get3A_2408, %get3A_2409, %get3A_2410, %get3A_2411] {strides = array<i32>} : memref<2x8x32x128xf32, #tpu.memory_space<vmem>>, vector<1x1x1x16xf32>,
        %get3A_2413 = vector.shape_cast %get3A_2412 : vector<1x1x1x16xf32> to vector<16xf32>
        %add3A_2414 = arith.addf %add3A_2405, %get3A_2413 : vector<16xf32>
        %get3A_2415 = arith.constant 1 : i32
        %get3A_2416 = arith.constant 10 : i32
        %get3A_2417 = arith.index_cast %get3A_2415 : i32 to index
        %get3A_2418 = arith.index_cast %scan3A_269 : i32 to index
        %get3A_2419 = arith.index_cast %get3A_2416 : i32 to index
        %get3A_2420 = arith.constant 112 : index
        %get3A_2421 = tpu.vector_load %arg5[%get3A_2417, %get3A_2418, %get3A_2419, %get3A_2420] {strides = array<i32>} : memref<2x8x32x128xf32, #tpu.memory_space<vmem>>, vector<1x1x1x16xf32>,
        %get3A_2422 = vector.shape_cast %get3A_2421 : vector<1x1x1x16xf32> to vector<16xf32>
        %add3A_2423 = arith.addf %add3A_2414, %get3A_2422 : vector<16xf32>
        %get3A_2424 = arith.constant 1 : i32
        %get3A_2425 = arith.constant 11 : i32
        %get3A_2426 = arith.index_cast %get3A_2424 : i32 to index
        %get3A_2427 = arith.index_cast %scan3A_269 : i32 to index
        %get3A_2428 = arith.index_cast %get3A_2425 : i32 to index
        %get3A_2429 = arith.constant 112 : index
        %get3A_2430 = tpu.vector_load %arg5[%get3A_2426, %get3A_2427, %get3A_2428, %get3A_2429] {strides = array<i32>} : memref<2x8x32x128xf32, #tpu.memory_space<vmem>>, vector<1x1x1x16xf32>,
        %get3A_2431 = vector.shape_cast %get3A_2430 : vector<1x1x1x16xf32> to vector<16xf32>
        %add3A_2432 = arith.addf %add3A_2423, %get3A_2431 : vector<16xf32>
        %get3A_2433 = arith.constant 1 : i32
        %get3A_2434 = arith.constant 12 : i32
        %get3A_2435 = arith.index_cast %get3A_2433 : i32 to index
        %get3A_2436 = arith.index_cast %scan3A_269 : i32 to index
        %get3A_2437 = arith.index_cast %get3A_2434 : i32 to index
        %get3A_2438 = arith.constant 112 : index
        %get3A_2439 = tpu.vector_load %arg5[%get3A_2435, %get3A_2436, %get3A_2437, %get3A_2438] {strides = array<i32>} : memref<2x8x32x128xf32, #tpu.memory_space<vmem>>, vector<1x1x1x16xf32>,
        %get3A_2440 = vector.shape_cast %get3A_2439 : vector<1x1x1x16xf32> to vector<16xf32>
        %add3A_2441 = arith.addf %add3A_2432, %get3A_2440 : vector<16xf32>
        %get3A_2442 = arith.constant 1 : i32
        %get3A_2443 = arith.constant 13 : i32
        %get3A_2444 = arith.index_cast %get3A_2442 : i32 to index
        %get3A_2445 = arith.index_cast %scan3A_269 : i32 to index
        %get3A_2446 = arith.index_cast %get3A_2443 : i32 to index
        %get3A_2447 = arith.constant 112 : index
        %get3A_2448 = tpu.vector_load %arg5[%get3A_2444, %get3A_2445, %get3A_2446, %get3A_2447] {strides = array<i32>} : memref<2x8x32x128xf32, #tpu.memory_space<vmem>>, vector<1x1x1x16xf32>,
        %get3A_2449 = vector.shape_cast %get3A_2448 : vector<1x1x1x16xf32> to vector<16xf32>
        %add3A_2450 = arith.addf %add3A_2441, %get3A_2449 : vector<16xf32>
        %get3A_2451 = arith.constant 1 : i32
        %get3A_2452 = arith.constant 14 : i32
        %get3A_2453 = arith.index_cast %get3A_2451 : i32 to index
        %get3A_2454 = arith.index_cast %scan3A_269 : i32 to index
        %get3A_2455 = arith.index_cast %get3A_2452 : i32 to index
        %get3A_2456 = arith.constant 112 : index
        %get3A_2457 = tpu.vector_load %arg5[%get3A_2453, %get3A_2454, %get3A_2455, %get3A_2456] {strides = array<i32>} : memref<2x8x32x128xf32, #tpu.memory_space<vmem>>, vector<1x1x1x16xf32>,
        %get3A_2458 = vector.shape_cast %get3A_2457 : vector<1x1x1x16xf32> to vector<16xf32>
        %add3A_2459 = arith.addf %add3A_2450, %get3A_2458 : vector<16xf32>
        %get3A_2460 = arith.constant 1 : i32
        %get3A_2461 = arith.constant 15 : i32
        %get3A_2462 = arith.index_cast %get3A_2460 : i32 to index
        %get3A_2463 = arith.index_cast %scan3A_269 : i32 to index
        %get3A_2464 = arith.index_cast %get3A_2461 : i32 to index
        %get3A_2465 = arith.constant 112 : index
        %get3A_2466 = tpu.vector_load %arg5[%get3A_2462, %get3A_2463, %get3A_2464, %get3A_2465] {strides = array<i32>} : memref<2x8x32x128xf32, #tpu.memory_space<vmem>>, vector<1x1x1x16xf32>,
        %get3A_2467 = vector.shape_cast %get3A_2466 : vector<1x1x1x16xf32> to vector<16xf32>
        %add3A_2468 = arith.addf %add3A_2459, %get3A_2467 : vector<16xf32>
        %get3A_2469 = arith.constant 1 : i32
        %get3A_2470 = arith.constant 16 : i32
        %get3A_2471 = arith.index_cast %get3A_2469 : i32 to index
        %get3A_2472 = arith.index_cast %scan3A_269 : i32 to index
        %get3A_2473 = arith.index_cast %get3A_2470 : i32 to index
        %get3A_2474 = arith.constant 112 : index
        %get3A_2475 = tpu.vector_load %arg5[%get3A_2471, %get3A_2472, %get3A_2473, %get3A_2474] {strides = array<i32>} : memref<2x8x32x128xf32, #tpu.memory_space<vmem>>, vector<1x1x1x16xf32>,
        %get3A_2476 = vector.shape_cast %get3A_2475 : vector<1x1x1x16xf32> to vector<16xf32>
        %add3A_2477 = arith.addf %add3A_2468, %get3A_2476 : vector<16xf32>
        %get3A_2478 = arith.constant 1 : i32
        %get3A_2479 = arith.constant 17 : i32
        %get3A_2480 = arith.index_cast %get3A_2478 : i32 to index
        %get3A_2481 = arith.index_cast %scan3A_269 : i32 to index
        %get3A_2482 = arith.index_cast %get3A_2479 : i32 to index
        %get3A_2483 = arith.constant 112 : index
        %get3A_2484 = tpu.vector_load %arg5[%get3A_2480, %get3A_2481, %get3A_2482, %get3A_2483] {strides = array<i32>} : memref<2x8x32x128xf32, #tpu.memory_space<vmem>>, vector<1x1x1x16xf32>,
        %get3A_2485 = vector.shape_cast %get3A_2484 : vector<1x1x1x16xf32> to vector<16xf32>
        %add3A_2486 = arith.addf %add3A_2477, %get3A_2485 : vector<16xf32>
        %get3A_2487 = arith.constant 1 : i32
        %get3A_2488 = arith.constant 18 : i32
        %get3A_2489 = arith.index_cast %get3A_2487 : i32 to index
        %get3A_2490 = arith.index_cast %scan3A_269 : i32 to index
        %get3A_2491 = arith.index_cast %get3A_2488 : i32 to index
        %get3A_2492 = arith.constant 112 : index
        %get3A_2493 = tpu.vector_load %arg5[%get3A_2489, %get3A_2490, %get3A_2491, %get3A_2492] {strides = array<i32>} : memref<2x8x32x128xf32, #tpu.memory_space<vmem>>, vector<1x1x1x16xf32>,
        %get3A_2494 = vector.shape_cast %get3A_2493 : vector<1x1x1x16xf32> to vector<16xf32>
        %add3A_2495 = arith.addf %add3A_2486, %get3A_2494 : vector<16xf32>
        %get3A_2496 = arith.constant 1 : i32
        %get3A_2497 = arith.constant 19 : i32
        %get3A_2498 = arith.index_cast %get3A_2496 : i32 to index
        %get3A_2499 = arith.index_cast %scan3A_269 : i32 to index
        %get3A_2500 = arith.index_cast %get3A_2497 : i32 to index
        %get3A_2501 = arith.constant 112 : index
        %get3A_2502 = tpu.vector_load %arg5[%get3A_2498, %get3A_2499, %get3A_2500, %get3A_2501] {strides = array<i32>} : memref<2x8x32x128xf32, #tpu.memory_space<vmem>>, vector<1x1x1x16xf32>,
        %get3A_2503 = vector.shape_cast %get3A_2502 : vector<1x1x1x16xf32> to vector<16xf32>
        %add3A_2504 = arith.addf %add3A_2495, %get3A_2503 : vector<16xf32>
        %get3A_2505 = arith.constant 1 : i32
        %get3A_2506 = arith.constant 20 : i32
        %get3A_2507 = arith.index_cast %get3A_2505 : i32 to index
        %get3A_2508 = arith.index_cast %scan3A_269 : i32 to index
        %get3A_2509 = arith.index_cast %get3A_2506 : i32 to index
        %get3A_2510 = arith.constant 112 : index
        %get3A_2511 = tpu.vector_load %arg5[%get3A_2507, %get3A_2508, %get3A_2509, %get3A_2510] {strides = array<i32>} : memref<2x8x32x128xf32, #tpu.memory_space<vmem>>, vector<1x1x1x16xf32>,
        %get3A_2512 = vector.shape_cast %get3A_2511 : vector<1x1x1x16xf32> to vector<16xf32>
        %add3A_2513 = arith.addf %add3A_2504, %get3A_2512 : vector<16xf32>
        %get3A_2514 = arith.constant 1 : i32
        %get3A_2515 = arith.constant 21 : i32
        %get3A_2516 = arith.index_cast %get3A_2514 : i32 to index
        %get3A_2517 = arith.index_cast %scan3A_269 : i32 to index
        %get3A_2518 = arith.index_cast %get3A_2515 : i32 to index
        %get3A_2519 = arith.constant 112 : index
        %get3A_2520 = tpu.vector_load %arg5[%get3A_2516, %get3A_2517, %get3A_2518, %get3A_2519] {strides = array<i32>} : memref<2x8x32x128xf32, #tpu.memory_space<vmem>>, vector<1x1x1x16xf32>,
        %get3A_2521 = vector.shape_cast %get3A_2520 : vector<1x1x1x16xf32> to vector<16xf32>
        %add3A_2522 = arith.addf %add3A_2513, %get3A_2521 : vector<16xf32>
        %get3A_2523 = arith.constant 1 : i32
        %get3A_2524 = arith.constant 22 : i32
        %get3A_2525 = arith.index_cast %get3A_2523 : i32 to index
        %get3A_2526 = arith.index_cast %scan3A_269 : i32 to index
        %get3A_2527 = arith.index_cast %get3A_2524 : i32 to index
        %get3A_2528 = arith.constant 112 : index
        %get3A_2529 = tpu.vector_load %arg5[%get3A_2525, %get3A_2526, %get3A_2527, %get3A_2528] {strides = array<i32>} : memref<2x8x32x128xf32, #tpu.memory_space<vmem>>, vector<1x1x1x16xf32>,
        %get3A_2530 = vector.shape_cast %get3A_2529 : vector<1x1x1x16xf32> to vector<16xf32>
        %add3A_2531 = arith.addf %add3A_2522, %get3A_2530 : vector<16xf32>
        %get3A_2532 = arith.constant 1 : i32
        %get3A_2533 = arith.constant 23 : i32
        %get3A_2534 = arith.index_cast %get3A_2532 : i32 to index
        %get3A_2535 = arith.index_cast %scan3A_269 : i32 to index
        %get3A_2536 = arith.index_cast %get3A_2533 : i32 to index
        %get3A_2537 = arith.constant 112 : index
        %get3A_2538 = tpu.vector_load %arg5[%get3A_2534, %get3A_2535, %get3A_2536, %get3A_2537] {strides = array<i32>} : memref<2x8x32x128xf32, #tpu.memory_space<vmem>>, vector<1x1x1x16xf32>,
        %get3A_2539 = vector.shape_cast %get3A_2538 : vector<1x1x1x16xf32> to vector<16xf32>
        %add3A_2540 = arith.addf %add3A_2531, %get3A_2539 : vector<16xf32>
        %get3A_2541 = arith.constant 1 : i32
        %get3A_2542 = arith.constant 24 : i32
        %get3A_2543 = arith.index_cast %get3A_2541 : i32 to index
        %get3A_2544 = arith.index_cast %scan3A_269 : i32 to index
        %get3A_2545 = arith.index_cast %get3A_2542 : i32 to index
        %get3A_2546 = arith.constant 112 : index
        %get3A_2547 = tpu.vector_load %arg5[%get3A_2543, %get3A_2544, %get3A_2545, %get3A_2546] {strides = array<i32>} : memref<2x8x32x128xf32, #tpu.memory_space<vmem>>, vector<1x1x1x16xf32>,
        %get3A_2548 = vector.shape_cast %get3A_2547 : vector<1x1x1x16xf32> to vector<16xf32>
        %add3A_2549 = arith.addf %add3A_2540, %get3A_2548 : vector<16xf32>
        %get3A_2550 = arith.constant 1 : i32
        %get3A_2551 = arith.constant 25 : i32
        %get3A_2552 = arith.index_cast %get3A_2550 : i32 to index
        %get3A_2553 = arith.index_cast %scan3A_269 : i32 to index
        %get3A_2554 = arith.index_cast %get3A_2551 : i32 to index
        %get3A_2555 = arith.constant 112 : index
        %get3A_2556 = tpu.vector_load %arg5[%get3A_2552, %get3A_2553, %get3A_2554, %get3A_2555] {strides = array<i32>} : memref<2x8x32x128xf32, #tpu.memory_space<vmem>>, vector<1x1x1x16xf32>,
        %get3A_2557 = vector.shape_cast %get3A_2556 : vector<1x1x1x16xf32> to vector<16xf32>
        %add3A_2558 = arith.addf %add3A_2549, %get3A_2557 : vector<16xf32>
        %get3A_2559 = arith.constant 1 : i32
        %get3A_2560 = arith.constant 26 : i32
        %get3A_2561 = arith.index_cast %get3A_2559 : i32 to index
        %get3A_2562 = arith.index_cast %scan3A_269 : i32 to index
        %get3A_2563 = arith.index_cast %get3A_2560 : i32 to index
        %get3A_2564 = arith.constant 112 : index
        %get3A_2565 = tpu.vector_load %arg5[%get3A_2561, %get3A_2562, %get3A_2563, %get3A_2564] {strides = array<i32>} : memref<2x8x32x128xf32, #tpu.memory_space<vmem>>, vector<1x1x1x16xf32>,
        %get3A_2566 = vector.shape_cast %get3A_2565 : vector<1x1x1x16xf32> to vector<16xf32>
        %add3A_2567 = arith.addf %add3A_2558, %get3A_2566 : vector<16xf32>
        %get3A_2568 = arith.constant 1 : i32
        %get3A_2569 = arith.constant 27 : i32
        %get3A_2570 = arith.index_cast %get3A_2568 : i32 to index
        %get3A_2571 = arith.index_cast %scan3A_269 : i32 to index
        %get3A_2572 = arith.index_cast %get3A_2569 : i32 to index
        %get3A_2573 = arith.constant 112 : index
        %get3A_2574 = tpu.vector_load %arg5[%get3A_2570, %get3A_2571, %get3A_2572, %get3A_2573] {strides = array<i32>} : memref<2x8x32x128xf32, #tpu.memory_space<vmem>>, vector<1x1x1x16xf32>,
        %get3A_2575 = vector.shape_cast %get3A_2574 : vector<1x1x1x16xf32> to vector<16xf32>
        %add3A_2576 = arith.addf %add3A_2567, %get3A_2575 : vector<16xf32>
        %get3A_2577 = arith.constant 1 : i32
        %get3A_2578 = arith.constant 28 : i32
        %get3A_2579 = arith.index_cast %get3A_2577 : i32 to index
        %get3A_2580 = arith.index_cast %scan3A_269 : i32 to index
        %get3A_2581 = arith.index_cast %get3A_2578 : i32 to index
        %get3A_2582 = arith.constant 112 : index
        %get3A_2583 = tpu.vector_load %arg5[%get3A_2579, %get3A_2580, %get3A_2581, %get3A_2582] {strides = array<i32>} : memref<2x8x32x128xf32, #tpu.memory_space<vmem>>, vector<1x1x1x16xf32>,
        %get3A_2584 = vector.shape_cast %get3A_2583 : vector<1x1x1x16xf32> to vector<16xf32>
        %add3A_2585 = arith.addf %add3A_2576, %get3A_2584 : vector<16xf32>
        %get3A_2586 = arith.constant 1 : i32
        %get3A_2587 = arith.constant 29 : i32
        %get3A_2588 = arith.index_cast %get3A_2586 : i32 to index
        %get3A_2589 = arith.index_cast %scan3A_269 : i32 to index
        %get3A_2590 = arith.index_cast %get3A_2587 : i32 to index
        %get3A_2591 = arith.constant 112 : index
        %get3A_2592 = tpu.vector_load %arg5[%get3A_2588, %get3A_2589, %get3A_2590, %get3A_2591] {strides = array<i32>} : memref<2x8x32x128xf32, #tpu.memory_space<vmem>>, vector<1x1x1x16xf32>,
        %get3A_2593 = vector.shape_cast %get3A_2592 : vector<1x1x1x16xf32> to vector<16xf32>
        %add3A_2594 = arith.addf %add3A_2585, %get3A_2593 : vector<16xf32>
        %get3A_2595 = arith.constant 1 : i32
        %get3A_2596 = arith.constant 30 : i32
        %get3A_2597 = arith.index_cast %get3A_2595 : i32 to index
        %get3A_2598 = arith.index_cast %scan3A_269 : i32 to index
        %get3A_2599 = arith.index_cast %get3A_2596 : i32 to index
        %get3A_2600 = arith.constant 112 : index
        %get3A_2601 = tpu.vector_load %arg5[%get3A_2597, %get3A_2598, %get3A_2599, %get3A_2600] {strides = array<i32>} : memref<2x8x32x128xf32, #tpu.memory_space<vmem>>, vector<1x1x1x16xf32>,
        %get3A_2602 = vector.shape_cast %get3A_2601 : vector<1x1x1x16xf32> to vector<16xf32>
        %add3A_2603 = arith.addf %add3A_2594, %get3A_2602 : vector<16xf32>
        %get3A_2604 = arith.constant 1 : i32
        %get3A_2605 = arith.constant 31 : i32
        %get3A_2606 = arith.index_cast %get3A_2604 : i32 to index
        %get3A_2607 = arith.index_cast %scan3A_269 : i32 to index
        %get3A_2608 = arith.index_cast %get3A_2605 : i32 to index
        %get3A_2609 = arith.constant 112 : index
        %get3A_2610 = tpu.vector_load %arg5[%get3A_2606, %get3A_2607, %get3A_2608, %get3A_2609] {strides = array<i32>} : memref<2x8x32x128xf32, #tpu.memory_space<vmem>>, vector<1x1x1x16xf32>,
        %get3A_2611 = vector.shape_cast %get3A_2610 : vector<1x1x1x16xf32> to vector<16xf32>
        %add3A_2612 = arith.addf %add3A_2603, %get3A_2611 : vector<16xf32>
        %swap3A_2613 = arith.constant 1 : i32
        %swap3A_2614 = arith.index_cast %swap3A_2613 : i32 to index
        %swap3A_2615 = arith.index_cast %scan3A_269 : i32 to index
        %swap3A_2616 = arith.constant 112 : index
        %swap3A_2617 = tpu.vector_load %arg6[%swap3A_2614, %swap3A_2615, %swap3A_2616] {strides = array<i32>} : memref<2x8x128xf32, #tpu.memory_space<vmem>>, vector<1x1x16xf32>,
        %swap3A_2618 = vector.shape_cast %swap3A_2617 : vector<1x1x16xf32> to vector<16xf32>
        %swap3A_2619 = vector.shape_cast %add3A_2612 : vector<16xf32> to vector<1x1x16xf32>
        tpu.vector_store %arg6[%swap3A_2614, %swap3A_2615, %swap3A_2616], %swap3A_2619 {strides = array<i32>} : memref<2x8x128xf32, #tpu.memory_space<vmem>>, vector<1x1x16xf32>,
      }
      %scan3A_245 = arith.constant 8 : i32
      %mul3A_246 = arith.constant 8 : i32
      %mul3A_247 = arith.muli %add3A_193, %mul3A_246 : i32
      %add3A_248 = arith.addi %mul3A_2, %mul3A_247 : i32
      %dma_start3A_249 = arith.constant 1 : i32
      %dma_start3A_250 = arith.constant 0 : i32
      %dma_start3A_251 = arith.constant 0 : i32
      %dma_start3A_252 = tpu.memref_slice %arg6[%dma_start3A_249, %dma_start3A_250, %dma_start3A_251] : memref<2x8x128xf32, #tpu.memory_space<vmem>> -> memref<1x8x128xf32, #tpu.memory_space<vmem>>
      %dma_start3A_253 = tpu.memref_squeeze %dma_start3A_252 : memref<1x8x128xf32, #tpu.memory_space<vmem>> -> memref<8x128xf32, #tpu.memory_space<vmem>>
      %dma_start3A_254 = arith.constant 0 : i32
      %dma_start3A_255 = tpu.memref_slice %arg4[%add3A_248, %dma_start3A_254] : memref<2560x128xf32, #tpu.memory_space<hbm>> -> memref<8x128xf32, #tpu.memory_space<hbm>>
      %dma_start3A_256 = arith.constant 0 : i32
      %dma_start3A_257 = tpu.memref_slice %arg4[%add3A_248, %dma_start3A_256] : memref<2560x128xf32, #tpu.memory_space<hbm>> -> memref<8x128xf32, #tpu.memory_space<hbm>>
      %dma_start3A_258 = arith.constant 0 : i32
      %dma_start3A_259 = arith.constant 0 : i32
      %dma_start3A_260 = tpu.memref_slice %arg6[%dma_start3A_249, %dma_start3A_258, %dma_start3A_259] : memref<2x8x128xf32, #tpu.memory_space<vmem>> -> memref<1x8x128xf32, #tpu.memory_space<vmem>>
      %dma_start3A_261 = tpu.memref_squeeze %dma_start3A_260 : memref<1x8x128xf32, #tpu.memory_space<vmem>> -> memref<8x128xf32, #tpu.memory_space<vmem>>
      tpu.enqueue_dma source(%dma_start3A_261 : memref<8x128xf32, #tpu.memory_space<vmem>>) target(%dma_start3A_257 : memref<8x128xf32, #tpu.memory_space<hbm>>) target_semaphore(%arg12 : memref<!tpu.dma_semaphore, #tpu.memory_space<semaphore_mem>>)
      %add3A_262 = arith.constant 2 : i32
      %add3A_263 = arith.addi %add3A_193, %add3A_262 : i32
      %lt3A_264 = arith.constant 10 : i32
      %lt3A_265 = arith.cmpi slt, %add3A_263, %lt3A_264 : i32
      %convert_element_type3A_266 = arith.extui %lt3A_265 : i1 to i32
      %cond3A_267 = arith.constant 0 : i32
      %cond3A_268 = arith.cmpi ne, %convert_element_type3A_266, %cond3A_267 : i32
      scf.if %cond3A_268 {
        %add3A_269 = arith.constant 2 : i32
        %add3A_270 = arith.addi %add3A_193, %add3A_269 : i32
        %add3A_271 = arith.constant 7440 : i32
        %add3A_272 = arith.addi %add3A_271, %mul3A_2 : i32
        %mul3A_273 = arith.constant 8 : i32
        %mul3A_274 = arith.muli %add3A_270, %mul3A_273 : i32
        %add3A_275 = arith.addi %add3A_272, %mul3A_274 : i32
        %add3A_276 = arith.constant 4 : i32
        %add3A_277 = arith.addi %add3A_275, %add3A_276 : i32
        %dma_start3A_278 = arith.constant 1 : i32
        %dma_start3A_279 = arith.constant 0 : i32
        %dma_start3A_280 = arith.constant 0 : i32
        %dma_start3A_281 = arith.constant 0 : i32
        %dma_start3A_282 = tpu.memref_slice %arg5[%dma_start3A_278, %dma_start3A_279, %dma_start3A_280, %dma_start3A_281] : memref<2x8x32x128xf32, #tpu.memory_space<vmem>> -> memref<1x4x32x128xf32, #tpu.memory_space<vmem>>
        %dma_start3A_283 = tpu.memref_squeeze %dma_start3A_282 : memref<1x4x32x128xf32, #tpu.memory_space<vmem>> -> memref<4x32x128xf32, #tpu.memory_space<vmem>>
        %dma_start3A_284 = arith.constant 0 : i32
        %dma_start3A_285 = arith.constant 0 : i32
        %dma_start3A_286 = tpu.memref_slice %arg3[%add3A_275, %dma_start3A_284, %dma_start3A_285] : memref<10000x32x128xf32, #tpu.memory_space<hbm>> -> memref<4x32x128xf32, #tpu.memory_space<hbm>>
        %dma_start3A_287 = arith.constant 0 : i32
        %dma_start3A_288 = arith.constant 0 : i32
        %dma_start3A_289 = arith.constant 0 : i32
        %dma_start3A_290 = tpu.memref_slice %arg5[%dma_start3A_278, %dma_start3A_287, %dma_start3A_288, %dma_start3A_289] : memref<2x8x32x128xf32, #tpu.memory_space<vmem>> -> memref<1x4x32x128xf32, #tpu.memory_space<vmem>>
        %dma_start3A_291 = tpu.memref_squeeze %dma_start3A_290 : memref<1x4x32x128xf32, #tpu.memory_space<vmem>> -> memref<4x32x128xf32, #tpu.memory_space<vmem>>
        %dma_start3A_292 = arith.constant 0 : i32
        %dma_start3A_293 = arith.constant 0 : i32
        %dma_start3A_294 = tpu.memref_slice %arg3[%add3A_275, %dma_start3A_292, %dma_start3A_293] : memref<10000x32x128xf32, #tpu.memory_space<hbm>> -> memref<4x32x128xf32, #tpu.memory_space<hbm>>
        tpu.enqueue_dma source(%dma_start3A_294 : memref<4x32x128xf32, #tpu.memory_space<hbm>>) target(%dma_start3A_291 : memref<4x32x128xf32, #tpu.memory_space<vmem>>) target_semaphore(%arg9 : memref<!tpu.dma_semaphore, #tpu.memory_space<semaphore_mem>>)
        %dma_start3A_295 = arith.constant 1 : i32
        %dma_start3A_296 = arith.constant 4 : i32
        %dma_start3A_297 = arith.constant 0 : i32
        %dma_start3A_298 = arith.constant 0 : i32
        %dma_start3A_299 = tpu.memref_slice %arg5[%dma_start3A_295, %dma_start3A_296, %dma_start3A_297, %dma_start3A_298] : memref<2x8x32x128xf32, #tpu.memory_space<vmem>> -> memref<1x4x32x128xf32, #tpu.memory_space<vmem>>
        %dma_start3A_300 = tpu.memref_squeeze %dma_start3A_299 : memref<1x4x32x128xf32, #tpu.memory_space<vmem>> -> memref<4x32x128xf32, #tpu.memory_space<vmem>>
        %dma_start3A_301 = arith.constant 0 : i32
        %dma_start3A_302 = arith.constant 0 : i32
        %dma_start3A_303 = tpu.memref_slice %arg3[%add3A_277, %dma_start3A_301, %dma_start3A_302] : memref<10000x32x128xf32, #tpu.memory_space<hbm>> -> memref<4x32x128xf32, #tpu.memory_space<hbm>>
        %dma_start3A_304 = arith.constant 4 : i32
        %dma_start3A_305 = arith.constant 0 : i32
        %dma_start3A_306 = arith.constant 0 : i32
        %dma_start3A_307 = tpu.memref_slice %arg5[%dma_start3A_295, %dma_start3A_304, %dma_start3A_305, %dma_start3A_306] : memref<2x8x32x128xf32, #tpu.memory_space<vmem>> -> memref<1x4x32x128xf32, #tpu.memory_space<vmem>>
        %dma_start3A_308 = tpu.memref_squeeze %dma_start3A_307 : memref<1x4x32x128xf32, #tpu.memory_space<vmem>> -> memref<4x32x128xf32, #tpu.memory_space<vmem>>
        %dma_start3A_309 = arith.constant 0 : i32
        %dma_start3A_310 = arith.constant 0 : i32
        %dma_start3A_311 = tpu.memref_slice %arg3[%add3A_277, %dma_start3A_309, %dma_start3A_310] : memref<10000x32x128xf32, #tpu.memory_space<hbm>> -> memref<4x32x128xf32, #tpu.memory_space<hbm>>
        tpu.enqueue_dma source(%dma_start3A_311 : memref<4x32x128xf32, #tpu.memory_space<hbm>>) target(%dma_start3A_308 : memref<4x32x128xf32, #tpu.memory_space<vmem>>) target_semaphore(%arg10 : memref<!tpu.dma_semaphore, #tpu.memory_space<semaphore_mem>>)
      } else {
      }
    }
    %scan3A_86 = arith.constant 5 : i32
    %add3A_87 = arith.constant 64 : i32
    %add3A_88 = arith.addi %mul3A_2, %add3A_87 : i32
    %dma_wait3A = arith.constant 0 : i32
    %dma_wait3A_89 = arith.constant 0 : i32
    %dma_wait3A_90 = arith.constant 0 : i32
    %dma_wait3A_91 = tpu.memref_slice %arg6[%dma_wait3A, %dma_wait3A_89, %dma_wait3A_90] : memref<2x8x128xf32, #tpu.memory_space<vmem>> -> memref<1x8x128xf32, #tpu.memory_space<vmem>>
    %dma_wait3A_92 = tpu.memref_squeeze %dma_wait3A_91 : memref<1x8x128xf32, #tpu.memory_space<vmem>> -> memref<8x128xf32, #tpu.memory_space<vmem>>
    %dma_wait3A_93 = arith.constant 0 : i32
    %dma_wait3A_94 = tpu.memref_slice %arg4[%add3A_88, %dma_wait3A_93] : memref<2560x128xf32, #tpu.memory_space<hbm>> -> memref<8x128xf32, #tpu.memory_space<hbm>>
    %dma_wait3A_95 = arith.constant 0 : i32
    %dma_wait3A_96 = tpu.memref_slice %arg4[%add3A_88, %dma_wait3A_95] : memref<2560x128xf32, #tpu.memory_space<hbm>> -> memref<8x128xf32, #tpu.memory_space<hbm>>
    %dma_wait3A_97 = arith.constant 0 : i32
    %dma_wait3A_98 = arith.constant 0 : i32
    %dma_wait3A_99 = tpu.memref_slice %arg6[%dma_wait3A, %dma_wait3A_97, %dma_wait3A_98] : memref<2x8x128xf32, #tpu.memory_space<vmem>> -> memref<1x8x128xf32, #tpu.memory_space<vmem>>
    %dma_wait3A_100 = tpu.memref_squeeze %dma_wait3A_99 : memref<1x8x128xf32, #tpu.memory_space<vmem>> -> memref<8x128xf32, #tpu.memory_space<vmem>>
    tpu.wait_dma2 semaphore(%arg11 : memref<!tpu.dma_semaphore, #tpu.memory_space<semaphore_mem>>) src(%dma_wait3A_100 : memref<8x128xf32, #tpu.memory_space<vmem>>) dst(%dma_wait3A_96 : memref<8x128xf32, #tpu.memory_space<hbm>>)
    %add3A_101 = arith.constant 72 : i32
    %add3A_102 = arith.addi %mul3A_2, %add3A_101 : i32
    %dma_wait3A_103 = arith.constant 1 : i32
    %dma_wait3A_104 = arith.constant 0 : i32
    %dma_wait3A_105 = arith.constant 0 : i32
    %dma_wait3A_106 = tpu.memref_slice %arg6[%dma_wait3A_103, %dma_wait3A_104, %dma_wait3A_105] : memref<2x8x128xf32, #tpu.memory_space<vmem>> -> memref<1x8x128xf32, #tpu.memory_space<vmem>>
    %dma_wait3A_107 = tpu.memref_squeeze %dma_wait3A_106 : memref<1x8x128xf32, #tpu.memory_space<vmem>> -> memref<8x128xf32, #tpu.memory_space<vmem>>
    %dma_wait3A_108 = arith.constant 0 : i32
    %dma_wait3A_109 = tpu.memref_slice %arg4[%add3A_102, %dma_wait3A_108] : memref<2560x128xf32, #tpu.memory_space<hbm>> -> memref<8x128xf32, #tpu.memory_space<hbm>>
    %dma_wait3A_110 = arith.constant 0 : i32
    %dma_wait3A_111 = tpu.memref_slice %arg4[%add3A_102, %dma_wait3A_110] : memref<2560x128xf32, #tpu.memory_space<hbm>> -> memref<8x128xf32, #tpu.memory_space<hbm>>
    %dma_wait3A_112 = arith.constant 0 : i32
    %dma_wait3A_113 = arith.constant 0 : i32
    %dma_wait3A_114 = tpu.memref_slice %arg6[%dma_wait3A_103, %dma_wait3A_112, %dma_wait3A_113] : memref<2x8x128xf32, #tpu.memory_space<vmem>> -> memref<1x8x128xf32, #tpu.memory_space<vmem>>
    %dma_wait3A_115 = tpu.memref_squeeze %dma_wait3A_114 : memref<1x8x128xf32, #tpu.memory_space<vmem>> -> memref<8x128xf32, #tpu.memory_space<vmem>>
    tpu.wait_dma2 semaphore(%arg12 : memref<!tpu.dma_semaphore, #tpu.memory_space<semaphore_mem>>) src(%dma_wait3A_115 : memref<8x128xf32, #tpu.memory_space<vmem>>) dst(%dma_wait3A_111 : memref<8x128xf32, #tpu.memory_space<hbm>>)
    return
  }
}

module attributes {stable_mosaic.version = 14 : i64} {
  func.func @_fused_body(%arg0: i32, %arg1: memref<496x128xf32, #tpu.memory_space<vmem>>, %arg2: memref<496x32x128xf32, #tpu.memory_space<vmem>>, %arg3: memref<128x128xf32, #tpu.memory_space<vmem>>, %arg4: memref<1x128xf32, #tpu.memory_space<vmem>>, %arg5: memref<496x128xf32, #tpu.memory_space<vmem>>) attributes {dimension_semantics = [#tpu.dimension_semantics<parallel>], iteration_bounds = array<i64: 15>, scalar_prefetch = 0 : i64, scratch_operands = 0 : i64, tpu.core_type = #tpu.core_type<tc>, window_params = [{transform_indices = @transform_0, window_bounds = array<i64: 496, 128>}, {transform_indices = @transform_1, window_bounds = array<i64: 496, 32, 128>}, {pipeline_mode = #tpu.pipeline_mode<synchronous>, transform_indices = @transform_2, window_bounds = array<i64: 128, 128>}, {pipeline_mode = #tpu.pipeline_mode<synchronous>, transform_indices = @transform_3, window_bounds = array<i64: 1, 128>}, {transform_indices = @transform_4, window_bounds = array<i64: 496, 128>}]} {
    %get3A = arith.constant 0 : index
    %get3A_0 = arith.constant 0 : index
    %get3A_1 = arith.constant 0 : index
    %get3A_2 = vector.load %arg2[%get3A, %get3A_0, %get3A_1] : memref<496x32x128xf32, #tpu.memory_space<vmem>>, vector<496x32x128xf32>
    %reduce_sum3A = arith.constant dense<0.000000e+00> : vector<496x128xf32>
    %reduce_sum3A_3 = vector.multi_reduction <add>, %get3A_2, %reduce_sum3A [1] : vector<496x32x128xf32> to vector<496x128xf32>
    %get3A_4 = arith.constant 0 : index
    %get3A_5 = arith.constant 0 : index
    %get3A_6 = vector.load %arg1[%get3A_4, %get3A_5] : memref<496x128xf32, #tpu.memory_space<vmem>>, vector<496x128xf32>
    %add3A = arith.addf %reduce_sum3A_3, %get3A_6 : vector<496x128xf32>
    %mul3A = arith.constant 0.0303030312 : f32
    %mul3A_7 = vector.broadcast %mul3A : f32 to vector<496x128xf32>
    %mul3A_8 = arith.mulf %add3A, %mul3A_7 : vector<496x128xf32>
    %get3A_9 = arith.constant 0 : index
    %get3A_10 = arith.constant 0 : index
    %get3A_11 = vector.load %arg3[%get3A_9, %get3A_10] : memref<128x128xf32, #tpu.memory_space<vmem>>, vector<128x128xf32>
    %dot_general3A = arith.constant dense<0.000000e+00> : vector<496x128xf32>
    %dot_general3A_12 = tpu.matmul %mul3A_8, %get3A_11, %dot_general3A {dimension_numbers = #tpu.dot_dimension_numbers<[1], [0], [0], [1], [0, 0, 1, 1], [], []>, transpose_lhs_hint = false} : vector<496x128xf32>, vector<128x128xf32>, vector<496x128xf32> -> vector<496x128xf32>
    %get3A_13 = arith.constant 0 : index
    %get3A_14 = arith.constant 0 : index
    %get3A_15 = vector.load %arg4[%get3A_13, %get3A_14] : memref<1x128xf32, #tpu.memory_space<vmem>>, vector<1x128xf32>
    %add3A_16 = vector.broadcast %get3A_15 : vector<1x128xf32> to vector<496x128xf32>
    %add3A_17 = arith.addf %dot_general3A_12, %add3A_16 : vector<496x128xf32>
    %max3A = arith.constant 0.000000e+00 : f32
    %max3A_18 = vector.broadcast %max3A : f32 to vector<496x128xf32>
    %max3A_19 = arith.maximumf %add3A_17, %max3A_18 : vector<496x128xf32>
    %swap3A = arith.constant 0 : index
    %swap3A_20 = arith.constant 0 : index
    %swap3A_21 = vector.load %arg5[%swap3A, %swap3A_20] : memref<496x128xf32, #tpu.memory_space<vmem>>, vector<496x128xf32>
    tpu.vector_store %arg5[%swap3A, %swap3A_20], %max3A_19 {strides = array<i32>} : memref<496x128xf32, #tpu.memory_space<vmem>>, vector<496x128xf32>,
    return
  }
  func.func @transform_0(%arg0: i32) -> (i32, i32) {
    %c0_i32 = arith.constant 0 : i32
    %c0_i32_0 = arith.constant 0 : i32
    return %arg0, %c0_i32 : i32, i32
  }
  func.func @transform_1(%arg0: i32) -> (i32, i32, i32) {
    %c0_i32 = arith.constant 0 : i32
    %c0_i32_0 = arith.constant 0 : i32
    %c0_i32_1 = arith.constant 0 : i32
    return %arg0, %c0_i32, %c0_i32_0 : i32, i32, i32
  }
  func.func @transform_2(%arg0: i32) -> (i32, i32) {
    %c0_i32 = arith.constant 0 : i32
    %c0_i32_0 = arith.constant 0 : i32
    %c0_i32_1 = arith.constant 0 : i32
    return %c0_i32, %c0_i32_0 : i32, i32
  }
  func.func @transform_3(%arg0: i32) -> (i32, i32) {
    %c0_i32 = arith.constant 0 : i32
    %c0_i32_0 = arith.constant 0 : i32
    %c0_i32_1 = arith.constant 0 : i32
    return %c0_i32, %c0_i32_0 : i32, i32
  }
  func.func @transform_4(%arg0: i32) -> (i32, i32) {
    %c0_i32 = arith.constant 0 : i32
    %c0_i32_0 = arith.constant 0 : i32
    return %arg0, %c0_i32 : i32, i32
  }
}

module attributes {stable_mosaic.version = 14 : i64} {
  func.func @_proj_body(%arg0: i32, %arg1: memref<512x128xf32, #tpu.memory_space<vmem>>, %arg2: memref<512x128xf32, #tpu.memory_space<vmem>>, %arg3: memref<128x128xf32, #tpu.memory_space<vmem>>, %arg4: memref<1x128xf32, #tpu.memory_space<vmem>>, %arg5: memref<512x128xf32, #tpu.memory_space<vmem>>) attributes {dimension_semantics = [#tpu.dimension_semantics<parallel>], iteration_bounds = array<i64: 5>, scalar_prefetch = 0 : i64, scratch_operands = 0 : i64, tpu.core_type = #tpu.core_type<tc>, window_params = [{transform_indices = @transform_0, window_bounds = array<i64: 512, 128>}, {transform_indices = @transform_1, window_bounds = array<i64: 512, 128>}, {pipeline_mode = #tpu.pipeline_mode<synchronous>, transform_indices = @transform_2, window_bounds = array<i64: 128, 128>}, {pipeline_mode = #tpu.pipeline_mode<synchronous>, transform_indices = @transform_3, window_bounds = array<i64: 1, 128>}, {transform_indices = @transform_4, window_bounds = array<i64: 512, 128>}]} {
    %get3A = arith.constant 0 : index
    %get3A_0 = arith.constant 0 : index
    %get3A_1 = vector.load %arg1[%get3A, %get3A_0] : memref<512x128xf32, #tpu.memory_space<vmem>>, vector<512x128xf32>
    %get3A_2 = arith.constant 0 : index
    %get3A_3 = arith.constant 0 : index
    %get3A_4 = vector.load %arg2[%get3A_2, %get3A_3] : memref<512x128xf32, #tpu.memory_space<vmem>>, vector<512x128xf32>
    %add3A = arith.addf %get3A_1, %get3A_4 : vector<512x128xf32>
    %mul3A = arith.constant 0.0303030312 : f32
    %mul3A_5 = vector.broadcast %mul3A : f32 to vector<512x128xf32>
    %mul3A_6 = arith.mulf %add3A, %mul3A_5 : vector<512x128xf32>
    %get3A_7 = arith.constant 0 : index
    %get3A_8 = arith.constant 0 : index
    %get3A_9 = vector.load %arg3[%get3A_7, %get3A_8] : memref<128x128xf32, #tpu.memory_space<vmem>>, vector<128x128xf32>
    %dot_general3A = arith.constant dense<0.000000e+00> : vector<512x128xf32>
    %dot_general3A_10 = tpu.matmul %mul3A_6, %get3A_9, %dot_general3A {dimension_numbers = #tpu.dot_dimension_numbers<[1], [0], [0], [1], [0, 0, 1, 1], [], []>, transpose_lhs_hint = false} : vector<512x128xf32>, vector<128x128xf32>, vector<512x128xf32> -> vector<512x128xf32>
    %get3A_11 = arith.constant 0 : index
    %get3A_12 = arith.constant 0 : index
    %get3A_13 = vector.load %arg4[%get3A_11, %get3A_12] : memref<1x128xf32, #tpu.memory_space<vmem>>, vector<1x128xf32>
    %add3A_14 = vector.broadcast %get3A_13 : vector<1x128xf32> to vector<512x128xf32>
    %add3A_15 = arith.addf %dot_general3A_10, %add3A_14 : vector<512x128xf32>
    %max3A = arith.constant 0.000000e+00 : f32
    %max3A_16 = vector.broadcast %max3A : f32 to vector<512x128xf32>
    %max3A_17 = arith.maximumf %add3A_15, %max3A_16 : vector<512x128xf32>
    %swap3A = arith.constant 0 : index
    %swap3A_18 = arith.constant 0 : index
    %swap3A_19 = vector.load %arg5[%swap3A, %swap3A_18] : memref<512x128xf32, #tpu.memory_space<vmem>>, vector<512x128xf32>
    tpu.vector_store %arg5[%swap3A, %swap3A_18], %max3A_17 {strides = array<i32>} : memref<512x128xf32, #tpu.memory_space<vmem>>, vector<512x128xf32>,
    return
  }
  func.func @transform_0(%arg0: i32) -> (i32, i32) {
    %c0_i32 = arith.constant 0 : i32
    %c0_i32_0 = arith.constant 0 : i32
    return %arg0, %c0_i32 : i32, i32
  }
  func.func @transform_1(%arg0: i32) -> (i32, i32) {
    %c0_i32 = arith.constant 0 : i32
    %c0_i32_0 = arith.constant 0 : i32
    return %arg0, %c0_i32 : i32, i32
  }
  func.func @transform_2(%arg0: i32) -> (i32, i32) {
    %c0_i32 = arith.constant 0 : i32
    %c0_i32_0 = arith.constant 0 : i32
    %c0_i32_1 = arith.constant 0 : i32
    return %c0_i32, %c0_i32_0 : i32, i32
  }
  func.func @transform_3(%arg0: i32) -> (i32, i32) {
    %c0_i32 = arith.constant 0 : i32
    %c0_i32_0 = arith.constant 0 : i32
    %c0_i32_1 = arith.constant 0 : i32
    return %c0_i32, %c0_i32_0 : i32, i32
  }
  func.func @transform_4(%arg0: i32) -> (i32, i32) {
    %c0_i32 = arith.constant 0 : i32
    %c0_i32_0 = arith.constant 0 : i32
    return %arg0, %c0_i32 : i32, i32
  }
}

</mosaic_0001>

<sc_bundles>
// kernel: kernel.6.cloned.1.call-start
scs
__scs_entry_jumppad:
0x0: {  	(pc) =	sbr.rel $0x88, $3  }
0x1: {  	(tag) =	ssettag $0x0;
	lr =	simm.s32 $0x1  }
0x2: {  	[smem:$0x3F9D] =	sst lr;
	_ =	strace $0xD0000000  }
0x3: {  	_ = 	snop  }
0x4: {  	_ = 	snop  }
0x5: {  	_ = 	snop  }
0x6: {  	_ = 	snop  }
0x7: {  	_ = 	snop  }
__scs_overlays_trampoline_lowered:
0x8: {  	[smem:$0x3FAC] =	sst s0  }
0x9: {  	[smem:$0x3FAD] =	sst s1  }
0xa: {  	[smem:$0x3FAE] =	sst s2  }
0xb: {  	[smem:$0x3FAF] =	sst s3  }
0xc: {  	[smem:$0x3FB0] =	sst s4  }
0xd: {  	[smem:$0x3FB1] =	sst s5  }
0xe: {  	[smem:$0x3FB2] =	sst s6  }
0xf: {  	[smem:$0x3FB3] =	sst s7  }
0x10: {  	[smem:$0x3FB4] =	sst s8  }
0x11: {  	[smem:$0x3FB5] =	sst s9;
	s0 =	simm.s32 @!p0 $0x0  }
0x12: {  	s1 =	sld [smem:$0x3F9B];
	s0 =	simm.s32 @p0 $0x1  }
0x13: {  	[smem:$0x3FB6] =	sst s0;
	s0 =	simm.s32 @!p1 $0x0  }
0x14: {  	s2 =	sld [smem:$0x3F9A];
	s0 =	simm.s32 @p1 $0x1  }
0x15: {  	[smem:$0x3FB7] =	sst s0;
	s0 =	simm.s32 @!p2 $0x0  }
0x16: {  	s3 =	sld [smem:$0x3FDB];
	s0 =	simm.s32 @p2 $0x1  }
0x17: {  	s4 =	simm.s32 $0x1BF5;
	[smem:$0x3FB9] =	sst s0  }
0x18: {  	s0 =	sld [smem:$0x3F9C];
	_ =	swait.ge [sflag:s4], $0x0  }
0x19: {  	s7 =	sld [smem:$0x3F9D]  }
0x1a: {  	s8 =	sadd.s32 $0xFFFFE003, lr  }
0x1b: {  	s9 =	sadd.s32 $0xFFFFFEF7, lr;
	s5 =	simm.s32 $0xFFFFFFFF;
	p2 =	slt.u32 s8, $0xFFFFF086  }
0x1c: {  	p1 =	slt.u32 s9, $0xF7A;
	s5 =	simm.s32 @!p2 $0x0  }
0x1d: {  	s5 =	simm.s32 @p1 $0x1;
	p0 =	seq.s32 s7, s2  }
0x1e: {  	s7 =	smul.u32 @!p0 $0xF7A, s2;
	p2 =	seq.s32 @!p0 s5, $0x0  }
0x1f: {  	s9 =	smul.u32 $0xF7A, s1;
	s8 =	simm.s32 @!p0 $0x1BF5;
	p2 =	por !p2, p0  }
0x20: {  	[sflag:s8] =	ssyncset.s32 @!p0 $0xFFFFF086;
	s6 =	sadd.s32 @!p0 s3, s7;
	s7 =	simm.s32 @!p0 $0x108  }
0x21: {  	s3 =	sadd.s32 s3, s9;
	s6 =	sadd.s32 @!p0 $0x88, s6;
	s7 =	simm.s32 @p2 $0x1082  }
0x22: {  	[simem:s7], [sflag:s8] =	dma.local @!p0 [hbm:s6], $0xF7A  }
0x23: {  	s9 =	sor.u32 $0xD0000000, s2;
	s6 =	simm.s32 $0x108;
	_ =	swait.ge @!p0 [sflag:s8], $0x0  }
0x24: {  	s3 =	sadd.s32 $0x88, s3;
	s6 =	simm.s32 @!p1 $0x1082;
	[sflag:s4] =	ssyncset.s32 $0xFFFFF086  }
0x25: {  	[simem:s6], [sflag:s4] =	dma.local [hbm:s3], $0xF7A  }
0x26: {  	[smem:$0x3F9D] =	sst s1;
	(tag) =	ssettag s2;
	_ =	strace s9  }
0x27: {  	s1 =	sld [smem:$0x3FAD]  }
0x28: {  	s2 =	sld [smem:$0x3FAE]  }
0x29: {  	s4 =	sld [smem:$0x3FB0]  }
0x2a: {  	p0 =	seq.s32 s5, $0x0;
	s5 =	sld [smem:$0x3FB1]  }
0x2b: {  	s6 =	sld [smem:$0x3FB2]  }
0x2c: {  	s7 =	sld [smem:$0x3FB3]  }
0x2d: {  	s3 =	simm.s32 $0x108;
	s8 =	sld [smem:$0x3FB4]  }
0x2e: {  	s3 =	simm.s32 @!p0 $0x1082;
	s9 =	sld [smem:$0x3FB5]  }
0x2f: {  	lr =	sadd.s32 s0, s3;
	s0 =	sld [smem:$0x3FAC]  }
0x30: {  	s3 =	sld [smem:$0x3FAF]  }
0x31: {  	[smem:$0x3FB8] =	sst s10  }
0x32: {  	s10 =	sld [smem:$0x3FB6];
	_ =	sdelay $0x3  }
0x33: {  	p0 =	seq.s32 s10, $0x1;
	s10 =	sld [smem:$0x3FB8];
	_ =	sdelay $0x3  }
0x34: {  	[smem:$0x3FB8] =	sst s10  }
0x35: {  	s10 =	sld [smem:$0x3FB7];
	_ =	sdelay $0x3  }
0x36: {  	p1 =	seq.s32 s10, $0x1;
	s10 =	sld [smem:$0x3FB8];
	_ =	sdelay $0x3  }
0x37: {  	[smem:$0x3FB8] =	sst s10  }
0x38: {  	s10 =	sld [smem:$0x3FB9]  }
0x39: {  	_ = 	snop;
	(pc) =	sbr.ind lr, $3  }
0x3a: {  	_ = 	snop  }
0x3b: {  	_ = 	snop  }
0x3c: {  	p2 =	seq.s32 s10, $0x1;
	s10 =	sld [smem:$0x3FB8]  }
0x3d: {  	_ =	shalt  }
0x3e: {  	_ =	shalt  }
0x3f: {  	_ =	shalt  }
0x40: {  	_ =	shalt  }
0x41: {  	_ =	shalt  }
0x42: {  	_ =	shalt  }
0x43: {  	_ =	shalt  }
0x44: {  	_ =	shalt  }
0x45: {  	_ =	shalt  }
0x46: {  	_ =	shalt  }
0x47: {  	_ =	shalt  }
0x48: {  	_ =	shalt  }
0x49: {  	_ =	shalt  }
0x4a: {  	_ =	shalt  }
0x4b: {  	_ =	shalt  }
0x4c: {  	_ =	shalt  }
0x4d: {  	_ =	shalt  }
0x4e: {  	_ =	shalt  }
0x4f: {  	_ =	shalt  }
0x50: {  	_ =	shalt  }
0x51: {  	_ =	shalt  }
0x52: {  	_ =	shalt  }
0x53: {  	_ =	shalt  }
0x54: {  	_ =	shalt  }
0x55: {  	_ =	shalt  }
0x56: {  	_ =	shalt  }
0x57: {  	_ =	shalt  }
0x58: {  	_ =	shalt  }
0x59: {  	_ =	shalt  }
0x5a: {  	_ =	shalt  }
0x5b: {  	_ =	shalt  }
0x5c: {  	_ =	shalt  }
0x5d: {  	_ =	shalt  }
0x5e: {  	_ =	shalt  }
0x5f: {  	_ =	shalt  }
0x60: {  	_ =	shalt  }
0x61: {  	_ =	shalt  }
0x62: {  	_ =	shalt  }
0x63: {  	_ =	shalt  }
0x64: {  	_ =	shalt  }
0x65: {  	_ =	shalt  }
0x66: {  	_ =	shalt  }
0x67: {  	_ =	shalt  }
0x68: {  	_ =	shalt  }
0x69: {  	_ =	shalt  }
0x6a: {  	_ =	shalt  }
0x6b: {  	_ =	shalt  }
0x6c: {  	_ =	shalt  }
0x6d: {  	_ =	shalt  }
0x6e: {  	_ =	shalt  }
0x6f: {  	_ =	shalt  }
0x70: {  	_ =	shalt  }
0x71: {  	_ =	shalt  }
0x72: {  	_ =	shalt  }
0x73: {  	_ =	shalt  }
0x74: {  	_ =	shalt  }
0x75: {  	_ =	shalt  }
0x76: {  	_ =	shalt  }
0x77: {  	_ =	shalt  }
0x78: {  	_ =	shalt  }
0x79: {  	_ =	shalt  }
0x7a: {  	_ =	shalt  }
0x7b: {  	_ =	shalt  }
0x7c: {  	_ =	shalt  }
0x7d: {  	_ =	shalt  }
0x7e: {  	_ =	shalt  }
0x7f: {  	_ =	shalt  }
0x80: {  	_ =	shalt  }
0x81: {  	_ =	shalt  }
0x82: {  	_ =	shalt  }
0x83: {  	_ =	shalt  }
0x84: {  	_ =	shalt  }
0x85: {  	_ =	shalt  }
0x86: {  	_ =	shalt  }
0x87: {  	_ =	shalt  }
.Lfunc_end0:
.L_simem_size_0:
called_computation_lowered:
.L_overlay_start_0:
0x88: {  	s2 =	sld [smem:$0x3FD9]  }
0x89: {  	s3 =	sld [smem:$0x3FFE];
	_ =	sdelay $0x1  }
0x8a: {  	s1 =	srdreg.scid  }
0x8b: {  	s0 =	sand.u32 $0x1, s1  }
0x8c: {  	s18 =	sshll.u32 s0, $0xA;
	s2 =	sadd.s32 s3, s2  }
0x8d: {  	s2 =	sadd.s32 s2, s18  }
0x8e: {  	[smem:$0x3FC4] =	sst s2  }
0x8f: {  	_ = 	snop  }
0x90: {  	s2 =	sld [smem:$0x3FC8]  }
0x91: {  	s19 =	sld [smem:$0x3FD0];
	(tm) =	ssettm $0x1  }
0x92: {  	s4 =	sld [smem:$0x3FFB];
	_ =	sdelay $0x3  }
0x93: {  	_ =	strace s4  }
0x94: {  	s4 =	sld [smem:$0x3FFC];
	_ =	sdelay $0x3  }
0x95: {  	_ =	strace s4  }
0x96: {  	s4 =	sld [smem:$0x3FFD];
	_ =	sdelay $0x3  }
0x97: {  	_ =	strace s4  }
0x98: {  	_ =	strace $0x8FFFFFFF  }
0x99: {  	s20 =	sld [smem:$0x3FDB];
	_ =	sdelay $0x1  }
0x9a: {  	s5 =	simm.s32 $_scs_section_size  }
0x9b: {  	s6 =	simm.s32 $_size__tile_overlayer_lowered;
	s7 =	simm.s32 $_tile_overlayer_lowered  }
0x9c: {  	s23 =	simm.s32 $0x1BFF;
	s22 =	sshll.u32 s7, $0x1;
	s4 =	sadd.s32 s5, s20  }
0x9d: {  	s8 =	simm.s32 $0x0;
	s21 =	sshll.u32 s6, $0x1;
	s6 =	sadd.s32 s22, s4  }
0x9e: {  	[timem:s8], [sflag:s23] =	dma.local [hbm:s6], s21  }
0x9f: {  	_ =	swait.ge [sflag:s23], s21  }
0xa0: {  	s5 =	ssub.s32 $0x0, s21;
	[sflag:s23] =	ssyncset.done $0x0  }
0xa1: {  	[sflag:s23] =	ssyncadd.s32 s5;
	_ =	sdelay $0x1  }
0xa2: {  	s24 =	simm.s32 $0x1B8B  }
0xa3: {  	_ =	swait.ge [sflag:s24], $0x1  }
0xa4: {  	[sflag:s24] =	ssyncset.done $0x0  }
0xa5: {  	s25 =	simm.s32 $0x1B8E;
	[sflag:s24] =	ssyncadd.s32 $0xFFFFFFFF  }
0xa6: {  	s26 =	simm.s32 $execute0_lowered;
	[smem:$0x3FD2] =	sst s25  }
0xa7: {  	s5 =	sshll.u32 s26, $0x1;
	_ =	strace $0x80000046;
	[dreg:$0x1] =	wrdreg $0xFFFFFFFF  }
0xa8: {  	s28 =	simm.s32 $_size_execute0_lowered;
	s4 =	sadd.s32 s4, s5;
	[dreg:$0x0] =	wrdreg $0x0  }
0xa9: {  	s5 =	sshll.u32 s28, $0x1;
	[dreg:$0x2] =	wrdreg s4  }
0xaa: {  	[dreg:$0x3] =	wrdreg s5  }
0xab: {  	[dreg:$0x4] =	wrdreg $0xC0  }
0xac: {  	_ =	task [dreg:s8], $0x5FFFF  }
0xad: {  	[dreg:$0x1] =	wrdreg $0xFFFFFFFF  }
0xae: {  	[dreg:$0x0] =	wrdreg $0x60  }
0xaf: {  	[dreg:$0x2] =	wrdreg s2  }
0xb0: {  	[dreg:$0x3] =	wrdreg s19  }
0xb1: {  	[dreg:$0x4] =	wrdreg $0x9  }
0xb2: {  	_ =	task.clear_ibuf [dreg:s8], $0x5FFFF;
	_ =	strace $0x90000046  }
0xb3: {  	s29 =	simm.s32 $0x9;
	_ =	strace $0x80000048  }
0xb4: {  	_ =	swait.ge [sflag:s29], $0x1  }
0xb5: {  	[sflag:s29] =	ssyncadd.s32 $0xFFFFFFFF  }
0xb6: {  	_ =	strace $0x90000048  }
0xb7: {  	_ =	sfence  }
0xb8: {  	s30 =	sld [smem:$0x0];
	_ =	sdelay $0x2  }
0xb9: {  	s31 =	sshll.u32 s1, $0xD;
	s1 =	sshrl.u32 s1, $0x2  }
0xba: {  	s3 =	sand.u32 $0x4000, s31;
	s1 =	sadd.s32 s1, s30  }
0xbb: {  	s0 =	sor.u32 s3, s0;
	s1 =	sshll.u32 s1, $0x11  }
0xbc: {  	s0 =	sor.u32 s1, s0  }
0xbd: {  	s0 =	sadd.s32 $0x8F2B, s0  }
0xbe: {  	[sflag:s0] =	ssyncadd.remote.s32 $0x1  }
0xbf: {  	_ =	sfence.sel $0xFFFF  }
0xc0: {  	[dreg:$0x0] =	wrdreg $0xFFFFFFFF;
	(pc) =	sbr.abs _section_cstart, $3  }
0xc1: {  	[dreg:$0x1] =	wrdreg $0xFFFFFFFF  }
0xc2: {  	_ =	task.clear_ibuf [dreg:s8], $0x2FFFF;
	_ =	strace $0x9FFFFFFF  }
0xc3: {  	(tm) =	ssettm $0x7FFFFFFF  }
tec
execute0_lowered:
.L_overlay_start_1:
0x0: {  	(tag) =	ssettag $0x1  }
0x1: {  	s1 =	srdreg.scid  }
0x2: {  	s0 =	stileid.u32;
	s2 =	rddreg [dreg:$0x0]  }
0x3: {  	s3 =	rddreg [dreg:$0x1];
	s15 =	simm.s32 $0x4000;
	s16 =	simm.s32 $0x8000  }
0x4: {  	s17 =	simm.s32 $0xC000;
	s18 =	simm.s32 $0x1;
	s19 =	simm.s32 $0x2  }
0x5: {  	s20 =	simm.s32 $0x10000;
	s1 =	sand.u32 $0x1, s1;
	s4 =	sshll.u32 s0, $0x1  }
0x6: {  	s21 =	simm.s32 $0x3;
	s22 =	simm.s32 $0x4;
	s9 =	sor.u32 s1, s4  }
0x7: {  	s23 =	simm.s32 $0x10400;
	s24 =	simm.s32 $0x5;
	s5 =	smul.u32 $0x50000, s9  }
0x8: {  	s25 =	simm.s32 $0x6;
	s26 =	simm.s32 $0x0;
	s7 =	smul.u32 $0xA000, s9  }
0x9: {  	s11 =	sadd.s32 $0x800, s2;
	s4 =	simm.s32 $0x0;
	s13 =	smul.u32 $0x50, s9  }
0xa: {  	s1 =	ssub.s32 $0x2, s1;
	[smem:$0x7FF] =	sst s4;
	s9 =	smul.u32 $0x2800, s9  }
.Ltmp0:
0xb: {  	s6 =	sshrl.u32 s1, $0x1;
	_ =	strace $0x80000047;
	(pc) =	sbr.rel .LBB2_1-.Ltmp0, $4  }
0xc: {  	s1 =	ssub.s32 s1, s6;
	s5 =	sshrl.u32 s5, $0x3;
	s31 =	sadd.s32 s2, s7  }
0xd: {  	s10 =	sadd.s32 $0x1D20, s13;
	s12 =	sor.u32 $0x8, s13;
	s8 =	sadd.s32 s2, s5  }
0xe: {  	s13 =	sadd.s32 $0x1D28, s13;
	s14 =	smax.u32 s1, $0x1;
	s5 =	sadd.s32 $0x3A2800, s8  }
0xf: {  	s6 =	sadd.s32 $0x3A2000, s31;
	s7 =	sadd.s32 $0x3A3000, s8;
	s8 =	sadd.s32 $0x3A3800, s8  }
.LBB2_8:
0x10: {  	s26 =	sadd.s32 $0x1, s26  }
0x11: {  	_ =	swait.ge [sflag:s24], $0x400;
	p0 =	sne.s32 s26, s14  }
.Ltmp1:
0x12: {  	[sflag:s24] =	ssyncset.done $0x0;
	(pc) =	sbr.rel @!p0 .LBB2_9-.Ltmp1, $4  }
0x13: {  	[sflag:s24] =	ssyncadd.s32 $0xFFFFFC00  }
0x14: {  	_ =	swait.ge [sflag:s25], $0x400  }
0x15: {  	[sflag:s25] =	ssyncset.done $0x0  }
0x16: {  	[sflag:s25] =	ssyncadd.s32 $0xFFFFFC00  }
.LBB2_1:
0x17: {  	[tilespmem:s4], [sflag:$0x1] =	stream.linear.gather [hbm4b:s6+s4], $0x4000, $0x38;
	[tilespmem:$0x10800] =	vst v63  }
0x18: {  	_ = 	snop  }
0x19: {  	[tilespmem:s15], [sflag:$0x2] =	stream.linear.gather [hbm4b:s5+s4], $0x4000, $0x38;
	[tilespmem:$0x10800] =	vst v63  }
0x1a: {  	_ = 	snop  }
0x1b: {  	[tilespmem:s16], [sflag:$0x3] =	stream.linear.gather [hbm4b:s7+s4], $0x4000, $0x38;
	[tilespmem:$0x10800] =	vst v63  }
0x1c: {  	s28 =	simm.s32 $0x0  }
0x1d: {  	[tilespmem:s17], [sflag:$0x4] =	stream.linear.gather [hbm4b:s8+s4], $0x4000, $0x38;
	[tilespmem:$0x10800] =	vst v63  }
.LBB2_2:
0x1e: {  	_ =	swait.ge [sflag:s18], $0x4000  }
0x1f: {  	[sflag:s18] =	ssyncset.done $0x0  }
0x20: {  	[sflag:s18] =	ssyncadd.s32 $0xFFFFC000  }
0x21: {  	_ =	swait.ge [sflag:s19], $0x4000  }
0x22: {  	p0 =	seq.s32 s28, $0x0;
	[sflag:s19] =	ssyncset.done $0x0  }
0x23: {  	s1 =	simm.s32 @!p0 $0x5;
	[sflag:s19] =	ssyncadd.s32 $0xFFFFC000  }
0x24: {  	_ =	swait.ge @!p0 [sflag:s1], $0x400  }
0x25: {  	[sflag:s1] =	ssyncset.done @!p0 $0x0  }
0x26: {  	s29 =	sshll.u32 s28, $0x4;
	s30 =	simm.s32 $0x0;
	[sflag:s1] =	ssyncadd.s32 @!p0 $0xFFFFFC00  }
.LBB2_3:
0x27: {  	s1 =	sshll.u32 s30, $0xC  }
0x28: {  	s31 =	sand.u32 $0x3FFFF000, s1  }
0x29: {  	v0 =	vld [tilespmem:s31+$0x0]  }
0x2a: {  	v1 =	vld [tilespmem:s31+$0x80];
	_ =	sdelay $0x1  }
0x2b: {  	v2 =	vld [tilespmem:s31+$0x100];
	_ =	sdelay $0x1  }
0x2c: {  	v3 =	vld [tilespmem:s31+$0x180]  }
0x2d: {  	v0 =	vadd.f32 v1, v0  }
0x2e: {  	v51 =	vld [tilespmem:s31+$0x200]  }
0x2f: {  	v0 =	vadd.f32 v2, v0  }
0x30: {  	v52 =	vld [tilespmem:s31+$0x280]  }
0x31: {  	v0 =	vadd.f32 v3, v0  }
0x32: {  	v53 =	vld [tilespmem:s31+$0x300]  }
0x33: {  	v0 =	vadd.f32 v51, v0  }
0x34: {  	v54 =	vld [tilespmem:s31+$0x380]  }
0x35: {  	v0 =	vadd.f32 v52, v0  }
0x36: {  	v55 =	vld [tilespmem:s31+$0x400]  }
0x37: {  	v0 =	vadd.f32 v53, v0  }
0x38: {  	v56 =	vld [tilespmem:s31+$0x480]  }
0x39: {  	v0 =	vadd.f32 v54, v0  }
0x3a: {  	v57 =	vld [tilespmem:s31+$0x500]  }
0x3b: {  	v0 =	vadd.f32 v55, v0  }
0x3c: {  	v58 =	vld [tilespmem:s31+$0x580]  }
0x3d: {  	v0 =	vadd.f32 v56, v0  }
0x3e: {  	v59 =	vld [tilespmem:s31+$0x600]  }
0x3f: {  	v0 =	vadd.f32 v57, v0  }
0x40: {  	v60 =	vld [tilespmem:s31+$0x680]  }
0x41: {  	v0 =	vadd.f32 v58, v0  }
0x42: {  	v61 =	vld [tilespmem:s31+$0x700]  }
0x43: {  	v0 =	vadd.f32 v59, v0  }
0x44: {  	v62 =	vld [tilespmem:s31+$0x780]  }
0x45: {  	v0 =	vadd.f32 v60, v0  }
0x46: {  	v63 =	vld [tilespmem:s31+$0x800]  }
0x47: {  	v0 =	vadd.f32 v61, v0  }
0x48: {  	v6 =	vld [tilespmem:s31+$0x880]  }
0x49: {  	v0 =	vadd.f32 v62, v0  }
0x4a: {  	v7 =	vld [tilespmem:s31+$0x900]  }
0x4b: {  	v0 =	vadd.f32 v63, v0  }
0x4c: {  	v8 =	vld [tilespmem:s31+$0x980]  }
0x4d: {  	v0 =	vadd.f32 v6, v0  }
0x4e: {  	v9 =	vld [tilespmem:s31+$0xA00]  }
0x4f: {  	v0 =	vadd.f32 v7, v0  }
0x50: {  	v10 =	vld [tilespmem:s31+$0xA80]  }
0x51: {  	v0 =	vadd.f32 v8, v0  }
0x52: {  	v11 =	vld [tilespmem:s31+$0xB00]  }
0x53: {  	v0 =	vadd.f32 v9, v0  }
0x54: {  	v12 =	vld [tilespmem:s31+$0xB80]  }
0x55: {  	v0 =	vadd.f32 v10, v0  }
0x56: {  	v13 =	vld [tilespmem:s31+$0xC00]  }
0x57: {  	v0 =	vadd.f32 v11, v0  }
0x58: {  	v14 =	vld [tilespmem:s31+$0xC80]  }
0x59: {  	v0 =	vadd.f32 v12, v0  }
0x5a: {  	v15 =	vld [tilespmem:s31+$0xD00]  }
0x5b: {  	v0 =	vadd.f32 v13, v0  }
0x5c: {  	v16 =	vld [tilespmem:s31+$0xD80]  }
0x5d: {  	v0 =	vadd.f32 v14, v0  }
0x5e: {  	v17 =	vld [tilespmem:s31+$0xE00]  }
0x5f: {  	v0 =	vadd.f32 v15, v0  }
0x60: {  	v18 =	vld [tilespmem:s31+$0xE80]  }
0x61: {  	v0 =	vadd.f32 v16, v0  }
0x62: {  	v19 =	vld [tilespmem:s31+$0xF00]  }
0x63: {  	v0 =	vadd.f32 v17, v0  }
0x64: {  	v20 =	vld [tilespmem:s31+$0xF80]  }
0x65: {  	v0 =	vadd.f32 v18, v0;
	_ =	sdelay $0x1  }
0x66: {  	v0 =	vadd.f32 v19, v0;
	_ =	sdelay $0x1  }
0x67: {  	s1 =	sshll.u32 s30, $0x7;
	v0 =	vadd.f32 v20, v0  }
0x68: {  	s1 =	sand.u32 $0x3FFFFF80, s1  }
0x69: {  	[tilespmem:s1+$0x10000] =	vst v0  }
0x6a: {  	v0 =	vld [tilespmem:s31+$0x10]  }
0x6b: {  	v21 =	vld [tilespmem:s31+$0x90];
	_ =	sdelay $0x1  }
0x6c: {  	v22 =	vld [tilespmem:s31+$0x110];
	_ =	sdelay $0x1  }
0x6d: {  	v23 =	vld [tilespmem:s31+$0x190]  }
0x6e: {  	v0 =	vadd.f32 v21, v0  }
0x6f: {  	v24 =	vld [tilespmem:s31+$0x210]  }
0x70: {  	v0 =	vadd.f32 v22, v0  }
0x71: {  	v25 =	vld [tilespmem:s31+$0x290]  }
0x72: {  	v0 =	vadd.f32 v23, v0  }
0x73: {  	v26 =	vld [tilespmem:s31+$0x310]  }
0x74: {  	v0 =	vadd.f32 v24, v0  }
0x75: {  	v27 =	vld [tilespmem:s31+$0x390]  }
0x76: {  	v0 =	vadd.f32 v25, v0  }
0x77: {  	v28 =	vld [tilespmem:s31+$0x410]  }
0x78: {  	v0 =	vadd.f32 v26, v0  }
0x79: {  	v29 =	vld [tilespmem:s31+$0x490]  }
0x7a: {  	v0 =	vadd.f32 v27, v0  }
0x7b: {  	v30 =	vld [tilespmem:s31+$0x510]  }
0x7c: {  	v0 =	vadd.f32 v28, v0  }
0x7d: {  	v31 =	vld [tilespmem:s31+$0x590]  }
0x7e: {  	v0 =	vadd.f32 v29, v0  }
0x7f: {  	v32 =	vld [tilespmem:s31+$0x610]  }
0x80: {  	v0 =	vadd.f32 v30, v0  }
0x81: {  	v33 =	vld [tilespmem:s31+$0x690]  }
0x82: {  	v0 =	vadd.f32 v31, v0  }
0x83: {  	v34 =	vld [tilespmem:s31+$0x710]  }
0x84: {  	v0 =	vadd.f32 v32, v0  }
0x85: {  	v35 =	vld [tilespmem:s31+$0x790]  }
0x86: {  	v0 =	vadd.f32 v33, v0  }
0x87: {  	v36 =	vld [tilespmem:s31+$0x810]  }
0x88: {  	v0 =	vadd.f32 v34, v0  }
0x89: {  	v37 =	vld [tilespmem:s31+$0x890]  }
0x8a: {  	v0 =	vadd.f32 v35, v0  }
0x8b: {  	v38 =	vld [tilespmem:s31+$0x910]  }
0x8c: {  	v0 =	vadd.f32 v36, v0  }
0x8d: {  	v39 =	vld [tilespmem:s31+$0x990]  }
0x8e: {  	v0 =	vadd.f32 v37, v0  }
0x8f: {  	v40 =	vld [tilespmem:s31+$0xA10]  }
0x90: {  	v0 =	vadd.f32 v38, v0  }
0x91: {  	v41 =	vld [tilespmem:s31+$0xA90]  }
0x92: {  	v0 =	vadd.f32 v39, v0  }
0x93: {  	v42 =	vld [tilespmem:s31+$0xB10]  }
0x94: {  	v0 =	vadd.f32 v40, v0  }
0x95: {  	v43 =	vld [tilespmem:s31+$0xB90]  }
0x96: {  	v0 =	vadd.f32 v41, v0  }
0x97: {  	v44 =	vld [tilespmem:s31+$0xC10]  }
0x98: {  	v0 =	vadd.f32 v42, v0  }
0x99: {  	v45 =	vld [tilespmem:s31+$0xC90]  }
0x9a: {  	v0 =	vadd.f32 v43, v0  }
0x9b: {  	v46 =	vld [tilespmem:s31+$0xD10]  }
0x9c: {  	v0 =	vadd.f32 v44, v0  }
0x9d: {  	v47 =	vld [tilespmem:s31+$0xD90]  }
0x9e: {  	v0 =	vadd.f32 v45, v0  }
0x9f: {  	v48 =	vld [tilespmem:s31+$0xE10]  }
0xa0: {  	v0 =	vadd.f32 v46, v0  }
0xa1: {  	v49 =	vld [tilespmem:s31+$0xE90]  }
0xa2: {  	v0 =	vadd.f32 v47, v0  }
0xa3: {  	v50 =	vld [tilespmem:s31+$0xF10]  }
0xa4: {  	v0 =	vadd.f32 v48, v0  }
0xa5: {  	v51 =	vld [tilespmem:s31+$0xF90]  }
0xa6: {  	v0 =	vadd.f32 v49, v0;
	_ =	sdelay $0x1  }
0xa7: {  	v0 =	vadd.f32 v50, v0;
	_ =	sdelay $0x1  }
0xa8: {  	v0 =	vadd.f32 v51, v0;
	_ =	sdelay $0x1  }
0xa9: {  	[tilespmem:s1+$0x10010] =	vst v0  }
0xaa: {  	v0 =	vld [tilespmem:s31+$0x20]  }
0xab: {  	v52 =	vld [tilespmem:s31+$0xA0];
	_ =	sdelay $0x1  }
0xac: {  	v53 =	vld [tilespmem:s31+$0x120];
	_ =	sdelay $0x1  }
0xad: {  	v54 =	vld [tilespmem:s31+$0x1A0]  }
0xae: {  	v0 =	vadd.f32 v52, v0  }
0xaf: {  	v55 =	vld [tilespmem:s31+$0x220]  }
0xb0: {  	v0 =	vadd.f32 v53, v0  }
0xb1: {  	v56 =	vld [tilespmem:s31+$0x2A0]  }
0xb2: {  	v0 =	vadd.f32 v54, v0  }
0xb3: {  	v57 =	vld [tilespmem:s31+$0x320]  }
0xb4: {  	v0 =	vadd.f32 v55, v0  }
0xb5: {  	v58 =	vld [tilespmem:s31+$0x3A0]  }
0xb6: {  	v0 =	vadd.f32 v56, v0  }
0xb7: {  	v59 =	vld [tilespmem:s31+$0x420]  }
0xb8: {  	v0 =	vadd.f32 v57, v0  }
0xb9: {  	v60 =	vld [tilespmem:s31+$0x4A0]  }
0xba: {  	v0 =	vadd.f32 v58, v0  }
0xbb: {  	v61 =	vld [tilespmem:s31+$0x520]  }
0xbc: {  	v0 =	vadd.f32 v59, v0  }
0xbd: {  	v62 =	vld [tilespmem:s31+$0x5A0]  }
0xbe: {  	v0 =	vadd.f32 v60, v0  }
0xbf: {  	v63 =	vld [tilespmem:s31+$0x620]  }
0xc0: {  	v0 =	vadd.f32 v61, v0  }
0xc1: {  	v6 =	vld [tilespmem:s31+$0x6A0]  }
0xc2: {  	v0 =	vadd.f32 v62, v0  }
0xc3: {  	v7 =	vld [tilespmem:s31+$0x720]  }
0xc4: {  	v0 =	vadd.f32 v63, v0  }
0xc5: {  	v8 =	vld [tilespmem:s31+$0x7A0]  }
0xc6: {  	v0 =	vadd.f32 v6, v0  }
0xc7: {  	v9 =	vld [tilespmem:s31+$0x820]  }
0xc8: {  	v0 =	vadd.f32 v7, v0  }
0xc9: {  	v10 =	vld [tilespmem:s31+$0x8A0]  }
0xca: {  	v0 =	vadd.f32 v8, v0  }
0xcb: {  	v11 =	vld [tilespmem:s31+$0x920]  }
0xcc: {  	v0 =	vadd.f32 v9, v0  }
0xcd: {  	v12 =	vld [tilespmem:s31+$0x9A0]  }
0xce: {  	v0 =	vadd.f32 v10, v0  }
0xcf: {  	v13 =	vld [tilespmem:s31+$0xA20]  }
0xd0: {  	v0 =	vadd.f32 v11, v0  }
0xd1: {  	v14 =	vld [tilespmem:s31+$0xAA0]  }
0xd2: {  	v0 =	vadd.f32 v12, v0  }
0xd3: {  	v15 =	vld [tilespmem:s31+$0xB20]  }
0xd4: {  	v0 =	vadd.f32 v13, v0  }
0xd5: {  	v16 =	vld [tilespmem:s31+$0xBA0]  }
0xd6: {  	v0 =	vadd.f32 v14, v0  }
0xd7: {  	v17 =	vld [tilespmem:s31+$0xC20]  }
0xd8: {  	v0 =	vadd.f32 v15, v0  }
0xd9: {  	v18 =	vld [tilespmem:s31+$0xCA0]  }
0xda: {  	v0 =	vadd.f32 v16, v0  }
0xdb: {  	v19 =	vld [tilespmem:s31+$0xD20]  }
0xdc: {  	v0 =	vadd.f32 v17, v0  }
0xdd: {  	v20 =	vld [tilespmem:s31+$0xDA0]  }
0xde: {  	v0 =	vadd.f32 v18, v0  }
0xdf: {  	v21 =	vld [tilespmem:s31+$0xE20]  }
0xe0: {  	v0 =	vadd.f32 v19, v0  }
0xe1: {  	v22 =	vld [tilespmem:s31+$0xEA0]  }
0xe2: {  	v0 =	vadd.f32 v20, v0  }
0xe3: {  	v23 =	vld [tilespmem:s31+$0xF20]  }
0xe4: {  	v0 =	vadd.f32 v21, v0  }
0xe5: {  	v24 =	vld [tilespmem:s31+$0xFA0]  }
0xe6: {  	v0 =	vadd.f32 v22, v0;
	_ =	sdelay $0x1  }
0xe7: {  	v0 =	vadd.f32 v23, v0;
	_ =	sdelay $0x1  }
0xe8: {  	v0 =	vadd.f32 v24, v0;
	_ =	sdelay $0x1  }
0xe9: {  	[tilespmem:s1+$0x10020] =	vst v0  }
0xea: {  	v0 =	vld [tilespmem:s31+$0x30]  }
0xeb: {  	v25 =	vld [tilespmem:s31+$0xB0];
	_ =	sdelay $0x1  }
0xec: {  	v26 =	vld [tilespmem:s31+$0x130];
	_ =	sdelay $0x1  }
0xed: {  	v27 =	vld [tilespmem:s31+$0x1B0]  }
0xee: {  	v0 =	vadd.f32 v25, v0  }
0xef: {  	v28 =	vld [tilespmem:s31+$0x230]  }
0xf0: {  	v0 =	vadd.f32 v26, v0  }
0xf1: {  	v29 =	vld [tilespmem:s31+$0x2B0]  }
0xf2: {  	v0 =	vadd.f32 v27, v0  }
0xf3: {  	v30 =	vld [tilespmem:s31+$0x330]  }
0xf4: {  	v0 =	vadd.f32 v28, v0  }
0xf5: {  	v31 =	vld [tilespmem:s31+$0x3B0]  }
0xf6: {  	v0 =	vadd.f32 v29, v0  }
0xf7: {  	v32 =	vld [tilespmem:s31+$0x430]  }
0xf8: {  	v0 =	vadd.f32 v30, v0  }
0xf9: {  	v33 =	vld [tilespmem:s31+$0x4B0]  }
0xfa: {  	v0 =	vadd.f32 v31, v0  }
0xfb: {  	v34 =	vld [tilespmem:s31+$0x530]  }
0xfc: {  	v0 =	vadd.f32 v32, v0  }
0xfd: {  	v35 =	vld [tilespmem:s31+$0x5B0]  }
0xfe: {  	v0 =	vadd.f32 v33, v0  }
0xff: {  	v36 =	vld [tilespmem:s31+$0x630]  }
0x100: {  	v0 =	vadd.f32 v34, v0  }
0x101: {  	v37 =	vld [tilespmem:s31+$0x6B0]  }
0x102: {  	v0 =	vadd.f32 v35, v0  }
0x103: {  	v38 =	vld [tilespmem:s31+$0x730]  }
0x104: {  	v0 =	vadd.f32 v36, v0  }
0x105: {  	v39 =	vld [tilespmem:s31+$0x7B0]  }
0x106: {  	v0 =	vadd.f32 v37, v0  }
0x107: {  	v40 =	vld [tilespmem:s31+$0x830]  }
0x108: {  	v0 =	vadd.f32 v38, v0  }
0x109: {  	v41 =	vld [tilespmem:s31+$0x8B0]  }
0x10a: {  	v0 =	vadd.f32 v39, v0  }
0x10b: {  	v42 =	vld [tilespmem:s31+$0x930]  }
0x10c: {  	v0 =	vadd.f32 v40, v0  }
0x10d: {  	v43 =	vld [tilespmem:s31+$0x9B0]  }
0x10e: {  	v0 =	vadd.f32 v41, v0  }
0x10f: {  	v44 =	vld [tilespmem:s31+$0xA30]  }
0x110: {  	v0 =	vadd.f32 v42, v0  }
0x111: {  	v45 =	vld [tilespmem:s31+$0xAB0]  }
0x112: {  	v0 =	vadd.f32 v43, v0  }
0x113: {  	v46 =	vld [tilespmem:s31+$0xB30]  }
0x114: {  	v0 =	vadd.f32 v44, v0  }
0x115: {  	v47 =	vld [tilespmem:s31+$0xBB0]  }
0x116: {  	v0 =	vadd.f32 v45, v0  }
0x117: {  	v48 =	vld [tilespmem:s31+$0xC30]  }
0x118: {  	v0 =	vadd.f32 v46, v0  }
0x119: {  	v49 =	vld [tilespmem:s31+$0xCB0]  }
0x11a: {  	v0 =	vadd.f32 v47, v0  }
0x11b: {  	v50 =	vld [tilespmem:s31+$0xD30]  }
0x11c: {  	v0 =	vadd.f32 v48, v0  }
0x11d: {  	v51 =	vld [tilespmem:s31+$0xDB0]  }
0x11e: {  	v0 =	vadd.f32 v49, v0  }
0x11f: {  	v52 =	vld [tilespmem:s31+$0xE30]  }
0x120: {  	v0 =	vadd.f32 v50, v0  }
0x121: {  	v53 =	vld [tilespmem:s31+$0xEB0]  }
0x122: {  	v0 =	vadd.f32 v51, v0  }
0x123: {  	v54 =	vld [tilespmem:s31+$0xF30]  }
0x124: {  	v0 =	vadd.f32 v52, v0  }
0x125: {  	v55 =	vld [tilespmem:s31+$0xFB0]  }
0x126: {  	v0 =	vadd.f32 v53, v0;
	_ =	sdelay $0x1  }
0x127: {  	v0 =	vadd.f32 v54, v0;
	_ =	sdelay $0x1  }
0x128: {  	v0 =	vadd.f32 v55, v0;
	_ =	sdelay $0x1  }
0x129: {  	[tilespmem:s1+$0x10030] =	vst v0  }
0x12a: {  	v0 =	vld [tilespmem:s31+$0x40]  }
0x12b: {  	v56 =	vld [tilespmem:s31+$0xC0];
	_ =	sdelay $0x1  }
0x12c: {  	v57 =	vld [tilespmem:s31+$0x140];
	_ =	sdelay $0x1  }
0x12d: {  	v58 =	vld [tilespmem:s31+$0x1C0]  }
0x12e: {  	v0 =	vadd.f32 v56, v0  }
0x12f: {  	v59 =	vld [tilespmem:s31+$0x240]  }
0x130: {  	v0 =	vadd.f32 v57, v0  }
0x131: {  	v60 =	vld [tilespmem:s31+$0x2C0]  }
0x132: {  	v0 =	vadd.f32 v58, v0  }
0x133: {  	v61 =	vld [tilespmem:s31+$0x340]  }
0x134: {  	v0 =	vadd.f32 v59, v0  }
0x135: {  	v62 =	vld [tilespmem:s31+$0x3C0]  }
0x136: {  	v0 =	vadd.f32 v60, v0  }
0x137: {  	v63 =	vld [tilespmem:s31+$0x440]  }
0x138: {  	v0 =	vadd.f32 v61, v0  }
0x139: {  	v6 =	vld [tilespmem:s31+$0x4C0]  }
0x13a: {  	v0 =	vadd.f32 v62, v0  }
0x13b: {  	v7 =	vld [tilespmem:s31+$0x540]  }
0x13c: {  	v0 =	vadd.f32 v63, v0  }
0x13d: {  	v8 =	vld [tilespmem:s31+$0x5C0]  }
0x13e: {  	v0 =	vadd.f32 v6, v0  }
0x13f: {  	v9 =	vld [tilespmem:s31+$0x640]  }
0x140: {  	v0 =	vadd.f32 v7, v0  }
0x141: {  	v10 =	vld [tilespmem:s31+$0x6C0]  }
0x142: {  	v0 =	vadd.f32 v8, v0  }
0x143: {  	v11 =	vld [tilespmem:s31+$0x740]  }
0x144: {  	v0 =	vadd.f32 v9, v0  }
0x145: {  	v12 =	vld [tilespmem:s31+$0x7C0]  }
0x146: {  	v0 =	vadd.f32 v10, v0  }
0x147: {  	v13 =	vld [tilespmem:s31+$0x840]  }
0x148: {  	v0 =	vadd.f32 v11, v0  }
0x149: {  	v14 =	vld [tilespmem:s31+$0x8C0]  }
0x14a: {  	v0 =	vadd.f32 v12, v0  }
0x14b: {  	v15 =	vld [tilespmem:s31+$0x940]  }
0x14c: {  	v0 =	vadd.f32 v13, v0  }
0x14d: {  	v16 =	vld [tilespmem:s31+$0x9C0]  }
0x14e: {  	v0 =	vadd.f32 v14, v0  }
0x14f: {  	v17 =	vld [tilespmem:s31+$0xA40]  }
0x150: {  	v0 =	vadd.f32 v15, v0  }
0x151: {  	v18 =	vld [tilespmem:s31+$0xAC0]  }
0x152: {  	v0 =	vadd.f32 v16, v0  }
0x153: {  	v19 =	vld [tilespmem:s31+$0xB40]  }
0x154: {  	v0 =	vadd.f32 v17, v0  }
0x155: {  	v20 =	vld [tilespmem:s31+$0xBC0]  }
0x156: {  	v0 =	vadd.f32 v18, v0  }
0x157: {  	v21 =	vld [tilespmem:s31+$0xC40]  }
0x158: {  	v0 =	vadd.f32 v19, v0  }
0x159: {  	v22 =	vld [tilespmem:s31+$0xCC0]  }
0x15a: {  	v0 =	vadd.f32 v20, v0  }
0x15b: {  	v23 =	vld [tilespmem:s31+$0xD40]  }
0x15c: {  	v0 =	vadd.f32 v21, v0  }
0x15d: {  	v24 =	vld [tilespmem:s31+$0xDC0]  }
0x15e: {  	v0 =	vadd.f32 v22, v0  }
0x15f: {  	v25 =	vld [tilespmem:s31+$0xE40]  }
0x160: {  	v0 =	vadd.f32 v23, v0  }
0x161: {  	v26 =	vld [tilespmem:s31+$0xEC0]  }
0x162: {  	v0 =	vadd.f32 v24, v0  }
0x163: {  	v27 =	vld [tilespmem:s31+$0xF40]  }
0x164: {  	v0 =	vadd.f32 v25, v0  }
0x165: {  	v28 =	vld [tilespmem:s31+$0xFC0]  }
0x166: {  	v0 =	vadd.f32 v26, v0;
	_ =	sdelay $0x1  }
0x167: {  	v0 =	vadd.f32 v27, v0;
	_ =	sdelay $0x1  }
0x168: {  	v0 =	vadd.f32 v28, v0;
	_ =	sdelay $0x1  }
0x169: {  	[tilespmem:s1+$0x10040] =	vst v0  }
0x16a: {  	v0 =	vld [tilespmem:s31+$0x50]  }
0x16b: {  	v29 =	vld [tilespmem:s31+$0xD0];
	_ =	sdelay $0x1  }
0x16c: {  	v30 =	vld [tilespmem:s31+$0x150];
	_ =	sdelay $0x1  }
0x16d: {  	v31 =	vld [tilespmem:s31+$0x1D0]  }
0x16e: {  	v0 =	vadd.f32 v29, v0  }
0x16f: {  	v32 =	vld [tilespmem:s31+$0x250]  }
0x170: {  	v0 =	vadd.f32 v30, v0  }
0x171: {  	v33 =	vld [tilespmem:s31+$0x2D0]  }
0x172: {  	v0 =	vadd.f32 v31, v0  }
0x173: {  	v34 =	vld [tilespmem:s31+$0x350]  }
0x174: {  	v0 =	vadd.f32 v32, v0  }
0x175: {  	v35 =	vld [tilespmem:s31+$0x3D0]  }
0x176: {  	v0 =	vadd.f32 v33, v0  }
0x177: {  	v36 =	vld [tilespmem:s31+$0x450]  }
0x178: {  	v0 =	vadd.f32 v34, v0  }
0x179: {  	v37 =	vld [tilespmem:s31+$0x4D0]  }
0x17a: {  	v0 =	vadd.f32 v35, v0  }
0x17b: {  	v38 =	vld [tilespmem:s31+$0x550]  }
0x17c: {  	v0 =	vadd.f32 v36, v0  }
0x17d: {  	v39 =	vld [tilespmem:s31+$0x5D0]  }
0x17e: {  	v0 =	vadd.f32 v37, v0  }
0x17f: {  	v40 =	vld [tilespmem:s31+$0x650]  }
0x180: {  	v0 =	vadd.f32 v38, v0  }
0x181: {  	v41 =	vld [tilespmem:s31+$0x6D0]  }
0x182: {  	v0 =	vadd.f32 v39, v0  }
0x183: {  	v42 =	vld [tilespmem:s31+$0x750]  }
0x184: {  	v0 =	vadd.f32 v40, v0  }
0x185: {  	v43 =	vld [tilespmem:s31+$0x7D0]  }
0x186: {  	v0 =	vadd.f32 v41, v0  }
0x187: {  	v44 =	vld [tilespmem:s31+$0x850]  }
0x188: {  	v0 =	vadd.f32 v42, v0  }
0x189: {  	v45 =	vld [tilespmem:s31+$0x8D0]  }
0x18a: {  	v0 =	vadd.f32 v43, v0  }
0x18b: {  	v46 =	vld [tilespmem:s31+$0x950]  }
0x18c: {  	v0 =	vadd.f32 v44, v0  }
0x18d: {  	v47 =	vld [tilespmem:s31+$0x9D0]  }
0x18e: {  	v0 =	vadd.f32 v45, v0  }
0x18f: {  	v48 =	vld [tilespmem:s31+$0xA50]  }
0x190: {  	v0 =	vadd.f32 v46, v0  }
0x191: {  	v49 =	vld [tilespmem:s31+$0xAD0]  }
0x192: {  	v0 =	vadd.f32 v47, v0  }
0x193: {  	v50 =	vld [tilespmem:s31+$0xB50]  }
0x194: {  	v0 =	vadd.f32 v48, v0  }
0x195: {  	v51 =	vld [tilespmem:s31+$0xBD0]  }
0x196: {  	v0 =	vadd.f32 v49, v0  }
0x197: {  	v52 =	vld [tilespmem:s31+$0xC50]  }
0x198: {  	v0 =	vadd.f32 v50, v0  }
0x199: {  	v53 =	vld [tilespmem:s31+$0xCD0]  }
0x19a: {  	v0 =	vadd.f32 v51, v0  }
0x19b: {  	v54 =	vld [tilespmem:s31+$0xD50]  }
0x19c: {  	v0 =	vadd.f32 v52, v0  }
0x19d: {  	v55 =	vld [tilespmem:s31+$0xDD0]  }
0x19e: {  	v0 =	vadd.f32 v53, v0  }
0x19f: {  	v56 =	vld [tilespmem:s31+$0xE50]  }
0x1a0: {  	v0 =	vadd.f32 v54, v0  }
0x1a1: {  	v57 =	vld [tilespmem:s31+$0xED0]  }
0x1a2: {  	v0 =	vadd.f32 v55, v0  }
0x1a3: {  	v58 =	vld [tilespmem:s31+$0xF50]  }
0x1a4: {  	v0 =	vadd.f32 v56, v0  }
0x1a5: {  	v59 =	vld [tilespmem:s31+$0xFD0]  }
0x1a6: {  	v0 =	vadd.f32 v57, v0;
	_ =	sdelay $0x1  }
0x1a7: {  	v0 =	vadd.f32 v58, v0;
	_ =	sdelay $0x1  }
0x1a8: {  	v0 =	vadd.f32 v59, v0;
	_ =	sdelay $0x1  }
0x1a9: {  	[tilespmem:s1+$0x10050] =	vst v0  }
0x1aa: {  	v0 =	vld [tilespmem:s31+$0x60]  }
0x1ab: {  	v60 =	vld [tilespmem:s31+$0xE0];
	_ =	sdelay $0x1  }
0x1ac: {  	v61 =	vld [tilespmem:s31+$0x160];
	_ =	sdelay $0x1  }
0x1ad: {  	v62 =	vld [tilespmem:s31+$0x1E0]  }
0x1ae: {  	v0 =	vadd.f32 v60, v0  }
0x1af: {  	v63 =	vld [tilespmem:s31+$0x260]  }
0x1b0: {  	v0 =	vadd.f32 v61, v0  }
0x1b1: {  	v6 =	vld [tilespmem:s31+$0x2E0]  }
0x1b2: {  	v0 =	vadd.f32 v62, v0  }
0x1b3: {  	v7 =	vld [tilespmem:s31+$0x360]  }
0x1b4: {  	v0 =	vadd.f32 v63, v0  }
0x1b5: {  	v8 =	vld [tilespmem:s31+$0x3E0]  }
0x1b6: {  	v0 =	vadd.f32 v6, v0  }
0x1b7: {  	v9 =	vld [tilespmem:s31+$0x460]  }
0x1b8: {  	v0 =	vadd.f32 v7, v0  }
0x1b9: {  	v10 =	vld [tilespmem:s31+$0x4E0]  }
0x1ba: {  	v0 =	vadd.f32 v8, v0  }
0x1bb: {  	v11 =	vld [tilespmem:s31+$0x560]  }
0x1bc: {  	v0 =	vadd.f32 v9, v0  }
0x1bd: {  	v12 =	vld [tilespmem:s31+$0x5E0]  }
0x1be: {  	v0 =	vadd.f32 v10, v0  }
0x1bf: {  	v13 =	vld [tilespmem:s31+$0x660]  }
0x1c0: {  	v0 =	vadd.f32 v11, v0  }
0x1c1: {  	v14 =	vld [tilespmem:s31+$0x6E0]  }
0x1c2: {  	v0 =	vadd.f32 v12, v0  }
0x1c3: {  	v15 =	vld [tilespmem:s31+$0x760]  }
0x1c4: {  	v0 =	vadd.f32 v13, v0  }
0x1c5: {  	v16 =	vld [tilespmem:s31+$0x7E0]  }
0x1c6: {  	v0 =	vadd.f32 v14, v0  }
0x1c7: {  	v17 =	vld [tilespmem:s31+$0x860]  }
0x1c8: {  	v0 =	vadd.f32 v15, v0  }
0x1c9: {  	v18 =	vld [tilespmem:s31+$0x8E0]  }
0x1ca: {  	v0 =	vadd.f32 v16, v0  }
0x1cb: {  	v19 =	vld [tilespmem:s31+$0x960]  }
0x1cc: {  	v0 =	vadd.f32 v17, v0  }
0x1cd: {  	v20 =	vld [tilespmem:s31+$0x9E0]  }
0x1ce: {  	v0 =	vadd.f32 v18, v0  }
0x1cf: {  	v21 =	vld [tilespmem:s31+$0xA60]  }
0x1d0: {  	v0 =	vadd.f32 v19, v0  }
0x1d1: {  	v22 =	vld [tilespmem:s31+$0xAE0]  }
0x1d2: {  	v0 =	vadd.f32 v20, v0  }
0x1d3: {  	v23 =	vld [tilespmem:s31+$0xB60]  }
0x1d4: {  	v0 =	vadd.f32 v21, v0  }
0x1d5: {  	v24 =	vld [tilespmem:s31+$0xBE0]  }
0x1d6: {  	v0 =	vadd.f32 v22, v0  }
0x1d7: {  	v25 =	vld [tilespmem:s31+$0xC60]  }
0x1d8: {  	v0 =	vadd.f32 v23, v0  }
0x1d9: {  	v26 =	vld [tilespmem:s31+$0xCE0]  }
0x1da: {  	v0 =	vadd.f32 v24, v0  }
0x1db: {  	v27 =	vld [tilespmem:s31+$0xD60]  }
0x1dc: {  	v0 =	vadd.f32 v25, v0  }
0x1dd: {  	v28 =	vld [tilespmem:s31+$0xDE0]  }
0x1de: {  	v0 =	vadd.f32 v26, v0  }
0x1df: {  	v29 =	vld [tilespmem:s31+$0xE60]  }
0x1e0: {  	v0 =	vadd.f32 v27, v0  }
0x1e1: {  	v30 =	vld [tilespmem:s31+$0xEE0]  }
0x1e2: {  	v0 =	vadd.f32 v28, v0  }
0x1e3: {  	v31 =	vld [tilespmem:s31+$0xF60]  }
0x1e4: {  	v0 =	vadd.f32 v29, v0  }
0x1e5: {  	v32 =	vld [tilespmem:s31+$0xFE0]  }
0x1e6: {  	v0 =	vadd.f32 v30, v0;
	_ =	sdelay $0x1  }
0x1e7: {  	v0 =	vadd.f32 v31, v0;
	_ =	sdelay $0x1  }
0x1e8: {  	v0 =	vadd.f32 v32, v0;
	_ =	sdelay $0x1  }
0x1e9: {  	[tilespmem:s1+$0x10060] =	vst v0  }
0x1ea: {  	v0 =	vld [tilespmem:s31+$0x70]  }
0x1eb: {  	v33 =	vld [tilespmem:s31+$0xF0];
	_ =	sdelay $0x1  }
0x1ec: {  	v34 =	vld [tilespmem:s31+$0x170];
	_ =	sdelay $0x1  }
0x1ed: {  	v35 =	vld [tilespmem:s31+$0x1F0]  }
0x1ee: {  	v0 =	vadd.f32 v33, v0  }
0x1ef: {  	v36 =	vld [tilespmem:s31+$0x270]  }
0x1f0: {  	v0 =	vadd.f32 v34, v0  }
0x1f1: {  	v37 =	vld [tilespmem:s31+$0x2F0]  }
0x1f2: {  	v0 =	vadd.f32 v35, v0  }
0x1f3: {  	v38 =	vld [tilespmem:s31+$0x370]  }
0x1f4: {  	v0 =	vadd.f32 v36, v0  }
0x1f5: {  	v39 =	vld [tilespmem:s31+$0x3F0]  }
0x1f6: {  	v0 =	vadd.f32 v37, v0  }
0x1f7: {  	v40 =	vld [tilespmem:s31+$0x470]  }
0x1f8: {  	v0 =	vadd.f32 v38, v0  }
0x1f9: {  	v41 =	vld [tilespmem:s31+$0x4F0]  }
0x1fa: {  	v0 =	vadd.f32 v39, v0  }
0x1fb: {  	v42 =	vld [tilespmem:s31+$0x570]  }
0x1fc: {  	v0 =	vadd.f32 v40, v0  }
0x1fd: {  	v43 =	vld [tilespmem:s31+$0x5F0]  }
0x1fe: {  	v0 =	vadd.f32 v41, v0  }
0x1ff: {  	v44 =	vld [tilespmem:s31+$0x670]  }
0x200: {  	v0 =	vadd.f32 v42, v0  }
0x201: {  	v45 =	vld [tilespmem:s31+$0x6F0]  }
0x202: {  	v0 =	vadd.f32 v43, v0  }
0x203: {  	v46 =	vld [tilespmem:s31+$0x770]  }
0x204: {  	v0 =	vadd.f32 v44, v0  }
0x205: {  	v47 =	vld [tilespmem:s31+$0x7F0]  }
0x206: {  	v0 =	vadd.f32 v45, v0  }
0x207: {  	v48 =	vld [tilespmem:s31+$0x870]  }
0x208: {  	v0 =	vadd.f32 v46, v0  }
0x209: {  	v49 =	vld [tilespmem:s31+$0x8F0]  }
0x20a: {  	v0 =	vadd.f32 v47, v0  }
0x20b: {  	v50 =	vld [tilespmem:s31+$0x970]  }
0x20c: {  	v0 =	vadd.f32 v48, v0  }
0x20d: {  	v51 =	vld [tilespmem:s31+$0x9F0]  }
0x20e: {  	v0 =	vadd.f32 v49, v0  }
0x20f: {  	v52 =	vld [tilespmem:s31+$0xA70]  }
0x210: {  	v0 =	vadd.f32 v50, v0  }
0x211: {  	v53 =	vld [tilespmem:s31+$0xAF0]  }
0x212: {  	v0 =	vadd.f32 v51, v0  }
0x213: {  	v54 =	vld [tilespmem:s31+$0xB70]  }
0x214: {  	v0 =	vadd.f32 v52, v0  }
0x215: {  	v55 =	vld [tilespmem:s31+$0xBF0]  }
0x216: {  	v0 =	vadd.f32 v53, v0  }
0x217: {  	v56 =	vld [tilespmem:s31+$0xC70]  }
0x218: {  	v0 =	vadd.f32 v54, v0  }
0x219: {  	v57 =	vld [tilespmem:s31+$0xCF0]  }
0x21a: {  	v0 =	vadd.f32 v55, v0  }
0x21b: {  	v58 =	vld [tilespmem:s31+$0xD70]  }
0x21c: {  	v0 =	vadd.f32 v56, v0  }
0x21d: {  	v59 =	vld [tilespmem:s31+$0xDF0]  }
0x21e: {  	v0 =	vadd.f32 v57, v0  }
0x21f: {  	v60 =	vld [tilespmem:s31+$0xE70]  }
0x220: {  	v0 =	vadd.f32 v58, v0  }
0x221: {  	v61 =	vld [tilespmem:s31+$0xEF0]  }
0x222: {  	v0 =	vadd.f32 v59, v0  }
0x223: {  	v62 =	vld [tilespmem:s31+$0xF70]  }
0x224: {  	v0 =	vadd.f32 v60, v0  }
0x225: {  	v63 =	vld [tilespmem:s31+$0xFF0]  }
0x226: {  	v0 =	vadd.f32 v61, v0  }
0x227: {  	p1 =	sne.s32 s30, $0x7  }
.Ltmp2:
0x228: {  	v0 =	vadd.f32 v62, v0;
	(pc) =	sbr.rel @p1 .LBB2_3-.Ltmp2, $3  }
0x229: {  	_ = 	snop  }
0x22a: {  	v0 =	vadd.f32 v63, v0;
	_ =	sdelay $0x1  }
0x22b: {  	s30 =	sadd.s32 $0x1, s30;
	[tilespmem:s1+$0x10070] =	vst v0  }
0x22c: {  	s1 =	sshll.u32 s28, $0xB  }
0x22d: {  	s1 =	sadd.s32 s9, s1  }
0x22e: {  	s1 =	sshrl.u32 s1, $0x3  }
0x22f: {  	p1 =	seq.s32 s28, $0x4;
	s1 =	sadd.s32 s3, s1  }
0x230: {  	[hbm4b:s1+s4] =	stream.linear.scatter [tilespmem:s20], [sflag:$0x5], $0x400, $0x38;
	[tilespmem:$0x10800] =	vst v63  }
0x231: {  	s1 =	sadd.s32 @!p1 s29, s10  }
0x232: {  	s1 =	sshll.u32 @!p1 s1, $0x9  }
0x233: {  	s1 =	sand.u32 @!p1 $0x1FFFE000, s1  }
0x234: {  	s31 =	simm.s32 @!p1 $0x0;
	s30 =	sadd.s32 @!p1 s2, s1  }
0x235: {  	[tilespmem:s31], [sflag:$0x1] =	stream.linear.gather @!p1 [hbm4b:s30+s31], $0x4000, $0x38;
	[tilespmem:$0x10800] =	vst v63  }
0x236: {  	s1 =	sadd.s32 @!p1 s1, s11;
	s30 =	simm.s32 @!p1 $0x4000  }
0x237: {  	[tilespmem:s30], [sflag:$0x2] =	stream.linear.gather @!p1 [hbm4b:s1+s31], $0x4000, $0x38;
	[tilespmem:$0x10800] =	vst v63  }
0x238: {  	_ =	swait.ge [sflag:s21], $0x4000  }
0x239: {  	[sflag:s21] =	ssyncset.done $0x0  }
0x23a: {  	[sflag:s21] =	ssyncadd.s32 $0xFFFFC000  }
0x23b: {  	_ =	swait.ge [sflag:s22], $0x4000  }
0x23c: {  	[sflag:s22] =	ssyncset.done $0x0  }
0x23d: {  	s1 =	simm.s32 @!p0 $0x6;
	[sflag:s22] =	ssyncadd.s32 $0xFFFFC000  }
0x23e: {  	_ =	swait.ge @!p0 [sflag:s1], $0x400  }
0x23f: {  	[sflag:s1] =	ssyncset.done @!p0 $0x0  }
0x240: {  	s30 =	simm.s32 $0x0;
	[sflag:s1] =	ssyncadd.s32 @!p0 $0xFFFFFC00  }
.LBB2_5:
0x241: {  	s1 =	sshll.u32 s30, $0xC  }
0x242: {  	s31 =	sand.u32 $0x3FFFF000, s1  }
0x243: {  	v0 =	vld [tilespmem:s31+$0x8000]  }
0x244: {  	v1 =	vld [tilespmem:s31+$0x8080];
	_ =	sdelay $0x1  }
0x245: {  	v2 =	vld [tilespmem:s31+$0x8100];
	_ =	sdelay $0x1  }
0x246: {  	v3 =	vld [tilespmem:s31+$0x8180]  }
0x247: {  	v0 =	vadd.f32 v1, v0  }
0x248: {  	v51 =	vld [tilespmem:s31+$0x8200]  }
0x249: {  	v0 =	vadd.f32 v2, v0  }
0x24a: {  	v52 =	vld [tilespmem:s31+$0x8280]  }
0x24b: {  	v0 =	vadd.f32 v3, v0  }
0x24c: {  	v53 =	vld [tilespmem:s31+$0x8300]  }
0x24d: {  	v0 =	vadd.f32 v51, v0  }
0x24e: {  	v54 =	vld [tilespmem:s31+$0x8380]  }
0x24f: {  	v0 =	vadd.f32 v52, v0  }
0x250: {  	v55 =	vld [tilespmem:s31+$0x8400]  }
0x251: {  	v0 =	vadd.f32 v53, v0  }
0x252: {  	v56 =	vld [tilespmem:s31+$0x8480]  }
0x253: {  	v0 =	vadd.f32 v54, v0  }
0x254: {  	v57 =	vld [tilespmem:s31+$0x8500]  }
0x255: {  	v0 =	vadd.f32 v55, v0  }
0x256: {  	v58 =	vld [tilespmem:s31+$0x8580]  }
0x257: {  	v0 =	vadd.f32 v56, v0  }
0x258: {  	v59 =	vld [tilespmem:s31+$0x8600]  }
0x259: {  	v0 =	vadd.f32 v57, v0  }
0x25a: {  	v60 =	vld [tilespmem:s31+$0x8680]  }
0x25b: {  	v0 =	vadd.f32 v58, v0  }
0x25c: {  	v61 =	vld [tilespmem:s31+$0x8700]  }
0x25d: {  	v0 =	vadd.f32 v59, v0  }
0x25e: {  	v62 =	vld [tilespmem:s31+$0x8780]  }
0x25f: {  	v0 =	vadd.f32 v60, v0  }
0x260: {  	v63 =	vld [tilespmem:s31+$0x8800]  }
0x261: {  	v0 =	vadd.f32 v61, v0  }
0x262: {  	v6 =	vld [tilespmem:s31+$0x8880]  }
0x263: {  	v0 =	vadd.f32 v62, v0  }
0x264: {  	v7 =	vld [tilespmem:s31+$0x8900]  }
0x265: {  	v0 =	vadd.f32 v63, v0  }
0x266: {  	v8 =	vld [tilespmem:s31+$0x8980]  }
0x267: {  	v0 =	vadd.f32 v6, v0  }
0x268: {  	v9 =	vld [tilespmem:s31+$0x8A00]  }
0x269: {  	v0 =	vadd.f32 v7, v0  }
0x26a: {  	v10 =	vld [tilespmem:s31+$0x8A80]  }
0x26b: {  	v0 =	vadd.f32 v8, v0  }
0x26c: {  	v11 =	vld [tilespmem:s31+$0x8B00]  }
0x26d: {  	v0 =	vadd.f32 v9, v0  }
0x26e: {  	v12 =	vld [tilespmem:s31+$0x8B80]  }
0x26f: {  	v0 =	vadd.f32 v10, v0  }
0x270: {  	v13 =	vld [tilespmem:s31+$0x8C00]  }
0x271: {  	v0 =	vadd.f32 v11, v0  }
0x272: {  	v14 =	vld [tilespmem:s31+$0x8C80]  }
0x273: {  	v0 =	vadd.f32 v12, v0  }
0x274: {  	v15 =	vld [tilespmem:s31+$0x8D00]  }
0x275: {  	v0 =	vadd.f32 v13, v0  }
0x276: {  	v16 =	vld [tilespmem:s31+$0x8D80]  }
0x277: {  	v0 =	vadd.f32 v14, v0  }
0x278: {  	v17 =	vld [tilespmem:s31+$0x8E00]  }
0x279: {  	v0 =	vadd.f32 v15, v0  }
0x27a: {  	v18 =	vld [tilespmem:s31+$0x8E80]  }
0x27b: {  	v0 =	vadd.f32 v16, v0  }
0x27c: {  	v19 =	vld [tilespmem:s31+$0x8F00]  }
0x27d: {  	v0 =	vadd.f32 v17, v0  }
0x27e: {  	v20 =	vld [tilespmem:s31+$0x8F80]  }
0x27f: {  	v0 =	vadd.f32 v18, v0;
	_ =	sdelay $0x1  }
0x280: {  	v0 =	vadd.f32 v19, v0;
	_ =	sdelay $0x1  }
0x281: {  	s1 =	sshll.u32 s30, $0x7;
	v0 =	vadd.f32 v20, v0  }
0x282: {  	s1 =	sand.u32 $0x3FFFFF80, s1  }
0x283: {  	[tilespmem:s1+$0x10400] =	vst v0  }
0x284: {  	v0 =	vld [tilespmem:s31+$0x8010]  }
0x285: {  	v21 =	vld [tilespmem:s31+$0x8090];
	_ =	sdelay $0x1  }
0x286: {  	v22 =	vld [tilespmem:s31+$0x8110];
	_ =	sdelay $0x1  }
0x287: {  	v23 =	vld [tilespmem:s31+$0x8190]  }
0x288: {  	v0 =	vadd.f32 v21, v0  }
0x289: {  	v24 =	vld [tilespmem:s31+$0x8210]  }
0x28a: {  	v0 =	vadd.f32 v22, v0  }
0x28b: {  	v25 =	vld [tilespmem:s31+$0x8290]  }
0x28c: {  	v0 =	vadd.f32 v23, v0  }
0x28d: {  	v26 =	vld [tilespmem:s31+$0x8310]  }
0x28e: {  	v0 =	vadd.f32 v24, v0  }
0x28f: {  	v27 =	vld [tilespmem:s31+$0x8390]  }
0x290: {  	v0 =	vadd.f32 v25, v0  }
0x291: {  	v28 =	vld [tilespmem:s31+$0x8410]  }
0x292: {  	v0 =	vadd.f32 v26, v0  }
0x293: {  	v29 =	vld [tilespmem:s31+$0x8490]  }
0x294: {  	v0 =	vadd.f32 v27, v0  }
0x295: {  	v30 =	vld [tilespmem:s31+$0x8510]  }
0x296: {  	v0 =	vadd.f32 v28, v0  }
0x297: {  	v31 =	vld [tilespmem:s31+$0x8590]  }
0x298: {  	v0 =	vadd.f32 v29, v0  }
0x299: {  	v32 =	vld [tilespmem:s31+$0x8610]  }
0x29a: {  	v0 =	vadd.f32 v30, v0  }
0x29b: {  	v33 =	vld [tilespmem:s31+$0x8690]  }
0x29c: {  	v0 =	vadd.f32 v31, v0  }
0x29d: {  	v34 =	vld [tilespmem:s31+$0x8710]  }
0x29e: {  	v0 =	vadd.f32 v32, v0  }
0x29f: {  	v35 =	vld [tilespmem:s31+$0x8790]  }
0x2a0: {  	v0 =	vadd.f32 v33, v0  }
0x2a1: {  	v36 =	vld [tilespmem:s31+$0x8810]  }
0x2a2: {  	v0 =	vadd.f32 v34, v0  }
0x2a3: {  	v37 =	vld [tilespmem:s31+$0x8890]  }
0x2a4: {  	v0 =	vadd.f32 v35, v0  }
0x2a5: {  	v38 =	vld [tilespmem:s31+$0x8910]  }
0x2a6: {  	v0 =	vadd.f32 v36, v0  }
0x2a7: {  	v39 =	vld [tilespmem:s31+$0x8990]  }
0x2a8: {  	v0 =	vadd.f32 v37, v0  }
0x2a9: {  	v40 =	vld [tilespmem:s31+$0x8A10]  }
0x2aa: {  	v0 =	vadd.f32 v38, v0  }
0x2ab: {  	v41 =	vld [tilespmem:s31+$0x8A90]  }
0x2ac: {  	v0 =	vadd.f32 v39, v0  }
0x2ad: {  	v42 =	vld [tilespmem:s31+$0x8B10]  }
0x2ae: {  	v0 =	vadd.f32 v40, v0  }
0x2af: {  	v43 =	vld [tilespmem:s31+$0x8B90]  }
0x2b0: {  	v0 =	vadd.f32 v41, v0  }
0x2b1: {  	v44 =	vld [tilespmem:s31+$0x8C10]  }
0x2b2: {  	v0 =	vadd.f32 v42, v0  }
0x2b3: {  	v45 =	vld [tilespmem:s31+$0x8C90]  }
0x2b4: {  	v0 =	vadd.f32 v43, v0  }
0x2b5: {  	v46 =	vld [tilespmem:s31+$0x8D10]  }
0x2b6: {  	v0 =	vadd.f32 v44, v0  }
0x2b7: {  	v47 =	vld [tilespmem:s31+$0x8D90]  }
0x2b8: {  	v0 =	vadd.f32 v45, v0  }
0x2b9: {  	v48 =	vld [tilespmem:s31+$0x8E10]  }
0x2ba: {  	v0 =	vadd.f32 v46, v0  }
0x2bb: {  	v49 =	vld [tilespmem:s31+$0x8E90]  }
0x2bc: {  	v0 =	vadd.f32 v47, v0  }
0x2bd: {  	v50 =	vld [tilespmem:s31+$0x8F10]  }
0x2be: {  	v0 =	vadd.f32 v48, v0  }
0x2bf: {  	v51 =	vld [tilespmem:s31+$0x8F90]  }
0x2c0: {  	v0 =	vadd.f32 v49, v0;
	_ =	sdelay $0x1  }
0x2c1: {  	v0 =	vadd.f32 v50, v0;
	_ =	sdelay $0x1  }
0x2c2: {  	v0 =	vadd.f32 v51, v0;
	_ =	sdelay $0x1  }
0x2c3: {  	[tilespmem:s1+$0x10410] =	vst v0  }
0x2c4: {  	v0 =	vld [tilespmem:s31+$0x8020]  }
0x2c5: {  	v52 =	vld [tilespmem:s31+$0x80A0];
	_ =	sdelay $0x1  }
0x2c6: {  	v53 =	vld [tilespmem:s31+$0x8120];
	_ =	sdelay $0x1  }
0x2c7: {  	v54 =	vld [tilespmem:s31+$0x81A0]  }
0x2c8: {  	v0 =	vadd.f32 v52, v0  }
0x2c9: {  	v55 =	vld [tilespmem:s31+$0x8220]  }
0x2ca: {  	v0 =	vadd.f32 v53, v0  }
0x2cb: {  	v56 =	vld [tilespmem:s31+$0x82A0]  }
0x2cc: {  	v0 =	vadd.f32 v54, v0  }
0x2cd: {  	v57 =	vld [tilespmem:s31+$0x8320]  }
0x2ce: {  	v0 =	vadd.f32 v55, v0  }
0x2cf: {  	v58 =	vld [tilespmem:s31+$0x83A0]  }
0x2d0: {  	v0 =	vadd.f32 v56, v0  }
0x2d1: {  	v59 =	vld [tilespmem:s31+$0x8420]  }
0x2d2: {  	v0 =	vadd.f32 v57, v0  }
0x2d3: {  	v60 =	vld [tilespmem:s31+$0x84A0]  }
0x2d4: {  	v0 =	vadd.f32 v58, v0  }
0x2d5: {  	v61 =	vld [tilespmem:s31+$0x8520]  }
0x2d6: {  	v0 =	vadd.f32 v59, v0  }
0x2d7: {  	v62 =	vld [tilespmem:s31+$0x85A0]  }
0x2d8: {  	v0 =	vadd.f32 v60, v0  }
0x2d9: {  	v63 =	vld [tilespmem:s31+$0x8620]  }
0x2da: {  	v0 =	vadd.f32 v61, v0  }
0x2db: {  	v6 =	vld [tilespmem:s31+$0x86A0]  }
0x2dc: {  	v0 =	vadd.f32 v62, v0  }
0x2dd: {  	v7 =	vld [tilespmem:s31+$0x8720]  }
0x2de: {  	v0 =	vadd.f32 v63, v0  }
0x2df: {  	v8 =	vld [tilespmem:s31+$0x87A0]  }
0x2e0: {  	v0 =	vadd.f32 v6, v0  }
0x2e1: {  	v9 =	vld [tilespmem:s31+$0x8820]  }
0x2e2: {  	v0 =	vadd.f32 v7, v0  }
0x2e3: {  	v10 =	vld [tilespmem:s31+$0x88A0]  }
0x2e4: {  	v0 =	vadd.f32 v8, v0  }
0x2e5: {  	v11 =	vld [tilespmem:s31+$0x8920]  }
0x2e6: {  	v0 =	vadd.f32 v9, v0  }
0x2e7: {  	v12 =	vld [tilespmem:s31+$0x89A0]  }
0x2e8: {  	v0 =	vadd.f32 v10, v0  }
0x2e9: {  	v13 =	vld [tilespmem:s31+$0x8A20]  }
0x2ea: {  	v0 =	vadd.f32 v11, v0  }
0x2eb: {  	v14 =	vld [tilespmem:s31+$0x8AA0]  }
0x2ec: {  	v0 =	vadd.f32 v12, v0  }
0x2ed: {  	v15 =	vld [tilespmem:s31+$0x8B20]  }
0x2ee: {  	v0 =	vadd.f32 v13, v0  }
0x2ef: {  	v16 =	vld [tilespmem:s31+$0x8BA0]  }
0x2f0: {  	v0 =	vadd.f32 v14, v0  }
0x2f1: {  	v17 =	vld [tilespmem:s31+$0x8C20]  }
0x2f2: {  	v0 =	vadd.f32 v15, v0  }
0x2f3: {  	v18 =	vld [tilespmem:s31+$0x8CA0]  }
0x2f4: {  	v0 =	vadd.f32 v16, v0  }
0x2f5: {  	v19 =	vld [tilespmem:s31+$0x8D20]  }
0x2f6: {  	v0 =	vadd.f32 v17, v0  }
0x2f7: {  	v20 =	vld [tilespmem:s31+$0x8DA0]  }
0x2f8: {  	v0 =	vadd.f32 v18, v0  }
0x2f9: {  	v21 =	vld [tilespmem:s31+$0x8E20]  }
0x2fa: {  	v0 =	vadd.f32 v19, v0  }
0x2fb: {  	v22 =	vld [tilespmem:s31+$0x8EA0]  }
0x2fc: {  	v0 =	vadd.f32 v20, v0  }
0x2fd: {  	v23 =	vld [tilespmem:s31+$0x8F20]  }
0x2fe: {  	v0 =	vadd.f32 v21, v0  }
0x2ff: {  	v24 =	vld [tilespmem:s31+$0x8FA0]  }
0x300: {  	v0 =	vadd.f32 v22, v0;
	_ =	sdelay $0x1  }
0x301: {  	v0 =	vadd.f32 v23, v0;
	_ =	sdelay $0x1  }
0x302: {  	v0 =	vadd.f32 v24, v0;
	_ =	sdelay $0x1  }
0x303: {  	[tilespmem:s1+$0x10420] =	vst v0  }
0x304: {  	v0 =	vld [tilespmem:s31+$0x8030]  }
0x305: {  	v25 =	vld [tilespmem:s31+$0x80B0];
	_ =	sdelay $0x1  }
0x306: {  	v26 =	vld [tilespmem:s31+$0x8130];
	_ =	sdelay $0x1  }
0x307: {  	v27 =	vld [tilespmem:s31+$0x81B0]  }
0x308: {  	v0 =	vadd.f32 v25, v0  }
0x309: {  	v28 =	vld [tilespmem:s31+$0x8230]  }
0x30a: {  	v0 =	vadd.f32 v26, v0  }
0x30b: {  	v29 =	vld [tilespmem:s31+$0x82B0]  }
0x30c: {  	v0 =	vadd.f32 v27, v0  }
0x30d: {  	v30 =	vld [tilespmem:s31+$0x8330]  }
0x30e: {  	v0 =	vadd.f32 v28, v0  }
0x30f: {  	v31 =	vld [tilespmem:s31+$0x83B0]  }
0x310: {  	v0 =	vadd.f32 v29, v0  }
0x311: {  	v32 =	vld [tilespmem:s31+$0x8430]  }
0x312: {  	v0 =	vadd.f32 v30, v0  }
0x313: {  	v33 =	vld [tilespmem:s31+$0x84B0]  }
0x314: {  	v0 =	vadd.f32 v31, v0  }
0x315: {  	v34 =	vld [tilespmem:s31+$0x8530]  }
0x316: {  	v0 =	vadd.f32 v32, v0  }
0x317: {  	v35 =	vld [tilespmem:s31+$0x85B0]  }
0x318: {  	v0 =	vadd.f32 v33, v0  }
0x319: {  	v36 =	vld [tilespmem:s31+$0x8630]  }
0x31a: {  	v0 =	vadd.f32 v34, v0  }
0x31b: {  	v37 =	vld [tilespmem:s31+$0x86B0]  }
0x31c: {  	v0 =	vadd.f32 v35, v0  }
0x31d: {  	v38 =	vld [tilespmem:s31+$0x8730]  }
0x31e: {  	v0 =	vadd.f32 v36, v0  }
0x31f: {  	v39 =	vld [tilespmem:s31+$0x87B0]  }
0x320: {  	v0 =	vadd.f32 v37, v0  }
0x321: {  	v40 =	vld [tilespmem:s31+$0x8830]  }
0x322: {  	v0 =	vadd.f32 v38, v0  }
0x323: {  	v41 =	vld [tilespmem:s31+$0x88B0]  }
0x324: {  	v0 =	vadd.f32 v39, v0  }
0x325: {  	v42 =	vld [tilespmem:s31+$0x8930]  }
0x326: {  	v0 =	vadd.f32 v40, v0  }
0x327: {  	v43 =	vld [tilespmem:s31+$0x89B0]  }
0x328: {  	v0 =	vadd.f32 v41, v0  }
0x329: {  	v44 =	vld [tilespmem:s31+$0x8A30]  }
0x32a: {  	v0 =	vadd.f32 v42, v0  }
0x32b: {  	v45 =	vld [tilespmem:s31+$0x8AB0]  }
0x32c: {  	v0 =	vadd.f32 v43, v0  }
0x32d: {  	v46 =	vld [tilespmem:s31+$0x8B30]  }
0x32e: {  	v0 =	vadd.f32 v44, v0  }
0x32f: {  	v47 =	vld [tilespmem:s31+$0x8BB0]  }
0x330: {  	v0 =	vadd.f32 v45, v0  }
0x331: {  	v48 =	vld [tilespmem:s31+$0x8C30]  }
0x332: {  	v0 =	vadd.f32 v46, v0  }
0x333: {  	v49 =	vld [tilespmem:s31+$0x8CB0]  }
0x334: {  	v0 =	vadd.f32 v47, v0  }
0x335: {  	v50 =	vld [tilespmem:s31+$0x8D30]  }
0x336: {  	v0 =	vadd.f32 v48, v0  }
0x337: {  	v51 =	vld [tilespmem:s31+$0x8DB0]  }
0x338: {  	v0 =	vadd.f32 v49, v0  }
0x339: {  	v52 =	vld [tilespmem:s31+$0x8E30]  }
0x33a: {  	v0 =	vadd.f32 v50, v0  }
0x33b: {  	v53 =	vld [tilespmem:s31+$0x8EB0]  }
0x33c: {  	v0 =	vadd.f32 v51, v0  }
0x33d: {  	v54 =	vld [tilespmem:s31+$0x8F30]  }
0x33e: {  	v0 =	vadd.f32 v52, v0  }
0x33f: {  	v55 =	vld [tilespmem:s31+$0x8FB0]  }
0x340: {  	v0 =	vadd.f32 v53, v0;
	_ =	sdelay $0x1  }
0x341: {  	v0 =	vadd.f32 v54, v0;
	_ =	sdelay $0x1  }
0x342: {  	v0 =	vadd.f32 v55, v0;
	_ =	sdelay $0x1  }
0x343: {  	[tilespmem:s1+$0x10430] =	vst v0  }
0x344: {  	v0 =	vld [tilespmem:s31+$0x8040]  }
0x345: {  	v56 =	vld [tilespmem:s31+$0x80C0];
	_ =	sdelay $0x1  }
0x346: {  	v57 =	vld [tilespmem:s31+$0x8140];
	_ =	sdelay $0x1  }
0x347: {  	v58 =	vld [tilespmem:s31+$0x81C0]  }
0x348: {  	v0 =	vadd.f32 v56, v0  }
0x349: {  	v59 =	vld [tilespmem:s31+$0x8240]  }
0x34a: {  	v0 =	vadd.f32 v57, v0  }
0x34b: {  	v60 =	vld [tilespmem:s31+$0x82C0]  }
0x34c: {  	v0 =	vadd.f32 v58, v0  }
0x34d: {  	v61 =	vld [tilespmem:s31+$0x8340]  }
0x34e: {  	v0 =	vadd.f32 v59, v0  }
0x34f: {  	v62 =	vld [tilespmem:s31+$0x83C0]  }
0x350: {  	v0 =	vadd.f32 v60, v0  }
0x351: {  	v63 =	vld [tilespmem:s31+$0x8440]  }
0x352: {  	v0 =	vadd.f32 v61, v0  }
0x353: {  	v6 =	vld [tilespmem:s31+$0x84C0]  }
0x354: {  	v0 =	vadd.f32 v62, v0  }
0x355: {  	v7 =	vld [tilespmem:s31+$0x8540]  }
0x356: {  	v0 =	vadd.f32 v63, v0  }
0x357: {  	v8 =	vld [tilespmem:s31+$0x85C0]  }
0x358: {  	v0 =	vadd.f32 v6, v0  }
0x359: {  	v9 =	vld [tilespmem:s31+$0x8640]  }
0x35a: {  	v0 =	vadd.f32 v7, v0  }
0x35b: {  	v10 =	vld [tilespmem:s31+$0x86C0]  }
0x35c: {  	v0 =	vadd.f32 v8, v0  }
0x35d: {  	v11 =	vld [tilespmem:s31+$0x8740]  }
0x35e: {  	v0 =	vadd.f32 v9, v0  }
0x35f: {  	v12 =	vld [tilespmem:s31+$0x87C0]  }
0x360: {  	v0 =	vadd.f32 v10, v0  }
0x361: {  	v13 =	vld [tilespmem:s31+$0x8840]  }
0x362: {  	v0 =	vadd.f32 v11, v0  }
0x363: {  	v14 =	vld [tilespmem:s31+$0x88C0]  }
0x364: {  	v0 =	vadd.f32 v12, v0  }
0x365: {  	v15 =	vld [tilespmem:s31+$0x8940]  }
0x366: {  	v0 =	vadd.f32 v13, v0  }
0x367: {  	v16 =	vld [tilespmem:s31+$0x89C0]  }
0x368: {  	v0 =	vadd.f32 v14, v0  }
0x369: {  	v17 =	vld [tilespmem:s31+$0x8A40]  }
0x36a: {  	v0 =	vadd.f32 v15, v0  }
0x36b: {  	v18 =	vld [tilespmem:s31+$0x8AC0]  }
0x36c: {  	v0 =	vadd.f32 v16, v0  }
0x36d: {  	v19 =	vld [tilespmem:s31+$0x8B40]  }
0x36e: {  	v0 =	vadd.f32 v17, v0  }
0x36f: {  	v20 =	vld [tilespmem:s31+$0x8BC0]  }
0x370: {  	v0 =	vadd.f32 v18, v0  }
0x371: {  	v21 =	vld [tilespmem:s31+$0x8C40]  }
0x372: {  	v0 =	vadd.f32 v19, v0  }
0x373: {  	v22 =	vld [tilespmem:s31+$0x8CC0]  }
0x374: {  	v0 =	vadd.f32 v20, v0  }
0x375: {  	v23 =	vld [tilespmem:s31+$0x8D40]  }
0x376: {  	v0 =	vadd.f32 v21, v0  }
0x377: {  	v24 =	vld [tilespmem:s31+$0x8DC0]  }
0x378: {  	v0 =	vadd.f32 v22, v0  }
0x379: {  	v25 =	vld [tilespmem:s31+$0x8E40]  }
0x37a: {  	v0 =	vadd.f32 v23, v0  }
0x37b: {  	v26 =	vld [tilespmem:s31+$0x8EC0]  }
0x37c: {  	v0 =	vadd.f32 v24, v0  }
0x37d: {  	v27 =	vld [tilespmem:s31+$0x8F40]  }
0x37e: {  	v0 =	vadd.f32 v25, v0  }
0x37f: {  	v28 =	vld [tilespmem:s31+$0x8FC0]  }
0x380: {  	v0 =	vadd.f32 v26, v0;
	_ =	sdelay $0x1  }
0x381: {  	v0 =	vadd.f32 v27, v0;
	_ =	sdelay $0x1  }
0x382: {  	v0 =	vadd.f32 v28, v0;
	_ =	sdelay $0x1  }
0x383: {  	[tilespmem:s1+$0x10440] =	vst v0  }
0x384: {  	v0 =	vld [tilespmem:s31+$0x8050]  }
0x385: {  	v29 =	vld [tilespmem:s31+$0x80D0];
	_ =	sdelay $0x1  }
0x386: {  	v30 =	vld [tilespmem:s31+$0x8150];
	_ =	sdelay $0x1  }
0x387: {  	v31 =	vld [tilespmem:s31+$0x81D0]  }
0x388: {  	v0 =	vadd.f32 v29, v0  }
0x389: {  	v32 =	vld [tilespmem:s31+$0x8250]  }
0x38a: {  	v0 =	vadd.f32 v30, v0  }
0x38b: {  	v33 =	vld [tilespmem:s31+$0x82D0]  }
0x38c: {  	v0 =	vadd.f32 v31, v0  }
0x38d: {  	v34 =	vld [tilespmem:s31+$0x8350]  }
0x38e: {  	v0 =	vadd.f32 v32, v0  }
0x38f: {  	v35 =	vld [tilespmem:s31+$0x83D0]  }
0x390: {  	v0 =	vadd.f32 v33, v0  }
0x391: {  	v36 =	vld [tilespmem:s31+$0x8450]  }
0x392: {  	v0 =	vadd.f32 v34, v0  }
0x393: {  	v37 =	vld [tilespmem:s31+$0x84D0]  }
0x394: {  	v0 =	vadd.f32 v35, v0  }
0x395: {  	v38 =	vld [tilespmem:s31+$0x8550]  }
0x396: {  	v0 =	vadd.f32 v36, v0  }
0x397: {  	v39 =	vld [tilespmem:s31+$0x85D0]  }
0x398: {  	v0 =	vadd.f32 v37, v0  }
0x399: {  	v40 =	vld [tilespmem:s31+$0x8650]  }
0x39a: {  	v0 =	vadd.f32 v38, v0  }
0x39b: {  	v41 =	vld [tilespmem:s31+$0x86D0]  }
0x39c: {  	v0 =	vadd.f32 v39, v0  }
0x39d: {  	v42 =	vld [tilespmem:s31+$0x8750]  }
0x39e: {  	v0 =	vadd.f32 v40, v0  }
0x39f: {  	v43 =	vld [tilespmem:s31+$0x87D0]  }
0x3a0: {  	v0 =	vadd.f32 v41, v0  }
0x3a1: {  	v44 =	vld [tilespmem:s31+$0x8850]  }
0x3a2: {  	v0 =	vadd.f32 v42, v0  }
0x3a3: {  	v45 =	vld [tilespmem:s31+$0x88D0]  }
0x3a4: {  	v0 =	vadd.f32 v43, v0  }
0x3a5: {  	v46 =	vld [tilespmem:s31+$0x8950]  }
0x3a6: {  	v0 =	vadd.f32 v44, v0  }
0x3a7: {  	v47 =	vld [tilespmem:s31+$0x89D0]  }
0x3a8: {  	v0 =	vadd.f32 v45, v0  }
0x3a9: {  	v48 =	vld [tilespmem:s31+$0x8A50]  }
0x3aa: {  	v0 =	vadd.f32 v46, v0  }
0x3ab: {  	v49 =	vld [tilespmem:s31+$0x8AD0]  }
0x3ac: {  	v0 =	vadd.f32 v47, v0  }
0x3ad: {  	v50 =	vld [tilespmem:s31+$0x8B50]  }
0x3ae: {  	v0 =	vadd.f32 v48, v0  }
0x3af: {  	v51 =	vld [tilespmem:s31+$0x8BD0]  }
0x3b0: {  	v0 =	vadd.f32 v49, v0  }
0x3b1: {  	v52 =	vld [tilespmem:s31+$0x8C50]  }
0x3b2: {  	v0 =	vadd.f32 v50, v0  }
0x3b3: {  	v53 =	vld [tilespmem:s31+$0x8CD0]  }
0x3b4: {  	v0 =	vadd.f32 v51, v0  }
0x3b5: {  	v54 =	vld [tilespmem:s31+$0x8D50]  }
0x3b6: {  	v0 =	vadd.f32 v52, v0  }
0x3b7: {  	v55 =	vld [tilespmem:s31+$0x8DD0]  }
0x3b8: {  	v0 =	vadd.f32 v53, v0  }
0x3b9: {  	v56 =	vld [tilespmem:s31+$0x8E50]  }
0x3ba: {  	v0 =	vadd.f32 v54, v0  }
0x3bb: {  	v57 =	vld [tilespmem:s31+$0x8ED0]  }
0x3bc: {  	v0 =	vadd.f32 v55, v0  }
0x3bd: {  	v58 =	vld [tilespmem:s31+$0x8F50]  }
0x3be: {  	v0 =	vadd.f32 v56, v0  }
0x3bf: {  	v59 =	vld [tilespmem:s31+$0x8FD0]  }
0x3c0: {  	v0 =	vadd.f32 v57, v0;
	_ =	sdelay $0x1  }
0x3c1: {  	v0 =	vadd.f32 v58, v0;
	_ =	sdelay $0x1  }
0x3c2: {  	v0 =	vadd.f32 v59, v0;
	_ =	sdelay $0x1  }
0x3c3: {  	[tilespmem:s1+$0x10450] =	vst v0  }
0x3c4: {  	v0 =	vld [tilespmem:s31+$0x8060]  }
0x3c5: {  	v60 =	vld [tilespmem:s31+$0x80E0];
	_ =	sdelay $0x1  }
0x3c6: {  	v61 =	vld [tilespmem:s31+$0x8160];
	_ =	sdelay $0x1  }
0x3c7: {  	v62 =	vld [tilespmem:s31+$0x81E0]  }
0x3c8: {  	v0 =	vadd.f32 v60, v0  }
0x3c9: {  	v63 =	vld [tilespmem:s31+$0x8260]  }
0x3ca: {  	v0 =	vadd.f32 v61, v0  }
0x3cb: {  	v6 =	vld [tilespmem:s31+$0x82E0]  }
0x3cc: {  	v0 =	vadd.f32 v62, v0  }
0x3cd: {  	v7 =	vld [tilespmem:s31+$0x8360]  }
0x3ce: {  	v0 =	vadd.f32 v63, v0  }
0x3cf: {  	v8 =	vld [tilespmem:s31+$0x83E0]  }
0x3d0: {  	v0 =	vadd.f32 v6, v0  }
0x3d1: {  	v9 =	vld [tilespmem:s31+$0x8460]  }
0x3d2: {  	v0 =	vadd.f32 v7, v0  }
0x3d3: {  	v10 =	vld [tilespmem:s31+$0x84E0]  }
0x3d4: {  	v0 =	vadd.f32 v8, v0  }
0x3d5: {  	v11 =	vld [tilespmem:s31+$0x8560]  }
0x3d6: {  	v0 =	vadd.f32 v9, v0  }
0x3d7: {  	v12 =	vld [tilespmem:s31+$0x85E0]  }
0x3d8: {  	v0 =	vadd.f32 v10, v0  }
0x3d9: {  	v13 =	vld [tilespmem:s31+$0x8660]  }
0x3da: {  	v0 =	vadd.f32 v11, v0  }
0x3db: {  	v14 =	vld [tilespmem:s31+$0x86E0]  }
0x3dc: {  	v0 =	vadd.f32 v12, v0  }
0x3dd: {  	v15 =	vld [tilespmem:s31+$0x8760]  }
0x3de: {  	v0 =	vadd.f32 v13, v0  }
0x3df: {  	v16 =	vld [tilespmem:s31+$0x87E0]  }
0x3e0: {  	v0 =	vadd.f32 v14, v0  }
0x3e1: {  	v17 =	vld [tilespmem:s31+$0x8860]  }
0x3e2: {  	v0 =	vadd.f32 v15, v0  }
0x3e3: {  	v18 =	vld [tilespmem:s31+$0x88E0]  }
0x3e4: {  	v0 =	vadd.f32 v16, v0  }
0x3e5: {  	v19 =	vld [tilespmem:s31+$0x8960]  }
0x3e6: {  	v0 =	vadd.f32 v17, v0  }
0x3e7: {  	v20 =	vld [tilespmem:s31+$0x89E0]  }
0x3e8: {  	v0 =	vadd.f32 v18, v0  }
0x3e9: {  	v21 =	vld [tilespmem:s31+$0x8A60]  }
0x3ea: {  	v0 =	vadd.f32 v19, v0  }
0x3eb: {  	v22 =	vld [tilespmem:s31+$0x8AE0]  }
0x3ec: {  	v0 =	vadd.f32 v20, v0  }
0x3ed: {  	v23 =	vld [tilespmem:s31+$0x8B60]  }
0x3ee: {  	v0 =	vadd.f32 v21, v0  }
0x3ef: {  	v24 =	vld [tilespmem:s31+$0x8BE0]  }
0x3f0: {  	v0 =	vadd.f32 v22, v0  }
0x3f1: {  	v25 =	vld [tilespmem:s31+$0x8C60]  }
0x3f2: {  	v0 =	vadd.f32 v23, v0  }
0x3f3: {  	v26 =	vld [tilespmem:s31+$0x8CE0]  }
0x3f4: {  	v0 =	vadd.f32 v24, v0  }
0x3f5: {  	v27 =	vld [tilespmem:s31+$0x8D60]  }
0x3f6: {  	v0 =	vadd.f32 v25, v0  }
0x3f7: {  	v28 =	vld [tilespmem:s31+$0x8DE0]  }
0x3f8: {  	v0 =	vadd.f32 v26, v0  }
0x3f9: {  	v29 =	vld [tilespmem:s31+$0x8E60]  }
0x3fa: {  	v0 =	vadd.f32 v27, v0  }
0x3fb: {  	v30 =	vld [tilespmem:s31+$0x8EE0]  }
0x3fc: {  	v0 =	vadd.f32 v28, v0  }
0x3fd: {  	v31 =	vld [tilespmem:s31+$0x8F60]  }
0x3fe: {  	v0 =	vadd.f32 v29, v0  }
0x3ff: {  	v32 =	vld [tilespmem:s31+$0x8FE0]  }
0x400: {  	v0 =	vadd.f32 v30, v0;
	_ =	sdelay $0x1  }
0x401: {  	v0 =	vadd.f32 v31, v0;
	_ =	sdelay $0x1  }
0x402: {  	v0 =	vadd.f32 v32, v0;
	_ =	sdelay $0x1  }
0x403: {  	[tilespmem:s1+$0x10460] =	vst v0  }
0x404: {  	v0 =	vld [tilespmem:s31+$0x8070]  }
0x405: {  	v33 =	vld [tilespmem:s31+$0x80F0];
	_ =	sdelay $0x1  }
0x406: {  	v34 =	vld [tilespmem:s31+$0x8170];
	_ =	sdelay $0x1  }
0x407: {  	v35 =	vld [tilespmem:s31+$0x81F0]  }
0x408: {  	v0 =	vadd.f32 v33, v0  }
0x409: {  	v36 =	vld [tilespmem:s31+$0x8270]  }
0x40a: {  	v0 =	vadd.f32 v34, v0  }
0x40b: {  	v37 =	vld [tilespmem:s31+$0x82F0]  }
0x40c: {  	v0 =	vadd.f32 v35, v0  }
0x40d: {  	v38 =	vld [tilespmem:s31+$0x8370]  }
0x40e: {  	v0 =	vadd.f32 v36, v0  }
0x40f: {  	v39 =	vld [tilespmem:s31+$0x83F0]  }
0x410: {  	v0 =	vadd.f32 v37, v0  }
0x411: {  	v40 =	vld [tilespmem:s31+$0x8470]  }
0x412: {  	v0 =	vadd.f32 v38, v0  }
0x413: {  	v41 =	vld [tilespmem:s31+$0x84F0]  }
0x414: {  	v0 =	vadd.f32 v39, v0  }
0x415: {  	v42 =	vld [tilespmem:s31+$0x8570]  }
0x416: {  	v0 =	vadd.f32 v40, v0  }
0x417: {  	v43 =	vld [tilespmem:s31+$0x85F0]  }
0x418: {  	v0 =	vadd.f32 v41, v0  }
0x419: {  	v44 =	vld [tilespmem:s31+$0x8670]  }
0x41a: {  	v0 =	vadd.f32 v42, v0  }
0x41b: {  	v45 =	vld [tilespmem:s31+$0x86F0]  }
0x41c: {  	v0 =	vadd.f32 v43, v0  }
0x41d: {  	v46 =	vld [tilespmem:s31+$0x8770]  }
0x41e: {  	v0 =	vadd.f32 v44, v0  }
0x41f: {  	v47 =	vld [tilespmem:s31+$0x87F0]  }
0x420: {  	v0 =	vadd.f32 v45, v0  }
0x421: {  	v48 =	vld [tilespmem:s31+$0x8870]  }
0x422: {  	v0 =	vadd.f32 v46, v0  }
0x423: {  	v49 =	vld [tilespmem:s31+$0x88F0]  }
0x424: {  	v0 =	vadd.f32 v47, v0  }
0x425: {  	v50 =	vld [tilespmem:s31+$0x8970]  }
0x426: {  	v0 =	vadd.f32 v48, v0  }
0x427: {  	v51 =	vld [tilespmem:s31+$0x89F0]  }
0x428: {  	v0 =	vadd.f32 v49, v0  }
0x429: {  	v52 =	vld [tilespmem:s31+$0x8A70]  }
0x42a: {  	v0 =	vadd.f32 v50, v0  }
0x42b: {  	v53 =	vld [tilespmem:s31+$0x8AF0]  }
0x42c: {  	v0 =	vadd.f32 v51, v0  }
0x42d: {  	v54 =	vld [tilespmem:s31+$0x8B70]  }
0x42e: {  	v0 =	vadd.f32 v52, v0  }
0x42f: {  	v55 =	vld [tilespmem:s31+$0x8BF0]  }
0x430: {  	v0 =	vadd.f32 v53, v0  }
0x431: {  	v56 =	vld [tilespmem:s31+$0x8C70]  }
0x432: {  	v0 =	vadd.f32 v54, v0  }
0x433: {  	v57 =	vld [tilespmem:s31+$0x8CF0]  }
0x434: {  	v0 =	vadd.f32 v55, v0  }
0x435: {  	v58 =	vld [tilespmem:s31+$0x8D70]  }
0x436: {  	v0 =	vadd.f32 v56, v0  }
0x437: {  	v59 =	vld [tilespmem:s31+$0x8DF0]  }
0x438: {  	v0 =	vadd.f32 v57, v0  }
0x439: {  	v60 =	vld [tilespmem:s31+$0x8E70]  }
0x43a: {  	v0 =	vadd.f32 v58, v0  }
0x43b: {  	v61 =	vld [tilespmem:s31+$0x8EF0]  }
0x43c: {  	v0 =	vadd.f32 v59, v0  }
0x43d: {  	v62 =	vld [tilespmem:s31+$0x8F70]  }
0x43e: {  	v0 =	vadd.f32 v60, v0  }
0x43f: {  	v63 =	vld [tilespmem:s31+$0x8FF0]  }
0x440: {  	v0 =	vadd.f32 v61, v0  }
0x441: {  	p0 =	sne.s32 s30, $0x7  }
.Ltmp3:
0x442: {  	v0 =	vadd.f32 v62, v0;
	(pc) =	sbr.rel @p0 .LBB2_5-.Ltmp3, $3  }
0x443: {  	_ = 	snop  }
0x444: {  	v0 =	vadd.f32 v63, v0;
	_ =	sdelay $0x1  }
0x445: {  	s30 =	sadd.s32 $0x1, s30;
	[tilespmem:s1+$0x10470] =	vst v0  }
.Ltmp4:
0x446: {  	(pc) =	sbr.rel @p1 .LBB2_8-.Ltmp4, $4  }
0x447: {  	s1 =	sadd.s32 s29, s12  }
0x448: {  	s1 =	sshll.u32 s1, $0x4  }
0x449: {  	s1 =	sadd.s32 s3, s1  }
0x44a: {  	[hbm4b:s1+s4] =	stream.linear.scatter [tilespmem:s23], [sflag:$0x6], $0x400, $0x38;
	[tilespmem:$0x10800] =	vst v63  }
0x44b: {  	s1 =	sadd.s32 s29, s13  }
0x44c: {  	s1 =	sshll.u32 s1, $0x9  }
.Ltmp5:
0x44d: {  	s1 =	sand.u32 $0x1FFFF000, s1;
	(pc) =	sbr.rel .LBB2_2-.Ltmp5, $4  }
0x44e: {  	s31 =	sadd.s32 s2, s1  }
0x44f: {  	[tilespmem:s16], [sflag:$0x3] =	stream.linear.gather [hbm4b:s31+s4], $0x4000, $0x38;
	[tilespmem:$0x10800] =	vst v63  }
0x450: {  	s28 =	sadd.s32 $0x1, s28;
	s1 =	sadd.s32 s1, s11  }
0x451: {  	[tilespmem:s17], [sflag:$0x4] =	stream.linear.gather [hbm4b:s1+s4], $0x4000, $0x38;
	[tilespmem:$0x10800] =	vst v63  }
.LBB2_9:
0x452: {  	_ =	sfence.sel $0x180000  }
0x453: {  	[bflag:$0x0] =	sbarrier.arrive $0xFFFF  }
0x454: {  	_ =	strace $0x90000047  }
0x455: {  	[bflag:$0x2] =	sbarrier.arrive $0xFFFF  }
0x456: {  	p0 =	sne.s32 s0, $0x0;
	s0 =	rddreg [dreg:$0x2]  }
0x457: {  	s0 =	sadd.s32 @!p0 $0x100000, s0  }
0x458: {  	[sflag:s0] =	ssyncadd.tile.s32 @!p0 $0x1;
	_ =	shalt  }
.Lfunc_end2:
_tile_overlayer_lowered:
.L_overlay_start_2:
0x459: {  	(tag) =	ssettag $0x2  }
0x45a: {  	s0 =	rddreg [dreg:$0x0];
	s2 =	stileid.u32  }
0x45b: {  	s1 =	rddreg [dreg:$0x1];
	p0 =	sne.s32 s2, $0x0  }
0x45c: {  	s3 =	rddreg [dreg:$0x2];
	[bflag:$0x3] =	sbarrier.arrive $0xFFFF;
	s2 =	simm.s32 @!p0 $0x1C07  }
0x45d: {  	[timem:s3], [sflag:s2] =	dma.local @!p0 [hbm:s0], s1  }
0x45e: {  	s0 =	simm.s32 @!p0 $0x7  }
0x45f: {  	_ =	swait.ge @!p0 [sflag:s0], s1  }
0x460: {  	s1 =	ssub.s32 @!p0 $0x0, s1;
	[sflag:s0] =	ssyncset.done @!p0 $0x0  }
0x461: {  	[sflag:s0] =	ssyncadd.s32 @!p0 s1  }
0x462: {  	[bflag:$0x3] =	sbarrier.arrive $0xFFFF  }
0x463: {  	_ =	shalt  }

</sc_bundles>
